<compile_context>
chip_gen: v7x
topology: tpu7x:2x2x1
jax: 0.10.2.dev20260603
libtpu: 0.0.44.dev20260713+nightly
codegen_flags: <defaults>
</compile_context>

<pallas_src>
import dataclasses
import functools

import jax
import jax.numpy as jnp
from jax import lax
from jax.experimental import pallas as pl
from jax.experimental.pallas import tpu as pltpu
from jax.experimental.pallas import tpu_sc as plsc

_N = 5000
_C = 80
_B = 8
_PAD = 120
_NP = _N + _PAD
_NCH = _NP // 16
_BLK = 128
_NB = _NP // _BLK
_R = 512
_RB = _R // _BLK
_STRIPE = (_NB - _RB) // 4
_MAXD = 300
_OUTP = 304
_NMS_TH = 0.5
_SCORE_TH = 0.05
_NEG_INF = float("-inf")


def _score_label_body(cls_ref, s_ref, l_ref):
    c = cls_ref[0]
    m = jnp.max(c, axis=0)
    cls_ids = lax.broadcasted_iota(jnp.int32, (_C, _N), 0)
    lab = jnp.min(jnp.where(c == m[None, :], cls_ids, _C),
                  axis=0).astype(jnp.float32)
    s_ref[0, 0] = jnp.where(m > _SCORE_TH, m, -jnp.inf)
    l_ref[0, 0] = lab


def _scores_labels(cls):
    cls_t = cls.transpose(0, 2, 1)
    s3, l3 = pl.pallas_call(
        _score_label_body,
        grid=(_B,),
        in_specs=[pl.BlockSpec((1, _C, _N), lambda i: (i, 0, 0))],
        out_specs=[pl.BlockSpec((1, 1, _N), lambda i: (i, 0, 0)),
                   pl.BlockSpec((1, 1, _N), lambda i: (i, 0, 0))],
        out_shape=[jax.ShapeDtypeStruct((_B, 1, _N), jnp.float32),
                   jax.ShapeDtypeStruct((_B, 1, _N), jnp.float32)],
    )(cls_t)
    return s3[:, 0, :], l3[:, 0, :]


def _nms_body(x1h, y1h, x2h, y2h, sh, lh, oh,
              ox1h, oy1h, ox2h, oy2h, osh, olh,
              ux1, uy1, ux2, uy2, us, ul, ordv,
              sx1, sy1, sx2, sy2, ss, slb,
              ox1, oy1, ox2, oy2, osv, olv):
    cid = lax.axis_index("c")
    sid = lax.axis_index("s")
    wid = sid * 2 + cid
    img = wid // 4
    sub = wid % 4
    is_leader = sub == 0
    my_lo = _RB + sub * _STRIPE
    my_hi = my_lo + _STRIPE

    pltpu.sync_copy(x1h.at[img], ux1)
    pltpu.sync_copy(y1h.at[img], uy1)
    pltpu.sync_copy(x2h.at[img], ux2)
    pltpu.sync_copy(y2h.at[img], uy2)
    pltpu.sync_copy(sh.at[img], us)
    pltpu.sync_copy(lh.at[img], ul)
    pltpu.sync_copy(oh.at[img], ordv)

    iota = lax.broadcasted_iota(jnp.int32, (16,), 0)
    ninf = jnp.full((16,), -jnp.inf, jnp.float32)

    def init(j, nvalid):
        sl16 = pl.ds(j * 16, 16)
        idx = ordv[sl16]
        sx1[sl16] = plsc.load_gather(ux1, [idx])
        sy1[sl16] = plsc.load_gather(uy1, [idx])
        sx2[sl16] = plsc.load_gather(ux2, [idx])
        sy2[sl16] = plsc.load_gather(uy2, [idx])
        sv = plsc.load_gather(us, [idx])
        ss[sl16] = sv
        slb[sl16] = plsc.load_gather(ul, [idx])
        return nvalid + jnp.sum((sv > _NEG_INF).astype(jnp.int32))

    n_valid = lax.fori_loop(0, _NCH, init, jnp.int32(0))

    @pl.when(is_leader)
    def _():
        @pl.loop(0, _OUTP // 16)
        def _(j):
            sl16 = pl.ds(j * 16, 16)
            neg = jnp.full((16,), -1.0, jnp.float32)
            ox1[sl16] = neg
            oy1[sl16] = neg
            ox2[sl16] = neg
            oy2[sl16] = neg
            osv[sl16] = neg
            olv[sl16] = neg

    def extract(pos):
        base = (pos // 16) * 16
        lsel = iota == (pos - base)
        sl16 = pl.ds(base, 16)
        sp = jnp.max(jnp.where(lsel, ss[sl16], -jnp.inf))
        x1p = jnp.max(jnp.where(lsel, sx1[sl16], -jnp.inf))
        y1p = jnp.max(jnp.where(lsel, sy1[sl16], -jnp.inf))
        x2p = jnp.max(jnp.where(lsel, sx2[sl16], -jnp.inf))
        y2p = jnp.max(jnp.where(lsel, sy2[sl16], -jnp.inf))
        return sp, (x1p, y1p, x2p, y2p, (x2p - x1p) * (y2p - y1p))

    def blockw(box_p, jbase, masked, pos):
        x1p, y1p, x2p, y2p, ap = box_p
        nsub = _BLK // 16
        xs = []
        for k in range(nsub):
            slj = pl.ds(jbase + k * 16, 16)
            xs.append((sx1[slj], sy1[slj], sx2[slj], sy2[slj]))
        supps = []
        for k in range(nsub):
            x1c, y1c, x2c, y2c = xs[k]
            xx1 = jnp.maximum(x1p, x1c)
            yy1 = jnp.maximum(y1p, y1c)
            xx2 = jnp.minimum(x2p, x2c)
            yy2 = jnp.minimum(y2p, y2c)
            inter = (jnp.maximum(xx2 - xx1, 0.0)
                     * jnp.maximum(yy2 - yy1, 0.0))
            union = (ap + (x2c - x1c) * (y2c - y1c)) - inter
            supp = inter > _NMS_TH * jnp.maximum(union, 1e-12)
            if masked:
                supp = supp & ((jbase + k * 16 + iota) > pos)
            supps.append(supp)
        for k in range(nsub):
            idx = jbase + k * 16 + iota
            plsc.store_scatter(ss, [idx], ninf, mask=supps[k])

    def make_scan(ranges_fn):
        def scan_body(carry):
            pos, cnt = carry
            sp, box_p = extract(pos)
            is_kept = sp > _NEG_INF

            @pl.when(is_kept & (cnt < _MAXD - 1))
            def _():
                blockw(box_p, (pos // _BLK) * _BLK, True, pos)

                def blk(j, c):
                    blockw(box_p, j * _BLK, False, pos)
                    return c

                for lo, hi in ranges_fn(pos):
                    lax.fori_loop(lo, hi, blk, jnp.int32(0))

            cnt2 = cnt + jnp.where(is_kept, 1, 0).astype(jnp.int32)
            return (pos + 1, cnt2)
        return scan_body

    scan_a = make_scan(lambda pos: [(pos // _BLK + 1, _RB),
                                    (my_lo, my_hi)])
    lim_a = jnp.minimum(n_valid, _R)
    pos_a, cnt_a = lax.while_loop(
        lambda c: (c[0] < lim_a) & (c[1] < _MAXD),
        scan_a, (jnp.int32(0), jnp.int32(0)))

    @pl.when(is_leader & (cnt_a < _MAXD) & (n_valid > _R))
    def _():
        def resup(p2, c):
            sp, box_p = extract(p2)

            @pl.when(sp > _NEG_INF)
            def _():
                def blk(j, cc):
                    blockw(box_p, j * _BLK, False, p2)
                    return cc
                lax.fori_loop(_RB, _NB, blk, jnp.int32(0))
            return c

        lax.fori_loop(0, _R, resup, jnp.int32(0))

        scan_b = make_scan(lambda pos: [(pos // _BLK + 1, _NB)])
        lax.while_loop(
            lambda c: (c[0] < n_valid) & (c[1] < _MAXD),
            scan_b, (jnp.int32(_R), cnt_a))

    @pl.when(is_leader)
    def _():
        def comp(carry):
            j, off = carry
            slj = pl.ds(j * 16, 16)
            m = (ss[slj] > _NEG_INF).astype(jnp.int32)
            csum = plsc.cumsum(m)
            dest = off + csum - 1
            sel = (m > 0) & (dest < _MAXD)
            plsc.store_scatter(ox1, [dest], sx1[slj], mask=sel)
            plsc.store_scatter(oy1, [dest], sy1[slj], mask=sel)
            plsc.store_scatter(ox2, [dest], sx2[slj], mask=sel)
            plsc.store_scatter(oy2, [dest], sy2[slj], mask=sel)
            plsc.store_scatter(osv, [dest], ss[slj], mask=sel)
            plsc.store_scatter(olv, [dest], slb[slj], mask=sel)
            return (j + 1, off + jnp.max(csum))

        lax.while_loop(lambda c: (c[0] < _NCH) & (c[1] < _MAXD),
                       comp, (jnp.int32(0), jnp.int32(0)))

        pltpu.sync_copy(ox1, ox1h.at[img])
        pltpu.sync_copy(oy1, oy1h.at[img])
        pltpu.sync_copy(ox2, ox2h.at[img])
        pltpu.sync_copy(oy2, oy2h.at[img])
        pltpu.sync_copy(osv, osh.at[img])
        pltpu.sync_copy(olv, olh.at[img])


_sc_params = pltpu.CompilerParams()
if "needs_layout_passes" in pltpu.CompilerParams.__dataclass_fields__:
    _sc_params = dataclasses.replace(_sc_params, needs_layout_passes=False)

_nms_call = functools.partial(
    pl.kernel,
    compiler_params=_sc_params,
    out_type=[jax.ShapeDtypeStruct((_B, _OUTP), jnp.float32)
              for _ in range(6)],
    mesh=plsc.VectorSubcoreMesh(core_axis_name="c", subcore_axis_name="s"),
    scratch_types=(
        [pltpu.VMEM((_NP,), jnp.float32) for _ in range(6)]
        + [pltpu.VMEM((_NP,), jnp.int32)]
        + [pltpu.VMEM((_NP,), jnp.float32) for _ in range(6)]
        + [pltpu.VMEM((_OUTP,), jnp.float32) for _ in range(6)]
    ),
)(_nms_body)


def kernel(box, cls):
    s, lab = _scores_labels(cls)
    order = jnp.argsort(-s, axis=1).astype(jnp.int32)
    pad_idx = jnp.broadcast_to(jnp.arange(_N, _NP, dtype=jnp.int32),
                               (_B, _PAD))
    order_p = jnp.concatenate([order, pad_idx], axis=1)
    s_p = jnp.concatenate(
        [s, jnp.full((_B, _PAD), -jnp.inf, jnp.float32)], axis=1)
    lab_p = jnp.concatenate([lab, jnp.zeros((_B, _PAD), jnp.float32)], axis=1)
    box_p = jnp.concatenate(
        [box, jnp.zeros((_B, _PAD, 4), jnp.float32)], axis=1)
    x1 = box_p[:, :, 0]
    y1 = box_p[:, :, 1]
    x2 = box_p[:, :, 2]
    y2 = box_p[:, :, 3]
    ox1, oy1, ox2, oy2, osv, olv = _nms_call(
        x1, y1, x2, y2, s_p, lab_p, order_p)
    boxes = jnp.stack([ox1[:, :_MAXD], oy1[:, :_MAXD],
                       ox2[:, :_MAXD], oy2[:, :_MAXD]], axis=-1)
    scores = osv[:, :_MAXD, None]
    labels = olv[:, :_MAXD, None]
    return boxes, scores, labels

# --- scband reference (transcript-rebuilt; emitter-appended) ---
"""Pipeline reference for scband-filter-61692910240141 (READ-ONLY COPY).

The authoritative reference and input builder live on the scoring server;
editing this copy changes nothing except your own understanding.
"""

import jax
import jax.numpy as jnp
from jax import lax
import numpy as np

NMS_THRESHOLD = 0.5
SCORE_THRESHOLD = 0.05
MAX_DETECTIONS = 300


def setup_inputs(seed: int = 0):
    key = jax.random.key(seed)
    k1, k2, k3 = jax.random.split(key, 3)
    # valid boxes: x1<x2, y1<y2 (degenerate random boxes yield NaN IoUs in NMS)
    xy = jax.random.uniform(k1, (8, 5000, 2), dtype=jnp.float32) * 0.8
    wh = jax.random.uniform(k2, (8, 5000, 2), dtype=jnp.float32) * 0.2 + 0.01
    box = jnp.concatenate([xy, xy + wh], axis=-1)
    cls = jax.random.uniform(k3, (8, 5000, 80), dtype=jnp.float32)
    return {"box": box, "cls": cls}


def _iou_matrix(b):
    x1, y1, x2, y2 = b[:, 0], b[:, 1], b[:, 2], b[:, 3]
    areas = (x2 - x1) * (y2 - y1)
    xx1 = jnp.maximum(x1[:, None], x1[None, :])
    yy1 = jnp.maximum(y1[:, None], y1[None, :])
    xx2 = jnp.minimum(x2[:, None], x2[None, :])
    yy2 = jnp.minimum(y2[:, None], y2[None, :])
    inter = jnp.maximum(xx2 - xx1, 0.0) * jnp.maximum(yy2 - yy1, 0.0)
    union = areas[:, None] + areas[None, :] - inter
    return inter / jnp.maximum(union, 1e-12)


def _filter_single(boxes, classification):
    # class_specific_filter=False path: per-anchor max score / argmax label
    scores = jnp.max(classification, axis=1)
    labels = jnp.argmax(classification, axis=1)
    N = boxes.shape[0]
    valid0 = scores > SCORE_THRESHOLD
    s = jnp.where(valid0, scores, -jnp.inf)
    order = jnp.argsort(-s)  # descending, matches torchvision.ops.nms sort
    sv = s[order]
    bv = boxes[order]
    lv = labels[order]
    iou = _iou_matrix(lax.stop_gradient(bv))  # NMS decisions are non-differentiable
    keep0 = valid0[order]
    idxs = jnp.arange(N)

    def body(i, keep):
        suppress = (iou[i] > NMS_THRESHOLD) & (idxs > i) & keep[i]
        return keep & (~suppress)

    keep = lax.fori_loop(0, N, body, keep0)
    masked = jnp.where(keep, sv, -jnp.inf)
    topv, topi = lax.top_k(masked, MAX_DETECTIONS)
    valid_out = jnp.isfinite(topv)
    # torch fills -1 buffers for slots past the number of survivors
    b_out = jnp.where(valid_out[:, None], bv[topi], -1.0)
    s_out = jnp.where(valid_out, topv, -1.0)[:, None]
    l_out = jnp.where(valid_out, lv[topi].astype(jnp.float32), -1.0)[:, None]
    return b_out, s_out, l_out


def _forward(box, cls):
    outs = [_filter_single(box[i], cls[i]) for i in range(box.shape[0])]
    select_boxes = jnp.stack([o[0] for o in outs], axis=0)
    select_scores = jnp.stack([o[1] for o in outs], axis=0)
    select_labels = jnp.stack([o[2] for o in outs], axis=0)
    return (select_boxes, select_scores, select_labels)


def reference(box, cls):
    return _forward(box, cls)

if __name__ == "__main__":
    import jax
    _d = setup_inputs()
    print(jax.jit(kernel)(*tuple(_d.values())))

</pallas_src>

<mosaic_0001>
#map = affine_map<(d0, d1) -> (0, 0)>
module attributes {stable_mosaic.version = 14 : i64} {
  func.func @_nms_body(%arg0: i32, %arg1: i32, %arg2: memref<8x5120xf32, #tpu.memory_space<hbm>>, %arg3: memref<8x5120xf32, #tpu.memory_space<hbm>>, %arg4: memref<8x5120xf32, #tpu.memory_space<hbm>>, %arg5: memref<8x5120xf32, #tpu.memory_space<hbm>>, %arg6: memref<8x5120xf32, #tpu.memory_space<hbm>>, %arg7: memref<8x5120xf32, #tpu.memory_space<hbm>>, %arg8: memref<8x5120xi32, #tpu.memory_space<hbm>>, %arg9: memref<8x304xf32, #tpu.memory_space<hbm>>, %arg10: memref<8x304xf32, #tpu.memory_space<hbm>>, %arg11: memref<8x304xf32, #tpu.memory_space<hbm>>, %arg12: memref<8x304xf32, #tpu.memory_space<hbm>>, %arg13: memref<8x304xf32, #tpu.memory_space<hbm>>, %arg14: memref<8x304xf32, #tpu.memory_space<hbm>>, %arg15: memref<5120xf32, #tpu.memory_space<vmem>>, %arg16: memref<5120xf32, #tpu.memory_space<vmem>>, %arg17: memref<5120xf32, #tpu.memory_space<vmem>>, %arg18: memref<5120xf32, #tpu.memory_space<vmem>>, %arg19: memref<5120xf32, #tpu.memory_space<vmem>>, %arg20: memref<5120xf32, #tpu.memory_space<vmem>>, %arg21: memref<5120xi32, #tpu.memory_space<vmem>>, %arg22: memref<5120xf32, #tpu.memory_space<vmem>>, %arg23: memref<5120xf32, #tpu.memory_space<vmem>>, %arg24: memref<5120xf32, #tpu.memory_space<vmem>>, %arg25: memref<5120xf32, #tpu.memory_space<vmem>>, %arg26: memref<5120xf32, #tpu.memory_space<vmem>>, %arg27: memref<5120xf32, #tpu.memory_space<vmem>>, %arg28: memref<304xf32, #tpu.memory_space<vmem>>, %arg29: memref<304xf32, #tpu.memory_space<vmem>>, %arg30: memref<304xf32, #tpu.memory_space<vmem>>, %arg31: memref<304xf32, #tpu.memory_space<vmem>>, %arg32: memref<304xf32, #tpu.memory_space<vmem>>, %arg33: memref<304xf32, #tpu.memory_space<vmem>>) attributes {dimension_semantics = [#tpu.dimension_semantics<core_parallel>, #tpu.dimension_semantics<subcore_parallel>], iteration_bounds = array<i64: 2, 16>, scalar_prefetch = 0 : i64, scratch_operands = 19 : i64, tpu.core_type = #tpu.core_type<sc_vector_subcore>, window_params = [{transform_indices = #map}, {transform_indices = #map}, {transform_indices = #map}, {transform_indices = #map}, {transform_indices = #map}, {transform_indices = #map}, {transform_indices = #map}, {transform_indices = #map}, {transform_indices = #map}, {transform_indices = #map}, {transform_indices = #map}, {transform_indices = #map}, {transform_indices = #map}]} {
    %mul3A = arith.constant 2 : i32
    %mul3A_0 = arith.muli %arg1, %mul3A : i32
    %add3A = arith.addi %mul3A_0, %arg0 : i32
    %jit3A = arith.constant 4 : i32
    %div3A = arith.divsi %add3A, %jit3A : i32
    %sign3A = arith.constant 0 : i32
    %sign3A_1 = arith.cmpi sgt, %add3A, %sign3A : i32
    %sign3A_2 = arith.extui %sign3A_1 : i1 to i32
    %sign3A_3 = arith.constant 0 : i32
    %sign3A_4 = arith.cmpi slt, %add3A, %sign3A_3 : i32
    %sign3A_5 = arith.extui %sign3A_4 : i1 to i32
    %sign3A_6 = arith.subi %sign3A_2, %sign3A_5 : i32
    %sign3A_7 = arith.constant 0 : i32
    %sign3A_8 = arith.cmpi sgt, %jit3A, %sign3A_7 : i32
    %sign3A_9 = arith.extui %sign3A_8 : i1 to i32
    %sign3A_10 = arith.constant 0 : i32
    %sign3A_11 = arith.cmpi slt, %jit3A, %sign3A_10 : i32
    %sign3A_12 = arith.extui %sign3A_11 : i1 to i32
    %sign3A_13 = arith.subi %sign3A_9, %sign3A_12 : i32
    %ne3A = arith.cmpi ne, %sign3A_6, %sign3A_13 : i32
    %rem3A = arith.remsi %add3A, %jit3A : i32
    %ne3A_14 = arith.constant 0 : i32
    %ne3A_15 = arith.cmpi ne, %rem3A, %ne3A_14 : i32
    %and3A = arith.andi %ne3A, %ne3A_15 : i1
    %sub3A = arith.constant 1 : i32
    %sub3A_16 = arith.subi %div3A, %sub3A : i32
    %select_n3A = arith.select %and3A, %sub3A_16, %div3A : i32
    %jit3A_17 = arith.constant 4 : i32
    %eq3A = arith.constant 0 : i32
    %eq3A_18 = arith.cmpi eq, %jit3A_17, %eq3A : i32
    %jit3A_19 = arith.constant 1 : i32
    %select_n3A_20 = arith.select %eq3A_18, %jit3A_19, %jit3A_17 : i32
    %rem3A_21 = arith.remsi %add3A, %select_n3A_20 : i32
    %ne3A_22 = arith.constant 0 : i32
    %ne3A_23 = arith.cmpi ne, %rem3A_21, %ne3A_22 : i32
    %lt3A = arith.constant 0 : i32
    %lt3A_24 = arith.cmpi slt, %rem3A_21, %lt3A : i32
    %lt3A_25 = arith.constant 0 : i32
    %lt3A_26 = arith.cmpi slt, %select_n3A_20, %lt3A_25 : i32
    %ne3A_27 = arith.xori %lt3A_24, %lt3A_26 : i1
    %and3A_28 = arith.andi %ne3A_27, %ne3A_23 : i1
    %add3A_29 = arith.addi %rem3A_21, %select_n3A_20 : i32
    %select_n3A_30 = arith.select %and3A_28, %add3A_29, %rem3A_21 : i32
    %eq3A_31 = arith.constant 0 : i32
    %eq3A_32 = arith.cmpi eq, %select_n3A_30, %eq3A_31 : i32
    %mul3A_33 = arith.constant 9 : i32
    %mul3A_34 = arith.muli %select_n3A_30, %mul3A_33 : i32
    %add3A_35 = arith.constant 4 : i32
    %add3A_36 = arith.addi %add3A_35, %mul3A_34 : i32
    %add3A_37 = arith.constant 9 : i32
    %add3A_38 = arith.addi %add3A_36, %add3A_37 : i32
    "tpu.region"() ({
      %run_scoped3A = tpu.sem_alloc : memref<!tpu.dma_semaphore, #tpu.memory_space<semaphore_mem>>
      %dma_start3A = arith.constant 0 : i32
      %dma_start3A_61 = tpu.memref_slice %arg2[%select_n3A, %dma_start3A] : memref<8x5120xf32, #tpu.memory_space<hbm>> -> memref<1x5120xf32, #tpu.memory_space<hbm>>
      %dma_start3A_62 = tpu.memref_squeeze %dma_start3A_61 : memref<1x5120xf32, #tpu.memory_space<hbm>> -> memref<5120xf32, #tpu.memory_space<hbm>>
      %dma_start3A_63 = arith.constant 0 : i32
      %dma_start3A_64 = tpu.memref_slice %arg2[%select_n3A, %dma_start3A_63] : memref<8x5120xf32, #tpu.memory_space<hbm>> -> memref<1x5120xf32, #tpu.memory_space<hbm>>
      %dma_start3A_65 = tpu.memref_squeeze %dma_start3A_64 : memref<1x5120xf32, #tpu.memory_space<hbm>> -> memref<5120xf32, #tpu.memory_space<hbm>>
      tpu.enqueue_dma source(%dma_start3A_65 : memref<5120xf32, #tpu.memory_space<hbm>>) target(%arg15 : memref<5120xf32, #tpu.memory_space<vmem>>) target_semaphore(%run_scoped3A : memref<!tpu.dma_semaphore, #tpu.memory_space<semaphore_mem>>)
      %dma_wait3A = arith.constant 0 : i32
      %dma_wait3A_66 = tpu.memref_slice %arg2[%select_n3A, %dma_wait3A] : memref<8x5120xf32, #tpu.memory_space<hbm>> -> memref<1x5120xf32, #tpu.memory_space<hbm>>
      %dma_wait3A_67 = tpu.memref_squeeze %dma_wait3A_66 : memref<1x5120xf32, #tpu.memory_space<hbm>> -> memref<5120xf32, #tpu.memory_space<hbm>>
      %dma_wait3A_68 = arith.constant 0 : i32
      %dma_wait3A_69 = tpu.memref_slice %arg2[%select_n3A, %dma_wait3A_68] : memref<8x5120xf32, #tpu.memory_space<hbm>> -> memref<1x5120xf32, #tpu.memory_space<hbm>>
      %dma_wait3A_70 = tpu.memref_squeeze %dma_wait3A_69 : memref<1x5120xf32, #tpu.memory_space<hbm>> -> memref<5120xf32, #tpu.memory_space<hbm>>
      tpu.wait_dma2 semaphore(%run_scoped3A : memref<!tpu.dma_semaphore, #tpu.memory_space<semaphore_mem>>) src(%dma_wait3A_70 : memref<5120xf32, #tpu.memory_space<hbm>>) dst(%arg15 : memref<5120xf32, #tpu.memory_space<vmem>>)
      tpu.yield
    }) : () -> ()
    "tpu.region"() ({
      %run_scoped3A = tpu.sem_alloc : memref<!tpu.dma_semaphore, #tpu.memory_space<semaphore_mem>>
      %dma_start3A = arith.constant 0 : i32
      %dma_start3A_61 = tpu.memref_slice %arg3[%select_n3A, %dma_start3A] : memref<8x5120xf32, #tpu.memory_space<hbm>> -> memref<1x5120xf32, #tpu.memory_space<hbm>>
      %dma_start3A_62 = tpu.memref_squeeze %dma_start3A_61 : memref<1x5120xf32, #tpu.memory_space<hbm>> -> memref<5120xf32, #tpu.memory_space<hbm>>
      %dma_start3A_63 = arith.constant 0 : i32
      %dma_start3A_64 = tpu.memref_slice %arg3[%select_n3A, %dma_start3A_63] : memref<8x5120xf32, #tpu.memory_space<hbm>> -> memref<1x5120xf32, #tpu.memory_space<hbm>>
      %dma_start3A_65 = tpu.memref_squeeze %dma_start3A_64 : memref<1x5120xf32, #tpu.memory_space<hbm>> -> memref<5120xf32, #tpu.memory_space<hbm>>
      tpu.enqueue_dma source(%dma_start3A_65 : memref<5120xf32, #tpu.memory_space<hbm>>) target(%arg16 : memref<5120xf32, #tpu.memory_space<vmem>>) target_semaphore(%run_scoped3A : memref<!tpu.dma_semaphore, #tpu.memory_space<semaphore_mem>>)
      %dma_wait3A = arith.constant 0 : i32
      %dma_wait3A_66 = tpu.memref_slice %arg3[%select_n3A, %dma_wait3A] : memref<8x5120xf32, #tpu.memory_space<hbm>> -> memref<1x5120xf32, #tpu.memory_space<hbm>>
      %dma_wait3A_67 = tpu.memref_squeeze %dma_wait3A_66 : memref<1x5120xf32, #tpu.memory_space<hbm>> -> memref<5120xf32, #tpu.memory_space<hbm>>
      %dma_wait3A_68 = arith.constant 0 : i32
      %dma_wait3A_69 = tpu.memref_slice %arg3[%select_n3A, %dma_wait3A_68] : memref<8x5120xf32, #tpu.memory_space<hbm>> -> memref<1x5120xf32, #tpu.memory_space<hbm>>
      %dma_wait3A_70 = tpu.memref_squeeze %dma_wait3A_69 : memref<1x5120xf32, #tpu.memory_space<hbm>> -> memref<5120xf32, #tpu.memory_space<hbm>>
      tpu.wait_dma2 semaphore(%run_scoped3A : memref<!tpu.dma_semaphore, #tpu.memory_space<semaphore_mem>>) src(%dma_wait3A_70 : memref<5120xf32, #tpu.memory_space<hbm>>) dst(%arg16 : memref<5120xf32, #tpu.memory_space<vmem>>)
      tpu.yield
    }) : () -> ()
    "tpu.region"() ({
      %run_scoped3A = tpu.sem_alloc : memref<!tpu.dma_semaphore, #tpu.memory_space<semaphore_mem>>
      %dma_start3A = arith.constant 0 : i32
      %dma_start3A_61 = tpu.memref_slice %arg4[%select_n3A, %dma_start3A] : memref<8x5120xf32, #tpu.memory_space<hbm>> -> memref<1x5120xf32, #tpu.memory_space<hbm>>
      %dma_start3A_62 = tpu.memref_squeeze %dma_start3A_61 : memref<1x5120xf32, #tpu.memory_space<hbm>> -> memref<5120xf32, #tpu.memory_space<hbm>>
      %dma_start3A_63 = arith.constant 0 : i32
      %dma_start3A_64 = tpu.memref_slice %arg4[%select_n3A, %dma_start3A_63] : memref<8x5120xf32, #tpu.memory_space<hbm>> -> memref<1x5120xf32, #tpu.memory_space<hbm>>
      %dma_start3A_65 = tpu.memref_squeeze %dma_start3A_64 : memref<1x5120xf32, #tpu.memory_space<hbm>> -> memref<5120xf32, #tpu.memory_space<hbm>>
      tpu.enqueue_dma source(%dma_start3A_65 : memref<5120xf32, #tpu.memory_space<hbm>>) target(%arg17 : memref<5120xf32, #tpu.memory_space<vmem>>) target_semaphore(%run_scoped3A : memref<!tpu.dma_semaphore, #tpu.memory_space<semaphore_mem>>)
      %dma_wait3A = arith.constant 0 : i32
      %dma_wait3A_66 = tpu.memref_slice %arg4[%select_n3A, %dma_wait3A] : memref<8x5120xf32, #tpu.memory_space<hbm>> -> memref<1x5120xf32, #tpu.memory_space<hbm>>
      %dma_wait3A_67 = tpu.memref_squeeze %dma_wait3A_66 : memref<1x5120xf32, #tpu.memory_space<hbm>> -> memref<5120xf32, #tpu.memory_space<hbm>>
      %dma_wait3A_68 = arith.constant 0 : i32
      %dma_wait3A_69 = tpu.memref_slice %arg4[%select_n3A, %dma_wait3A_68] : memref<8x5120xf32, #tpu.memory_space<hbm>> -> memref<1x5120xf32, #tpu.memory_space<hbm>>
      %dma_wait3A_70 = tpu.memref_squeeze %dma_wait3A_69 : memref<1x5120xf32, #tpu.memory_space<hbm>> -> memref<5120xf32, #tpu.memory_space<hbm>>
      tpu.wait_dma2 semaphore(%run_scoped3A : memref<!tpu.dma_semaphore, #tpu.memory_space<semaphore_mem>>) src(%dma_wait3A_70 : memref<5120xf32, #tpu.memory_space<hbm>>) dst(%arg17 : memref<5120xf32, #tpu.memory_space<vmem>>)
      tpu.yield
    }) : () -> ()
    "tpu.region"() ({
      %run_scoped3A = tpu.sem_alloc : memref<!tpu.dma_semaphore, #tpu.memory_space<semaphore_mem>>
      %dma_start3A = arith.constant 0 : i32
      %dma_start3A_61 = tpu.memref_slice %arg5[%select_n3A, %dma_start3A] : memref<8x5120xf32, #tpu.memory_space<hbm>> -> memref<1x5120xf32, #tpu.memory_space<hbm>>
      %dma_start3A_62 = tpu.memref_squeeze %dma_start3A_61 : memref<1x5120xf32, #tpu.memory_space<hbm>> -> memref<5120xf32, #tpu.memory_space<hbm>>
      %dma_start3A_63 = arith.constant 0 : i32
      %dma_start3A_64 = tpu.memref_slice %arg5[%select_n3A, %dma_start3A_63] : memref<8x5120xf32, #tpu.memory_space<hbm>> -> memref<1x5120xf32, #tpu.memory_space<hbm>>
      %dma_start3A_65 = tpu.memref_squeeze %dma_start3A_64 : memref<1x5120xf32, #tpu.memory_space<hbm>> -> memref<5120xf32, #tpu.memory_space<hbm>>
      tpu.enqueue_dma source(%dma_start3A_65 : memref<5120xf32, #tpu.memory_space<hbm>>) target(%arg18 : memref<5120xf32, #tpu.memory_space<vmem>>) target_semaphore(%run_scoped3A : memref<!tpu.dma_semaphore, #tpu.memory_space<semaphore_mem>>)
      %dma_wait3A = arith.constant 0 : i32
      %dma_wait3A_66 = tpu.memref_slice %arg5[%select_n3A, %dma_wait3A] : memref<8x5120xf32, #tpu.memory_space<hbm>> -> memref<1x5120xf32, #tpu.memory_space<hbm>>
      %dma_wait3A_67 = tpu.memref_squeeze %dma_wait3A_66 : memref<1x5120xf32, #tpu.memory_space<hbm>> -> memref<5120xf32, #tpu.memory_space<hbm>>
      %dma_wait3A_68 = arith.constant 0 : i32
      %dma_wait3A_69 = tpu.memref_slice %arg5[%select_n3A, %dma_wait3A_68] : memref<8x5120xf32, #tpu.memory_space<hbm>> -> memref<1x5120xf32, #tpu.memory_space<hbm>>
      %dma_wait3A_70 = tpu.memref_squeeze %dma_wait3A_69 : memref<1x5120xf32, #tpu.memory_space<hbm>> -> memref<5120xf32, #tpu.memory_space<hbm>>
      tpu.wait_dma2 semaphore(%run_scoped3A : memref<!tpu.dma_semaphore, #tpu.memory_space<semaphore_mem>>) src(%dma_wait3A_70 : memref<5120xf32, #tpu.memory_space<hbm>>) dst(%arg18 : memref<5120xf32, #tpu.memory_space<vmem>>)
      tpu.yield
    }) : () -> ()
    "tpu.region"() ({
      %run_scoped3A = tpu.sem_alloc : memref<!tpu.dma_semaphore, #tpu.memory_space<semaphore_mem>>
      %dma_start3A = arith.constant 0 : i32
      %dma_start3A_61 = tpu.memref_slice %arg6[%select_n3A, %dma_start3A] : memref<8x5120xf32, #tpu.memory_space<hbm>> -> memref<1x5120xf32, #tpu.memory_space<hbm>>
      %dma_start3A_62 = tpu.memref_squeeze %dma_start3A_61 : memref<1x5120xf32, #tpu.memory_space<hbm>> -> memref<5120xf32, #tpu.memory_space<hbm>>
      %dma_start3A_63 = arith.constant 0 : i32
      %dma_start3A_64 = tpu.memref_slice %arg6[%select_n3A, %dma_start3A_63] : memref<8x5120xf32, #tpu.memory_space<hbm>> -> memref<1x5120xf32, #tpu.memory_space<hbm>>
      %dma_start3A_65 = tpu.memref_squeeze %dma_start3A_64 : memref<1x5120xf32, #tpu.memory_space<hbm>> -> memref<5120xf32, #tpu.memory_space<hbm>>
      tpu.enqueue_dma source(%dma_start3A_65 : memref<5120xf32, #tpu.memory_space<hbm>>) target(%arg19 : memref<5120xf32, #tpu.memory_space<vmem>>) target_semaphore(%run_scoped3A : memref<!tpu.dma_semaphore, #tpu.memory_space<semaphore_mem>>)
      %dma_wait3A = arith.constant 0 : i32
      %dma_wait3A_66 = tpu.memref_slice %arg6[%select_n3A, %dma_wait3A] : memref<8x5120xf32, #tpu.memory_space<hbm>> -> memref<1x5120xf32, #tpu.memory_space<hbm>>
      %dma_wait3A_67 = tpu.memref_squeeze %dma_wait3A_66 : memref<1x5120xf32, #tpu.memory_space<hbm>> -> memref<5120xf32, #tpu.memory_space<hbm>>
      %dma_wait3A_68 = arith.constant 0 : i32
      %dma_wait3A_69 = tpu.memref_slice %arg6[%select_n3A, %dma_wait3A_68] : memref<8x5120xf32, #tpu.memory_space<hbm>> -> memref<1x5120xf32, #tpu.memory_space<hbm>>
      %dma_wait3A_70 = tpu.memref_squeeze %dma_wait3A_69 : memref<1x5120xf32, #tpu.memory_space<hbm>> -> memref<5120xf32, #tpu.memory_space<hbm>>
      tpu.wait_dma2 semaphore(%run_scoped3A : memref<!tpu.dma_semaphore, #tpu.memory_space<semaphore_mem>>) src(%dma_wait3A_70 : memref<5120xf32, #tpu.memory_space<hbm>>) dst(%arg19 : memref<5120xf32, #tpu.memory_space<vmem>>)
      tpu.yield
    }) : () -> ()
    "tpu.region"() ({
      %run_scoped3A = tpu.sem_alloc : memref<!tpu.dma_semaphore, #tpu.memory_space<semaphore_mem>>
      %dma_start3A = arith.constant 0 : i32
      %dma_start3A_61 = tpu.memref_slice %arg7[%select_n3A, %dma_start3A] : memref<8x5120xf32, #tpu.memory_space<hbm>> -> memref<1x5120xf32, #tpu.memory_space<hbm>>
      %dma_start3A_62 = tpu.memref_squeeze %dma_start3A_61 : memref<1x5120xf32, #tpu.memory_space<hbm>> -> memref<5120xf32, #tpu.memory_space<hbm>>
      %dma_start3A_63 = arith.constant 0 : i32
      %dma_start3A_64 = tpu.memref_slice %arg7[%select_n3A, %dma_start3A_63] : memref<8x5120xf32, #tpu.memory_space<hbm>> -> memref<1x5120xf32, #tpu.memory_space<hbm>>
      %dma_start3A_65 = tpu.memref_squeeze %dma_start3A_64 : memref<1x5120xf32, #tpu.memory_space<hbm>> -> memref<5120xf32, #tpu.memory_space<hbm>>
      tpu.enqueue_dma source(%dma_start3A_65 : memref<5120xf32, #tpu.memory_space<hbm>>) target(%arg20 : memref<5120xf32, #tpu.memory_space<vmem>>) target_semaphore(%run_scoped3A : memref<!tpu.dma_semaphore, #tpu.memory_space<semaphore_mem>>)
      %dma_wait3A = arith.constant 0 : i32
      %dma_wait3A_66 = tpu.memref_slice %arg7[%select_n3A, %dma_wait3A] : memref<8x5120xf32, #tpu.memory_space<hbm>> -> memref<1x5120xf32, #tpu.memory_space<hbm>>
      %dma_wait3A_67 = tpu.memref_squeeze %dma_wait3A_66 : memref<1x5120xf32, #tpu.memory_space<hbm>> -> memref<5120xf32, #tpu.memory_space<hbm>>
      %dma_wait3A_68 = arith.constant 0 : i32
      %dma_wait3A_69 = tpu.memref_slice %arg7[%select_n3A, %dma_wait3A_68] : memref<8x5120xf32, #tpu.memory_space<hbm>> -> memref<1x5120xf32, #tpu.memory_space<hbm>>
      %dma_wait3A_70 = tpu.memref_squeeze %dma_wait3A_69 : memref<1x5120xf32, #tpu.memory_space<hbm>> -> memref<5120xf32, #tpu.memory_space<hbm>>
      tpu.wait_dma2 semaphore(%run_scoped3A : memref<!tpu.dma_semaphore, #tpu.memory_space<semaphore_mem>>) src(%dma_wait3A_70 : memref<5120xf32, #tpu.memory_space<hbm>>) dst(%arg20 : memref<5120xf32, #tpu.memory_space<vmem>>)
      tpu.yield
    }) : () -> ()
    "tpu.region"() ({
      %run_scoped3A = tpu.sem_alloc : memref<!tpu.dma_semaphore, #tpu.memory_space<semaphore_mem>>
      %dma_start3A = arith.constant 0 : i32
      %dma_start3A_61 = tpu.memref_slice %arg8[%select_n3A, %dma_start3A] : memref<8x5120xi32, #tpu.memory_space<hbm>> -> memref<1x5120xi32, #tpu.memory_space<hbm>>
      %dma_start3A_62 = tpu.memref_squeeze %dma_start3A_61 : memref<1x5120xi32, #tpu.memory_space<hbm>> -> memref<5120xi32, #tpu.memory_space<hbm>>
      %dma_start3A_63 = arith.constant 0 : i32
      %dma_start3A_64 = tpu.memref_slice %arg8[%select_n3A, %dma_start3A_63] : memref<8x5120xi32, #tpu.memory_space<hbm>> -> memref<1x5120xi32, #tpu.memory_space<hbm>>
      %dma_start3A_65 = tpu.memref_squeeze %dma_start3A_64 : memref<1x5120xi32, #tpu.memory_space<hbm>> -> memref<5120xi32, #tpu.memory_space<hbm>>
      tpu.enqueue_dma source(%dma_start3A_65 : memref<5120xi32, #tpu.memory_space<hbm>>) target(%arg21 : memref<5120xi32, #tpu.memory_space<vmem>>) target_semaphore(%run_scoped3A : memref<!tpu.dma_semaphore, #tpu.memory_space<semaphore_mem>>)
      %dma_wait3A = arith.constant 0 : i32
      %dma_wait3A_66 = tpu.memref_slice %arg8[%select_n3A, %dma_wait3A] : memref<8x5120xi32, #tpu.memory_space<hbm>> -> memref<1x5120xi32, #tpu.memory_space<hbm>>
      %dma_wait3A_67 = tpu.memref_squeeze %dma_wait3A_66 : memref<1x5120xi32, #tpu.memory_space<hbm>> -> memref<5120xi32, #tpu.memory_space<hbm>>
      %dma_wait3A_68 = arith.constant 0 : i32
      %dma_wait3A_69 = tpu.memref_slice %arg8[%select_n3A, %dma_wait3A_68] : memref<8x5120xi32, #tpu.memory_space<hbm>> -> memref<1x5120xi32, #tpu.memory_space<hbm>>
      %dma_wait3A_70 = tpu.memref_squeeze %dma_wait3A_69 : memref<1x5120xi32, #tpu.memory_space<hbm>> -> memref<5120xi32, #tpu.memory_space<hbm>>
      tpu.wait_dma2 semaphore(%run_scoped3A : memref<!tpu.dma_semaphore, #tpu.memory_space<semaphore_mem>>) src(%dma_wait3A_70 : memref<5120xi32, #tpu.memory_space<hbm>>) dst(%arg21 : memref<5120xi32, #tpu.memory_space<vmem>>)
      tpu.yield
    }) : () -> ()
    %iota3A = tpu.iota {dimensions = array<i32: 0>} : vector<16xi32>
    %broadcast_in_dim3A = arith.constant 0xFF800000 : f32
    %broadcast_in_dim3A_39 = vector.broadcast %broadcast_in_dim3A : f32 to vector<16xf32>
    %scan3A = arith.constant 0 : i32
    %scan3A_40 = arith.constant 0 : i32
    %scan3A_41 = arith.constant 320 : i32
    %scan3A_42 = arith.addi %scan3A_40, %scan3A_41 : i32
    %scan3A_43 = arith.constant 1 : i32
    %scan3A_44 = scf.for %scan3A_61 = %scan3A_40 to %scan3A_42 step %scan3A_43 iter_args(%scan3A_62 = %scan3A) -> (i32)  : i32 {
      %mul3A_63 = arith.constant 16 : i32
      %mul3A_64 = arith.muli %scan3A_61, %mul3A_63 : i32
      %get3A = arith.index_cast %mul3A_64 : i32 to index
      %get3A_65 = tpu.vector_load %arg21[%get3A] {strides = array<i32>} : memref<5120xi32, #tpu.memory_space<vmem>>, vector<16xi32>,
      %gather3A = tpu.vector_load_idx %arg15[%get3A_65] : memref<5120xf32, #tpu.memory_space<vmem>>[vector<16xi32>], vector<16xf32>,
      %swap3A = arith.index_cast %mul3A_64 : i32 to index
      %swap3A_66 = tpu.vector_load %arg22[%swap3A] {strides = array<i32>} : memref<5120xf32, #tpu.memory_space<vmem>>, vector<16xf32>,
      tpu.vector_store %arg22[%swap3A], %gather3A {strides = array<i32>} : memref<5120xf32, #tpu.memory_space<vmem>>, vector<16xf32>,
      %gather3A_67 = tpu.vector_load_idx %arg16[%get3A_65] : memref<5120xf32, #tpu.memory_space<vmem>>[vector<16xi32>], vector<16xf32>,
      %swap3A_68 = arith.index_cast %mul3A_64 : i32 to index
      %swap3A_69 = tpu.vector_load %arg23[%swap3A_68] {strides = array<i32>} : memref<5120xf32, #tpu.memory_space<vmem>>, vector<16xf32>,
      tpu.vector_store %arg23[%swap3A_68], %gather3A_67 {strides = array<i32>} : memref<5120xf32, #tpu.memory_space<vmem>>, vector<16xf32>,
      %gather3A_70 = tpu.vector_load_idx %arg17[%get3A_65] : memref<5120xf32, #tpu.memory_space<vmem>>[vector<16xi32>], vector<16xf32>,
      %swap3A_71 = arith.index_cast %mul3A_64 : i32 to index
      %swap3A_72 = tpu.vector_load %arg24[%swap3A_71] {strides = array<i32>} : memref<5120xf32, #tpu.memory_space<vmem>>, vector<16xf32>,
      tpu.vector_store %arg24[%swap3A_71], %gather3A_70 {strides = array<i32>} : memref<5120xf32, #tpu.memory_space<vmem>>, vector<16xf32>,
      %gather3A_73 = tpu.vector_load_idx %arg18[%get3A_65] : memref<5120xf32, #tpu.memory_space<vmem>>[vector<16xi32>], vector<16xf32>,
      %swap3A_74 = arith.index_cast %mul3A_64 : i32 to index
      %swap3A_75 = tpu.vector_load %arg25[%swap3A_74] {strides = array<i32>} : memref<5120xf32, #tpu.memory_space<vmem>>, vector<16xf32>,
      tpu.vector_store %arg25[%swap3A_74], %gather3A_73 {strides = array<i32>} : memref<5120xf32, #tpu.memory_space<vmem>>, vector<16xf32>,
      %gather3A_76 = tpu.vector_load_idx %arg19[%get3A_65] : memref<5120xf32, #tpu.memory_space<vmem>>[vector<16xi32>], vector<16xf32>,
      %swap3A_77 = arith.index_cast %mul3A_64 : i32 to index
      %swap3A_78 = tpu.vector_load %arg26[%swap3A_77] {strides = array<i32>} : memref<5120xf32, #tpu.memory_space<vmem>>, vector<16xf32>,
      tpu.vector_store %arg26[%swap3A_77], %gather3A_76 {strides = array<i32>} : memref<5120xf32, #tpu.memory_space<vmem>>, vector<16xf32>,
      %gather3A_79 = tpu.vector_load_idx %arg20[%get3A_65] : memref<5120xf32, #tpu.memory_space<vmem>>[vector<16xi32>], vector<16xf32>,
      %swap3A_80 = arith.index_cast %mul3A_64 : i32 to index
      %swap3A_81 = tpu.vector_load %arg27[%swap3A_80] {strides = array<i32>} : memref<5120xf32, #tpu.memory_space<vmem>>, vector<16xf32>,
      tpu.vector_store %arg27[%swap3A_80], %gather3A_79 {strides = array<i32>} : memref<5120xf32, #tpu.memory_space<vmem>>, vector<16xf32>,
      %gt3A_82 = arith.constant 0xFF800000 : f32
      %gt3A_83 = vector.broadcast %gt3A_82 : f32 to vector<16xf32>
      %gt3A_84 = arith.cmpf ogt, %gather3A_76, %gt3A_83 : vector<16xf32>
      %convert_element_type3A_85 = arith.extui %gt3A_84 : vector<16xi1> to vector<16xi32>
      %reduce_sum3A = arith.constant true
      %reduce_sum3A_86 = vector.broadcast %reduce_sum3A : i1 to vector<16xi1>
      %reduce_sum3A_87 = tpu.scan <sum>, %convert_element_type3A_85 masked %reduce_sum3A_86 : vector<16xi32>, vector<16xi1> -> vector<16xi32>
      %reduce_sum3A_88 = vector.extract %reduce_sum3A_87[15] : i32 from vector<16xi32>
      %add3A_89 = arith.addi %scan3A_62, %reduce_sum3A_88 : i32
      scf.yield %add3A_89 : i32
    }
    %scan3A_45 = arith.constant 320 : i32
    %convert_element_type3A = arith.extui %eq3A_32 : i1 to i32
    %cond3A = arith.constant 0 : i32
    %cond3A_46 = arith.cmpi ne, %convert_element_type3A, %cond3A : i32
    scf.if %cond3A_46 {
      %scan3A_61 = arith.constant 0 : i32
      %scan3A_62 = arith.constant 19 : i32
      %scan3A_63 = arith.addi %scan3A_61, %scan3A_62 : i32
      %scan3A_64 = arith.constant 1 : i32
      scf.for %scan3A_66 = %scan3A_61 to %scan3A_63 step %scan3A_64  : i32 {
        %mul3A_67 = arith.constant 1 : i32
        %mul3A_68 = arith.muli %scan3A_66, %mul3A_67 : i32
        %add3A_69 = arith.constant 0 : i32
        %add3A_70 = arith.addi %add3A_69, %mul3A_68 : i32
        %mul3A_71 = arith.constant 16 : i32
        %mul3A_72 = arith.muli %add3A_70, %mul3A_71 : i32
        %broadcast_in_dim3A_73 = arith.constant -1.000000e+00 : f32
        %broadcast_in_dim3A_74 = vector.broadcast %broadcast_in_dim3A_73 : f32 to vector<16xf32>
        %swap3A = arith.index_cast %mul3A_72 : i32 to index
        %swap3A_75 = tpu.vector_load %arg28[%swap3A] {strides = array<i32>} : memref<304xf32, #tpu.memory_space<vmem>>, vector<16xf32>,
        tpu.vector_store %arg28[%swap3A], %broadcast_in_dim3A_74 {strides = array<i32>} : memref<304xf32, #tpu.memory_space<vmem>>, vector<16xf32>,
        %swap3A_76 = arith.index_cast %mul3A_72 : i32 to index
        %swap3A_77 = tpu.vector_load %arg29[%swap3A_76] {strides = array<i32>} : memref<304xf32, #tpu.memory_space<vmem>>, vector<16xf32>,
        tpu.vector_store %arg29[%swap3A_76], %broadcast_in_dim3A_74 {strides = array<i32>} : memref<304xf32, #tpu.memory_space<vmem>>, vector<16xf32>,
        %swap3A_78 = arith.index_cast %mul3A_72 : i32 to index
        %swap3A_79 = tpu.vector_load %arg30[%swap3A_78] {strides = array<i32>} : memref<304xf32, #tpu.memory_space<vmem>>, vector<16xf32>,
        tpu.vector_store %arg30[%swap3A_78], %broadcast_in_dim3A_74 {strides = array<i32>} : memref<304xf32, #tpu.memory_space<vmem>>, vector<16xf32>,
        %swap3A_80 = arith.index_cast %mul3A_72 : i32 to index
        %swap3A_81 = tpu.vector_load %arg31[%swap3A_80] {strides = array<i32>} : memref<304xf32, #tpu.memory_space<vmem>>, vector<16xf32>,
        tpu.vector_store %arg31[%swap3A_80], %broadcast_in_dim3A_74 {strides = array<i32>} : memref<304xf32, #tpu.memory_space<vmem>>, vector<16xf32>,
        %swap3A_82 = arith.index_cast %mul3A_72 : i32 to index
        %swap3A_83 = tpu.vector_load %arg32[%swap3A_82] {strides = array<i32>} : memref<304xf32, #tpu.memory_space<vmem>>, vector<16xf32>,
        tpu.vector_store %arg32[%swap3A_82], %broadcast_in_dim3A_74 {strides = array<i32>} : memref<304xf32, #tpu.memory_space<vmem>>, vector<16xf32>,
        %swap3A_84 = arith.index_cast %mul3A_72 : i32 to index
        %swap3A_85 = tpu.vector_load %arg33[%swap3A_84] {strides = array<i32>} : memref<304xf32, #tpu.memory_space<vmem>>, vector<16xf32>,
        tpu.vector_store %arg33[%swap3A_84], %broadcast_in_dim3A_74 {strides = array<i32>} : memref<304xf32, #tpu.memory_space<vmem>>, vector<16xf32>,
      }
      %scan3A_65 = arith.constant 19 : i32
    } else {
    }
    %min3A = arith.constant 512 : i32
    %min3A_47 = arith.minsi %scan3A_44, %min3A : i32
    %while3A = arith.constant 0 : i32
    %while3A_48 = arith.constant 0 : i32
    %while3A_49:2 = scf.while (%while3A_61 = %while3A, %while3A_62 = %while3A_48) : (i32, i32) -> (i32, i32) {
      %lt3A_63 = arith.cmpi slt, %while3A_61, %min3A_47 : i32
      %lt3A_64 = arith.constant 300 : i32
      %lt3A_65 = arith.cmpi slt, %while3A_62, %lt3A_64 : i32
      %and3A_66 = arith.andi %lt3A_63, %lt3A_65 : i1
      scf.condition(%and3A_66) %while3A_61, %while3A_62 : i32, i32
    } do {
    ^bb0(%while3A_61: i32, %while3A_62: i32):
      %jit3A_63 = arith.constant 16 : i32
      %div3A_64 = arith.divsi %while3A_61, %jit3A_63 : i32
      %sign3A_65 = arith.constant 0 : i32
      %sign3A_66 = arith.cmpi sgt, %while3A_61, %sign3A_65 : i32
      %sign3A_67 = arith.extui %sign3A_66 : i1 to i32
      %sign3A_68 = arith.constant 0 : i32
      %sign3A_69 = arith.cmpi slt, %while3A_61, %sign3A_68 : i32
      %sign3A_70 = arith.extui %sign3A_69 : i1 to i32
      %sign3A_71 = arith.subi %sign3A_67, %sign3A_70 : i32
      %sign3A_72 = arith.constant 0 : i32
      %sign3A_73 = arith.cmpi sgt, %jit3A_63, %sign3A_72 : i32
      %sign3A_74 = arith.extui %sign3A_73 : i1 to i32
      %sign3A_75 = arith.constant 0 : i32
      %sign3A_76 = arith.cmpi slt, %jit3A_63, %sign3A_75 : i32
      %sign3A_77 = arith.extui %sign3A_76 : i1 to i32
      %sign3A_78 = arith.subi %sign3A_74, %sign3A_77 : i32
      %ne3A_79 = arith.cmpi ne, %sign3A_71, %sign3A_78 : i32
      %rem3A_80 = arith.remsi %while3A_61, %jit3A_63 : i32
      %ne3A_81 = arith.constant 0 : i32
      %ne3A_82 = arith.cmpi ne, %rem3A_80, %ne3A_81 : i32
      %and3A_83 = arith.andi %ne3A_79, %ne3A_82 : i1
      %sub3A_84 = arith.constant 1 : i32
      %sub3A_85 = arith.subi %div3A_64, %sub3A_84 : i32
      %select_n3A_86 = arith.select %and3A_83, %sub3A_85, %div3A_64 : i32
      %mul3A_87 = arith.constant 16 : i32
      %mul3A_88 = arith.muli %select_n3A_86, %mul3A_87 : i32
      %sub3A_89 = arith.subi %while3A_61, %mul3A_88 : i32
      %eq3A_90 = vector.broadcast %sub3A_89 : i32 to vector<16xi32>
      %eq3A_91 = arith.cmpi eq, %iota3A, %eq3A_90 : vector<16xi32>
      %get3A = arith.index_cast %mul3A_88 : i32 to index
      %get3A_92 = tpu.vector_load %arg26[%get3A] {strides = array<i32>} : memref<5120xf32, #tpu.memory_space<vmem>>, vector<16xf32>,
      %jit3A_93 = arith.constant 0xFF800000 : f32
      %broadcast_in_dim3A_94 = vector.broadcast %jit3A_93 : f32 to vector<16xf32>
      %select_n3A_95 = arith.select %eq3A_91, %get3A_92, %broadcast_in_dim3A_94 : vector<16xi1>, vector<16xf32>
      %reduce_max3A = arith.constant true
      %reduce_max3A_96 = vector.broadcast %reduce_max3A : i1 to vector<16xi1>
      %reduce_max3A_97 = tpu.scan <max>, %select_n3A_95 masked %reduce_max3A_96 : vector<16xf32>, vector<16xi1> -> vector<16xf32>
      %reduce_max3A_98 = vector.extract %reduce_max3A_97[15] : f32 from vector<16xf32>
      %get3A_99 = arith.index_cast %mul3A_88 : i32 to index
      %get3A_100 = tpu.vector_load %arg22[%get3A_99] {strides = array<i32>} : memref<5120xf32, #tpu.memory_space<vmem>>, vector<16xf32>,
      %jit3A_101 = arith.constant 0xFF800000 : f32
      %broadcast_in_dim3A_102 = vector.broadcast %jit3A_101 : f32 to vector<16xf32>
      %select_n3A_103 = arith.select %eq3A_91, %get3A_100, %broadcast_in_dim3A_102 : vector<16xi1>, vector<16xf32>
      %reduce_max3A_104 = arith.constant true
      %reduce_max3A_105 = vector.broadcast %reduce_max3A_104 : i1 to vector<16xi1>
      %reduce_max3A_106 = tpu.scan <max>, %select_n3A_103 masked %reduce_max3A_105 : vector<16xf32>, vector<16xi1> -> vector<16xf32>
      %reduce_max3A_107 = vector.extract %reduce_max3A_106[15] : f32 from vector<16xf32>
      %get3A_108 = arith.index_cast %mul3A_88 : i32 to index
      %get3A_109 = tpu.vector_load %arg23[%get3A_108] {strides = array<i32>} : memref<5120xf32, #tpu.memory_space<vmem>>, vector<16xf32>,
      %jit3A_110 = arith.constant 0xFF800000 : f32
      %broadcast_in_dim3A_111 = vector.broadcast %jit3A_110 : f32 to vector<16xf32>
      %select_n3A_112 = arith.select %eq3A_91, %get3A_109, %broadcast_in_dim3A_111 : vector<16xi1>, vector<16xf32>
      %reduce_max3A_113 = arith.constant true
      %reduce_max3A_114 = vector.broadcast %reduce_max3A_113 : i1 to vector<16xi1>
      %reduce_max3A_115 = tpu.scan <max>, %select_n3A_112 masked %reduce_max3A_114 : vector<16xf32>, vector<16xi1> -> vector<16xf32>
      %reduce_max3A_116 = vector.extract %reduce_max3A_115[15] : f32 from vector<16xf32>
      %get3A_117 = arith.index_cast %mul3A_88 : i32 to index
      %get3A_118 = tpu.vector_load %arg24[%get3A_117] {strides = array<i32>} : memref<5120xf32, #tpu.memory_space<vmem>>, vector<16xf32>,
      %jit3A_119 = arith.constant 0xFF800000 : f32
      %broadcast_in_dim3A_120 = vector.broadcast %jit3A_119 : f32 to vector<16xf32>
      %select_n3A_121 = arith.select %eq3A_91, %get3A_118, %broadcast_in_dim3A_120 : vector<16xi1>, vector<16xf32>
      %reduce_max3A_122 = arith.constant true
      %reduce_max3A_123 = vector.broadcast %reduce_max3A_122 : i1 to vector<16xi1>
      %reduce_max3A_124 = tpu.scan <max>, %select_n3A_121 masked %reduce_max3A_123 : vector<16xf32>, vector<16xi1> -> vector<16xf32>
      %reduce_max3A_125 = vector.extract %reduce_max3A_124[15] : f32 from vector<16xf32>
      %get3A_126 = arith.index_cast %mul3A_88 : i32 to index
      %get3A_127 = tpu.vector_load %arg25[%get3A_126] {strides = array<i32>} : memref<5120xf32, #tpu.memory_space<vmem>>, vector<16xf32>,
      %jit3A_128 = arith.constant 0xFF800000 : f32
      %broadcast_in_dim3A_129 = vector.broadcast %jit3A_128 : f32 to vector<16xf32>
      %select_n3A_130 = arith.select %eq3A_91, %get3A_127, %broadcast_in_dim3A_129 : vector<16xi1>, vector<16xf32>
      %reduce_max3A_131 = arith.constant true
      %reduce_max3A_132 = vector.broadcast %reduce_max3A_131 : i1 to vector<16xi1>
      %reduce_max3A_133 = tpu.scan <max>, %select_n3A_130 masked %reduce_max3A_132 : vector<16xf32>, vector<16xi1> -> vector<16xf32>
      %reduce_max3A_134 = vector.extract %reduce_max3A_133[15] : f32 from vector<16xf32>
      %sub3A_135 = arith.subf %reduce_max3A_125, %reduce_max3A_107 : f32
      %sub3A_136 = arith.subf %reduce_max3A_134, %reduce_max3A_116 : f32
      %mul3A_137 = arith.mulf %sub3A_135, %sub3A_136 : f32
      %gt3A_138 = arith.constant 0xFF800000 : f32
      %gt3A_139 = arith.cmpf ogt, %reduce_max3A_98, %gt3A_138 : f32
      %lt3A_140 = arith.constant 299 : i32
      %lt3A_141 = arith.cmpi slt, %while3A_62, %lt3A_140 : i32
      %and3A_142 = arith.andi %gt3A_139, %lt3A_141 : i1
      %convert_element_type3A_143 = arith.extui %and3A_142 : i1 to i32
      %cond3A_144 = arith.constant 0 : i32
      %cond3A_145 = arith.cmpi ne, %convert_element_type3A_143, %cond3A_144 : i32
      scf.if %cond3A_145 {
        %jit3A_152 = arith.constant 128 : i32
        %div3A_153 = arith.divsi %while3A_61, %jit3A_152 : i32
        %sign3A_154 = arith.constant 0 : i32
        %sign3A_155 = arith.cmpi sgt, %while3A_61, %sign3A_154 : i32
        %sign3A_156 = arith.extui %sign3A_155 : i1 to i32
        %sign3A_157 = arith.constant 0 : i32
        %sign3A_158 = arith.cmpi slt, %while3A_61, %sign3A_157 : i32
        %sign3A_159 = arith.extui %sign3A_158 : i1 to i32
        %sign3A_160 = arith.subi %sign3A_156, %sign3A_159 : i32
        %sign3A_161 = arith.constant 0 : i32
        %sign3A_162 = arith.cmpi sgt, %jit3A_152, %sign3A_161 : i32
        %sign3A_163 = arith.extui %sign3A_162 : i1 to i32
        %sign3A_164 = arith.constant 0 : i32
        %sign3A_165 = arith.cmpi slt, %jit3A_152, %sign3A_164 : i32
        %sign3A_166 = arith.extui %sign3A_165 : i1 to i32
        %sign3A_167 = arith.subi %sign3A_163, %sign3A_166 : i32
        %ne3A_168 = arith.cmpi ne, %sign3A_160, %sign3A_167 : i32
        %rem3A_169 = arith.remsi %while3A_61, %jit3A_152 : i32
        %ne3A_170 = arith.constant 0 : i32
        %ne3A_171 = arith.cmpi ne, %rem3A_169, %ne3A_170 : i32
        %and3A_172 = arith.andi %ne3A_168, %ne3A_171 : i1
        %sub3A_173 = arith.constant 1 : i32
        %sub3A_174 = arith.subi %div3A_153, %sub3A_173 : i32
        %select_n3A_175 = arith.select %and3A_172, %sub3A_174, %div3A_153 : i32
        %mul3A_176 = arith.constant 128 : i32
        %mul3A_177 = arith.muli %select_n3A_175, %mul3A_176 : i32
        %add3A_178 = arith.constant 0 : i32
        %add3A_179 = arith.addi %mul3A_177, %add3A_178 : i32
        %get3A_180 = arith.index_cast %add3A_179 : i32 to index
        %get3A_181 = tpu.vector_load %arg22[%get3A_180] {strides = array<i32>} : memref<5120xf32, #tpu.memory_space<vmem>>, vector<16xf32>,
        %get3A_182 = arith.index_cast %add3A_179 : i32 to index
        %get3A_183 = tpu.vector_load %arg23[%get3A_182] {strides = array<i32>} : memref<5120xf32, #tpu.memory_space<vmem>>, vector<16xf32>,
        %get3A_184 = arith.index_cast %add3A_179 : i32 to index
        %get3A_185 = tpu.vector_load %arg24[%get3A_184] {strides = array<i32>} : memref<5120xf32, #tpu.memory_space<vmem>>, vector<16xf32>,
        %get3A_186 = arith.index_cast %add3A_179 : i32 to index
        %get3A_187 = tpu.vector_load %arg25[%get3A_186] {strides = array<i32>} : memref<5120xf32, #tpu.memory_space<vmem>>, vector<16xf32>,
        %add3A_188 = arith.constant 16 : i32
        %add3A_189 = arith.addi %mul3A_177, %add3A_188 : i32
        %get3A_190 = arith.index_cast %add3A_189 : i32 to index
        %get3A_191 = tpu.vector_load %arg22[%get3A_190] {strides = array<i32>} : memref<5120xf32, #tpu.memory_space<vmem>>, vector<16xf32>,
        %get3A_192 = arith.index_cast %add3A_189 : i32 to index
        %get3A_193 = tpu.vector_load %arg23[%get3A_192] {strides = array<i32>} : memref<5120xf32, #tpu.memory_space<vmem>>, vector<16xf32>,
        %get3A_194 = arith.index_cast %add3A_189 : i32 to index
        %get3A_195 = tpu.vector_load %arg24[%get3A_194] {strides = array<i32>} : memref<5120xf32, #tpu.memory_space<vmem>>, vector<16xf32>,
        %get3A_196 = arith.index_cast %add3A_189 : i32 to index
        %get3A_197 = tpu.vector_load %arg25[%get3A_196] {strides = array<i32>} : memref<5120xf32, #tpu.memory_space<vmem>>, vector<16xf32>,
        %add3A_198 = arith.constant 32 : i32
        %add3A_199 = arith.addi %mul3A_177, %add3A_198 : i32
        %get3A_200 = arith.index_cast %add3A_199 : i32 to index
        %get3A_201 = tpu.vector_load %arg22[%get3A_200] {strides = array<i32>} : memref<5120xf32, #tpu.memory_space<vmem>>, vector<16xf32>,
        %get3A_202 = arith.index_cast %add3A_199 : i32 to index
        %get3A_203 = tpu.vector_load %arg23[%get3A_202] {strides = array<i32>} : memref<5120xf32, #tpu.memory_space<vmem>>, vector<16xf32>,
        %get3A_204 = arith.index_cast %add3A_199 : i32 to index
        %get3A_205 = tpu.vector_load %arg24[%get3A_204] {strides = array<i32>} : memref<5120xf32, #tpu.memory_space<vmem>>, vector<16xf32>,
        %get3A_206 = arith.index_cast %add3A_199 : i32 to index
        %get3A_207 = tpu.vector_load %arg25[%get3A_206] {strides = array<i32>} : memref<5120xf32, #tpu.memory_space<vmem>>, vector<16xf32>,
        %add3A_208 = arith.constant 48 : i32
        %add3A_209 = arith.addi %mul3A_177, %add3A_208 : i32
        %get3A_210 = arith.index_cast %add3A_209 : i32 to index
        %get3A_211 = tpu.vector_load %arg22[%get3A_210] {strides = array<i32>} : memref<5120xf32, #tpu.memory_space<vmem>>, vector<16xf32>,
        %get3A_212 = arith.index_cast %add3A_209 : i32 to index
        %get3A_213 = tpu.vector_load %arg23[%get3A_212] {strides = array<i32>} : memref<5120xf32, #tpu.memory_space<vmem>>, vector<16xf32>,
        %get3A_214 = arith.index_cast %add3A_209 : i32 to index
        %get3A_215 = tpu.vector_load %arg24[%get3A_214] {strides = array<i32>} : memref<5120xf32, #tpu.memory_space<vmem>>, vector<16xf32>,
        %get3A_216 = arith.index_cast %add3A_209 : i32 to index
        %get3A_217 = tpu.vector_load %arg25[%get3A_216] {strides = array<i32>} : memref<5120xf32, #tpu.memory_space<vmem>>, vector<16xf32>,
        %add3A_218 = arith.constant 64 : i32
        %add3A_219 = arith.addi %mul3A_177, %add3A_218 : i32
        %get3A_220 = arith.index_cast %add3A_219 : i32 to index
        %get3A_221 = tpu.vector_load %arg22[%get3A_220] {strides = array<i32>} : memref<5120xf32, #tpu.memory_space<vmem>>, vector<16xf32>,
        %get3A_222 = arith.index_cast %add3A_219 : i32 to index
        %get3A_223 = tpu.vector_load %arg23[%get3A_222] {strides = array<i32>} : memref<5120xf32, #tpu.memory_space<vmem>>, vector<16xf32>,
        %get3A_224 = arith.index_cast %add3A_219 : i32 to index
        %get3A_225 = tpu.vector_load %arg24[%get3A_224] {strides = array<i32>} : memref<5120xf32, #tpu.memory_space<vmem>>, vector<16xf32>,
        %get3A_226 = arith.index_cast %add3A_219 : i32 to index
        %get3A_227 = tpu.vector_load %arg25[%get3A_226] {strides = array<i32>} : memref<5120xf32, #tpu.memory_space<vmem>>, vector<16xf32>,
        %add3A_228 = arith.constant 80 : i32
        %add3A_229 = arith.addi %mul3A_177, %add3A_228 : i32
        %get3A_230 = arith.index_cast %add3A_229 : i32 to index
        %get3A_231 = tpu.vector_load %arg22[%get3A_230] {strides = array<i32>} : memref<5120xf32, #tpu.memory_space<vmem>>, vector<16xf32>,
        %get3A_232 = arith.index_cast %add3A_229 : i32 to index
        %get3A_233 = tpu.vector_load %arg23[%get3A_232] {strides = array<i32>} : memref<5120xf32, #tpu.memory_space<vmem>>, vector<16xf32>,
        %get3A_234 = arith.index_cast %add3A_229 : i32 to index
        %get3A_235 = tpu.vector_load %arg24[%get3A_234] {strides = array<i32>} : memref<5120xf32, #tpu.memory_space<vmem>>, vector<16xf32>,
        %get3A_236 = arith.index_cast %add3A_229 : i32 to index
        %get3A_237 = tpu.vector_load %arg25[%get3A_236] {strides = array<i32>} : memref<5120xf32, #tpu.memory_space<vmem>>, vector<16xf32>,
        %add3A_238 = arith.constant 96 : i32
        %add3A_239 = arith.addi %mul3A_177, %add3A_238 : i32
        %get3A_240 = arith.index_cast %add3A_239 : i32 to index
        %get3A_241 = tpu.vector_load %arg22[%get3A_240] {strides = array<i32>} : memref<5120xf32, #tpu.memory_space<vmem>>, vector<16xf32>,
        %get3A_242 = arith.index_cast %add3A_239 : i32 to index
        %get3A_243 = tpu.vector_load %arg23[%get3A_242] {strides = array<i32>} : memref<5120xf32, #tpu.memory_space<vmem>>, vector<16xf32>,
        %get3A_244 = arith.index_cast %add3A_239 : i32 to index
        %get3A_245 = tpu.vector_load %arg24[%get3A_244] {strides = array<i32>} : memref<5120xf32, #tpu.memory_space<vmem>>, vector<16xf32>,
        %get3A_246 = arith.index_cast %add3A_239 : i32 to index
        %get3A_247 = tpu.vector_load %arg25[%get3A_246] {strides = array<i32>} : memref<5120xf32, #tpu.memory_space<vmem>>, vector<16xf32>,
        %add3A_248 = arith.constant 112 : i32
        %add3A_249 = arith.addi %mul3A_177, %add3A_248 : i32
        %get3A_250 = arith.index_cast %add3A_249 : i32 to index
        %get3A_251 = tpu.vector_load %arg22[%get3A_250] {strides = array<i32>} : memref<5120xf32, #tpu.memory_space<vmem>>, vector<16xf32>,
        %get3A_252 = arith.index_cast %add3A_249 : i32 to index
        %get3A_253 = tpu.vector_load %arg23[%get3A_252] {strides = array<i32>} : memref<5120xf32, #tpu.memory_space<vmem>>, vector<16xf32>,
        %get3A_254 = arith.index_cast %add3A_249 : i32 to index
        %get3A_255 = tpu.vector_load %arg24[%get3A_254] {strides = array<i32>} : memref<5120xf32, #tpu.memory_space<vmem>>, vector<16xf32>,
        %get3A_256 = arith.index_cast %add3A_249 : i32 to index
        %get3A_257 = tpu.vector_load %arg25[%get3A_256] {strides = array<i32>} : memref<5120xf32, #tpu.memory_space<vmem>>, vector<16xf32>,
        %max3A = vector.broadcast %reduce_max3A_107 : f32 to vector<16xf32>
        %max3A_258 = arith.maximumf %max3A, %get3A_181 : vector<16xf32>
        %max3A_259 = vector.broadcast %reduce_max3A_116 : f32 to vector<16xf32>
        %max3A_260 = arith.maximumf %max3A_259, %get3A_183 : vector<16xf32>
        %min3A_261 = vector.broadcast %reduce_max3A_125 : f32 to vector<16xf32>
        %min3A_262 = arith.minimumf %min3A_261, %get3A_185 : vector<16xf32>
        %min3A_263 = vector.broadcast %reduce_max3A_134 : f32 to vector<16xf32>
        %min3A_264 = arith.minimumf %min3A_263, %get3A_187 : vector<16xf32>
        %sub3A_265 = arith.subf %min3A_262, %max3A_258 : vector<16xf32>
        %max3A_266 = arith.constant 0.000000e+00 : f32
        %max3A_267 = vector.broadcast %max3A_266 : f32 to vector<16xf32>
        %max3A_268 = arith.maximumf %sub3A_265, %max3A_267 : vector<16xf32>
        %sub3A_269 = arith.subf %min3A_264, %max3A_260 : vector<16xf32>
        %max3A_270 = arith.constant 0.000000e+00 : f32
        %max3A_271 = vector.broadcast %max3A_270 : f32 to vector<16xf32>
        %max3A_272 = arith.maximumf %sub3A_269, %max3A_271 : vector<16xf32>
        %mul3A_273 = arith.mulf %max3A_268, %max3A_272 : vector<16xf32>
        %sub3A_274 = arith.subf %get3A_185, %get3A_181 : vector<16xf32>
        %sub3A_275 = arith.subf %get3A_187, %get3A_183 : vector<16xf32>
        %mul3A_276 = arith.mulf %sub3A_274, %sub3A_275 : vector<16xf32>
        %add3A_277 = vector.broadcast %mul3A_137 : f32 to vector<16xf32>
        %add3A_278 = arith.addf %add3A_277, %mul3A_276 : vector<16xf32>
        %sub3A_279 = arith.subf %add3A_278, %mul3A_273 : vector<16xf32>
        %max3A_280 = arith.constant 9.99999996E-13 : f32
        %max3A_281 = vector.broadcast %max3A_280 : f32 to vector<16xf32>
        %max3A_282 = arith.maximumf %sub3A_279, %max3A_281 : vector<16xf32>
        %mul3A_283 = arith.constant 5.000000e-01 : f32
        %mul3A_284 = vector.broadcast %mul3A_283 : f32 to vector<16xf32>
        %mul3A_285 = arith.mulf %mul3A_284, %max3A_282 : vector<16xf32>
        %gt3A_286 = arith.cmpf ogt, %mul3A_273, %mul3A_285 : vector<16xf32>
        %add3A_287 = arith.constant 0 : i32
        %add3A_288 = arith.addi %mul3A_177, %add3A_287 : i32
        %add3A_289 = vector.broadcast %add3A_288 : i32 to vector<16xi32>
        %add3A_290 = arith.addi %add3A_289, %iota3A : vector<16xi32>
        %gt3A_291 = vector.broadcast %while3A_61 : i32 to vector<16xi32>
        %gt3A_292 = arith.cmpi sgt, %add3A_290, %gt3A_291 : vector<16xi32>
        %and3A_293 = arith.andi %gt3A_286, %gt3A_292 : vector<16xi1>
        %max3A_294 = vector.broadcast %reduce_max3A_107 : f32 to vector<16xf32>
        %max3A_295 = arith.maximumf %max3A_294, %get3A_191 : vector<16xf32>
        %max3A_296 = vector.broadcast %reduce_max3A_116 : f32 to vector<16xf32>
        %max3A_297 = arith.maximumf %max3A_296, %get3A_193 : vector<16xf32>
        %min3A_298 = vector.broadcast %reduce_max3A_125 : f32 to vector<16xf32>
        %min3A_299 = arith.minimumf %min3A_298, %get3A_195 : vector<16xf32>
        %min3A_300 = vector.broadcast %reduce_max3A_134 : f32 to vector<16xf32>
        %min3A_301 = arith.minimumf %min3A_300, %get3A_197 : vector<16xf32>
        %sub3A_302 = arith.subf %min3A_299, %max3A_295 : vector<16xf32>
        %max3A_303 = arith.constant 0.000000e+00 : f32
        %max3A_304 = vector.broadcast %max3A_303 : f32 to vector<16xf32>
        %max3A_305 = arith.maximumf %sub3A_302, %max3A_304 : vector<16xf32>
        %sub3A_306 = arith.subf %min3A_301, %max3A_297 : vector<16xf32>
        %max3A_307 = arith.constant 0.000000e+00 : f32
        %max3A_308 = vector.broadcast %max3A_307 : f32 to vector<16xf32>
        %max3A_309 = arith.maximumf %sub3A_306, %max3A_308 : vector<16xf32>
        %mul3A_310 = arith.mulf %max3A_305, %max3A_309 : vector<16xf32>
        %sub3A_311 = arith.subf %get3A_195, %get3A_191 : vector<16xf32>
        %sub3A_312 = arith.subf %get3A_197, %get3A_193 : vector<16xf32>
        %mul3A_313 = arith.mulf %sub3A_311, %sub3A_312 : vector<16xf32>
        %add3A_314 = vector.broadcast %mul3A_137 : f32 to vector<16xf32>
        %add3A_315 = arith.addf %add3A_314, %mul3A_313 : vector<16xf32>
        %sub3A_316 = arith.subf %add3A_315, %mul3A_310 : vector<16xf32>
        %max3A_317 = arith.constant 9.99999996E-13 : f32
        %max3A_318 = vector.broadcast %max3A_317 : f32 to vector<16xf32>
        %max3A_319 = arith.maximumf %sub3A_316, %max3A_318 : vector<16xf32>
        %mul3A_320 = arith.constant 5.000000e-01 : f32
        %mul3A_321 = vector.broadcast %mul3A_320 : f32 to vector<16xf32>
        %mul3A_322 = arith.mulf %mul3A_321, %max3A_319 : vector<16xf32>
        %gt3A_323 = arith.cmpf ogt, %mul3A_310, %mul3A_322 : vector<16xf32>
        %add3A_324 = arith.constant 16 : i32
        %add3A_325 = arith.addi %mul3A_177, %add3A_324 : i32
        %add3A_326 = vector.broadcast %add3A_325 : i32 to vector<16xi32>
        %add3A_327 = arith.addi %add3A_326, %iota3A : vector<16xi32>
        %gt3A_328 = vector.broadcast %while3A_61 : i32 to vector<16xi32>
        %gt3A_329 = arith.cmpi sgt, %add3A_327, %gt3A_328 : vector<16xi32>
        %and3A_330 = arith.andi %gt3A_323, %gt3A_329 : vector<16xi1>
        %max3A_331 = vector.broadcast %reduce_max3A_107 : f32 to vector<16xf32>
        %max3A_332 = arith.maximumf %max3A_331, %get3A_201 : vector<16xf32>
        %max3A_333 = vector.broadcast %reduce_max3A_116 : f32 to vector<16xf32>
        %max3A_334 = arith.maximumf %max3A_333, %get3A_203 : vector<16xf32>
        %min3A_335 = vector.broadcast %reduce_max3A_125 : f32 to vector<16xf32>
        %min3A_336 = arith.minimumf %min3A_335, %get3A_205 : vector<16xf32>
        %min3A_337 = vector.broadcast %reduce_max3A_134 : f32 to vector<16xf32>
        %min3A_338 = arith.minimumf %min3A_337, %get3A_207 : vector<16xf32>
        %sub3A_339 = arith.subf %min3A_336, %max3A_332 : vector<16xf32>
        %max3A_340 = arith.constant 0.000000e+00 : f32
        %max3A_341 = vector.broadcast %max3A_340 : f32 to vector<16xf32>
        %max3A_342 = arith.maximumf %sub3A_339, %max3A_341 : vector<16xf32>
        %sub3A_343 = arith.subf %min3A_338, %max3A_334 : vector<16xf32>
        %max3A_344 = arith.constant 0.000000e+00 : f32
        %max3A_345 = vector.broadcast %max3A_344 : f32 to vector<16xf32>
        %max3A_346 = arith.maximumf %sub3A_343, %max3A_345 : vector<16xf32>
        %mul3A_347 = arith.mulf %max3A_342, %max3A_346 : vector<16xf32>
        %sub3A_348 = arith.subf %get3A_205, %get3A_201 : vector<16xf32>
        %sub3A_349 = arith.subf %get3A_207, %get3A_203 : vector<16xf32>
        %mul3A_350 = arith.mulf %sub3A_348, %sub3A_349 : vector<16xf32>
        %add3A_351 = vector.broadcast %mul3A_137 : f32 to vector<16xf32>
        %add3A_352 = arith.addf %add3A_351, %mul3A_350 : vector<16xf32>
        %sub3A_353 = arith.subf %add3A_352, %mul3A_347 : vector<16xf32>
        %max3A_354 = arith.constant 9.99999996E-13 : f32
        %max3A_355 = vector.broadcast %max3A_354 : f32 to vector<16xf32>
        %max3A_356 = arith.maximumf %sub3A_353, %max3A_355 : vector<16xf32>
        %mul3A_357 = arith.constant 5.000000e-01 : f32
        %mul3A_358 = vector.broadcast %mul3A_357 : f32 to vector<16xf32>
        %mul3A_359 = arith.mulf %mul3A_358, %max3A_356 : vector<16xf32>
        %gt3A_360 = arith.cmpf ogt, %mul3A_347, %mul3A_359 : vector<16xf32>
        %add3A_361 = arith.constant 32 : i32
        %add3A_362 = arith.addi %mul3A_177, %add3A_361 : i32
        %add3A_363 = vector.broadcast %add3A_362 : i32 to vector<16xi32>
        %add3A_364 = arith.addi %add3A_363, %iota3A : vector<16xi32>
        %gt3A_365 = vector.broadcast %while3A_61 : i32 to vector<16xi32>
        %gt3A_366 = arith.cmpi sgt, %add3A_364, %gt3A_365 : vector<16xi32>
        %and3A_367 = arith.andi %gt3A_360, %gt3A_366 : vector<16xi1>
        %max3A_368 = vector.broadcast %reduce_max3A_107 : f32 to vector<16xf32>
        %max3A_369 = arith.maximumf %max3A_368, %get3A_211 : vector<16xf32>
        %max3A_370 = vector.broadcast %reduce_max3A_116 : f32 to vector<16xf32>
        %max3A_371 = arith.maximumf %max3A_370, %get3A_213 : vector<16xf32>
        %min3A_372 = vector.broadcast %reduce_max3A_125 : f32 to vector<16xf32>
        %min3A_373 = arith.minimumf %min3A_372, %get3A_215 : vector<16xf32>
        %min3A_374 = vector.broadcast %reduce_max3A_134 : f32 to vector<16xf32>
        %min3A_375 = arith.minimumf %min3A_374, %get3A_217 : vector<16xf32>
        %sub3A_376 = arith.subf %min3A_373, %max3A_369 : vector<16xf32>
        %max3A_377 = arith.constant 0.000000e+00 : f32
        %max3A_378 = vector.broadcast %max3A_377 : f32 to vector<16xf32>
        %max3A_379 = arith.maximumf %sub3A_376, %max3A_378 : vector<16xf32>
        %sub3A_380 = arith.subf %min3A_375, %max3A_371 : vector<16xf32>
        %max3A_381 = arith.constant 0.000000e+00 : f32
        %max3A_382 = vector.broadcast %max3A_381 : f32 to vector<16xf32>
        %max3A_383 = arith.maximumf %sub3A_380, %max3A_382 : vector<16xf32>
        %mul3A_384 = arith.mulf %max3A_379, %max3A_383 : vector<16xf32>
        %sub3A_385 = arith.subf %get3A_215, %get3A_211 : vector<16xf32>
        %sub3A_386 = arith.subf %get3A_217, %get3A_213 : vector<16xf32>
        %mul3A_387 = arith.mulf %sub3A_385, %sub3A_386 : vector<16xf32>
        %add3A_388 = vector.broadcast %mul3A_137 : f32 to vector<16xf32>
        %add3A_389 = arith.addf %add3A_388, %mul3A_387 : vector<16xf32>
        %sub3A_390 = arith.subf %add3A_389, %mul3A_384 : vector<16xf32>
        %max3A_391 = arith.constant 9.99999996E-13 : f32
        %max3A_392 = vector.broadcast %max3A_391 : f32 to vector<16xf32>
        %max3A_393 = arith.maximumf %sub3A_390, %max3A_392 : vector<16xf32>
        %mul3A_394 = arith.constant 5.000000e-01 : f32
        %mul3A_395 = vector.broadcast %mul3A_394 : f32 to vector<16xf32>
        %mul3A_396 = arith.mulf %mul3A_395, %max3A_393 : vector<16xf32>
        %gt3A_397 = arith.cmpf ogt, %mul3A_384, %mul3A_396 : vector<16xf32>
        %add3A_398 = arith.constant 48 : i32
        %add3A_399 = arith.addi %mul3A_177, %add3A_398 : i32
        %add3A_400 = vector.broadcast %add3A_399 : i32 to vector<16xi32>
        %add3A_401 = arith.addi %add3A_400, %iota3A : vector<16xi32>
        %gt3A_402 = vector.broadcast %while3A_61 : i32 to vector<16xi32>
        %gt3A_403 = arith.cmpi sgt, %add3A_401, %gt3A_402 : vector<16xi32>
        %and3A_404 = arith.andi %gt3A_397, %gt3A_403 : vector<16xi1>
        %max3A_405 = vector.broadcast %reduce_max3A_107 : f32 to vector<16xf32>
        %max3A_406 = arith.maximumf %max3A_405, %get3A_221 : vector<16xf32>
        %max3A_407 = vector.broadcast %reduce_max3A_116 : f32 to vector<16xf32>
        %max3A_408 = arith.maximumf %max3A_407, %get3A_223 : vector<16xf32>
        %min3A_409 = vector.broadcast %reduce_max3A_125 : f32 to vector<16xf32>
        %min3A_410 = arith.minimumf %min3A_409, %get3A_225 : vector<16xf32>
        %min3A_411 = vector.broadcast %reduce_max3A_134 : f32 to vector<16xf32>
        %min3A_412 = arith.minimumf %min3A_411, %get3A_227 : vector<16xf32>
        %sub3A_413 = arith.subf %min3A_410, %max3A_406 : vector<16xf32>
        %max3A_414 = arith.constant 0.000000e+00 : f32
        %max3A_415 = vector.broadcast %max3A_414 : f32 to vector<16xf32>
        %max3A_416 = arith.maximumf %sub3A_413, %max3A_415 : vector<16xf32>
        %sub3A_417 = arith.subf %min3A_412, %max3A_408 : vector<16xf32>
        %max3A_418 = arith.constant 0.000000e+00 : f32
        %max3A_419 = vector.broadcast %max3A_418 : f32 to vector<16xf32>
        %max3A_420 = arith.maximumf %sub3A_417, %max3A_419 : vector<16xf32>
        %mul3A_421 = arith.mulf %max3A_416, %max3A_420 : vector<16xf32>
        %sub3A_422 = arith.subf %get3A_225, %get3A_221 : vector<16xf32>
        %sub3A_423 = arith.subf %get3A_227, %get3A_223 : vector<16xf32>
        %mul3A_424 = arith.mulf %sub3A_422, %sub3A_423 : vector<16xf32>
        %add3A_425 = vector.broadcast %mul3A_137 : f32 to vector<16xf32>
        %add3A_426 = arith.addf %add3A_425, %mul3A_424 : vector<16xf32>
        %sub3A_427 = arith.subf %add3A_426, %mul3A_421 : vector<16xf32>
        %max3A_428 = arith.constant 9.99999996E-13 : f32
        %max3A_429 = vector.broadcast %max3A_428 : f32 to vector<16xf32>
        %max3A_430 = arith.maximumf %sub3A_427, %max3A_429 : vector<16xf32>
        %mul3A_431 = arith.constant 5.000000e-01 : f32
        %mul3A_432 = vector.broadcast %mul3A_431 : f32 to vector<16xf32>
        %mul3A_433 = arith.mulf %mul3A_432, %max3A_430 : vector<16xf32>
        %gt3A_434 = arith.cmpf ogt, %mul3A_421, %mul3A_433 : vector<16xf32>
        %add3A_435 = arith.constant 64 : i32
        %add3A_436 = arith.addi %mul3A_177, %add3A_435 : i32
        %add3A_437 = vector.broadcast %add3A_436 : i32 to vector<16xi32>
        %add3A_438 = arith.addi %add3A_437, %iota3A : vector<16xi32>
        %gt3A_439 = vector.broadcast %while3A_61 : i32 to vector<16xi32>
        %gt3A_440 = arith.cmpi sgt, %add3A_438, %gt3A_439 : vector<16xi32>
        %and3A_441 = arith.andi %gt3A_434, %gt3A_440 : vector<16xi1>
        %max3A_442 = vector.broadcast %reduce_max3A_107 : f32 to vector<16xf32>
        %max3A_443 = arith.maximumf %max3A_442, %get3A_231 : vector<16xf32>
        %max3A_444 = vector.broadcast %reduce_max3A_116 : f32 to vector<16xf32>
        %max3A_445 = arith.maximumf %max3A_444, %get3A_233 : vector<16xf32>
        %min3A_446 = vector.broadcast %reduce_max3A_125 : f32 to vector<16xf32>
        %min3A_447 = arith.minimumf %min3A_446, %get3A_235 : vector<16xf32>
        %min3A_448 = vector.broadcast %reduce_max3A_134 : f32 to vector<16xf32>
        %min3A_449 = arith.minimumf %min3A_448, %get3A_237 : vector<16xf32>
        %sub3A_450 = arith.subf %min3A_447, %max3A_443 : vector<16xf32>
        %max3A_451 = arith.constant 0.000000e+00 : f32
        %max3A_452 = vector.broadcast %max3A_451 : f32 to vector<16xf32>
        %max3A_453 = arith.maximumf %sub3A_450, %max3A_452 : vector<16xf32>
        %sub3A_454 = arith.subf %min3A_449, %max3A_445 : vector<16xf32>
        %max3A_455 = arith.constant 0.000000e+00 : f32
        %max3A_456 = vector.broadcast %max3A_455 : f32 to vector<16xf32>
        %max3A_457 = arith.maximumf %sub3A_454, %max3A_456 : vector<16xf32>
        %mul3A_458 = arith.mulf %max3A_453, %max3A_457 : vector<16xf32>
        %sub3A_459 = arith.subf %get3A_235, %get3A_231 : vector<16xf32>
        %sub3A_460 = arith.subf %get3A_237, %get3A_233 : vector<16xf32>
        %mul3A_461 = arith.mulf %sub3A_459, %sub3A_460 : vector<16xf32>
        %add3A_462 = vector.broadcast %mul3A_137 : f32 to vector<16xf32>
        %add3A_463 = arith.addf %add3A_462, %mul3A_461 : vector<16xf32>
        %sub3A_464 = arith.subf %add3A_463, %mul3A_458 : vector<16xf32>
        %max3A_465 = arith.constant 9.99999996E-13 : f32
        %max3A_466 = vector.broadcast %max3A_465 : f32 to vector<16xf32>
        %max3A_467 = arith.maximumf %sub3A_464, %max3A_466 : vector<16xf32>
        %mul3A_468 = arith.constant 5.000000e-01 : f32
        %mul3A_469 = vector.broadcast %mul3A_468 : f32 to vector<16xf32>
        %mul3A_470 = arith.mulf %mul3A_469, %max3A_467 : vector<16xf32>
        %gt3A_471 = arith.cmpf ogt, %mul3A_458, %mul3A_470 : vector<16xf32>
        %add3A_472 = arith.constant 80 : i32
        %add3A_473 = arith.addi %mul3A_177, %add3A_472 : i32
        %add3A_474 = vector.broadcast %add3A_473 : i32 to vector<16xi32>
        %add3A_475 = arith.addi %add3A_474, %iota3A : vector<16xi32>
        %gt3A_476 = vector.broadcast %while3A_61 : i32 to vector<16xi32>
        %gt3A_477 = arith.cmpi sgt, %add3A_475, %gt3A_476 : vector<16xi32>
        %and3A_478 = arith.andi %gt3A_471, %gt3A_477 : vector<16xi1>
        %max3A_479 = vector.broadcast %reduce_max3A_107 : f32 to vector<16xf32>
        %max3A_480 = arith.maximumf %max3A_479, %get3A_241 : vector<16xf32>
        %max3A_481 = vector.broadcast %reduce_max3A_116 : f32 to vector<16xf32>
        %max3A_482 = arith.maximumf %max3A_481, %get3A_243 : vector<16xf32>
        %min3A_483 = vector.broadcast %reduce_max3A_125 : f32 to vector<16xf32>
        %min3A_484 = arith.minimumf %min3A_483, %get3A_245 : vector<16xf32>
        %min3A_485 = vector.broadcast %reduce_max3A_134 : f32 to vector<16xf32>
        %min3A_486 = arith.minimumf %min3A_485, %get3A_247 : vector<16xf32>
        %sub3A_487 = arith.subf %min3A_484, %max3A_480 : vector<16xf32>
        %max3A_488 = arith.constant 0.000000e+00 : f32
        %max3A_489 = vector.broadcast %max3A_488 : f32 to vector<16xf32>
        %max3A_490 = arith.maximumf %sub3A_487, %max3A_489 : vector<16xf32>
        %sub3A_491 = arith.subf %min3A_486, %max3A_482 : vector<16xf32>
        %max3A_492 = arith.constant 0.000000e+00 : f32
        %max3A_493 = vector.broadcast %max3A_492 : f32 to vector<16xf32>
        %max3A_494 = arith.maximumf %sub3A_491, %max3A_493 : vector<16xf32>
        %mul3A_495 = arith.mulf %max3A_490, %max3A_494 : vector<16xf32>
        %sub3A_496 = arith.subf %get3A_245, %get3A_241 : vector<16xf32>
        %sub3A_497 = arith.subf %get3A_247, %get3A_243 : vector<16xf32>
        %mul3A_498 = arith.mulf %sub3A_496, %sub3A_497 : vector<16xf32>
        %add3A_499 = vector.broadcast %mul3A_137 : f32 to vector<16xf32>
        %add3A_500 = arith.addf %add3A_499, %mul3A_498 : vector<16xf32>
        %sub3A_501 = arith.subf %add3A_500, %mul3A_495 : vector<16xf32>
        %max3A_502 = arith.constant 9.99999996E-13 : f32
        %max3A_503 = vector.broadcast %max3A_502 : f32 to vector<16xf32>
        %max3A_504 = arith.maximumf %sub3A_501, %max3A_503 : vector<16xf32>
        %mul3A_505 = arith.constant 5.000000e-01 : f32
        %mul3A_506 = vector.broadcast %mul3A_505 : f32 to vector<16xf32>
        %mul3A_507 = arith.mulf %mul3A_506, %max3A_504 : vector<16xf32>
        %gt3A_508 = arith.cmpf ogt, %mul3A_495, %mul3A_507 : vector<16xf32>
        %add3A_509 = arith.constant 96 : i32
        %add3A_510 = arith.addi %mul3A_177, %add3A_509 : i32
        %add3A_511 = vector.broadcast %add3A_510 : i32 to vector<16xi32>
        %add3A_512 = arith.addi %add3A_511, %iota3A : vector<16xi32>
        %gt3A_513 = vector.broadcast %while3A_61 : i32 to vector<16xi32>
        %gt3A_514 = arith.cmpi sgt, %add3A_512, %gt3A_513 : vector<16xi32>
        %and3A_515 = arith.andi %gt3A_508, %gt3A_514 : vector<16xi1>
        %max3A_516 = vector.broadcast %reduce_max3A_107 : f32 to vector<16xf32>
        %max3A_517 = arith.maximumf %max3A_516, %get3A_251 : vector<16xf32>
        %max3A_518 = vector.broadcast %reduce_max3A_116 : f32 to vector<16xf32>
        %max3A_519 = arith.maximumf %max3A_518, %get3A_253 : vector<16xf32>
        %min3A_520 = vector.broadcast %reduce_max3A_125 : f32 to vector<16xf32>
        %min3A_521 = arith.minimumf %min3A_520, %get3A_255 : vector<16xf32>
        %min3A_522 = vector.broadcast %reduce_max3A_134 : f32 to vector<16xf32>
        %min3A_523 = arith.minimumf %min3A_522, %get3A_257 : vector<16xf32>
        %sub3A_524 = arith.subf %min3A_521, %max3A_517 : vector<16xf32>
        %max3A_525 = arith.constant 0.000000e+00 : f32
        %max3A_526 = vector.broadcast %max3A_525 : f32 to vector<16xf32>
        %max3A_527 = arith.maximumf %sub3A_524, %max3A_526 : vector<16xf32>
        %sub3A_528 = arith.subf %min3A_523, %max3A_519 : vector<16xf32>
        %max3A_529 = arith.constant 0.000000e+00 : f32
        %max3A_530 = vector.broadcast %max3A_529 : f32 to vector<16xf32>
        %max3A_531 = arith.maximumf %sub3A_528, %max3A_530 : vector<16xf32>
        %mul3A_532 = arith.mulf %max3A_527, %max3A_531 : vector<16xf32>
        %sub3A_533 = arith.subf %get3A_255, %get3A_251 : vector<16xf32>
        %sub3A_534 = arith.subf %get3A_257, %get3A_253 : vector<16xf32>
        %mul3A_535 = arith.mulf %sub3A_533, %sub3A_534 : vector<16xf32>
        %add3A_536 = vector.broadcast %mul3A_137 : f32 to vector<16xf32>
        %add3A_537 = arith.addf %add3A_536, %mul3A_535 : vector<16xf32>
        %sub3A_538 = arith.subf %add3A_537, %mul3A_532 : vector<16xf32>
        %max3A_539 = arith.constant 9.99999996E-13 : f32
        %max3A_540 = vector.broadcast %max3A_539 : f32 to vector<16xf32>
        %max3A_541 = arith.maximumf %sub3A_538, %max3A_540 : vector<16xf32>
        %mul3A_542 = arith.constant 5.000000e-01 : f32
        %mul3A_543 = vector.broadcast %mul3A_542 : f32 to vector<16xf32>
        %mul3A_544 = arith.mulf %mul3A_543, %max3A_541 : vector<16xf32>
        %gt3A_545 = arith.cmpf ogt, %mul3A_532, %mul3A_544 : vector<16xf32>
        %add3A_546 = arith.constant 112 : i32
        %add3A_547 = arith.addi %mul3A_177, %add3A_546 : i32
        %add3A_548 = vector.broadcast %add3A_547 : i32 to vector<16xi32>
        %add3A_549 = arith.addi %add3A_548, %iota3A : vector<16xi32>
        %gt3A_550 = vector.broadcast %while3A_61 : i32 to vector<16xi32>
        %gt3A_551 = arith.cmpi sgt, %add3A_549, %gt3A_550 : vector<16xi32>
        %and3A_552 = arith.andi %gt3A_545, %gt3A_551 : vector<16xi1>
        %add3A_553 = arith.constant 0 : i32
        %add3A_554 = arith.addi %mul3A_177, %add3A_553 : i32
        %add3A_555 = vector.broadcast %add3A_554 : i32 to vector<16xi32>
        %add3A_556 = arith.addi %add3A_555, %iota3A : vector<16xi32>
        tpu.vector_store_idx %arg26[%add3A_556], %broadcast_in_dim3A_39 masked %and3A_293 : memref<5120xf32, #tpu.memory_space<vmem>>[vector<16xi32>], vector<16xf32>, vector<16xi1>
        %add3A_557 = arith.constant 16 : i32
        %add3A_558 = arith.addi %mul3A_177, %add3A_557 : i32
        %add3A_559 = vector.broadcast %add3A_558 : i32 to vector<16xi32>
        %add3A_560 = arith.addi %add3A_559, %iota3A : vector<16xi32>
        tpu.vector_store_idx %arg26[%add3A_560], %broadcast_in_dim3A_39 masked %and3A_330 : memref<5120xf32, #tpu.memory_space<vmem>>[vector<16xi32>], vector<16xf32>, vector<16xi1>
        %add3A_561 = arith.constant 32 : i32
        %add3A_562 = arith.addi %mul3A_177, %add3A_561 : i32
        %add3A_563 = vector.broadcast %add3A_562 : i32 to vector<16xi32>
        %add3A_564 = arith.addi %add3A_563, %iota3A : vector<16xi32>
        tpu.vector_store_idx %arg26[%add3A_564], %broadcast_in_dim3A_39 masked %and3A_367 : memref<5120xf32, #tpu.memory_space<vmem>>[vector<16xi32>], vector<16xf32>, vector<16xi1>
        %add3A_565 = arith.constant 48 : i32
        %add3A_566 = arith.addi %mul3A_177, %add3A_565 : i32
        %add3A_567 = vector.broadcast %add3A_566 : i32 to vector<16xi32>
        %add3A_568 = arith.addi %add3A_567, %iota3A : vector<16xi32>
        tpu.vector_store_idx %arg26[%add3A_568], %broadcast_in_dim3A_39 masked %and3A_404 : memref<5120xf32, #tpu.memory_space<vmem>>[vector<16xi32>], vector<16xf32>, vector<16xi1>
        %add3A_569 = arith.constant 64 : i32
        %add3A_570 = arith.addi %mul3A_177, %add3A_569 : i32
        %add3A_571 = vector.broadcast %add3A_570 : i32 to vector<16xi32>
        %add3A_572 = arith.addi %add3A_571, %iota3A : vector<16xi32>
        tpu.vector_store_idx %arg26[%add3A_572], %broadcast_in_dim3A_39 masked %and3A_441 : memref<5120xf32, #tpu.memory_space<vmem>>[vector<16xi32>], vector<16xf32>, vector<16xi1>
        %add3A_573 = arith.constant 80 : i32
        %add3A_574 = arith.addi %mul3A_177, %add3A_573 : i32
        %add3A_575 = vector.broadcast %add3A_574 : i32 to vector<16xi32>
        %add3A_576 = arith.addi %add3A_575, %iota3A : vector<16xi32>
        tpu.vector_store_idx %arg26[%add3A_576], %broadcast_in_dim3A_39 masked %and3A_478 : memref<5120xf32, #tpu.memory_space<vmem>>[vector<16xi32>], vector<16xf32>, vector<16xi1>
        %add3A_577 = arith.constant 96 : i32
        %add3A_578 = arith.addi %mul3A_177, %add3A_577 : i32
        %add3A_579 = vector.broadcast %add3A_578 : i32 to vector<16xi32>
        %add3A_580 = arith.addi %add3A_579, %iota3A : vector<16xi32>
        tpu.vector_store_idx %arg26[%add3A_580], %broadcast_in_dim3A_39 masked %and3A_515 : memref<5120xf32, #tpu.memory_space<vmem>>[vector<16xi32>], vector<16xf32>, vector<16xi1>
        %add3A_581 = arith.constant 112 : i32
        %add3A_582 = arith.addi %mul3A_177, %add3A_581 : i32
        %add3A_583 = vector.broadcast %add3A_582 : i32 to vector<16xi32>
        %add3A_584 = arith.addi %add3A_583, %iota3A : vector<16xi32>
        tpu.vector_store_idx %arg26[%add3A_584], %broadcast_in_dim3A_39 masked %and3A_552 : memref<5120xf32, #tpu.memory_space<vmem>>[vector<16xi32>], vector<16xf32>, vector<16xi1>
        %jit3A_585 = arith.constant 128 : i32
        %div3A_586 = arith.divsi %while3A_61, %jit3A_585 : i32
        %sign3A_587 = arith.constant 0 : i32
        %sign3A_588 = arith.cmpi sgt, %while3A_61, %sign3A_587 : i32
        %sign3A_589 = arith.extui %sign3A_588 : i1 to i32
        %sign3A_590 = arith.constant 0 : i32
        %sign3A_591 = arith.cmpi slt, %while3A_61, %sign3A_590 : i32
        %sign3A_592 = arith.extui %sign3A_591 : i1 to i32
        %sign3A_593 = arith.subi %sign3A_589, %sign3A_592 : i32
        %sign3A_594 = arith.constant 0 : i32
        %sign3A_595 = arith.cmpi sgt, %jit3A_585, %sign3A_594 : i32
        %sign3A_596 = arith.extui %sign3A_595 : i1 to i32
        %sign3A_597 = arith.constant 0 : i32
        %sign3A_598 = arith.cmpi slt, %jit3A_585, %sign3A_597 : i32
        %sign3A_599 = arith.extui %sign3A_598 : i1 to i32
        %sign3A_600 = arith.subi %sign3A_596, %sign3A_599 : i32
        %ne3A_601 = arith.cmpi ne, %sign3A_593, %sign3A_600 : i32
        %rem3A_602 = arith.remsi %while3A_61, %jit3A_585 : i32
        %ne3A_603 = arith.constant 0 : i32
        %ne3A_604 = arith.cmpi ne, %rem3A_602, %ne3A_603 : i32
        %and3A_605 = arith.andi %ne3A_601, %ne3A_604 : i1
        %sub3A_606 = arith.constant 1 : i32
        %sub3A_607 = arith.subi %div3A_586, %sub3A_606 : i32
        %select_n3A_608 = arith.select %and3A_605, %sub3A_607, %div3A_586 : i32
        %add3A_609 = arith.constant 1 : i32
        %add3A_610 = arith.addi %select_n3A_608, %add3A_609 : i32
        %while3A_611 = arith.constant 0 : i32
        %while3A_612 = arith.constant 4 : i32
        %while3A_613 = arith.subi %while3A_612, %add3A_610 : i32
        %while3A_614 = arith.addi %add3A_610, %while3A_613 : i32
        %while3A_615 = arith.constant 1 : i32
        %while3A_616 = arith.divsi %while3A_613, %while3A_615 : i32
        %while3A_617 = arith.muli %while3A_616, %while3A_615 : i32
        %while3A_618 = arith.addi %add3A_610, %while3A_617 : i32
        %while3A_619 = arith.constant 1 : i32
        scf.for %while3A_630 = %add3A_610 to %while3A_618 step %while3A_619  : i32 {
          %mul3A_631 = arith.constant 128 : i32
          %mul3A_632 = arith.muli %while3A_630, %mul3A_631 : i32
          %add3A_633 = arith.constant 0 : i32
          %add3A_634 = arith.addi %mul3A_632, %add3A_633 : i32
          %get3A_635 = arith.index_cast %add3A_634 : i32 to index
          %get3A_636 = tpu.vector_load %arg22[%get3A_635] {strides = array<i32>} : memref<5120xf32, #tpu.memory_space<vmem>>, vector<16xf32>,
          %get3A_637 = arith.index_cast %add3A_634 : i32 to index
          %get3A_638 = tpu.vector_load %arg23[%get3A_637] {strides = array<i32>} : memref<5120xf32, #tpu.memory_space<vmem>>, vector<16xf32>,
          %get3A_639 = arith.index_cast %add3A_634 : i32 to index
          %get3A_640 = tpu.vector_load %arg24[%get3A_639] {strides = array<i32>} : memref<5120xf32, #tpu.memory_space<vmem>>, vector<16xf32>,
          %get3A_641 = arith.index_cast %add3A_634 : i32 to index
          %get3A_642 = tpu.vector_load %arg25[%get3A_641] {strides = array<i32>} : memref<5120xf32, #tpu.memory_space<vmem>>, vector<16xf32>,
          %add3A_643 = arith.constant 16 : i32
          %add3A_644 = arith.addi %mul3A_632, %add3A_643 : i32
          %get3A_645 = arith.index_cast %add3A_644 : i32 to index
          %get3A_646 = tpu.vector_load %arg22[%get3A_645] {strides = array<i32>} : memref<5120xf32, #tpu.memory_space<vmem>>, vector<16xf32>,
          %get3A_647 = arith.index_cast %add3A_644 : i32 to index
          %get3A_648 = tpu.vector_load %arg23[%get3A_647] {strides = array<i32>} : memref<5120xf32, #tpu.memory_space<vmem>>, vector<16xf32>,
          %get3A_649 = arith.index_cast %add3A_644 : i32 to index
          %get3A_650 = tpu.vector_load %arg24[%get3A_649] {strides = array<i32>} : memref<5120xf32, #tpu.memory_space<vmem>>, vector<16xf32>,
          %get3A_651 = arith.index_cast %add3A_644 : i32 to index
          %get3A_652 = tpu.vector_load %arg25[%get3A_651] {strides = array<i32>} : memref<5120xf32, #tpu.memory_space<vmem>>, vector<16xf32>,
          %add3A_653 = arith.constant 32 : i32
          %add3A_654 = arith.addi %mul3A_632, %add3A_653 : i32
          %get3A_655 = arith.index_cast %add3A_654 : i32 to index
          %get3A_656 = tpu.vector_load %arg22[%get3A_655] {strides = array<i32>} : memref<5120xf32, #tpu.memory_space<vmem>>, vector<16xf32>,
          %get3A_657 = arith.index_cast %add3A_654 : i32 to index
          %get3A_658 = tpu.vector_load %arg23[%get3A_657] {strides = array<i32>} : memref<5120xf32, #tpu.memory_space<vmem>>, vector<16xf32>,
          %get3A_659 = arith.index_cast %add3A_654 : i32 to index
          %get3A_660 = tpu.vector_load %arg24[%get3A_659] {strides = array<i32>} : memref<5120xf32, #tpu.memory_space<vmem>>, vector<16xf32>,
          %get3A_661 = arith.index_cast %add3A_654 : i32 to index
          %get3A_662 = tpu.vector_load %arg25[%get3A_661] {strides = array<i32>} : memref<5120xf32, #tpu.memory_space<vmem>>, vector<16xf32>,
          %add3A_663 = arith.constant 48 : i32
          %add3A_664 = arith.addi %mul3A_632, %add3A_663 : i32
          %get3A_665 = arith.index_cast %add3A_664 : i32 to index
          %get3A_666 = tpu.vector_load %arg22[%get3A_665] {strides = array<i32>} : memref<5120xf32, #tpu.memory_space<vmem>>, vector<16xf32>,
          %get3A_667 = arith.index_cast %add3A_664 : i32 to index
          %get3A_668 = tpu.vector_load %arg23[%get3A_667] {strides = array<i32>} : memref<5120xf32, #tpu.memory_space<vmem>>, vector<16xf32>,
          %get3A_669 = arith.index_cast %add3A_664 : i32 to index
          %get3A_670 = tpu.vector_load %arg24[%get3A_669] {strides = array<i32>} : memref<5120xf32, #tpu.memory_space<vmem>>, vector<16xf32>,
          %get3A_671 = arith.index_cast %add3A_664 : i32 to index
          %get3A_672 = tpu.vector_load %arg25[%get3A_671] {strides = array<i32>} : memref<5120xf32, #tpu.memory_space<vmem>>, vector<16xf32>,
          %add3A_673 = arith.constant 64 : i32
          %add3A_674 = arith.addi %mul3A_632, %add3A_673 : i32
          %get3A_675 = arith.index_cast %add3A_674 : i32 to index
          %get3A_676 = tpu.vector_load %arg22[%get3A_675] {strides = array<i32>} : memref<5120xf32, #tpu.memory_space<vmem>>, vector<16xf32>,
          %get3A_677 = arith.index_cast %add3A_674 : i32 to index
          %get3A_678 = tpu.vector_load %arg23[%get3A_677] {strides = array<i32>} : memref<5120xf32, #tpu.memory_space<vmem>>, vector<16xf32>,
          %get3A_679 = arith.index_cast %add3A_674 : i32 to index
          %get3A_680 = tpu.vector_load %arg24[%get3A_679] {strides = array<i32>} : memref<5120xf32, #tpu.memory_space<vmem>>, vector<16xf32>,
          %get3A_681 = arith.index_cast %add3A_674 : i32 to index
          %get3A_682 = tpu.vector_load %arg25[%get3A_681] {strides = array<i32>} : memref<5120xf32, #tpu.memory_space<vmem>>, vector<16xf32>,
          %add3A_683 = arith.constant 80 : i32
          %add3A_684 = arith.addi %mul3A_632, %add3A_683 : i32
          %get3A_685 = arith.index_cast %add3A_684 : i32 to index
          %get3A_686 = tpu.vector_load %arg22[%get3A_685] {strides = array<i32>} : memref<5120xf32, #tpu.memory_space<vmem>>, vector<16xf32>,
          %get3A_687 = arith.index_cast %add3A_684 : i32 to index
          %get3A_688 = tpu.vector_load %arg23[%get3A_687] {strides = array<i32>} : memref<5120xf32, #tpu.memory_space<vmem>>, vector<16xf32>,
          %get3A_689 = arith.index_cast %add3A_684 : i32 to index
          %get3A_690 = tpu.vector_load %arg24[%get3A_689] {strides = array<i32>} : memref<5120xf32, #tpu.memory_space<vmem>>, vector<16xf32>,
          %get3A_691 = arith.index_cast %add3A_684 : i32 to index
          %get3A_692 = tpu.vector_load %arg25[%get3A_691] {strides = array<i32>} : memref<5120xf32, #tpu.memory_space<vmem>>, vector<16xf32>,
          %add3A_693 = arith.constant 96 : i32
          %add3A_694 = arith.addi %mul3A_632, %add3A_693 : i32
          %get3A_695 = arith.index_cast %add3A_694 : i32 to index
          %get3A_696 = tpu.vector_load %arg22[%get3A_695] {strides = array<i32>} : memref<5120xf32, #tpu.memory_space<vmem>>, vector<16xf32>,
          %get3A_697 = arith.index_cast %add3A_694 : i32 to index
          %get3A_698 = tpu.vector_load %arg23[%get3A_697] {strides = array<i32>} : memref<5120xf32, #tpu.memory_space<vmem>>, vector<16xf32>,
          %get3A_699 = arith.index_cast %add3A_694 : i32 to index
          %get3A_700 = tpu.vector_load %arg24[%get3A_699] {strides = array<i32>} : memref<5120xf32, #tpu.memory_space<vmem>>, vector<16xf32>,
          %get3A_701 = arith.index_cast %add3A_694 : i32 to index
          %get3A_702 = tpu.vector_load %arg25[%get3A_701] {strides = array<i32>} : memref<5120xf32, #tpu.memory_space<vmem>>, vector<16xf32>,
          %add3A_703 = arith.constant 112 : i32
          %add3A_704 = arith.addi %mul3A_632, %add3A_703 : i32
          %get3A_705 = arith.index_cast %add3A_704 : i32 to index
          %get3A_706 = tpu.vector_load %arg22[%get3A_705] {strides = array<i32>} : memref<5120xf32, #tpu.memory_space<vmem>>, vector<16xf32>,
          %get3A_707 = arith.index_cast %add3A_704 : i32 to index
          %get3A_708 = tpu.vector_load %arg23[%get3A_707] {strides = array<i32>} : memref<5120xf32, #tpu.memory_space<vmem>>, vector<16xf32>,
          %get3A_709 = arith.index_cast %add3A_704 : i32 to index
          %get3A_710 = tpu.vector_load %arg24[%get3A_709] {strides = array<i32>} : memref<5120xf32, #tpu.memory_space<vmem>>, vector<16xf32>,
          %get3A_711 = arith.index_cast %add3A_704 : i32 to index
          %get3A_712 = tpu.vector_load %arg25[%get3A_711] {strides = array<i32>} : memref<5120xf32, #tpu.memory_space<vmem>>, vector<16xf32>,
          %max3A_713 = vector.broadcast %reduce_max3A_107 : f32 to vector<16xf32>
          %max3A_714 = arith.maximumf %max3A_713, %get3A_636 : vector<16xf32>
          %max3A_715 = vector.broadcast %reduce_max3A_116 : f32 to vector<16xf32>
          %max3A_716 = arith.maximumf %max3A_715, %get3A_638 : vector<16xf32>
          %min3A_717 = vector.broadcast %reduce_max3A_125 : f32 to vector<16xf32>
          %min3A_718 = arith.minimumf %min3A_717, %get3A_640 : vector<16xf32>
          %min3A_719 = vector.broadcast %reduce_max3A_134 : f32 to vector<16xf32>
          %min3A_720 = arith.minimumf %min3A_719, %get3A_642 : vector<16xf32>
          %sub3A_721 = arith.subf %min3A_718, %max3A_714 : vector<16xf32>
          %max3A_722 = arith.constant 0.000000e+00 : f32
          %max3A_723 = vector.broadcast %max3A_722 : f32 to vector<16xf32>
          %max3A_724 = arith.maximumf %sub3A_721, %max3A_723 : vector<16xf32>
          %sub3A_725 = arith.subf %min3A_720, %max3A_716 : vector<16xf32>
          %max3A_726 = arith.constant 0.000000e+00 : f32
          %max3A_727 = vector.broadcast %max3A_726 : f32 to vector<16xf32>
          %max3A_728 = arith.maximumf %sub3A_725, %max3A_727 : vector<16xf32>
          %mul3A_729 = arith.mulf %max3A_724, %max3A_728 : vector<16xf32>
          %sub3A_730 = arith.subf %get3A_640, %get3A_636 : vector<16xf32>
          %sub3A_731 = arith.subf %get3A_642, %get3A_638 : vector<16xf32>
          %mul3A_732 = arith.mulf %sub3A_730, %sub3A_731 : vector<16xf32>
          %add3A_733 = vector.broadcast %mul3A_137 : f32 to vector<16xf32>
          %add3A_734 = arith.addf %add3A_733, %mul3A_732 : vector<16xf32>
          %sub3A_735 = arith.subf %add3A_734, %mul3A_729 : vector<16xf32>
          %max3A_736 = arith.constant 9.99999996E-13 : f32
          %max3A_737 = vector.broadcast %max3A_736 : f32 to vector<16xf32>
          %max3A_738 = arith.maximumf %sub3A_735, %max3A_737 : vector<16xf32>
          %mul3A_739 = arith.constant 5.000000e-01 : f32
          %mul3A_740 = vector.broadcast %mul3A_739 : f32 to vector<16xf32>
          %mul3A_741 = arith.mulf %mul3A_740, %max3A_738 : vector<16xf32>
          %gt3A_742 = arith.cmpf ogt, %mul3A_729, %mul3A_741 : vector<16xf32>
          %max3A_743 = vector.broadcast %reduce_max3A_107 : f32 to vector<16xf32>
          %max3A_744 = arith.maximumf %max3A_743, %get3A_646 : vector<16xf32>
          %max3A_745 = vector.broadcast %reduce_max3A_116 : f32 to vector<16xf32>
          %max3A_746 = arith.maximumf %max3A_745, %get3A_648 : vector<16xf32>
          %min3A_747 = vector.broadcast %reduce_max3A_125 : f32 to vector<16xf32>
          %min3A_748 = arith.minimumf %min3A_747, %get3A_650 : vector<16xf32>
          %min3A_749 = vector.broadcast %reduce_max3A_134 : f32 to vector<16xf32>
          %min3A_750 = arith.minimumf %min3A_749, %get3A_652 : vector<16xf32>
          %sub3A_751 = arith.subf %min3A_748, %max3A_744 : vector<16xf32>
          %max3A_752 = arith.constant 0.000000e+00 : f32
          %max3A_753 = vector.broadcast %max3A_752 : f32 to vector<16xf32>
          %max3A_754 = arith.maximumf %sub3A_751, %max3A_753 : vector<16xf32>
          %sub3A_755 = arith.subf %min3A_750, %max3A_746 : vector<16xf32>
          %max3A_756 = arith.constant 0.000000e+00 : f32
          %max3A_757 = vector.broadcast %max3A_756 : f32 to vector<16xf32>
          %max3A_758 = arith.maximumf %sub3A_755, %max3A_757 : vector<16xf32>
          %mul3A_759 = arith.mulf %max3A_754, %max3A_758 : vector<16xf32>
          %sub3A_760 = arith.subf %get3A_650, %get3A_646 : vector<16xf32>
          %sub3A_761 = arith.subf %get3A_652, %get3A_648 : vector<16xf32>
          %mul3A_762 = arith.mulf %sub3A_760, %sub3A_761 : vector<16xf32>
          %add3A_763 = vector.broadcast %mul3A_137 : f32 to vector<16xf32>
          %add3A_764 = arith.addf %add3A_763, %mul3A_762 : vector<16xf32>
          %sub3A_765 = arith.subf %add3A_764, %mul3A_759 : vector<16xf32>
          %max3A_766 = arith.constant 9.99999996E-13 : f32
          %max3A_767 = vector.broadcast %max3A_766 : f32 to vector<16xf32>
          %max3A_768 = arith.maximumf %sub3A_765, %max3A_767 : vector<16xf32>
          %mul3A_769 = arith.constant 5.000000e-01 : f32
          %mul3A_770 = vector.broadcast %mul3A_769 : f32 to vector<16xf32>
          %mul3A_771 = arith.mulf %mul3A_770, %max3A_768 : vector<16xf32>
          %gt3A_772 = arith.cmpf ogt, %mul3A_759, %mul3A_771 : vector<16xf32>
          %max3A_773 = vector.broadcast %reduce_max3A_107 : f32 to vector<16xf32>
          %max3A_774 = arith.maximumf %max3A_773, %get3A_656 : vector<16xf32>
          %max3A_775 = vector.broadcast %reduce_max3A_116 : f32 to vector<16xf32>
          %max3A_776 = arith.maximumf %max3A_775, %get3A_658 : vector<16xf32>
          %min3A_777 = vector.broadcast %reduce_max3A_125 : f32 to vector<16xf32>
          %min3A_778 = arith.minimumf %min3A_777, %get3A_660 : vector<16xf32>
          %min3A_779 = vector.broadcast %reduce_max3A_134 : f32 to vector<16xf32>
          %min3A_780 = arith.minimumf %min3A_779, %get3A_662 : vector<16xf32>
          %sub3A_781 = arith.subf %min3A_778, %max3A_774 : vector<16xf32>
          %max3A_782 = arith.constant 0.000000e+00 : f32
          %max3A_783 = vector.broadcast %max3A_782 : f32 to vector<16xf32>
          %max3A_784 = arith.maximumf %sub3A_781, %max3A_783 : vector<16xf32>
          %sub3A_785 = arith.subf %min3A_780, %max3A_776 : vector<16xf32>
          %max3A_786 = arith.constant 0.000000e+00 : f32
          %max3A_787 = vector.broadcast %max3A_786 : f32 to vector<16xf32>
          %max3A_788 = arith.maximumf %sub3A_785, %max3A_787 : vector<16xf32>
          %mul3A_789 = arith.mulf %max3A_784, %max3A_788 : vector<16xf32>
          %sub3A_790 = arith.subf %get3A_660, %get3A_656 : vector<16xf32>
          %sub3A_791 = arith.subf %get3A_662, %get3A_658 : vector<16xf32>
          %mul3A_792 = arith.mulf %sub3A_790, %sub3A_791 : vector<16xf32>
          %add3A_793 = vector.broadcast %mul3A_137 : f32 to vector<16xf32>
          %add3A_794 = arith.addf %add3A_793, %mul3A_792 : vector<16xf32>
          %sub3A_795 = arith.subf %add3A_794, %mul3A_789 : vector<16xf32>
          %max3A_796 = arith.constant 9.99999996E-13 : f32
          %max3A_797 = vector.broadcast %max3A_796 : f32 to vector<16xf32>
          %max3A_798 = arith.maximumf %sub3A_795, %max3A_797 : vector<16xf32>
          %mul3A_799 = arith.constant 5.000000e-01 : f32
          %mul3A_800 = vector.broadcast %mul3A_799 : f32 to vector<16xf32>
          %mul3A_801 = arith.mulf %mul3A_800, %max3A_798 : vector<16xf32>
          %gt3A_802 = arith.cmpf ogt, %mul3A_789, %mul3A_801 : vector<16xf32>
          %max3A_803 = vector.broadcast %reduce_max3A_107 : f32 to vector<16xf32>
          %max3A_804 = arith.maximumf %max3A_803, %get3A_666 : vector<16xf32>
          %max3A_805 = vector.broadcast %reduce_max3A_116 : f32 to vector<16xf32>
          %max3A_806 = arith.maximumf %max3A_805, %get3A_668 : vector<16xf32>
          %min3A_807 = vector.broadcast %reduce_max3A_125 : f32 to vector<16xf32>
          %min3A_808 = arith.minimumf %min3A_807, %get3A_670 : vector<16xf32>
          %min3A_809 = vector.broadcast %reduce_max3A_134 : f32 to vector<16xf32>
          %min3A_810 = arith.minimumf %min3A_809, %get3A_672 : vector<16xf32>
          %sub3A_811 = arith.subf %min3A_808, %max3A_804 : vector<16xf32>
          %max3A_812 = arith.constant 0.000000e+00 : f32
          %max3A_813 = vector.broadcast %max3A_812 : f32 to vector<16xf32>
          %max3A_814 = arith.maximumf %sub3A_811, %max3A_813 : vector<16xf32>
          %sub3A_815 = arith.subf %min3A_810, %max3A_806 : vector<16xf32>
          %max3A_816 = arith.constant 0.000000e+00 : f32
          %max3A_817 = vector.broadcast %max3A_816 : f32 to vector<16xf32>
          %max3A_818 = arith.maximumf %sub3A_815, %max3A_817 : vector<16xf32>
          %mul3A_819 = arith.mulf %max3A_814, %max3A_818 : vector<16xf32>
          %sub3A_820 = arith.subf %get3A_670, %get3A_666 : vector<16xf32>
          %sub3A_821 = arith.subf %get3A_672, %get3A_668 : vector<16xf32>
          %mul3A_822 = arith.mulf %sub3A_820, %sub3A_821 : vector<16xf32>
          %add3A_823 = vector.broadcast %mul3A_137 : f32 to vector<16xf32>
          %add3A_824 = arith.addf %add3A_823, %mul3A_822 : vector<16xf32>
          %sub3A_825 = arith.subf %add3A_824, %mul3A_819 : vector<16xf32>
          %max3A_826 = arith.constant 9.99999996E-13 : f32
          %max3A_827 = vector.broadcast %max3A_826 : f32 to vector<16xf32>
          %max3A_828 = arith.maximumf %sub3A_825, %max3A_827 : vector<16xf32>
          %mul3A_829 = arith.constant 5.000000e-01 : f32
          %mul3A_830 = vector.broadcast %mul3A_829 : f32 to vector<16xf32>
          %mul3A_831 = arith.mulf %mul3A_830, %max3A_828 : vector<16xf32>
          %gt3A_832 = arith.cmpf ogt, %mul3A_819, %mul3A_831 : vector<16xf32>
          %max3A_833 = vector.broadcast %reduce_max3A_107 : f32 to vector<16xf32>
          %max3A_834 = arith.maximumf %max3A_833, %get3A_676 : vector<16xf32>
          %max3A_835 = vector.broadcast %reduce_max3A_116 : f32 to vector<16xf32>
          %max3A_836 = arith.maximumf %max3A_835, %get3A_678 : vector<16xf32>
          %min3A_837 = vector.broadcast %reduce_max3A_125 : f32 to vector<16xf32>
          %min3A_838 = arith.minimumf %min3A_837, %get3A_680 : vector<16xf32>
          %min3A_839 = vector.broadcast %reduce_max3A_134 : f32 to vector<16xf32>
          %min3A_840 = arith.minimumf %min3A_839, %get3A_682 : vector<16xf32>
          %sub3A_841 = arith.subf %min3A_838, %max3A_834 : vector<16xf32>
          %max3A_842 = arith.constant 0.000000e+00 : f32
          %max3A_843 = vector.broadcast %max3A_842 : f32 to vector<16xf32>
          %max3A_844 = arith.maximumf %sub3A_841, %max3A_843 : vector<16xf32>
          %sub3A_845 = arith.subf %min3A_840, %max3A_836 : vector<16xf32>
          %max3A_846 = arith.constant 0.000000e+00 : f32
          %max3A_847 = vector.broadcast %max3A_846 : f32 to vector<16xf32>
          %max3A_848 = arith.maximumf %sub3A_845, %max3A_847 : vector<16xf32>
          %mul3A_849 = arith.mulf %max3A_844, %max3A_848 : vector<16xf32>
          %sub3A_850 = arith.subf %get3A_680, %get3A_676 : vector<16xf32>
          %sub3A_851 = arith.subf %get3A_682, %get3A_678 : vector<16xf32>
          %mul3A_852 = arith.mulf %sub3A_850, %sub3A_851 : vector<16xf32>
          %add3A_853 = vector.broadcast %mul3A_137 : f32 to vector<16xf32>
          %add3A_854 = arith.addf %add3A_853, %mul3A_852 : vector<16xf32>
          %sub3A_855 = arith.subf %add3A_854, %mul3A_849 : vector<16xf32>
          %max3A_856 = arith.constant 9.99999996E-13 : f32
          %max3A_857 = vector.broadcast %max3A_856 : f32 to vector<16xf32>
          %max3A_858 = arith.maximumf %sub3A_855, %max3A_857 : vector<16xf32>
          %mul3A_859 = arith.constant 5.000000e-01 : f32
          %mul3A_860 = vector.broadcast %mul3A_859 : f32 to vector<16xf32>
          %mul3A_861 = arith.mulf %mul3A_860, %max3A_858 : vector<16xf32>
          %gt3A_862 = arith.cmpf ogt, %mul3A_849, %mul3A_861 : vector<16xf32>
          %max3A_863 = vector.broadcast %reduce_max3A_107 : f32 to vector<16xf32>
          %max3A_864 = arith.maximumf %max3A_863, %get3A_686 : vector<16xf32>
          %max3A_865 = vector.broadcast %reduce_max3A_116 : f32 to vector<16xf32>
          %max3A_866 = arith.maximumf %max3A_865, %get3A_688 : vector<16xf32>
          %min3A_867 = vector.broadcast %reduce_max3A_125 : f32 to vector<16xf32>
          %min3A_868 = arith.minimumf %min3A_867, %get3A_690 : vector<16xf32>
          %min3A_869 = vector.broadcast %reduce_max3A_134 : f32 to vector<16xf32>
          %min3A_870 = arith.minimumf %min3A_869, %get3A_692 : vector<16xf32>
          %sub3A_871 = arith.subf %min3A_868, %max3A_864 : vector<16xf32>
          %max3A_872 = arith.constant 0.000000e+00 : f32
          %max3A_873 = vector.broadcast %max3A_872 : f32 to vector<16xf32>
          %max3A_874 = arith.maximumf %sub3A_871, %max3A_873 : vector<16xf32>
          %sub3A_875 = arith.subf %min3A_870, %max3A_866 : vector<16xf32>
          %max3A_876 = arith.constant 0.000000e+00 : f32
          %max3A_877 = vector.broadcast %max3A_876 : f32 to vector<16xf32>
          %max3A_878 = arith.maximumf %sub3A_875, %max3A_877 : vector<16xf32>
          %mul3A_879 = arith.mulf %max3A_874, %max3A_878 : vector<16xf32>
          %sub3A_880 = arith.subf %get3A_690, %get3A_686 : vector<16xf32>
          %sub3A_881 = arith.subf %get3A_692, %get3A_688 : vector<16xf32>
          %mul3A_882 = arith.mulf %sub3A_880, %sub3A_881 : vector<16xf32>
          %add3A_883 = vector.broadcast %mul3A_137 : f32 to vector<16xf32>
          %add3A_884 = arith.addf %add3A_883, %mul3A_882 : vector<16xf32>
          %sub3A_885 = arith.subf %add3A_884, %mul3A_879 : vector<16xf32>
          %max3A_886 = arith.constant 9.99999996E-13 : f32
          %max3A_887 = vector.broadcast %max3A_886 : f32 to vector<16xf32>
          %max3A_888 = arith.maximumf %sub3A_885, %max3A_887 : vector<16xf32>
          %mul3A_889 = arith.constant 5.000000e-01 : f32
          %mul3A_890 = vector.broadcast %mul3A_889 : f32 to vector<16xf32>
          %mul3A_891 = arith.mulf %mul3A_890, %max3A_888 : vector<16xf32>
          %gt3A_892 = arith.cmpf ogt, %mul3A_879, %mul3A_891 : vector<16xf32>
          %max3A_893 = vector.broadcast %reduce_max3A_107 : f32 to vector<16xf32>
          %max3A_894 = arith.maximumf %max3A_893, %get3A_696 : vector<16xf32>
          %max3A_895 = vector.broadcast %reduce_max3A_116 : f32 to vector<16xf32>
          %max3A_896 = arith.maximumf %max3A_895, %get3A_698 : vector<16xf32>
          %min3A_897 = vector.broadcast %reduce_max3A_125 : f32 to vector<16xf32>
          %min3A_898 = arith.minimumf %min3A_897, %get3A_700 : vector<16xf32>
          %min3A_899 = vector.broadcast %reduce_max3A_134 : f32 to vector<16xf32>
          %min3A_900 = arith.minimumf %min3A_899, %get3A_702 : vector<16xf32>
          %sub3A_901 = arith.subf %min3A_898, %max3A_894 : vector<16xf32>
          %max3A_902 = arith.constant 0.000000e+00 : f32
          %max3A_903 = vector.broadcast %max3A_902 : f32 to vector<16xf32>
          %max3A_904 = arith.maximumf %sub3A_901, %max3A_903 : vector<16xf32>
          %sub3A_905 = arith.subf %min3A_900, %max3A_896 : vector<16xf32>
          %max3A_906 = arith.constant 0.000000e+00 : f32
          %max3A_907 = vector.broadcast %max3A_906 : f32 to vector<16xf32>
          %max3A_908 = arith.maximumf %sub3A_905, %max3A_907 : vector<16xf32>
          %mul3A_909 = arith.mulf %max3A_904, %max3A_908 : vector<16xf32>
          %sub3A_910 = arith.subf %get3A_700, %get3A_696 : vector<16xf32>
          %sub3A_911 = arith.subf %get3A_702, %get3A_698 : vector<16xf32>
          %mul3A_912 = arith.mulf %sub3A_910, %sub3A_911 : vector<16xf32>
          %add3A_913 = vector.broadcast %mul3A_137 : f32 to vector<16xf32>
          %add3A_914 = arith.addf %add3A_913, %mul3A_912 : vector<16xf32>
          %sub3A_915 = arith.subf %add3A_914, %mul3A_909 : vector<16xf32>
          %max3A_916 = arith.constant 9.99999996E-13 : f32
          %max3A_917 = vector.broadcast %max3A_916 : f32 to vector<16xf32>
          %max3A_918 = arith.maximumf %sub3A_915, %max3A_917 : vector<16xf32>
          %mul3A_919 = arith.constant 5.000000e-01 : f32
          %mul3A_920 = vector.broadcast %mul3A_919 : f32 to vector<16xf32>
          %mul3A_921 = arith.mulf %mul3A_920, %max3A_918 : vector<16xf32>
          %gt3A_922 = arith.cmpf ogt, %mul3A_909, %mul3A_921 : vector<16xf32>
          %max3A_923 = vector.broadcast %reduce_max3A_107 : f32 to vector<16xf32>
          %max3A_924 = arith.maximumf %max3A_923, %get3A_706 : vector<16xf32>
          %max3A_925 = vector.broadcast %reduce_max3A_116 : f32 to vector<16xf32>
          %max3A_926 = arith.maximumf %max3A_925, %get3A_708 : vector<16xf32>
          %min3A_927 = vector.broadcast %reduce_max3A_125 : f32 to vector<16xf32>
          %min3A_928 = arith.minimumf %min3A_927, %get3A_710 : vector<16xf32>
          %min3A_929 = vector.broadcast %reduce_max3A_134 : f32 to vector<16xf32>
          %min3A_930 = arith.minimumf %min3A_929, %get3A_712 : vector<16xf32>
          %sub3A_931 = arith.subf %min3A_928, %max3A_924 : vector<16xf32>
          %max3A_932 = arith.constant 0.000000e+00 : f32
          %max3A_933 = vector.broadcast %max3A_932 : f32 to vector<16xf32>
          %max3A_934 = arith.maximumf %sub3A_931, %max3A_933 : vector<16xf32>
          %sub3A_935 = arith.subf %min3A_930, %max3A_926 : vector<16xf32>
          %max3A_936 = arith.constant 0.000000e+00 : f32
          %max3A_937 = vector.broadcast %max3A_936 : f32 to vector<16xf32>
          %max3A_938 = arith.maximumf %sub3A_935, %max3A_937 : vector<16xf32>
          %mul3A_939 = arith.mulf %max3A_934, %max3A_938 : vector<16xf32>
          %sub3A_940 = arith.subf %get3A_710, %get3A_706 : vector<16xf32>
          %sub3A_941 = arith.subf %get3A_712, %get3A_708 : vector<16xf32>
          %mul3A_942 = arith.mulf %sub3A_940, %sub3A_941 : vector<16xf32>
          %add3A_943 = vector.broadcast %mul3A_137 : f32 to vector<16xf32>
          %add3A_944 = arith.addf %add3A_943, %mul3A_942 : vector<16xf32>
          %sub3A_945 = arith.subf %add3A_944, %mul3A_939 : vector<16xf32>
          %max3A_946 = arith.constant 9.99999996E-13 : f32
          %max3A_947 = vector.broadcast %max3A_946 : f32 to vector<16xf32>
          %max3A_948 = arith.maximumf %sub3A_945, %max3A_947 : vector<16xf32>
          %mul3A_949 = arith.constant 5.000000e-01 : f32
          %mul3A_950 = vector.broadcast %mul3A_949 : f32 to vector<16xf32>
          %mul3A_951 = arith.mulf %mul3A_950, %max3A_948 : vector<16xf32>
          %gt3A_952 = arith.cmpf ogt, %mul3A_939, %mul3A_951 : vector<16xf32>
          %add3A_953 = arith.constant 0 : i32
          %add3A_954 = arith.addi %mul3A_632, %add3A_953 : i32
          %add3A_955 = vector.broadcast %add3A_954 : i32 to vector<16xi32>
          %add3A_956 = arith.addi %add3A_955, %iota3A : vector<16xi32>
          tpu.vector_store_idx %arg26[%add3A_956], %broadcast_in_dim3A_39 masked %gt3A_742 : memref<5120xf32, #tpu.memory_space<vmem>>[vector<16xi32>], vector<16xf32>, vector<16xi1>
          %add3A_957 = arith.constant 16 : i32
          %add3A_958 = arith.addi %mul3A_632, %add3A_957 : i32
          %add3A_959 = vector.broadcast %add3A_958 : i32 to vector<16xi32>
          %add3A_960 = arith.addi %add3A_959, %iota3A : vector<16xi32>
          tpu.vector_store_idx %arg26[%add3A_960], %broadcast_in_dim3A_39 masked %gt3A_772 : memref<5120xf32, #tpu.memory_space<vmem>>[vector<16xi32>], vector<16xf32>, vector<16xi1>
          %add3A_961 = arith.constant 32 : i32
          %add3A_962 = arith.addi %mul3A_632, %add3A_961 : i32
          %add3A_963 = vector.broadcast %add3A_962 : i32 to vector<16xi32>
          %add3A_964 = arith.addi %add3A_963, %iota3A : vector<16xi32>
          tpu.vector_store_idx %arg26[%add3A_964], %broadcast_in_dim3A_39 masked %gt3A_802 : memref<5120xf32, #tpu.memory_space<vmem>>[vector<16xi32>], vector<16xf32>, vector<16xi1>
          %add3A_965 = arith.constant 48 : i32
          %add3A_966 = arith.addi %mul3A_632, %add3A_965 : i32
          %add3A_967 = vector.broadcast %add3A_966 : i32 to vector<16xi32>
          %add3A_968 = arith.addi %add3A_967, %iota3A : vector<16xi32>
          tpu.vector_store_idx %arg26[%add3A_968], %broadcast_in_dim3A_39 masked %gt3A_832 : memref<5120xf32, #tpu.memory_space<vmem>>[vector<16xi32>], vector<16xf32>, vector<16xi1>
          %add3A_969 = arith.constant 64 : i32
          %add3A_970 = arith.addi %mul3A_632, %add3A_969 : i32
          %add3A_971 = vector.broadcast %add3A_970 : i32 to vector<16xi32>
          %add3A_972 = arith.addi %add3A_971, %iota3A : vector<16xi32>
          tpu.vector_store_idx %arg26[%add3A_972], %broadcast_in_dim3A_39 masked %gt3A_862 : memref<5120xf32, #tpu.memory_space<vmem>>[vector<16xi32>], vector<16xf32>, vector<16xi1>
          %add3A_973 = arith.constant 80 : i32
          %add3A_974 = arith.addi %mul3A_632, %add3A_973 : i32
          %add3A_975 = vector.broadcast %add3A_974 : i32 to vector<16xi32>
          %add3A_976 = arith.addi %add3A_975, %iota3A : vector<16xi32>
          tpu.vector_store_idx %arg26[%add3A_976], %broadcast_in_dim3A_39 masked %gt3A_892 : memref<5120xf32, #tpu.memory_space<vmem>>[vector<16xi32>], vector<16xf32>, vector<16xi1>
          %add3A_977 = arith.constant 96 : i32
          %add3A_978 = arith.addi %mul3A_632, %add3A_977 : i32
          %add3A_979 = vector.broadcast %add3A_978 : i32 to vector<16xi32>
          %add3A_980 = arith.addi %add3A_979, %iota3A : vector<16xi32>
          tpu.vector_store_idx %arg26[%add3A_980], %broadcast_in_dim3A_39 masked %gt3A_922 : memref<5120xf32, #tpu.memory_space<vmem>>[vector<16xi32>], vector<16xf32>, vector<16xi1>
          %add3A_981 = arith.constant 112 : i32
          %add3A_982 = arith.addi %mul3A_632, %add3A_981 : i32
          %add3A_983 = vector.broadcast %add3A_982 : i32 to vector<16xi32>
          %add3A_984 = arith.addi %add3A_983, %iota3A : vector<16xi32>
          tpu.vector_store_idx %arg26[%add3A_984], %broadcast_in_dim3A_39 masked %gt3A_952 : memref<5120xf32, #tpu.memory_space<vmem>>[vector<16xi32>], vector<16xf32>, vector<16xi1>
        }
        %while3A_620 = arith.constant 1 : i32
        scf.for %while3A_630 = %while3A_618 to %while3A_614 step %while3A_620  : i32 {
          %mul3A_631 = arith.constant 128 : i32
          %mul3A_632 = arith.muli %while3A_630, %mul3A_631 : i32
          %add3A_633 = arith.constant 0 : i32
          %add3A_634 = arith.addi %mul3A_632, %add3A_633 : i32
          %get3A_635 = arith.index_cast %add3A_634 : i32 to index
          %get3A_636 = tpu.vector_load %arg22[%get3A_635] {strides = array<i32>} : memref<5120xf32, #tpu.memory_space<vmem>>, vector<16xf32>,
          %get3A_637 = arith.index_cast %add3A_634 : i32 to index
          %get3A_638 = tpu.vector_load %arg23[%get3A_637] {strides = array<i32>} : memref<5120xf32, #tpu.memory_space<vmem>>, vector<16xf32>,
          %get3A_639 = arith.index_cast %add3A_634 : i32 to index
          %get3A_640 = tpu.vector_load %arg24[%get3A_639] {strides = array<i32>} : memref<5120xf32, #tpu.memory_space<vmem>>, vector<16xf32>,
          %get3A_641 = arith.index_cast %add3A_634 : i32 to index
          %get3A_642 = tpu.vector_load %arg25[%get3A_641] {strides = array<i32>} : memref<5120xf32, #tpu.memory_space<vmem>>, vector<16xf32>,
          %add3A_643 = arith.constant 16 : i32
          %add3A_644 = arith.addi %mul3A_632, %add3A_643 : i32
          %get3A_645 = arith.index_cast %add3A_644 : i32 to index
          %get3A_646 = tpu.vector_load %arg22[%get3A_645] {strides = array<i32>} : memref<5120xf32, #tpu.memory_space<vmem>>, vector<16xf32>,
          %get3A_647 = arith.index_cast %add3A_644 : i32 to index
          %get3A_648 = tpu.vector_load %arg23[%get3A_647] {strides = array<i32>} : memref<5120xf32, #tpu.memory_space<vmem>>, vector<16xf32>,
          %get3A_649 = arith.index_cast %add3A_644 : i32 to index
          %get3A_650 = tpu.vector_load %arg24[%get3A_649] {strides = array<i32>} : memref<5120xf32, #tpu.memory_space<vmem>>, vector<16xf32>,
          %get3A_651 = arith.index_cast %add3A_644 : i32 to index
          %get3A_652 = tpu.vector_load %arg25[%get3A_651] {strides = array<i32>} : memref<5120xf32, #tpu.memory_space<vmem>>, vector<16xf32>,
          %add3A_653 = arith.constant 32 : i32
          %add3A_654 = arith.addi %mul3A_632, %add3A_653 : i32
          %get3A_655 = arith.index_cast %add3A_654 : i32 to index
          %get3A_656 = tpu.vector_load %arg22[%get3A_655] {strides = array<i32>} : memref<5120xf32, #tpu.memory_space<vmem>>, vector<16xf32>,
          %get3A_657 = arith.index_cast %add3A_654 : i32 to index
          %get3A_658 = tpu.vector_load %arg23[%get3A_657] {strides = array<i32>} : memref<5120xf32, #tpu.memory_space<vmem>>, vector<16xf32>,
          %get3A_659 = arith.index_cast %add3A_654 : i32 to index
          %get3A_660 = tpu.vector_load %arg24[%get3A_659] {strides = array<i32>} : memref<5120xf32, #tpu.memory_space<vmem>>, vector<16xf32>,
          %get3A_661 = arith.index_cast %add3A_654 : i32 to index
          %get3A_662 = tpu.vector_load %arg25[%get3A_661] {strides = array<i32>} : memref<5120xf32, #tpu.memory_space<vmem>>, vector<16xf32>,
          %add3A_663 = arith.constant 48 : i32
          %add3A_664 = arith.addi %mul3A_632, %add3A_663 : i32
          %get3A_665 = arith.index_cast %add3A_664 : i32 to index
          %get3A_666 = tpu.vector_load %arg22[%get3A_665] {strides = array<i32>} : memref<5120xf32, #tpu.memory_space<vmem>>, vector<16xf32>,
          %get3A_667 = arith.index_cast %add3A_664 : i32 to index
          %get3A_668 = tpu.vector_load %arg23[%get3A_667] {strides = array<i32>} : memref<5120xf32, #tpu.memory_space<vmem>>, vector<16xf32>,
          %get3A_669 = arith.index_cast %add3A_664 : i32 to index
          %get3A_670 = tpu.vector_load %arg24[%get3A_669] {strides = array<i32>} : memref<5120xf32, #tpu.memory_space<vmem>>, vector<16xf32>,
          %get3A_671 = arith.index_cast %add3A_664 : i32 to index
          %get3A_672 = tpu.vector_load %arg25[%get3A_671] {strides = array<i32>} : memref<5120xf32, #tpu.memory_space<vmem>>, vector<16xf32>,
          %add3A_673 = arith.constant 64 : i32
          %add3A_674 = arith.addi %mul3A_632, %add3A_673 : i32
          %get3A_675 = arith.index_cast %add3A_674 : i32 to index
          %get3A_676 = tpu.vector_load %arg22[%get3A_675] {strides = array<i32>} : memref<5120xf32, #tpu.memory_space<vmem>>, vector<16xf32>,
          %get3A_677 = arith.index_cast %add3A_674 : i32 to index
          %get3A_678 = tpu.vector_load %arg23[%get3A_677] {strides = array<i32>} : memref<5120xf32, #tpu.memory_space<vmem>>, vector<16xf32>,
          %get3A_679 = arith.index_cast %add3A_674 : i32 to index
          %get3A_680 = tpu.vector_load %arg24[%get3A_679] {strides = array<i32>} : memref<5120xf32, #tpu.memory_space<vmem>>, vector<16xf32>,
          %get3A_681 = arith.index_cast %add3A_674 : i32 to index
          %get3A_682 = tpu.vector_load %arg25[%get3A_681] {strides = array<i32>} : memref<5120xf32, #tpu.memory_space<vmem>>, vector<16xf32>,
          %add3A_683 = arith.constant 80 : i32
          %add3A_684 = arith.addi %mul3A_632, %add3A_683 : i32
          %get3A_685 = arith.index_cast %add3A_684 : i32 to index
          %get3A_686 = tpu.vector_load %arg22[%get3A_685] {strides = array<i32>} : memref<5120xf32, #tpu.memory_space<vmem>>, vector<16xf32>,
          %get3A_687 = arith.index_cast %add3A_684 : i32 to index
          %get3A_688 = tpu.vector_load %arg23[%get3A_687] {strides = array<i32>} : memref<5120xf32, #tpu.memory_space<vmem>>, vector<16xf32>,
          %get3A_689 = arith.index_cast %add3A_684 : i32 to index
          %get3A_690 = tpu.vector_load %arg24[%get3A_689] {strides = array<i32>} : memref<5120xf32, #tpu.memory_space<vmem>>, vector<16xf32>,
          %get3A_691 = arith.index_cast %add3A_684 : i32 to index
          %get3A_692 = tpu.vector_load %arg25[%get3A_691] {strides = array<i32>} : memref<5120xf32, #tpu.memory_space<vmem>>, vector<16xf32>,
          %add3A_693 = arith.constant 96 : i32
          %add3A_694 = arith.addi %mul3A_632, %add3A_693 : i32
          %get3A_695 = arith.index_cast %add3A_694 : i32 to index
          %get3A_696 = tpu.vector_load %arg22[%get3A_695] {strides = array<i32>} : memref<5120xf32, #tpu.memory_space<vmem>>, vector<16xf32>,
          %get3A_697 = arith.index_cast %add3A_694 : i32 to index
          %get3A_698 = tpu.vector_load %arg23[%get3A_697] {strides = array<i32>} : memref<5120xf32, #tpu.memory_space<vmem>>, vector<16xf32>,
          %get3A_699 = arith.index_cast %add3A_694 : i32 to index
          %get3A_700 = tpu.vector_load %arg24[%get3A_699] {strides = array<i32>} : memref<5120xf32, #tpu.memory_space<vmem>>, vector<16xf32>,
          %get3A_701 = arith.index_cast %add3A_694 : i32 to index
          %get3A_702 = tpu.vector_load %arg25[%get3A_701] {strides = array<i32>} : memref<5120xf32, #tpu.memory_space<vmem>>, vector<16xf32>,
          %add3A_703 = arith.constant 112 : i32
          %add3A_704 = arith.addi %mul3A_632, %add3A_703 : i32
          %get3A_705 = arith.index_cast %add3A_704 : i32 to index
          %get3A_706 = tpu.vector_load %arg22[%get3A_705] {strides = array<i32>} : memref<5120xf32, #tpu.memory_space<vmem>>, vector<16xf32>,
          %get3A_707 = arith.index_cast %add3A_704 : i32 to index
          %get3A_708 = tpu.vector_load %arg23[%get3A_707] {strides = array<i32>} : memref<5120xf32, #tpu.memory_space<vmem>>, vector<16xf32>,
          %get3A_709 = arith.index_cast %add3A_704 : i32 to index
          %get3A_710 = tpu.vector_load %arg24[%get3A_709] {strides = array<i32>} : memref<5120xf32, #tpu.memory_space<vmem>>, vector<16xf32>,
          %get3A_711 = arith.index_cast %add3A_704 : i32 to index
          %get3A_712 = tpu.vector_load %arg25[%get3A_711] {strides = array<i32>} : memref<5120xf32, #tpu.memory_space<vmem>>, vector<16xf32>,
          %max3A_713 = vector.broadcast %reduce_max3A_107 : f32 to vector<16xf32>
          %max3A_714 = arith.maximumf %max3A_713, %get3A_636 : vector<16xf32>
          %max3A_715 = vector.broadcast %reduce_max3A_116 : f32 to vector<16xf32>
          %max3A_716 = arith.maximumf %max3A_715, %get3A_638 : vector<16xf32>
          %min3A_717 = vector.broadcast %reduce_max3A_125 : f32 to vector<16xf32>
          %min3A_718 = arith.minimumf %min3A_717, %get3A_640 : vector<16xf32>
          %min3A_719 = vector.broadcast %reduce_max3A_134 : f32 to vector<16xf32>
          %min3A_720 = arith.minimumf %min3A_719, %get3A_642 : vector<16xf32>
          %sub3A_721 = arith.subf %min3A_718, %max3A_714 : vector<16xf32>
          %max3A_722 = arith.constant 0.000000e+00 : f32
          %max3A_723 = vector.broadcast %max3A_722 : f32 to vector<16xf32>
          %max3A_724 = arith.maximumf %sub3A_721, %max3A_723 : vector<16xf32>
          %sub3A_725 = arith.subf %min3A_720, %max3A_716 : vector<16xf32>
          %max3A_726 = arith.constant 0.000000e+00 : f32
          %max3A_727 = vector.broadcast %max3A_726 : f32 to vector<16xf32>
          %max3A_728 = arith.maximumf %sub3A_725, %max3A_727 : vector<16xf32>
          %mul3A_729 = arith.mulf %max3A_724, %max3A_728 : vector<16xf32>
          %sub3A_730 = arith.subf %get3A_640, %get3A_636 : vector<16xf32>
          %sub3A_731 = arith.subf %get3A_642, %get3A_638 : vector<16xf32>
          %mul3A_732 = arith.mulf %sub3A_730, %sub3A_731 : vector<16xf32>
          %add3A_733 = vector.broadcast %mul3A_137 : f32 to vector<16xf32>
          %add3A_734 = arith.addf %add3A_733, %mul3A_732 : vector<16xf32>
          %sub3A_735 = arith.subf %add3A_734, %mul3A_729 : vector<16xf32>
          %max3A_736 = arith.constant 9.99999996E-13 : f32
          %max3A_737 = vector.broadcast %max3A_736 : f32 to vector<16xf32>
          %max3A_738 = arith.maximumf %sub3A_735, %max3A_737 : vector<16xf32>
          %mul3A_739 = arith.constant 5.000000e-01 : f32
          %mul3A_740 = vector.broadcast %mul3A_739 : f32 to vector<16xf32>
          %mul3A_741 = arith.mulf %mul3A_740, %max3A_738 : vector<16xf32>
          %gt3A_742 = arith.cmpf ogt, %mul3A_729, %mul3A_741 : vector<16xf32>
          %max3A_743 = vector.broadcast %reduce_max3A_107 : f32 to vector<16xf32>
          %max3A_744 = arith.maximumf %max3A_743, %get3A_646 : vector<16xf32>
          %max3A_745 = vector.broadcast %reduce_max3A_116 : f32 to vector<16xf32>
          %max3A_746 = arith.maximumf %max3A_745, %get3A_648 : vector<16xf32>
          %min3A_747 = vector.broadcast %reduce_max3A_125 : f32 to vector<16xf32>
          %min3A_748 = arith.minimumf %min3A_747, %get3A_650 : vector<16xf32>
          %min3A_749 = vector.broadcast %reduce_max3A_134 : f32 to vector<16xf32>
          %min3A_750 = arith.minimumf %min3A_749, %get3A_652 : vector<16xf32>
          %sub3A_751 = arith.subf %min3A_748, %max3A_744 : vector<16xf32>
          %max3A_752 = arith.constant 0.000000e+00 : f32
          %max3A_753 = vector.broadcast %max3A_752 : f32 to vector<16xf32>
          %max3A_754 = arith.maximumf %sub3A_751, %max3A_753 : vector<16xf32>
          %sub3A_755 = arith.subf %min3A_750, %max3A_746 : vector<16xf32>
          %max3A_756 = arith.constant 0.000000e+00 : f32
          %max3A_757 = vector.broadcast %max3A_756 : f32 to vector<16xf32>
          %max3A_758 = arith.maximumf %sub3A_755, %max3A_757 : vector<16xf32>
          %mul3A_759 = arith.mulf %max3A_754, %max3A_758 : vector<16xf32>
          %sub3A_760 = arith.subf %get3A_650, %get3A_646 : vector<16xf32>
          %sub3A_761 = arith.subf %get3A_652, %get3A_648 : vector<16xf32>
          %mul3A_762 = arith.mulf %sub3A_760, %sub3A_761 : vector<16xf32>
          %add3A_763 = vector.broadcast %mul3A_137 : f32 to vector<16xf32>
          %add3A_764 = arith.addf %add3A_763, %mul3A_762 : vector<16xf32>
          %sub3A_765 = arith.subf %add3A_764, %mul3A_759 : vector<16xf32>
          %max3A_766 = arith.constant 9.99999996E-13 : f32
          %max3A_767 = vector.broadcast %max3A_766 : f32 to vector<16xf32>
          %max3A_768 = arith.maximumf %sub3A_765, %max3A_767 : vector<16xf32>
          %mul3A_769 = arith.constant 5.000000e-01 : f32
          %mul3A_770 = vector.broadcast %mul3A_769 : f32 to vector<16xf32>
          %mul3A_771 = arith.mulf %mul3A_770, %max3A_768 : vector<16xf32>
          %gt3A_772 = arith.cmpf ogt, %mul3A_759, %mul3A_771 : vector<16xf32>
          %max3A_773 = vector.broadcast %reduce_max3A_107 : f32 to vector<16xf32>
          %max3A_774 = arith.maximumf %max3A_773, %get3A_656 : vector<16xf32>
          %max3A_775 = vector.broadcast %reduce_max3A_116 : f32 to vector<16xf32>
          %max3A_776 = arith.maximumf %max3A_775, %get3A_658 : vector<16xf32>
          %min3A_777 = vector.broadcast %reduce_max3A_125 : f32 to vector<16xf32>
          %min3A_778 = arith.minimumf %min3A_777, %get3A_660 : vector<16xf32>
          %min3A_779 = vector.broadcast %reduce_max3A_134 : f32 to vector<16xf32>
          %min3A_780 = arith.minimumf %min3A_779, %get3A_662 : vector<16xf32>
          %sub3A_781 = arith.subf %min3A_778, %max3A_774 : vector<16xf32>
          %max3A_782 = arith.constant 0.000000e+00 : f32
          %max3A_783 = vector.broadcast %max3A_782 : f32 to vector<16xf32>
          %max3A_784 = arith.maximumf %sub3A_781, %max3A_783 : vector<16xf32>
          %sub3A_785 = arith.subf %min3A_780, %max3A_776 : vector<16xf32>
          %max3A_786 = arith.constant 0.000000e+00 : f32
          %max3A_787 = vector.broadcast %max3A_786 : f32 to vector<16xf32>
          %max3A_788 = arith.maximumf %sub3A_785, %max3A_787 : vector<16xf32>
          %mul3A_789 = arith.mulf %max3A_784, %max3A_788 : vector<16xf32>
          %sub3A_790 = arith.subf %get3A_660, %get3A_656 : vector<16xf32>
          %sub3A_791 = arith.subf %get3A_662, %get3A_658 : vector<16xf32>
          %mul3A_792 = arith.mulf %sub3A_790, %sub3A_791 : vector<16xf32>
          %add3A_793 = vector.broadcast %mul3A_137 : f32 to vector<16xf32>
          %add3A_794 = arith.addf %add3A_793, %mul3A_792 : vector<16xf32>
          %sub3A_795 = arith.subf %add3A_794, %mul3A_789 : vector<16xf32>
          %max3A_796 = arith.constant 9.99999996E-13 : f32
          %max3A_797 = vector.broadcast %max3A_796 : f32 to vector<16xf32>
          %max3A_798 = arith.maximumf %sub3A_795, %max3A_797 : vector<16xf32>
          %mul3A_799 = arith.constant 5.000000e-01 : f32
          %mul3A_800 = vector.broadcast %mul3A_799 : f32 to vector<16xf32>
          %mul3A_801 = arith.mulf %mul3A_800, %max3A_798 : vector<16xf32>
          %gt3A_802 = arith.cmpf ogt, %mul3A_789, %mul3A_801 : vector<16xf32>
          %max3A_803 = vector.broadcast %reduce_max3A_107 : f32 to vector<16xf32>
          %max3A_804 = arith.maximumf %max3A_803, %get3A_666 : vector<16xf32>
          %max3A_805 = vector.broadcast %reduce_max3A_116 : f32 to vector<16xf32>
          %max3A_806 = arith.maximumf %max3A_805, %get3A_668 : vector<16xf32>
          %min3A_807 = vector.broadcast %reduce_max3A_125 : f32 to vector<16xf32>
          %min3A_808 = arith.minimumf %min3A_807, %get3A_670 : vector<16xf32>
          %min3A_809 = vector.broadcast %reduce_max3A_134 : f32 to vector<16xf32>
          %min3A_810 = arith.minimumf %min3A_809, %get3A_672 : vector<16xf32>
          %sub3A_811 = arith.subf %min3A_808, %max3A_804 : vector<16xf32>
          %max3A_812 = arith.constant 0.000000e+00 : f32
          %max3A_813 = vector.broadcast %max3A_812 : f32 to vector<16xf32>
          %max3A_814 = arith.maximumf %sub3A_811, %max3A_813 : vector<16xf32>
          %sub3A_815 = arith.subf %min3A_810, %max3A_806 : vector<16xf32>
          %max3A_816 = arith.constant 0.000000e+00 : f32
          %max3A_817 = vector.broadcast %max3A_816 : f32 to vector<16xf32>
          %max3A_818 = arith.maximumf %sub3A_815, %max3A_817 : vector<16xf32>
          %mul3A_819 = arith.mulf %max3A_814, %max3A_818 : vector<16xf32>
          %sub3A_820 = arith.subf %get3A_670, %get3A_666 : vector<16xf32>
          %sub3A_821 = arith.subf %get3A_672, %get3A_668 : vector<16xf32>
          %mul3A_822 = arith.mulf %sub3A_820, %sub3A_821 : vector<16xf32>
          %add3A_823 = vector.broadcast %mul3A_137 : f32 to vector<16xf32>
          %add3A_824 = arith.addf %add3A_823, %mul3A_822 : vector<16xf32>
          %sub3A_825 = arith.subf %add3A_824, %mul3A_819 : vector<16xf32>
          %max3A_826 = arith.constant 9.99999996E-13 : f32
          %max3A_827 = vector.broadcast %max3A_826 : f32 to vector<16xf32>
          %max3A_828 = arith.maximumf %sub3A_825, %max3A_827 : vector<16xf32>
          %mul3A_829 = arith.constant 5.000000e-01 : f32
          %mul3A_830 = vector.broadcast %mul3A_829 : f32 to vector<16xf32>
          %mul3A_831 = arith.mulf %mul3A_830, %max3A_828 : vector<16xf32>
          %gt3A_832 = arith.cmpf ogt, %mul3A_819, %mul3A_831 : vector<16xf32>
          %max3A_833 = vector.broadcast %reduce_max3A_107 : f32 to vector<16xf32>
          %max3A_834 = arith.maximumf %max3A_833, %get3A_676 : vector<16xf32>
          %max3A_835 = vector.broadcast %reduce_max3A_116 : f32 to vector<16xf32>
          %max3A_836 = arith.maximumf %max3A_835, %get3A_678 : vector<16xf32>
          %min3A_837 = vector.broadcast %reduce_max3A_125 : f32 to vector<16xf32>
          %min3A_838 = arith.minimumf %min3A_837, %get3A_680 : vector<16xf32>
          %min3A_839 = vector.broadcast %reduce_max3A_134 : f32 to vector<16xf32>
          %min3A_840 = arith.minimumf %min3A_839, %get3A_682 : vector<16xf32>
          %sub3A_841 = arith.subf %min3A_838, %max3A_834 : vector<16xf32>
          %max3A_842 = arith.constant 0.000000e+00 : f32
          %max3A_843 = vector.broadcast %max3A_842 : f32 to vector<16xf32>
          %max3A_844 = arith.maximumf %sub3A_841, %max3A_843 : vector<16xf32>
          %sub3A_845 = arith.subf %min3A_840, %max3A_836 : vector<16xf32>
          %max3A_846 = arith.constant 0.000000e+00 : f32
          %max3A_847 = vector.broadcast %max3A_846 : f32 to vector<16xf32>
          %max3A_848 = arith.maximumf %sub3A_845, %max3A_847 : vector<16xf32>
          %mul3A_849 = arith.mulf %max3A_844, %max3A_848 : vector<16xf32>
          %sub3A_850 = arith.subf %get3A_680, %get3A_676 : vector<16xf32>
          %sub3A_851 = arith.subf %get3A_682, %get3A_678 : vector<16xf32>
          %mul3A_852 = arith.mulf %sub3A_850, %sub3A_851 : vector<16xf32>
          %add3A_853 = vector.broadcast %mul3A_137 : f32 to vector<16xf32>
          %add3A_854 = arith.addf %add3A_853, %mul3A_852 : vector<16xf32>
          %sub3A_855 = arith.subf %add3A_854, %mul3A_849 : vector<16xf32>
          %max3A_856 = arith.constant 9.99999996E-13 : f32
          %max3A_857 = vector.broadcast %max3A_856 : f32 to vector<16xf32>
          %max3A_858 = arith.maximumf %sub3A_855, %max3A_857 : vector<16xf32>
          %mul3A_859 = arith.constant 5.000000e-01 : f32
          %mul3A_860 = vector.broadcast %mul3A_859 : f32 to vector<16xf32>
          %mul3A_861 = arith.mulf %mul3A_860, %max3A_858 : vector<16xf32>
          %gt3A_862 = arith.cmpf ogt, %mul3A_849, %mul3A_861 : vector<16xf32>
          %max3A_863 = vector.broadcast %reduce_max3A_107 : f32 to vector<16xf32>
          %max3A_864 = arith.maximumf %max3A_863, %get3A_686 : vector<16xf32>
          %max3A_865 = vector.broadcast %reduce_max3A_116 : f32 to vector<16xf32>
          %max3A_866 = arith.maximumf %max3A_865, %get3A_688 : vector<16xf32>
          %min3A_867 = vector.broadcast %reduce_max3A_125 : f32 to vector<16xf32>
          %min3A_868 = arith.minimumf %min3A_867, %get3A_690 : vector<16xf32>
          %min3A_869 = vector.broadcast %reduce_max3A_134 : f32 to vector<16xf32>
          %min3A_870 = arith.minimumf %min3A_869, %get3A_692 : vector<16xf32>
          %sub3A_871 = arith.subf %min3A_868, %max3A_864 : vector<16xf32>
          %max3A_872 = arith.constant 0.000000e+00 : f32
          %max3A_873 = vector.broadcast %max3A_872 : f32 to vector<16xf32>
          %max3A_874 = arith.maximumf %sub3A_871, %max3A_873 : vector<16xf32>
          %sub3A_875 = arith.subf %min3A_870, %max3A_866 : vector<16xf32>
          %max3A_876 = arith.constant 0.000000e+00 : f32
          %max3A_877 = vector.broadcast %max3A_876 : f32 to vector<16xf32>
          %max3A_878 = arith.maximumf %sub3A_875, %max3A_877 : vector<16xf32>
          %mul3A_879 = arith.mulf %max3A_874, %max3A_878 : vector<16xf32>
          %sub3A_880 = arith.subf %get3A_690, %get3A_686 : vector<16xf32>
          %sub3A_881 = arith.subf %get3A_692, %get3A_688 : vector<16xf32>
          %mul3A_882 = arith.mulf %sub3A_880, %sub3A_881 : vector<16xf32>
          %add3A_883 = vector.broadcast %mul3A_137 : f32 to vector<16xf32>
          %add3A_884 = arith.addf %add3A_883, %mul3A_882 : vector<16xf32>
          %sub3A_885 = arith.subf %add3A_884, %mul3A_879 : vector<16xf32>
          %max3A_886 = arith.constant 9.99999996E-13 : f32
          %max3A_887 = vector.broadcast %max3A_886 : f32 to vector<16xf32>
          %max3A_888 = arith.maximumf %sub3A_885, %max3A_887 : vector<16xf32>
          %mul3A_889 = arith.constant 5.000000e-01 : f32
          %mul3A_890 = vector.broadcast %mul3A_889 : f32 to vector<16xf32>
          %mul3A_891 = arith.mulf %mul3A_890, %max3A_888 : vector<16xf32>
          %gt3A_892 = arith.cmpf ogt, %mul3A_879, %mul3A_891 : vector<16xf32>
          %max3A_893 = vector.broadcast %reduce_max3A_107 : f32 to vector<16xf32>
          %max3A_894 = arith.maximumf %max3A_893, %get3A_696 : vector<16xf32>
          %max3A_895 = vector.broadcast %reduce_max3A_116 : f32 to vector<16xf32>
          %max3A_896 = arith.maximumf %max3A_895, %get3A_698 : vector<16xf32>
          %min3A_897 = vector.broadcast %reduce_max3A_125 : f32 to vector<16xf32>
          %min3A_898 = arith.minimumf %min3A_897, %get3A_700 : vector<16xf32>
          %min3A_899 = vector.broadcast %reduce_max3A_134 : f32 to vector<16xf32>
          %min3A_900 = arith.minimumf %min3A_899, %get3A_702 : vector<16xf32>
          %sub3A_901 = arith.subf %min3A_898, %max3A_894 : vector<16xf32>
          %max3A_902 = arith.constant 0.000000e+00 : f32
          %max3A_903 = vector.broadcast %max3A_902 : f32 to vector<16xf32>
          %max3A_904 = arith.maximumf %sub3A_901, %max3A_903 : vector<16xf32>
          %sub3A_905 = arith.subf %min3A_900, %max3A_896 : vector<16xf32>
          %max3A_906 = arith.constant 0.000000e+00 : f32
          %max3A_907 = vector.broadcast %max3A_906 : f32 to vector<16xf32>
          %max3A_908 = arith.maximumf %sub3A_905, %max3A_907 : vector<16xf32>
          %mul3A_909 = arith.mulf %max3A_904, %max3A_908 : vector<16xf32>
          %sub3A_910 = arith.subf %get3A_700, %get3A_696 : vector<16xf32>
          %sub3A_911 = arith.subf %get3A_702, %get3A_698 : vector<16xf32>
          %mul3A_912 = arith.mulf %sub3A_910, %sub3A_911 : vector<16xf32>
          %add3A_913 = vector.broadcast %mul3A_137 : f32 to vector<16xf32>
          %add3A_914 = arith.addf %add3A_913, %mul3A_912 : vector<16xf32>
          %sub3A_915 = arith.subf %add3A_914, %mul3A_909 : vector<16xf32>
          %max3A_916 = arith.constant 9.99999996E-13 : f32
          %max3A_917 = vector.broadcast %max3A_916 : f32 to vector<16xf32>
          %max3A_918 = arith.maximumf %sub3A_915, %max3A_917 : vector<16xf32>
          %mul3A_919 = arith.constant 5.000000e-01 : f32
          %mul3A_920 = vector.broadcast %mul3A_919 : f32 to vector<16xf32>
          %mul3A_921 = arith.mulf %mul3A_920, %max3A_918 : vector<16xf32>
          %gt3A_922 = arith.cmpf ogt, %mul3A_909, %mul3A_921 : vector<16xf32>
          %max3A_923 = vector.broadcast %reduce_max3A_107 : f32 to vector<16xf32>
          %max3A_924 = arith.maximumf %max3A_923, %get3A_706 : vector<16xf32>
          %max3A_925 = vector.broadcast %reduce_max3A_116 : f32 to vector<16xf32>
          %max3A_926 = arith.maximumf %max3A_925, %get3A_708 : vector<16xf32>
          %min3A_927 = vector.broadcast %reduce_max3A_125 : f32 to vector<16xf32>
          %min3A_928 = arith.minimumf %min3A_927, %get3A_710 : vector<16xf32>
          %min3A_929 = vector.broadcast %reduce_max3A_134 : f32 to vector<16xf32>
          %min3A_930 = arith.minimumf %min3A_929, %get3A_712 : vector<16xf32>
          %sub3A_931 = arith.subf %min3A_928, %max3A_924 : vector<16xf32>
          %max3A_932 = arith.constant 0.000000e+00 : f32
          %max3A_933 = vector.broadcast %max3A_932 : f32 to vector<16xf32>
          %max3A_934 = arith.maximumf %sub3A_931, %max3A_933 : vector<16xf32>
          %sub3A_935 = arith.subf %min3A_930, %max3A_926 : vector<16xf32>
          %max3A_936 = arith.constant 0.000000e+00 : f32
          %max3A_937 = vector.broadcast %max3A_936 : f32 to vector<16xf32>
          %max3A_938 = arith.maximumf %sub3A_935, %max3A_937 : vector<16xf32>
          %mul3A_939 = arith.mulf %max3A_934, %max3A_938 : vector<16xf32>
          %sub3A_940 = arith.subf %get3A_710, %get3A_706 : vector<16xf32>
          %sub3A_941 = arith.subf %get3A_712, %get3A_708 : vector<16xf32>
          %mul3A_942 = arith.mulf %sub3A_940, %sub3A_941 : vector<16xf32>
          %add3A_943 = vector.broadcast %mul3A_137 : f32 to vector<16xf32>
          %add3A_944 = arith.addf %add3A_943, %mul3A_942 : vector<16xf32>
          %sub3A_945 = arith.subf %add3A_944, %mul3A_939 : vector<16xf32>
          %max3A_946 = arith.constant 9.99999996E-13 : f32
          %max3A_947 = vector.broadcast %max3A_946 : f32 to vector<16xf32>
          %max3A_948 = arith.maximumf %sub3A_945, %max3A_947 : vector<16xf32>
          %mul3A_949 = arith.constant 5.000000e-01 : f32
          %mul3A_950 = vector.broadcast %mul3A_949 : f32 to vector<16xf32>
          %mul3A_951 = arith.mulf %mul3A_950, %max3A_948 : vector<16xf32>
          %gt3A_952 = arith.cmpf ogt, %mul3A_939, %mul3A_951 : vector<16xf32>
          %add3A_953 = arith.constant 0 : i32
          %add3A_954 = arith.addi %mul3A_632, %add3A_953 : i32
          %add3A_955 = vector.broadcast %add3A_954 : i32 to vector<16xi32>
          %add3A_956 = arith.addi %add3A_955, %iota3A : vector<16xi32>
          tpu.vector_store_idx %arg26[%add3A_956], %broadcast_in_dim3A_39 masked %gt3A_742 : memref<5120xf32, #tpu.memory_space<vmem>>[vector<16xi32>], vector<16xf32>, vector<16xi1>
          %add3A_957 = arith.constant 16 : i32
          %add3A_958 = arith.addi %mul3A_632, %add3A_957 : i32
          %add3A_959 = vector.broadcast %add3A_958 : i32 to vector<16xi32>
          %add3A_960 = arith.addi %add3A_959, %iota3A : vector<16xi32>
          tpu.vector_store_idx %arg26[%add3A_960], %broadcast_in_dim3A_39 masked %gt3A_772 : memref<5120xf32, #tpu.memory_space<vmem>>[vector<16xi32>], vector<16xf32>, vector<16xi1>
          %add3A_961 = arith.constant 32 : i32
          %add3A_962 = arith.addi %mul3A_632, %add3A_961 : i32
          %add3A_963 = vector.broadcast %add3A_962 : i32 to vector<16xi32>
          %add3A_964 = arith.addi %add3A_963, %iota3A : vector<16xi32>
          tpu.vector_store_idx %arg26[%add3A_964], %broadcast_in_dim3A_39 masked %gt3A_802 : memref<5120xf32, #tpu.memory_space<vmem>>[vector<16xi32>], vector<16xf32>, vector<16xi1>
          %add3A_965 = arith.constant 48 : i32
          %add3A_966 = arith.addi %mul3A_632, %add3A_965 : i32
          %add3A_967 = vector.broadcast %add3A_966 : i32 to vector<16xi32>
          %add3A_968 = arith.addi %add3A_967, %iota3A : vector<16xi32>
          tpu.vector_store_idx %arg26[%add3A_968], %broadcast_in_dim3A_39 masked %gt3A_832 : memref<5120xf32, #tpu.memory_space<vmem>>[vector<16xi32>], vector<16xf32>, vector<16xi1>
          %add3A_969 = arith.constant 64 : i32
          %add3A_970 = arith.addi %mul3A_632, %add3A_969 : i32
          %add3A_971 = vector.broadcast %add3A_970 : i32 to vector<16xi32>
          %add3A_972 = arith.addi %add3A_971, %iota3A : vector<16xi32>
          tpu.vector_store_idx %arg26[%add3A_972], %broadcast_in_dim3A_39 masked %gt3A_862 : memref<5120xf32, #tpu.memory_space<vmem>>[vector<16xi32>], vector<16xf32>, vector<16xi1>
          %add3A_973 = arith.constant 80 : i32
          %add3A_974 = arith.addi %mul3A_632, %add3A_973 : i32
          %add3A_975 = vector.broadcast %add3A_974 : i32 to vector<16xi32>
          %add3A_976 = arith.addi %add3A_975, %iota3A : vector<16xi32>
          tpu.vector_store_idx %arg26[%add3A_976], %broadcast_in_dim3A_39 masked %gt3A_892 : memref<5120xf32, #tpu.memory_space<vmem>>[vector<16xi32>], vector<16xf32>, vector<16xi1>
          %add3A_977 = arith.constant 96 : i32
          %add3A_978 = arith.addi %mul3A_632, %add3A_977 : i32
          %add3A_979 = vector.broadcast %add3A_978 : i32 to vector<16xi32>
          %add3A_980 = arith.addi %add3A_979, %iota3A : vector<16xi32>
          tpu.vector_store_idx %arg26[%add3A_980], %broadcast_in_dim3A_39 masked %gt3A_922 : memref<5120xf32, #tpu.memory_space<vmem>>[vector<16xi32>], vector<16xf32>, vector<16xi1>
          %add3A_981 = arith.constant 112 : i32
          %add3A_982 = arith.addi %mul3A_632, %add3A_981 : i32
          %add3A_983 = vector.broadcast %add3A_982 : i32 to vector<16xi32>
          %add3A_984 = arith.addi %add3A_983, %iota3A : vector<16xi32>
          tpu.vector_store_idx %arg26[%add3A_984], %broadcast_in_dim3A_39 masked %gt3A_952 : memref<5120xf32, #tpu.memory_space<vmem>>[vector<16xi32>], vector<16xf32>, vector<16xi1>
        }
        %while3A_621 = arith.constant 0 : i32
        %while3A_622 = arith.subi %add3A_38, %add3A_36 : i32
        %while3A_623 = arith.addi %add3A_36, %while3A_622 : i32
        %while3A_624 = arith.constant 1 : i32
        %while3A_625 = arith.divsi %while3A_622, %while3A_624 : i32
        %while3A_626 = arith.muli %while3A_625, %while3A_624 : i32
        %while3A_627 = arith.addi %add3A_36, %while3A_626 : i32
        %while3A_628 = arith.constant 1 : i32
        scf.for %while3A_630 = %add3A_36 to %while3A_627 step %while3A_628  : i32 {
          %mul3A_631 = arith.constant 128 : i32
          %mul3A_632 = arith.muli %while3A_630, %mul3A_631 : i32
          %add3A_633 = arith.constant 0 : i32
          %add3A_634 = arith.addi %mul3A_632, %add3A_633 : i32
          %get3A_635 = arith.index_cast %add3A_634 : i32 to index
          %get3A_636 = tpu.vector_load %arg22[%get3A_635] {strides = array<i32>} : memref<5120xf32, #tpu.memory_space<vmem>>, vector<16xf32>,
          %get3A_637 = arith.index_cast %add3A_634 : i32 to index
          %get3A_638 = tpu.vector_load %arg23[%get3A_637] {strides = array<i32>} : memref<5120xf32, #tpu.memory_space<vmem>>, vector<16xf32>,
          %get3A_639 = arith.index_cast %add3A_634 : i32 to index
          %get3A_640 = tpu.vector_load %arg24[%get3A_639] {strides = array<i32>} : memref<5120xf32, #tpu.memory_space<vmem>>, vector<16xf32>,
          %get3A_641 = arith.index_cast %add3A_634 : i32 to index
          %get3A_642 = tpu.vector_load %arg25[%get3A_641] {strides = array<i32>} : memref<5120xf32, #tpu.memory_space<vmem>>, vector<16xf32>,
          %add3A_643 = arith.constant 16 : i32
          %add3A_644 = arith.addi %mul3A_632, %add3A_643 : i32
          %get3A_645 = arith.index_cast %add3A_644 : i32 to index
          %get3A_646 = tpu.vector_load %arg22[%get3A_645] {strides = array<i32>} : memref<5120xf32, #tpu.memory_space<vmem>>, vector<16xf32>,
          %get3A_647 = arith.index_cast %add3A_644 : i32 to index
          %get3A_648 = tpu.vector_load %arg23[%get3A_647] {strides = array<i32>} : memref<5120xf32, #tpu.memory_space<vmem>>, vector<16xf32>,
          %get3A_649 = arith.index_cast %add3A_644 : i32 to index
          %get3A_650 = tpu.vector_load %arg24[%get3A_649] {strides = array<i32>} : memref<5120xf32, #tpu.memory_space<vmem>>, vector<16xf32>,
          %get3A_651 = arith.index_cast %add3A_644 : i32 to index
          %get3A_652 = tpu.vector_load %arg25[%get3A_651] {strides = array<i32>} : memref<5120xf32, #tpu.memory_space<vmem>>, vector<16xf32>,
          %add3A_653 = arith.constant 32 : i32
          %add3A_654 = arith.addi %mul3A_632, %add3A_653 : i32
          %get3A_655 = arith.index_cast %add3A_654 : i32 to index
          %get3A_656 = tpu.vector_load %arg22[%get3A_655] {strides = array<i32>} : memref<5120xf32, #tpu.memory_space<vmem>>, vector<16xf32>,
          %get3A_657 = arith.index_cast %add3A_654 : i32 to index
          %get3A_658 = tpu.vector_load %arg23[%get3A_657] {strides = array<i32>} : memref<5120xf32, #tpu.memory_space<vmem>>, vector<16xf32>,
          %get3A_659 = arith.index_cast %add3A_654 : i32 to index
          %get3A_660 = tpu.vector_load %arg24[%get3A_659] {strides = array<i32>} : memref<5120xf32, #tpu.memory_space<vmem>>, vector<16xf32>,
          %get3A_661 = arith.index_cast %add3A_654 : i32 to index
          %get3A_662 = tpu.vector_load %arg25[%get3A_661] {strides = array<i32>} : memref<5120xf32, #tpu.memory_space<vmem>>, vector<16xf32>,
          %add3A_663 = arith.constant 48 : i32
          %add3A_664 = arith.addi %mul3A_632, %add3A_663 : i32
          %get3A_665 = arith.index_cast %add3A_664 : i32 to index
          %get3A_666 = tpu.vector_load %arg22[%get3A_665] {strides = array<i32>} : memref<5120xf32, #tpu.memory_space<vmem>>, vector<16xf32>,
          %get3A_667 = arith.index_cast %add3A_664 : i32 to index
          %get3A_668 = tpu.vector_load %arg23[%get3A_667] {strides = array<i32>} : memref<5120xf32, #tpu.memory_space<vmem>>, vector<16xf32>,
          %get3A_669 = arith.index_cast %add3A_664 : i32 to index
          %get3A_670 = tpu.vector_load %arg24[%get3A_669] {strides = array<i32>} : memref<5120xf32, #tpu.memory_space<vmem>>, vector<16xf32>,
          %get3A_671 = arith.index_cast %add3A_664 : i32 to index
          %get3A_672 = tpu.vector_load %arg25[%get3A_671] {strides = array<i32>} : memref<5120xf32, #tpu.memory_space<vmem>>, vector<16xf32>,
          %add3A_673 = arith.constant 64 : i32
          %add3A_674 = arith.addi %mul3A_632, %add3A_673 : i32
          %get3A_675 = arith.index_cast %add3A_674 : i32 to index
          %get3A_676 = tpu.vector_load %arg22[%get3A_675] {strides = array<i32>} : memref<5120xf32, #tpu.memory_space<vmem>>, vector<16xf32>,
          %get3A_677 = arith.index_cast %add3A_674 : i32 to index
          %get3A_678 = tpu.vector_load %arg23[%get3A_677] {strides = array<i32>} : memref<5120xf32, #tpu.memory_space<vmem>>, vector<16xf32>,
          %get3A_679 = arith.index_cast %add3A_674 : i32 to index
          %get3A_680 = tpu.vector_load %arg24[%get3A_679] {strides = array<i32>} : memref<5120xf32, #tpu.memory_space<vmem>>, vector<16xf32>,
          %get3A_681 = arith.index_cast %add3A_674 : i32 to index
          %get3A_682 = tpu.vector_load %arg25[%get3A_681] {strides = array<i32>} : memref<5120xf32, #tpu.memory_space<vmem>>, vector<16xf32>,
          %add3A_683 = arith.constant 80 : i32
          %add3A_684 = arith.addi %mul3A_632, %add3A_683 : i32
          %get3A_685 = arith.index_cast %add3A_684 : i32 to index
          %get3A_686 = tpu.vector_load %arg22[%get3A_685] {strides = array<i32>} : memref<5120xf32, #tpu.memory_space<vmem>>, vector<16xf32>,
          %get3A_687 = arith.index_cast %add3A_684 : i32 to index
          %get3A_688 = tpu.vector_load %arg23[%get3A_687] {strides = array<i32>} : memref<5120xf32, #tpu.memory_space<vmem>>, vector<16xf32>,
          %get3A_689 = arith.index_cast %add3A_684 : i32 to index
          %get3A_690 = tpu.vector_load %arg24[%get3A_689] {strides = array<i32>} : memref<5120xf32, #tpu.memory_space<vmem>>, vector<16xf32>,
          %get3A_691 = arith.index_cast %add3A_684 : i32 to index
          %get3A_692 = tpu.vector_load %arg25[%get3A_691] {strides = array<i32>} : memref<5120xf32, #tpu.memory_space<vmem>>, vector<16xf32>,
          %add3A_693 = arith.constant 96 : i32
          %add3A_694 = arith.addi %mul3A_632, %add3A_693 : i32
          %get3A_695 = arith.index_cast %add3A_694 : i32 to index
          %get3A_696 = tpu.vector_load %arg22[%get3A_695] {strides = array<i32>} : memref<5120xf32, #tpu.memory_space<vmem>>, vector<16xf32>,
          %get3A_697 = arith.index_cast %add3A_694 : i32 to index
          %get3A_698 = tpu.vector_load %arg23[%get3A_697] {strides = array<i32>} : memref<5120xf32, #tpu.memory_space<vmem>>, vector<16xf32>,
          %get3A_699 = arith.index_cast %add3A_694 : i32 to index
          %get3A_700 = tpu.vector_load %arg24[%get3A_699] {strides = array<i32>} : memref<5120xf32, #tpu.memory_space<vmem>>, vector<16xf32>,
          %get3A_701 = arith.index_cast %add3A_694 : i32 to index
          %get3A_702 = tpu.vector_load %arg25[%get3A_701] {strides = array<i32>} : memref<5120xf32, #tpu.memory_space<vmem>>, vector<16xf32>,
          %add3A_703 = arith.constant 112 : i32
          %add3A_704 = arith.addi %mul3A_632, %add3A_703 : i32
          %get3A_705 = arith.index_cast %add3A_704 : i32 to index
          %get3A_706 = tpu.vector_load %arg22[%get3A_705] {strides = array<i32>} : memref<5120xf32, #tpu.memory_space<vmem>>, vector<16xf32>,
          %get3A_707 = arith.index_cast %add3A_704 : i32 to index
          %get3A_708 = tpu.vector_load %arg23[%get3A_707] {strides = array<i32>} : memref<5120xf32, #tpu.memory_space<vmem>>, vector<16xf32>,
          %get3A_709 = arith.index_cast %add3A_704 : i32 to index
          %get3A_710 = tpu.vector_load %arg24[%get3A_709] {strides = array<i32>} : memref<5120xf32, #tpu.memory_space<vmem>>, vector<16xf32>,
          %get3A_711 = arith.index_cast %add3A_704 : i32 to index
          %get3A_712 = tpu.vector_load %arg25[%get3A_711] {strides = array<i32>} : memref<5120xf32, #tpu.memory_space<vmem>>, vector<16xf32>,
          %max3A_713 = vector.broadcast %reduce_max3A_107 : f32 to vector<16xf32>
          %max3A_714 = arith.maximumf %max3A_713, %get3A_636 : vector<16xf32>
          %max3A_715 = vector.broadcast %reduce_max3A_116 : f32 to vector<16xf32>
          %max3A_716 = arith.maximumf %max3A_715, %get3A_638 : vector<16xf32>
          %min3A_717 = vector.broadcast %reduce_max3A_125 : f32 to vector<16xf32>
          %min3A_718 = arith.minimumf %min3A_717, %get3A_640 : vector<16xf32>
          %min3A_719 = vector.broadcast %reduce_max3A_134 : f32 to vector<16xf32>
          %min3A_720 = arith.minimumf %min3A_719, %get3A_642 : vector<16xf32>
          %sub3A_721 = arith.subf %min3A_718, %max3A_714 : vector<16xf32>
          %max3A_722 = arith.constant 0.000000e+00 : f32
          %max3A_723 = vector.broadcast %max3A_722 : f32 to vector<16xf32>
          %max3A_724 = arith.maximumf %sub3A_721, %max3A_723 : vector<16xf32>
          %sub3A_725 = arith.subf %min3A_720, %max3A_716 : vector<16xf32>
          %max3A_726 = arith.constant 0.000000e+00 : f32
          %max3A_727 = vector.broadcast %max3A_726 : f32 to vector<16xf32>
          %max3A_728 = arith.maximumf %sub3A_725, %max3A_727 : vector<16xf32>
          %mul3A_729 = arith.mulf %max3A_724, %max3A_728 : vector<16xf32>
          %sub3A_730 = arith.subf %get3A_640, %get3A_636 : vector<16xf32>
          %sub3A_731 = arith.subf %get3A_642, %get3A_638 : vector<16xf32>
          %mul3A_732 = arith.mulf %sub3A_730, %sub3A_731 : vector<16xf32>
          %add3A_733 = vector.broadcast %mul3A_137 : f32 to vector<16xf32>
          %add3A_734 = arith.addf %add3A_733, %mul3A_732 : vector<16xf32>
          %sub3A_735 = arith.subf %add3A_734, %mul3A_729 : vector<16xf32>
          %max3A_736 = arith.constant 9.99999996E-13 : f32
          %max3A_737 = vector.broadcast %max3A_736 : f32 to vector<16xf32>
          %max3A_738 = arith.maximumf %sub3A_735, %max3A_737 : vector<16xf32>
          %mul3A_739 = arith.constant 5.000000e-01 : f32
          %mul3A_740 = vector.broadcast %mul3A_739 : f32 to vector<16xf32>
          %mul3A_741 = arith.mulf %mul3A_740, %max3A_738 : vector<16xf32>
          %gt3A_742 = arith.cmpf ogt, %mul3A_729, %mul3A_741 : vector<16xf32>
          %max3A_743 = vector.broadcast %reduce_max3A_107 : f32 to vector<16xf32>
          %max3A_744 = arith.maximumf %max3A_743, %get3A_646 : vector<16xf32>
          %max3A_745 = vector.broadcast %reduce_max3A_116 : f32 to vector<16xf32>
          %max3A_746 = arith.maximumf %max3A_745, %get3A_648 : vector<16xf32>
          %min3A_747 = vector.broadcast %reduce_max3A_125 : f32 to vector<16xf32>
          %min3A_748 = arith.minimumf %min3A_747, %get3A_650 : vector<16xf32>
          %min3A_749 = vector.broadcast %reduce_max3A_134 : f32 to vector<16xf32>
          %min3A_750 = arith.minimumf %min3A_749, %get3A_652 : vector<16xf32>
          %sub3A_751 = arith.subf %min3A_748, %max3A_744 : vector<16xf32>
          %max3A_752 = arith.constant 0.000000e+00 : f32
          %max3A_753 = vector.broadcast %max3A_752 : f32 to vector<16xf32>
          %max3A_754 = arith.maximumf %sub3A_751, %max3A_753 : vector<16xf32>
          %sub3A_755 = arith.subf %min3A_750, %max3A_746 : vector<16xf32>
          %max3A_756 = arith.constant 0.000000e+00 : f32
          %max3A_757 = vector.broadcast %max3A_756 : f32 to vector<16xf32>
          %max3A_758 = arith.maximumf %sub3A_755, %max3A_757 : vector<16xf32>
          %mul3A_759 = arith.mulf %max3A_754, %max3A_758 : vector<16xf32>
          %sub3A_760 = arith.subf %get3A_650, %get3A_646 : vector<16xf32>
          %sub3A_761 = arith.subf %get3A_652, %get3A_648 : vector<16xf32>
          %mul3A_762 = arith.mulf %sub3A_760, %sub3A_761 : vector<16xf32>
          %add3A_763 = vector.broadcast %mul3A_137 : f32 to vector<16xf32>
          %add3A_764 = arith.addf %add3A_763, %mul3A_762 : vector<16xf32>
          %sub3A_765 = arith.subf %add3A_764, %mul3A_759 : vector<16xf32>
          %max3A_766 = arith.constant 9.99999996E-13 : f32
          %max3A_767 = vector.broadcast %max3A_766 : f32 to vector<16xf32>
          %max3A_768 = arith.maximumf %sub3A_765, %max3A_767 : vector<16xf32>
          %mul3A_769 = arith.constant 5.000000e-01 : f32
          %mul3A_770 = vector.broadcast %mul3A_769 : f32 to vector<16xf32>
          %mul3A_771 = arith.mulf %mul3A_770, %max3A_768 : vector<16xf32>
          %gt3A_772 = arith.cmpf ogt, %mul3A_759, %mul3A_771 : vector<16xf32>
          %max3A_773 = vector.broadcast %reduce_max3A_107 : f32 to vector<16xf32>
          %max3A_774 = arith.maximumf %max3A_773, %get3A_656 : vector<16xf32>
          %max3A_775 = vector.broadcast %reduce_max3A_116 : f32 to vector<16xf32>
          %max3A_776 = arith.maximumf %max3A_775, %get3A_658 : vector<16xf32>
          %min3A_777 = vector.broadcast %reduce_max3A_125 : f32 to vector<16xf32>
          %min3A_778 = arith.minimumf %min3A_777, %get3A_660 : vector<16xf32>
          %min3A_779 = vector.broadcast %reduce_max3A_134 : f32 to vector<16xf32>
          %min3A_780 = arith.minimumf %min3A_779, %get3A_662 : vector<16xf32>
          %sub3A_781 = arith.subf %min3A_778, %max3A_774 : vector<16xf32>
          %max3A_782 = arith.constant 0.000000e+00 : f32
          %max3A_783 = vector.broadcast %max3A_782 : f32 to vector<16xf32>
          %max3A_784 = arith.maximumf %sub3A_781, %max3A_783 : vector<16xf32>
          %sub3A_785 = arith.subf %min3A_780, %max3A_776 : vector<16xf32>
          %max3A_786 = arith.constant 0.000000e+00 : f32
          %max3A_787 = vector.broadcast %max3A_786 : f32 to vector<16xf32>
          %max3A_788 = arith.maximumf %sub3A_785, %max3A_787 : vector<16xf32>
          %mul3A_789 = arith.mulf %max3A_784, %max3A_788 : vector<16xf32>
          %sub3A_790 = arith.subf %get3A_660, %get3A_656 : vector<16xf32>
          %sub3A_791 = arith.subf %get3A_662, %get3A_658 : vector<16xf32>
          %mul3A_792 = arith.mulf %sub3A_790, %sub3A_791 : vector<16xf32>
          %add3A_793 = vector.broadcast %mul3A_137 : f32 to vector<16xf32>
          %add3A_794 = arith.addf %add3A_793, %mul3A_792 : vector<16xf32>
          %sub3A_795 = arith.subf %add3A_794, %mul3A_789 : vector<16xf32>
          %max3A_796 = arith.constant 9.99999996E-13 : f32
          %max3A_797 = vector.broadcast %max3A_796 : f32 to vector<16xf32>
          %max3A_798 = arith.maximumf %sub3A_795, %max3A_797 : vector<16xf32>
          %mul3A_799 = arith.constant 5.000000e-01 : f32
          %mul3A_800 = vector.broadcast %mul3A_799 : f32 to vector<16xf32>
          %mul3A_801 = arith.mulf %mul3A_800, %max3A_798 : vector<16xf32>
          %gt3A_802 = arith.cmpf ogt, %mul3A_789, %mul3A_801 : vector<16xf32>
          %max3A_803 = vector.broadcast %reduce_max3A_107 : f32 to vector<16xf32>
          %max3A_804 = arith.maximumf %max3A_803, %get3A_666 : vector<16xf32>
          %max3A_805 = vector.broadcast %reduce_max3A_116 : f32 to vector<16xf32>
          %max3A_806 = arith.maximumf %max3A_805, %get3A_668 : vector<16xf32>
          %min3A_807 = vector.broadcast %reduce_max3A_125 : f32 to vector<16xf32>
          %min3A_808 = arith.minimumf %min3A_807, %get3A_670 : vector<16xf32>
          %min3A_809 = vector.broadcast %reduce_max3A_134 : f32 to vector<16xf32>
          %min3A_810 = arith.minimumf %min3A_809, %get3A_672 : vector<16xf32>
          %sub3A_811 = arith.subf %min3A_808, %max3A_804 : vector<16xf32>
          %max3A_812 = arith.constant 0.000000e+00 : f32
          %max3A_813 = vector.broadcast %max3A_812 : f32 to vector<16xf32>
          %max3A_814 = arith.maximumf %sub3A_811, %max3A_813 : vector<16xf32>
          %sub3A_815 = arith.subf %min3A_810, %max3A_806 : vector<16xf32>
          %max3A_816 = arith.constant 0.000000e+00 : f32
          %max3A_817 = vector.broadcast %max3A_816 : f32 to vector<16xf32>
          %max3A_818 = arith.maximumf %sub3A_815, %max3A_817 : vector<16xf32>
          %mul3A_819 = arith.mulf %max3A_814, %max3A_818 : vector<16xf32>
          %sub3A_820 = arith.subf %get3A_670, %get3A_666 : vector<16xf32>
          %sub3A_821 = arith.subf %get3A_672, %get3A_668 : vector<16xf32>
          %mul3A_822 = arith.mulf %sub3A_820, %sub3A_821 : vector<16xf32>
          %add3A_823 = vector.broadcast %mul3A_137 : f32 to vector<16xf32>
          %add3A_824 = arith.addf %add3A_823, %mul3A_822 : vector<16xf32>
          %sub3A_825 = arith.subf %add3A_824, %mul3A_819 : vector<16xf32>
          %max3A_826 = arith.constant 9.99999996E-13 : f32
          %max3A_827 = vector.broadcast %max3A_826 : f32 to vector<16xf32>
          %max3A_828 = arith.maximumf %sub3A_825, %max3A_827 : vector<16xf32>
          %mul3A_829 = arith.constant 5.000000e-01 : f32
          %mul3A_830 = vector.broadcast %mul3A_829 : f32 to vector<16xf32>
          %mul3A_831 = arith.mulf %mul3A_830, %max3A_828 : vector<16xf32>
          %gt3A_832 = arith.cmpf ogt, %mul3A_819, %mul3A_831 : vector<16xf32>
          %max3A_833 = vector.broadcast %reduce_max3A_107 : f32 to vector<16xf32>
          %max3A_834 = arith.maximumf %max3A_833, %get3A_676 : vector<16xf32>
          %max3A_835 = vector.broadcast %reduce_max3A_116 : f32 to vector<16xf32>
          %max3A_836 = arith.maximumf %max3A_835, %get3A_678 : vector<16xf32>
          %min3A_837 = vector.broadcast %reduce_max3A_125 : f32 to vector<16xf32>
          %min3A_838 = arith.minimumf %min3A_837, %get3A_680 : vector<16xf32>
          %min3A_839 = vector.broadcast %reduce_max3A_134 : f32 to vector<16xf32>
          %min3A_840 = arith.minimumf %min3A_839, %get3A_682 : vector<16xf32>
          %sub3A_841 = arith.subf %min3A_838, %max3A_834 : vector<16xf32>
          %max3A_842 = arith.constant 0.000000e+00 : f32
          %max3A_843 = vector.broadcast %max3A_842 : f32 to vector<16xf32>
          %max3A_844 = arith.maximumf %sub3A_841, %max3A_843 : vector<16xf32>
          %sub3A_845 = arith.subf %min3A_840, %max3A_836 : vector<16xf32>
          %max3A_846 = arith.constant 0.000000e+00 : f32
          %max3A_847 = vector.broadcast %max3A_846 : f32 to vector<16xf32>
          %max3A_848 = arith.maximumf %sub3A_845, %max3A_847 : vector<16xf32>
          %mul3A_849 = arith.mulf %max3A_844, %max3A_848 : vector<16xf32>
          %sub3A_850 = arith.subf %get3A_680, %get3A_676 : vector<16xf32>
          %sub3A_851 = arith.subf %get3A_682, %get3A_678 : vector<16xf32>
          %mul3A_852 = arith.mulf %sub3A_850, %sub3A_851 : vector<16xf32>
          %add3A_853 = vector.broadcast %mul3A_137 : f32 to vector<16xf32>
          %add3A_854 = arith.addf %add3A_853, %mul3A_852 : vector<16xf32>
          %sub3A_855 = arith.subf %add3A_854, %mul3A_849 : vector<16xf32>
          %max3A_856 = arith.constant 9.99999996E-13 : f32
          %max3A_857 = vector.broadcast %max3A_856 : f32 to vector<16xf32>
          %max3A_858 = arith.maximumf %sub3A_855, %max3A_857 : vector<16xf32>
          %mul3A_859 = arith.constant 5.000000e-01 : f32
          %mul3A_860 = vector.broadcast %mul3A_859 : f32 to vector<16xf32>
          %mul3A_861 = arith.mulf %mul3A_860, %max3A_858 : vector<16xf32>
          %gt3A_862 = arith.cmpf ogt, %mul3A_849, %mul3A_861 : vector<16xf32>
          %max3A_863 = vector.broadcast %reduce_max3A_107 : f32 to vector<16xf32>
          %max3A_864 = arith.maximumf %max3A_863, %get3A_686 : vector<16xf32>
          %max3A_865 = vector.broadcast %reduce_max3A_116 : f32 to vector<16xf32>
          %max3A_866 = arith.maximumf %max3A_865, %get3A_688 : vector<16xf32>
          %min3A_867 = vector.broadcast %reduce_max3A_125 : f32 to vector<16xf32>
          %min3A_868 = arith.minimumf %min3A_867, %get3A_690 : vector<16xf32>
          %min3A_869 = vector.broadcast %reduce_max3A_134 : f32 to vector<16xf32>
          %min3A_870 = arith.minimumf %min3A_869, %get3A_692 : vector<16xf32>
          %sub3A_871 = arith.subf %min3A_868, %max3A_864 : vector<16xf32>
          %max3A_872 = arith.constant 0.000000e+00 : f32
          %max3A_873 = vector.broadcast %max3A_872 : f32 to vector<16xf32>
          %max3A_874 = arith.maximumf %sub3A_871, %max3A_873 : vector<16xf32>
          %sub3A_875 = arith.subf %min3A_870, %max3A_866 : vector<16xf32>
          %max3A_876 = arith.constant 0.000000e+00 : f32
          %max3A_877 = vector.broadcast %max3A_876 : f32 to vector<16xf32>
          %max3A_878 = arith.maximumf %sub3A_875, %max3A_877 : vector<16xf32>
          %mul3A_879 = arith.mulf %max3A_874, %max3A_878 : vector<16xf32>
          %sub3A_880 = arith.subf %get3A_690, %get3A_686 : vector<16xf32>
          %sub3A_881 = arith.subf %get3A_692, %get3A_688 : vector<16xf32>
          %mul3A_882 = arith.mulf %sub3A_880, %sub3A_881 : vector<16xf32>
          %add3A_883 = vector.broadcast %mul3A_137 : f32 to vector<16xf32>
          %add3A_884 = arith.addf %add3A_883, %mul3A_882 : vector<16xf32>
          %sub3A_885 = arith.subf %add3A_884, %mul3A_879 : vector<16xf32>
          %max3A_886 = arith.constant 9.99999996E-13 : f32
          %max3A_887 = vector.broadcast %max3A_886 : f32 to vector<16xf32>
          %max3A_888 = arith.maximumf %sub3A_885, %max3A_887 : vector<16xf32>
          %mul3A_889 = arith.constant 5.000000e-01 : f32
          %mul3A_890 = vector.broadcast %mul3A_889 : f32 to vector<16xf32>
          %mul3A_891 = arith.mulf %mul3A_890, %max3A_888 : vector<16xf32>
          %gt3A_892 = arith.cmpf ogt, %mul3A_879, %mul3A_891 : vector<16xf32>
          %max3A_893 = vector.broadcast %reduce_max3A_107 : f32 to vector<16xf32>
          %max3A_894 = arith.maximumf %max3A_893, %get3A_696 : vector<16xf32>
          %max3A_895 = vector.broadcast %reduce_max3A_116 : f32 to vector<16xf32>
          %max3A_896 = arith.maximumf %max3A_895, %get3A_698 : vector<16xf32>
          %min3A_897 = vector.broadcast %reduce_max3A_125 : f32 to vector<16xf32>
          %min3A_898 = arith.minimumf %min3A_897, %get3A_700 : vector<16xf32>
          %min3A_899 = vector.broadcast %reduce_max3A_134 : f32 to vector<16xf32>
          %min3A_900 = arith.minimumf %min3A_899, %get3A_702 : vector<16xf32>
          %sub3A_901 = arith.subf %min3A_898, %max3A_894 : vector<16xf32>
          %max3A_902 = arith.constant 0.000000e+00 : f32
          %max3A_903 = vector.broadcast %max3A_902 : f32 to vector<16xf32>
          %max3A_904 = arith.maximumf %sub3A_901, %max3A_903 : vector<16xf32>
          %sub3A_905 = arith.subf %min3A_900, %max3A_896 : vector<16xf32>
          %max3A_906 = arith.constant 0.000000e+00 : f32
          %max3A_907 = vector.broadcast %max3A_906 : f32 to vector<16xf32>
          %max3A_908 = arith.maximumf %sub3A_905, %max3A_907 : vector<16xf32>
          %mul3A_909 = arith.mulf %max3A_904, %max3A_908 : vector<16xf32>
          %sub3A_910 = arith.subf %get3A_700, %get3A_696 : vector<16xf32>
          %sub3A_911 = arith.subf %get3A_702, %get3A_698 : vector<16xf32>
          %mul3A_912 = arith.mulf %sub3A_910, %sub3A_911 : vector<16xf32>
          %add3A_913 = vector.broadcast %mul3A_137 : f32 to vector<16xf32>
          %add3A_914 = arith.addf %add3A_913, %mul3A_912 : vector<16xf32>
          %sub3A_915 = arith.subf %add3A_914, %mul3A_909 : vector<16xf32>
          %max3A_916 = arith.constant 9.99999996E-13 : f32
          %max3A_917 = vector.broadcast %max3A_916 : f32 to vector<16xf32>
          %max3A_918 = arith.maximumf %sub3A_915, %max3A_917 : vector<16xf32>
          %mul3A_919 = arith.constant 5.000000e-01 : f32
          %mul3A_920 = vector.broadcast %mul3A_919 : f32 to vector<16xf32>
          %mul3A_921 = arith.mulf %mul3A_920, %max3A_918 : vector<16xf32>
          %gt3A_922 = arith.cmpf ogt, %mul3A_909, %mul3A_921 : vector<16xf32>
          %max3A_923 = vector.broadcast %reduce_max3A_107 : f32 to vector<16xf32>
          %max3A_924 = arith.maximumf %max3A_923, %get3A_706 : vector<16xf32>
          %max3A_925 = vector.broadcast %reduce_max3A_116 : f32 to vector<16xf32>
          %max3A_926 = arith.maximumf %max3A_925, %get3A_708 : vector<16xf32>
          %min3A_927 = vector.broadcast %reduce_max3A_125 : f32 to vector<16xf32>
          %min3A_928 = arith.minimumf %min3A_927, %get3A_710 : vector<16xf32>
          %min3A_929 = vector.broadcast %reduce_max3A_134 : f32 to vector<16xf32>
          %min3A_930 = arith.minimumf %min3A_929, %get3A_712 : vector<16xf32>
          %sub3A_931 = arith.subf %min3A_928, %max3A_924 : vector<16xf32>
          %max3A_932 = arith.constant 0.000000e+00 : f32
          %max3A_933 = vector.broadcast %max3A_932 : f32 to vector<16xf32>
          %max3A_934 = arith.maximumf %sub3A_931, %max3A_933 : vector<16xf32>
          %sub3A_935 = arith.subf %min3A_930, %max3A_926 : vector<16xf32>
          %max3A_936 = arith.constant 0.000000e+00 : f32
          %max3A_937 = vector.broadcast %max3A_936 : f32 to vector<16xf32>
          %max3A_938 = arith.maximumf %sub3A_935, %max3A_937 : vector<16xf32>
          %mul3A_939 = arith.mulf %max3A_934, %max3A_938 : vector<16xf32>
          %sub3A_940 = arith.subf %get3A_710, %get3A_706 : vector<16xf32>
          %sub3A_941 = arith.subf %get3A_712, %get3A_708 : vector<16xf32>
          %mul3A_942 = arith.mulf %sub3A_940, %sub3A_941 : vector<16xf32>
          %add3A_943 = vector.broadcast %mul3A_137 : f32 to vector<16xf32>
          %add3A_944 = arith.addf %add3A_943, %mul3A_942 : vector<16xf32>
          %sub3A_945 = arith.subf %add3A_944, %mul3A_939 : vector<16xf32>
          %max3A_946 = arith.constant 9.99999996E-13 : f32
          %max3A_947 = vector.broadcast %max3A_946 : f32 to vector<16xf32>
          %max3A_948 = arith.maximumf %sub3A_945, %max3A_947 : vector<16xf32>
          %mul3A_949 = arith.constant 5.000000e-01 : f32
          %mul3A_950 = vector.broadcast %mul3A_949 : f32 to vector<16xf32>
          %mul3A_951 = arith.mulf %mul3A_950, %max3A_948 : vector<16xf32>
          %gt3A_952 = arith.cmpf ogt, %mul3A_939, %mul3A_951 : vector<16xf32>
          %add3A_953 = arith.constant 0 : i32
          %add3A_954 = arith.addi %mul3A_632, %add3A_953 : i32
          %add3A_955 = vector.broadcast %add3A_954 : i32 to vector<16xi32>
          %add3A_956 = arith.addi %add3A_955, %iota3A : vector<16xi32>
          tpu.vector_store_idx %arg26[%add3A_956], %broadcast_in_dim3A_39 masked %gt3A_742 : memref<5120xf32, #tpu.memory_space<vmem>>[vector<16xi32>], vector<16xf32>, vector<16xi1>
          %add3A_957 = arith.constant 16 : i32
          %add3A_958 = arith.addi %mul3A_632, %add3A_957 : i32
          %add3A_959 = vector.broadcast %add3A_958 : i32 to vector<16xi32>
          %add3A_960 = arith.addi %add3A_959, %iota3A : vector<16xi32>
          tpu.vector_store_idx %arg26[%add3A_960], %broadcast_in_dim3A_39 masked %gt3A_772 : memref<5120xf32, #tpu.memory_space<vmem>>[vector<16xi32>], vector<16xf32>, vector<16xi1>
          %add3A_961 = arith.constant 32 : i32
          %add3A_962 = arith.addi %mul3A_632, %add3A_961 : i32
          %add3A_963 = vector.broadcast %add3A_962 : i32 to vector<16xi32>
          %add3A_964 = arith.addi %add3A_963, %iota3A : vector<16xi32>
          tpu.vector_store_idx %arg26[%add3A_964], %broadcast_in_dim3A_39 masked %gt3A_802 : memref<5120xf32, #tpu.memory_space<vmem>>[vector<16xi32>], vector<16xf32>, vector<16xi1>
          %add3A_965 = arith.constant 48 : i32
          %add3A_966 = arith.addi %mul3A_632, %add3A_965 : i32
          %add3A_967 = vector.broadcast %add3A_966 : i32 to vector<16xi32>
          %add3A_968 = arith.addi %add3A_967, %iota3A : vector<16xi32>
          tpu.vector_store_idx %arg26[%add3A_968], %broadcast_in_dim3A_39 masked %gt3A_832 : memref<5120xf32, #tpu.memory_space<vmem>>[vector<16xi32>], vector<16xf32>, vector<16xi1>
          %add3A_969 = arith.constant 64 : i32
          %add3A_970 = arith.addi %mul3A_632, %add3A_969 : i32
          %add3A_971 = vector.broadcast %add3A_970 : i32 to vector<16xi32>
          %add3A_972 = arith.addi %add3A_971, %iota3A : vector<16xi32>
          tpu.vector_store_idx %arg26[%add3A_972], %broadcast_in_dim3A_39 masked %gt3A_862 : memref<5120xf32, #tpu.memory_space<vmem>>[vector<16xi32>], vector<16xf32>, vector<16xi1>
          %add3A_973 = arith.constant 80 : i32
          %add3A_974 = arith.addi %mul3A_632, %add3A_973 : i32
          %add3A_975 = vector.broadcast %add3A_974 : i32 to vector<16xi32>
          %add3A_976 = arith.addi %add3A_975, %iota3A : vector<16xi32>
          tpu.vector_store_idx %arg26[%add3A_976], %broadcast_in_dim3A_39 masked %gt3A_892 : memref<5120xf32, #tpu.memory_space<vmem>>[vector<16xi32>], vector<16xf32>, vector<16xi1>
          %add3A_977 = arith.constant 96 : i32
          %add3A_978 = arith.addi %mul3A_632, %add3A_977 : i32
          %add3A_979 = vector.broadcast %add3A_978 : i32 to vector<16xi32>
          %add3A_980 = arith.addi %add3A_979, %iota3A : vector<16xi32>
          tpu.vector_store_idx %arg26[%add3A_980], %broadcast_in_dim3A_39 masked %gt3A_922 : memref<5120xf32, #tpu.memory_space<vmem>>[vector<16xi32>], vector<16xf32>, vector<16xi1>
          %add3A_981 = arith.constant 112 : i32
          %add3A_982 = arith.addi %mul3A_632, %add3A_981 : i32
          %add3A_983 = vector.broadcast %add3A_982 : i32 to vector<16xi32>
          %add3A_984 = arith.addi %add3A_983, %iota3A : vector<16xi32>
          tpu.vector_store_idx %arg26[%add3A_984], %broadcast_in_dim3A_39 masked %gt3A_952 : memref<5120xf32, #tpu.memory_space<vmem>>[vector<16xi32>], vector<16xf32>, vector<16xi1>
        }
        %while3A_629 = arith.constant 1 : i32
        scf.for %while3A_630 = %while3A_627 to %while3A_623 step %while3A_629  : i32 {
          %mul3A_631 = arith.constant 128 : i32
          %mul3A_632 = arith.muli %while3A_630, %mul3A_631 : i32
          %add3A_633 = arith.constant 0 : i32
          %add3A_634 = arith.addi %mul3A_632, %add3A_633 : i32
          %get3A_635 = arith.index_cast %add3A_634 : i32 to index
          %get3A_636 = tpu.vector_load %arg22[%get3A_635] {strides = array<i32>} : memref<5120xf32, #tpu.memory_space<vmem>>, vector<16xf32>,
          %get3A_637 = arith.index_cast %add3A_634 : i32 to index
          %get3A_638 = tpu.vector_load %arg23[%get3A_637] {strides = array<i32>} : memref<5120xf32, #tpu.memory_space<vmem>>, vector<16xf32>,
          %get3A_639 = arith.index_cast %add3A_634 : i32 to index
          %get3A_640 = tpu.vector_load %arg24[%get3A_639] {strides = array<i32>} : memref<5120xf32, #tpu.memory_space<vmem>>, vector<16xf32>,
          %get3A_641 = arith.index_cast %add3A_634 : i32 to index
          %get3A_642 = tpu.vector_load %arg25[%get3A_641] {strides = array<i32>} : memref<5120xf32, #tpu.memory_space<vmem>>, vector<16xf32>,
          %add3A_643 = arith.constant 16 : i32
          %add3A_644 = arith.addi %mul3A_632, %add3A_643 : i32
          %get3A_645 = arith.index_cast %add3A_644 : i32 to index
          %get3A_646 = tpu.vector_load %arg22[%get3A_645] {strides = array<i32>} : memref<5120xf32, #tpu.memory_space<vmem>>, vector<16xf32>,
          %get3A_647 = arith.index_cast %add3A_644 : i32 to index
          %get3A_648 = tpu.vector_load %arg23[%get3A_647] {strides = array<i32>} : memref<5120xf32, #tpu.memory_space<vmem>>, vector<16xf32>,
          %get3A_649 = arith.index_cast %add3A_644 : i32 to index
          %get3A_650 = tpu.vector_load %arg24[%get3A_649] {strides = array<i32>} : memref<5120xf32, #tpu.memory_space<vmem>>, vector<16xf32>,
          %get3A_651 = arith.index_cast %add3A_644 : i32 to index
          %get3A_652 = tpu.vector_load %arg25[%get3A_651] {strides = array<i32>} : memref<5120xf32, #tpu.memory_space<vmem>>, vector<16xf32>,
          %add3A_653 = arith.constant 32 : i32
          %add3A_654 = arith.addi %mul3A_632, %add3A_653 : i32
          %get3A_655 = arith.index_cast %add3A_654 : i32 to index
          %get3A_656 = tpu.vector_load %arg22[%get3A_655] {strides = array<i32>} : memref<5120xf32, #tpu.memory_space<vmem>>, vector<16xf32>,
          %get3A_657 = arith.index_cast %add3A_654 : i32 to index
          %get3A_658 = tpu.vector_load %arg23[%get3A_657] {strides = array<i32>} : memref<5120xf32, #tpu.memory_space<vmem>>, vector<16xf32>,
          %get3A_659 = arith.index_cast %add3A_654 : i32 to index
          %get3A_660 = tpu.vector_load %arg24[%get3A_659] {strides = array<i32>} : memref<5120xf32, #tpu.memory_space<vmem>>, vector<16xf32>,
          %get3A_661 = arith.index_cast %add3A_654 : i32 to index
          %get3A_662 = tpu.vector_load %arg25[%get3A_661] {strides = array<i32>} : memref<5120xf32, #tpu.memory_space<vmem>>, vector<16xf32>,
          %add3A_663 = arith.constant 48 : i32
          %add3A_664 = arith.addi %mul3A_632, %add3A_663 : i32
          %get3A_665 = arith.index_cast %add3A_664 : i32 to index
          %get3A_666 = tpu.vector_load %arg22[%get3A_665] {strides = array<i32>} : memref<5120xf32, #tpu.memory_space<vmem>>, vector<16xf32>,
          %get3A_667 = arith.index_cast %add3A_664 : i32 to index
          %get3A_668 = tpu.vector_load %arg23[%get3A_667] {strides = array<i32>} : memref<5120xf32, #tpu.memory_space<vmem>>, vector<16xf32>,
          %get3A_669 = arith.index_cast %add3A_664 : i32 to index
          %get3A_670 = tpu.vector_load %arg24[%get3A_669] {strides = array<i32>} : memref<5120xf32, #tpu.memory_space<vmem>>, vector<16xf32>,
          %get3A_671 = arith.index_cast %add3A_664 : i32 to index
          %get3A_672 = tpu.vector_load %arg25[%get3A_671] {strides = array<i32>} : memref<5120xf32, #tpu.memory_space<vmem>>, vector<16xf32>,
          %add3A_673 = arith.constant 64 : i32
          %add3A_674 = arith.addi %mul3A_632, %add3A_673 : i32
          %get3A_675 = arith.index_cast %add3A_674 : i32 to index
          %get3A_676 = tpu.vector_load %arg22[%get3A_675] {strides = array<i32>} : memref<5120xf32, #tpu.memory_space<vmem>>, vector<16xf32>,
          %get3A_677 = arith.index_cast %add3A_674 : i32 to index
          %get3A_678 = tpu.vector_load %arg23[%get3A_677] {strides = array<i32>} : memref<5120xf32, #tpu.memory_space<vmem>>, vector<16xf32>,
          %get3A_679 = arith.index_cast %add3A_674 : i32 to index
          %get3A_680 = tpu.vector_load %arg24[%get3A_679] {strides = array<i32>} : memref<5120xf32, #tpu.memory_space<vmem>>, vector<16xf32>,
          %get3A_681 = arith.index_cast %add3A_674 : i32 to index
          %get3A_682 = tpu.vector_load %arg25[%get3A_681] {strides = array<i32>} : memref<5120xf32, #tpu.memory_space<vmem>>, vector<16xf32>,
          %add3A_683 = arith.constant 80 : i32
          %add3A_684 = arith.addi %mul3A_632, %add3A_683 : i32
          %get3A_685 = arith.index_cast %add3A_684 : i32 to index
          %get3A_686 = tpu.vector_load %arg22[%get3A_685] {strides = array<i32>} : memref<5120xf32, #tpu.memory_space<vmem>>, vector<16xf32>,
          %get3A_687 = arith.index_cast %add3A_684 : i32 to index
          %get3A_688 = tpu.vector_load %arg23[%get3A_687] {strides = array<i32>} : memref<5120xf32, #tpu.memory_space<vmem>>, vector<16xf32>,
          %get3A_689 = arith.index_cast %add3A_684 : i32 to index
          %get3A_690 = tpu.vector_load %arg24[%get3A_689] {strides = array<i32>} : memref<5120xf32, #tpu.memory_space<vmem>>, vector<16xf32>,
          %get3A_691 = arith.index_cast %add3A_684 : i32 to index
          %get3A_692 = tpu.vector_load %arg25[%get3A_691] {strides = array<i32>} : memref<5120xf32, #tpu.memory_space<vmem>>, vector<16xf32>,
          %add3A_693 = arith.constant 96 : i32
          %add3A_694 = arith.addi %mul3A_632, %add3A_693 : i32
          %get3A_695 = arith.index_cast %add3A_694 : i32 to index
          %get3A_696 = tpu.vector_load %arg22[%get3A_695] {strides = array<i32>} : memref<5120xf32, #tpu.memory_space<vmem>>, vector<16xf32>,
          %get3A_697 = arith.index_cast %add3A_694 : i32 to index
          %get3A_698 = tpu.vector_load %arg23[%get3A_697] {strides = array<i32>} : memref<5120xf32, #tpu.memory_space<vmem>>, vector<16xf32>,
          %get3A_699 = arith.index_cast %add3A_694 : i32 to index
          %get3A_700 = tpu.vector_load %arg24[%get3A_699] {strides = array<i32>} : memref<5120xf32, #tpu.memory_space<vmem>>, vector<16xf32>,
          %get3A_701 = arith.index_cast %add3A_694 : i32 to index
          %get3A_702 = tpu.vector_load %arg25[%get3A_701] {strides = array<i32>} : memref<5120xf32, #tpu.memory_space<vmem>>, vector<16xf32>,
          %add3A_703 = arith.constant 112 : i32
          %add3A_704 = arith.addi %mul3A_632, %add3A_703 : i32
          %get3A_705 = arith.index_cast %add3A_704 : i32 to index
          %get3A_706 = tpu.vector_load %arg22[%get3A_705] {strides = array<i32>} : memref<5120xf32, #tpu.memory_space<vmem>>, vector<16xf32>,
          %get3A_707 = arith.index_cast %add3A_704 : i32 to index
          %get3A_708 = tpu.vector_load %arg23[%get3A_707] {strides = array<i32>} : memref<5120xf32, #tpu.memory_space<vmem>>, vector<16xf32>,
          %get3A_709 = arith.index_cast %add3A_704 : i32 to index
          %get3A_710 = tpu.vector_load %arg24[%get3A_709] {strides = array<i32>} : memref<5120xf32, #tpu.memory_space<vmem>>, vector<16xf32>,
          %get3A_711 = arith.index_cast %add3A_704 : i32 to index
          %get3A_712 = tpu.vector_load %arg25[%get3A_711] {strides = array<i32>} : memref<5120xf32, #tpu.memory_space<vmem>>, vector<16xf32>,
          %max3A_713 = vector.broadcast %reduce_max3A_107 : f32 to vector<16xf32>
          %max3A_714 = arith.maximumf %max3A_713, %get3A_636 : vector<16xf32>
          %max3A_715 = vector.broadcast %reduce_max3A_116 : f32 to vector<16xf32>
          %max3A_716 = arith.maximumf %max3A_715, %get3A_638 : vector<16xf32>
          %min3A_717 = vector.broadcast %reduce_max3A_125 : f32 to vector<16xf32>
          %min3A_718 = arith.minimumf %min3A_717, %get3A_640 : vector<16xf32>
          %min3A_719 = vector.broadcast %reduce_max3A_134 : f32 to vector<16xf32>
          %min3A_720 = arith.minimumf %min3A_719, %get3A_642 : vector<16xf32>
          %sub3A_721 = arith.subf %min3A_718, %max3A_714 : vector<16xf32>
          %max3A_722 = arith.constant 0.000000e+00 : f32
          %max3A_723 = vector.broadcast %max3A_722 : f32 to vector<16xf32>
          %max3A_724 = arith.maximumf %sub3A_721, %max3A_723 : vector<16xf32>
          %sub3A_725 = arith.subf %min3A_720, %max3A_716 : vector<16xf32>
          %max3A_726 = arith.constant 0.000000e+00 : f32
          %max3A_727 = vector.broadcast %max3A_726 : f32 to vector<16xf32>
          %max3A_728 = arith.maximumf %sub3A_725, %max3A_727 : vector<16xf32>
          %mul3A_729 = arith.mulf %max3A_724, %max3A_728 : vector<16xf32>
          %sub3A_730 = arith.subf %get3A_640, %get3A_636 : vector<16xf32>
          %sub3A_731 = arith.subf %get3A_642, %get3A_638 : vector<16xf32>
          %mul3A_732 = arith.mulf %sub3A_730, %sub3A_731 : vector<16xf32>
          %add3A_733 = vector.broadcast %mul3A_137 : f32 to vector<16xf32>
          %add3A_734 = arith.addf %add3A_733, %mul3A_732 : vector<16xf32>
          %sub3A_735 = arith.subf %add3A_734, %mul3A_729 : vector<16xf32>
          %max3A_736 = arith.constant 9.99999996E-13 : f32
          %max3A_737 = vector.broadcast %max3A_736 : f32 to vector<16xf32>
          %max3A_738 = arith.maximumf %sub3A_735, %max3A_737 : vector<16xf32>
          %mul3A_739 = arith.constant 5.000000e-01 : f32
          %mul3A_740 = vector.broadcast %mul3A_739 : f32 to vector<16xf32>
          %mul3A_741 = arith.mulf %mul3A_740, %max3A_738 : vector<16xf32>
          %gt3A_742 = arith.cmpf ogt, %mul3A_729, %mul3A_741 : vector<16xf32>
          %max3A_743 = vector.broadcast %reduce_max3A_107 : f32 to vector<16xf32>
          %max3A_744 = arith.maximumf %max3A_743, %get3A_646 : vector<16xf32>
          %max3A_745 = vector.broadcast %reduce_max3A_116 : f32 to vector<16xf32>
          %max3A_746 = arith.maximumf %max3A_745, %get3A_648 : vector<16xf32>
          %min3A_747 = vector.broadcast %reduce_max3A_125 : f32 to vector<16xf32>
          %min3A_748 = arith.minimumf %min3A_747, %get3A_650 : vector<16xf32>
          %min3A_749 = vector.broadcast %reduce_max3A_134 : f32 to vector<16xf32>
          %min3A_750 = arith.minimumf %min3A_749, %get3A_652 : vector<16xf32>
          %sub3A_751 = arith.subf %min3A_748, %max3A_744 : vector<16xf32>
          %max3A_752 = arith.constant 0.000000e+00 : f32
          %max3A_753 = vector.broadcast %max3A_752 : f32 to vector<16xf32>
          %max3A_754 = arith.maximumf %sub3A_751, %max3A_753 : vector<16xf32>
          %sub3A_755 = arith.subf %min3A_750, %max3A_746 : vector<16xf32>
          %max3A_756 = arith.constant 0.000000e+00 : f32
          %max3A_757 = vector.broadcast %max3A_756 : f32 to vector<16xf32>
          %max3A_758 = arith.maximumf %sub3A_755, %max3A_757 : vector<16xf32>
          %mul3A_759 = arith.mulf %max3A_754, %max3A_758 : vector<16xf32>
          %sub3A_760 = arith.subf %get3A_650, %get3A_646 : vector<16xf32>
          %sub3A_761 = arith.subf %get3A_652, %get3A_648 : vector<16xf32>
          %mul3A_762 = arith.mulf %sub3A_760, %sub3A_761 : vector<16xf32>
          %add3A_763 = vector.broadcast %mul3A_137 : f32 to vector<16xf32>
          %add3A_764 = arith.addf %add3A_763, %mul3A_762 : vector<16xf32>
          %sub3A_765 = arith.subf %add3A_764, %mul3A_759 : vector<16xf32>
          %max3A_766 = arith.constant 9.99999996E-13 : f32
          %max3A_767 = vector.broadcast %max3A_766 : f32 to vector<16xf32>
          %max3A_768 = arith.maximumf %sub3A_765, %max3A_767 : vector<16xf32>
          %mul3A_769 = arith.constant 5.000000e-01 : f32
          %mul3A_770 = vector.broadcast %mul3A_769 : f32 to vector<16xf32>
          %mul3A_771 = arith.mulf %mul3A_770, %max3A_768 : vector<16xf32>
          %gt3A_772 = arith.cmpf ogt, %mul3A_759, %mul3A_771 : vector<16xf32>
          %max3A_773 = vector.broadcast %reduce_max3A_107 : f32 to vector<16xf32>
          %max3A_774 = arith.maximumf %max3A_773, %get3A_656 : vector<16xf32>
          %max3A_775 = vector.broadcast %reduce_max3A_116 : f32 to vector<16xf32>
          %max3A_776 = arith.maximumf %max3A_775, %get3A_658 : vector<16xf32>
          %min3A_777 = vector.broadcast %reduce_max3A_125 : f32 to vector<16xf32>
          %min3A_778 = arith.minimumf %min3A_777, %get3A_660 : vector<16xf32>
          %min3A_779 = vector.broadcast %reduce_max3A_134 : f32 to vector<16xf32>
          %min3A_780 = arith.minimumf %min3A_779, %get3A_662 : vector<16xf32>
          %sub3A_781 = arith.subf %min3A_778, %max3A_774 : vector<16xf32>
          %max3A_782 = arith.constant 0.000000e+00 : f32
          %max3A_783 = vector.broadcast %max3A_782 : f32 to vector<16xf32>
          %max3A_784 = arith.maximumf %sub3A_781, %max3A_783 : vector<16xf32>
          %sub3A_785 = arith.subf %min3A_780, %max3A_776 : vector<16xf32>
          %max3A_786 = arith.constant 0.000000e+00 : f32
          %max3A_787 = vector.broadcast %max3A_786 : f32 to vector<16xf32>
          %max3A_788 = arith.maximumf %sub3A_785, %max3A_787 : vector<16xf32>
          %mul3A_789 = arith.mulf %max3A_784, %max3A_788 : vector<16xf32>
          %sub3A_790 = arith.subf %get3A_660, %get3A_656 : vector<16xf32>
          %sub3A_791 = arith.subf %get3A_662, %get3A_658 : vector<16xf32>
          %mul3A_792 = arith.mulf %sub3A_790, %sub3A_791 : vector<16xf32>
          %add3A_793 = vector.broadcast %mul3A_137 : f32 to vector<16xf32>
          %add3A_794 = arith.addf %add3A_793, %mul3A_792 : vector<16xf32>
          %sub3A_795 = arith.subf %add3A_794, %mul3A_789 : vector<16xf32>
          %max3A_796 = arith.constant 9.99999996E-13 : f32
          %max3A_797 = vector.broadcast %max3A_796 : f32 to vector<16xf32>
          %max3A_798 = arith.maximumf %sub3A_795, %max3A_797 : vector<16xf32>
          %mul3A_799 = arith.constant 5.000000e-01 : f32
          %mul3A_800 = vector.broadcast %mul3A_799 : f32 to vector<16xf32>
          %mul3A_801 = arith.mulf %mul3A_800, %max3A_798 : vector<16xf32>
          %gt3A_802 = arith.cmpf ogt, %mul3A_789, %mul3A_801 : vector<16xf32>
          %max3A_803 = vector.broadcast %reduce_max3A_107 : f32 to vector<16xf32>
          %max3A_804 = arith.maximumf %max3A_803, %get3A_666 : vector<16xf32>
          %max3A_805 = vector.broadcast %reduce_max3A_116 : f32 to vector<16xf32>
          %max3A_806 = arith.maximumf %max3A_805, %get3A_668 : vector<16xf32>
          %min3A_807 = vector.broadcast %reduce_max3A_125 : f32 to vector<16xf32>
          %min3A_808 = arith.minimumf %min3A_807, %get3A_670 : vector<16xf32>
          %min3A_809 = vector.broadcast %reduce_max3A_134 : f32 to vector<16xf32>
          %min3A_810 = arith.minimumf %min3A_809, %get3A_672 : vector<16xf32>
          %sub3A_811 = arith.subf %min3A_808, %max3A_804 : vector<16xf32>
          %max3A_812 = arith.constant 0.000000e+00 : f32
          %max3A_813 = vector.broadcast %max3A_812 : f32 to vector<16xf32>
          %max3A_814 = arith.maximumf %sub3A_811, %max3A_813 : vector<16xf32>
          %sub3A_815 = arith.subf %min3A_810, %max3A_806 : vector<16xf32>
          %max3A_816 = arith.constant 0.000000e+00 : f32
          %max3A_817 = vector.broadcast %max3A_816 : f32 to vector<16xf32>
          %max3A_818 = arith.maximumf %sub3A_815, %max3A_817 : vector<16xf32>
          %mul3A_819 = arith.mulf %max3A_814, %max3A_818 : vector<16xf32>
          %sub3A_820 = arith.subf %get3A_670, %get3A_666 : vector<16xf32>
          %sub3A_821 = arith.subf %get3A_672, %get3A_668 : vector<16xf32>
          %mul3A_822 = arith.mulf %sub3A_820, %sub3A_821 : vector<16xf32>
          %add3A_823 = vector.broadcast %mul3A_137 : f32 to vector<16xf32>
          %add3A_824 = arith.addf %add3A_823, %mul3A_822 : vector<16xf32>
          %sub3A_825 = arith.subf %add3A_824, %mul3A_819 : vector<16xf32>
          %max3A_826 = arith.constant 9.99999996E-13 : f32
          %max3A_827 = vector.broadcast %max3A_826 : f32 to vector<16xf32>
          %max3A_828 = arith.maximumf %sub3A_825, %max3A_827 : vector<16xf32>
          %mul3A_829 = arith.constant 5.000000e-01 : f32
          %mul3A_830 = vector.broadcast %mul3A_829 : f32 to vector<16xf32>
          %mul3A_831 = arith.mulf %mul3A_830, %max3A_828 : vector<16xf32>
          %gt3A_832 = arith.cmpf ogt, %mul3A_819, %mul3A_831 : vector<16xf32>
          %max3A_833 = vector.broadcast %reduce_max3A_107 : f32 to vector<16xf32>
          %max3A_834 = arith.maximumf %max3A_833, %get3A_676 : vector<16xf32>
          %max3A_835 = vector.broadcast %reduce_max3A_116 : f32 to vector<16xf32>
          %max3A_836 = arith.maximumf %max3A_835, %get3A_678 : vector<16xf32>
          %min3A_837 = vector.broadcast %reduce_max3A_125 : f32 to vector<16xf32>
          %min3A_838 = arith.minimumf %min3A_837, %get3A_680 : vector<16xf32>
          %min3A_839 = vector.broadcast %reduce_max3A_134 : f32 to vector<16xf32>
          %min3A_840 = arith.minimumf %min3A_839, %get3A_682 : vector<16xf32>
          %sub3A_841 = arith.subf %min3A_838, %max3A_834 : vector<16xf32>
          %max3A_842 = arith.constant 0.000000e+00 : f32
          %max3A_843 = vector.broadcast %max3A_842 : f32 to vector<16xf32>
          %max3A_844 = arith.maximumf %sub3A_841, %max3A_843 : vector<16xf32>
          %sub3A_845 = arith.subf %min3A_840, %max3A_836 : vector<16xf32>
          %max3A_846 = arith.constant 0.000000e+00 : f32
          %max3A_847 = vector.broadcast %max3A_846 : f32 to vector<16xf32>
          %max3A_848 = arith.maximumf %sub3A_845, %max3A_847 : vector<16xf32>
          %mul3A_849 = arith.mulf %max3A_844, %max3A_848 : vector<16xf32>
          %sub3A_850 = arith.subf %get3A_680, %get3A_676 : vector<16xf32>
          %sub3A_851 = arith.subf %get3A_682, %get3A_678 : vector<16xf32>
          %mul3A_852 = arith.mulf %sub3A_850, %sub3A_851 : vector<16xf32>
          %add3A_853 = vector.broadcast %mul3A_137 : f32 to vector<16xf32>
          %add3A_854 = arith.addf %add3A_853, %mul3A_852 : vector<16xf32>
          %sub3A_855 = arith.subf %add3A_854, %mul3A_849 : vector<16xf32>
          %max3A_856 = arith.constant 9.99999996E-13 : f32
          %max3A_857 = vector.broadcast %max3A_856 : f32 to vector<16xf32>
          %max3A_858 = arith.maximumf %sub3A_855, %max3A_857 : vector<16xf32>
          %mul3A_859 = arith.constant 5.000000e-01 : f32
          %mul3A_860 = vector.broadcast %mul3A_859 : f32 to vector<16xf32>
          %mul3A_861 = arith.mulf %mul3A_860, %max3A_858 : vector<16xf32>
          %gt3A_862 = arith.cmpf ogt, %mul3A_849, %mul3A_861 : vector<16xf32>
          %max3A_863 = vector.broadcast %reduce_max3A_107 : f32 to vector<16xf32>
          %max3A_864 = arith.maximumf %max3A_863, %get3A_686 : vector<16xf32>
          %max3A_865 = vector.broadcast %reduce_max3A_116 : f32 to vector<16xf32>
          %max3A_866 = arith.maximumf %max3A_865, %get3A_688 : vector<16xf32>
          %min3A_867 = vector.broadcast %reduce_max3A_125 : f32 to vector<16xf32>
          %min3A_868 = arith.minimumf %min3A_867, %get3A_690 : vector<16xf32>
          %min3A_869 = vector.broadcast %reduce_max3A_134 : f32 to vector<16xf32>
          %min3A_870 = arith.minimumf %min3A_869, %get3A_692 : vector<16xf32>
          %sub3A_871 = arith.subf %min3A_868, %max3A_864 : vector<16xf32>
          %max3A_872 = arith.constant 0.000000e+00 : f32
          %max3A_873 = vector.broadcast %max3A_872 : f32 to vector<16xf32>
          %max3A_874 = arith.maximumf %sub3A_871, %max3A_873 : vector<16xf32>
          %sub3A_875 = arith.subf %min3A_870, %max3A_866 : vector<16xf32>
          %max3A_876 = arith.constant 0.000000e+00 : f32
          %max3A_877 = vector.broadcast %max3A_876 : f32 to vector<16xf32>
          %max3A_878 = arith.maximumf %sub3A_875, %max3A_877 : vector<16xf32>
          %mul3A_879 = arith.mulf %max3A_874, %max3A_878 : vector<16xf32>
          %sub3A_880 = arith.subf %get3A_690, %get3A_686 : vector<16xf32>
          %sub3A_881 = arith.subf %get3A_692, %get3A_688 : vector<16xf32>
          %mul3A_882 = arith.mulf %sub3A_880, %sub3A_881 : vector<16xf32>
          %add3A_883 = vector.broadcast %mul3A_137 : f32 to vector<16xf32>
          %add3A_884 = arith.addf %add3A_883, %mul3A_882 : vector<16xf32>
          %sub3A_885 = arith.subf %add3A_884, %mul3A_879 : vector<16xf32>
          %max3A_886 = arith.constant 9.99999996E-13 : f32
          %max3A_887 = vector.broadcast %max3A_886 : f32 to vector<16xf32>
          %max3A_888 = arith.maximumf %sub3A_885, %max3A_887 : vector<16xf32>
          %mul3A_889 = arith.constant 5.000000e-01 : f32
          %mul3A_890 = vector.broadcast %mul3A_889 : f32 to vector<16xf32>
          %mul3A_891 = arith.mulf %mul3A_890, %max3A_888 : vector<16xf32>
          %gt3A_892 = arith.cmpf ogt, %mul3A_879, %mul3A_891 : vector<16xf32>
          %max3A_893 = vector.broadcast %reduce_max3A_107 : f32 to vector<16xf32>
          %max3A_894 = arith.maximumf %max3A_893, %get3A_696 : vector<16xf32>
          %max3A_895 = vector.broadcast %reduce_max3A_116 : f32 to vector<16xf32>
          %max3A_896 = arith.maximumf %max3A_895, %get3A_698 : vector<16xf32>
          %min3A_897 = vector.broadcast %reduce_max3A_125 : f32 to vector<16xf32>
          %min3A_898 = arith.minimumf %min3A_897, %get3A_700 : vector<16xf32>
          %min3A_899 = vector.broadcast %reduce_max3A_134 : f32 to vector<16xf32>
          %min3A_900 = arith.minimumf %min3A_899, %get3A_702 : vector<16xf32>
          %sub3A_901 = arith.subf %min3A_898, %max3A_894 : vector<16xf32>
          %max3A_902 = arith.constant 0.000000e+00 : f32
          %max3A_903 = vector.broadcast %max3A_902 : f32 to vector<16xf32>
          %max3A_904 = arith.maximumf %sub3A_901, %max3A_903 : vector<16xf32>
          %sub3A_905 = arith.subf %min3A_900, %max3A_896 : vector<16xf32>
          %max3A_906 = arith.constant 0.000000e+00 : f32
          %max3A_907 = vector.broadcast %max3A_906 : f32 to vector<16xf32>
          %max3A_908 = arith.maximumf %sub3A_905, %max3A_907 : vector<16xf32>
          %mul3A_909 = arith.mulf %max3A_904, %max3A_908 : vector<16xf32>
          %sub3A_910 = arith.subf %get3A_700, %get3A_696 : vector<16xf32>
          %sub3A_911 = arith.subf %get3A_702, %get3A_698 : vector<16xf32>
          %mul3A_912 = arith.mulf %sub3A_910, %sub3A_911 : vector<16xf32>
          %add3A_913 = vector.broadcast %mul3A_137 : f32 to vector<16xf32>
          %add3A_914 = arith.addf %add3A_913, %mul3A_912 : vector<16xf32>
          %sub3A_915 = arith.subf %add3A_914, %mul3A_909 : vector<16xf32>
          %max3A_916 = arith.constant 9.99999996E-13 : f32
          %max3A_917 = vector.broadcast %max3A_916 : f32 to vector<16xf32>
          %max3A_918 = arith.maximumf %sub3A_915, %max3A_917 : vector<16xf32>
          %mul3A_919 = arith.constant 5.000000e-01 : f32
          %mul3A_920 = vector.broadcast %mul3A_919 : f32 to vector<16xf32>
          %mul3A_921 = arith.mulf %mul3A_920, %max3A_918 : vector<16xf32>
          %gt3A_922 = arith.cmpf ogt, %mul3A_909, %mul3A_921 : vector<16xf32>
          %max3A_923 = vector.broadcast %reduce_max3A_107 : f32 to vector<16xf32>
          %max3A_924 = arith.maximumf %max3A_923, %get3A_706 : vector<16xf32>
          %max3A_925 = vector.broadcast %reduce_max3A_116 : f32 to vector<16xf32>
          %max3A_926 = arith.maximumf %max3A_925, %get3A_708 : vector<16xf32>
          %min3A_927 = vector.broadcast %reduce_max3A_125 : f32 to vector<16xf32>
          %min3A_928 = arith.minimumf %min3A_927, %get3A_710 : vector<16xf32>
          %min3A_929 = vector.broadcast %reduce_max3A_134 : f32 to vector<16xf32>
          %min3A_930 = arith.minimumf %min3A_929, %get3A_712 : vector<16xf32>
          %sub3A_931 = arith.subf %min3A_928, %max3A_924 : vector<16xf32>
          %max3A_932 = arith.constant 0.000000e+00 : f32
          %max3A_933 = vector.broadcast %max3A_932 : f32 to vector<16xf32>
          %max3A_934 = arith.maximumf %sub3A_931, %max3A_933 : vector<16xf32>
          %sub3A_935 = arith.subf %min3A_930, %max3A_926 : vector<16xf32>
          %max3A_936 = arith.constant 0.000000e+00 : f32
          %max3A_937 = vector.broadcast %max3A_936 : f32 to vector<16xf32>
          %max3A_938 = arith.maximumf %sub3A_935, %max3A_937 : vector<16xf32>
          %mul3A_939 = arith.mulf %max3A_934, %max3A_938 : vector<16xf32>
          %sub3A_940 = arith.subf %get3A_710, %get3A_706 : vector<16xf32>
          %sub3A_941 = arith.subf %get3A_712, %get3A_708 : vector<16xf32>
          %mul3A_942 = arith.mulf %sub3A_940, %sub3A_941 : vector<16xf32>
          %add3A_943 = vector.broadcast %mul3A_137 : f32 to vector<16xf32>
          %add3A_944 = arith.addf %add3A_943, %mul3A_942 : vector<16xf32>
          %sub3A_945 = arith.subf %add3A_944, %mul3A_939 : vector<16xf32>
          %max3A_946 = arith.constant 9.99999996E-13 : f32
          %max3A_947 = vector.broadcast %max3A_946 : f32 to vector<16xf32>
          %max3A_948 = arith.maximumf %sub3A_945, %max3A_947 : vector<16xf32>
          %mul3A_949 = arith.constant 5.000000e-01 : f32
          %mul3A_950 = vector.broadcast %mul3A_949 : f32 to vector<16xf32>
          %mul3A_951 = arith.mulf %mul3A_950, %max3A_948 : vector<16xf32>
          %gt3A_952 = arith.cmpf ogt, %mul3A_939, %mul3A_951 : vector<16xf32>
          %add3A_953 = arith.constant 0 : i32
          %add3A_954 = arith.addi %mul3A_632, %add3A_953 : i32
          %add3A_955 = vector.broadcast %add3A_954 : i32 to vector<16xi32>
          %add3A_956 = arith.addi %add3A_955, %iota3A : vector<16xi32>
          tpu.vector_store_idx %arg26[%add3A_956], %broadcast_in_dim3A_39 masked %gt3A_742 : memref<5120xf32, #tpu.memory_space<vmem>>[vector<16xi32>], vector<16xf32>, vector<16xi1>
          %add3A_957 = arith.constant 16 : i32
          %add3A_958 = arith.addi %mul3A_632, %add3A_957 : i32
          %add3A_959 = vector.broadcast %add3A_958 : i32 to vector<16xi32>
          %add3A_960 = arith.addi %add3A_959, %iota3A : vector<16xi32>
          tpu.vector_store_idx %arg26[%add3A_960], %broadcast_in_dim3A_39 masked %gt3A_772 : memref<5120xf32, #tpu.memory_space<vmem>>[vector<16xi32>], vector<16xf32>, vector<16xi1>
          %add3A_961 = arith.constant 32 : i32
          %add3A_962 = arith.addi %mul3A_632, %add3A_961 : i32
          %add3A_963 = vector.broadcast %add3A_962 : i32 to vector<16xi32>
          %add3A_964 = arith.addi %add3A_963, %iota3A : vector<16xi32>
          tpu.vector_store_idx %arg26[%add3A_964], %broadcast_in_dim3A_39 masked %gt3A_802 : memref<5120xf32, #tpu.memory_space<vmem>>[vector<16xi32>], vector<16xf32>, vector<16xi1>
          %add3A_965 = arith.constant 48 : i32
          %add3A_966 = arith.addi %mul3A_632, %add3A_965 : i32
          %add3A_967 = vector.broadcast %add3A_966 : i32 to vector<16xi32>
          %add3A_968 = arith.addi %add3A_967, %iota3A : vector<16xi32>
          tpu.vector_store_idx %arg26[%add3A_968], %broadcast_in_dim3A_39 masked %gt3A_832 : memref<5120xf32, #tpu.memory_space<vmem>>[vector<16xi32>], vector<16xf32>, vector<16xi1>
          %add3A_969 = arith.constant 64 : i32
          %add3A_970 = arith.addi %mul3A_632, %add3A_969 : i32
          %add3A_971 = vector.broadcast %add3A_970 : i32 to vector<16xi32>
          %add3A_972 = arith.addi %add3A_971, %iota3A : vector<16xi32>
          tpu.vector_store_idx %arg26[%add3A_972], %broadcast_in_dim3A_39 masked %gt3A_862 : memref<5120xf32, #tpu.memory_space<vmem>>[vector<16xi32>], vector<16xf32>, vector<16xi1>
          %add3A_973 = arith.constant 80 : i32
          %add3A_974 = arith.addi %mul3A_632, %add3A_973 : i32
          %add3A_975 = vector.broadcast %add3A_974 : i32 to vector<16xi32>
          %add3A_976 = arith.addi %add3A_975, %iota3A : vector<16xi32>
          tpu.vector_store_idx %arg26[%add3A_976], %broadcast_in_dim3A_39 masked %gt3A_892 : memref<5120xf32, #tpu.memory_space<vmem>>[vector<16xi32>], vector<16xf32>, vector<16xi1>
          %add3A_977 = arith.constant 96 : i32
          %add3A_978 = arith.addi %mul3A_632, %add3A_977 : i32
          %add3A_979 = vector.broadcast %add3A_978 : i32 to vector<16xi32>
          %add3A_980 = arith.addi %add3A_979, %iota3A : vector<16xi32>
          tpu.vector_store_idx %arg26[%add3A_980], %broadcast_in_dim3A_39 masked %gt3A_922 : memref<5120xf32, #tpu.memory_space<vmem>>[vector<16xi32>], vector<16xf32>, vector<16xi1>
          %add3A_981 = arith.constant 112 : i32
          %add3A_982 = arith.addi %mul3A_632, %add3A_981 : i32
          %add3A_983 = vector.broadcast %add3A_982 : i32 to vector<16xi32>
          %add3A_984 = arith.addi %add3A_983, %iota3A : vector<16xi32>
          tpu.vector_store_idx %arg26[%add3A_984], %broadcast_in_dim3A_39 masked %gt3A_952 : memref<5120xf32, #tpu.memory_space<vmem>>[vector<16xi32>], vector<16xf32>, vector<16xi1>
        }
      } else {
      }
      %jit3A_146 = arith.constant 1 : i32
      %jit3A_147 = arith.constant 0 : i32
      %select_n3A_148 = arith.select %gt3A_139, %jit3A_146, %jit3A_147 : i32
      %add3A_149 = arith.addi %while3A_62, %select_n3A_148 : i32
      %add3A_150 = arith.constant 1 : i32
      %add3A_151 = arith.addi %while3A_61, %add3A_150 : i32
      scf.yield %add3A_151, %add3A_149 : i32, i32
    }
    %lt3A_50 = arith.constant 300 : i32
    %lt3A_51 = arith.cmpi slt, %while3A_49#1, %lt3A_50 : i32
    %and3A_52 = arith.andi %eq3A_32, %lt3A_51 : i1
    %gt3A = arith.constant 512 : i32
    %gt3A_53 = arith.cmpi sgt, %scan3A_44, %gt3A : i32
    %and3A_54 = arith.andi %and3A_52, %gt3A_53 : i1
    %convert_element_type3A_55 = arith.extui %and3A_54 : i1 to i32
    %cond3A_56 = arith.constant 0 : i32
    %cond3A_57 = arith.cmpi ne, %convert_element_type3A_55, %cond3A_56 : i32
    scf.if %cond3A_57 {
      %scan3A_61 = arith.constant 0 : i32
      %scan3A_62 = arith.constant 0 : i32
      %scan3A_63 = arith.constant 512 : i32
      %scan3A_64 = arith.addi %scan3A_62, %scan3A_63 : i32
      %scan3A_65 = arith.constant 1 : i32
      scf.for %scan3A_69 = %scan3A_62 to %scan3A_64 step %scan3A_65  : i32 {
        %jit3A_70 = arith.constant 16 : i32
        %div3A_71 = arith.divsi %scan3A_69, %jit3A_70 : i32
        %sign3A_72 = arith.constant 0 : i32
        %sign3A_73 = arith.cmpi sgt, %scan3A_69, %sign3A_72 : i32
        %sign3A_74 = arith.extui %sign3A_73 : i1 to i32
        %sign3A_75 = arith.constant 0 : i32
        %sign3A_76 = arith.cmpi slt, %scan3A_69, %sign3A_75 : i32
        %sign3A_77 = arith.extui %sign3A_76 : i1 to i32
        %sign3A_78 = arith.subi %sign3A_74, %sign3A_77 : i32
        %sign3A_79 = arith.constant 0 : i32
        %sign3A_80 = arith.cmpi sgt, %jit3A_70, %sign3A_79 : i32
        %sign3A_81 = arith.extui %sign3A_80 : i1 to i32
        %sign3A_82 = arith.constant 0 : i32
        %sign3A_83 = arith.cmpi slt, %jit3A_70, %sign3A_82 : i32
        %sign3A_84 = arith.extui %sign3A_83 : i1 to i32
        %sign3A_85 = arith.subi %sign3A_81, %sign3A_84 : i32
        %ne3A_86 = arith.cmpi ne, %sign3A_78, %sign3A_85 : i32
        %rem3A_87 = arith.remsi %scan3A_69, %jit3A_70 : i32
        %ne3A_88 = arith.constant 0 : i32
        %ne3A_89 = arith.cmpi ne, %rem3A_87, %ne3A_88 : i32
        %and3A_90 = arith.andi %ne3A_86, %ne3A_89 : i1
        %sub3A_91 = arith.constant 1 : i32
        %sub3A_92 = arith.subi %div3A_71, %sub3A_91 : i32
        %select_n3A_93 = arith.select %and3A_90, %sub3A_92, %div3A_71 : i32
        %mul3A_94 = arith.constant 16 : i32
        %mul3A_95 = arith.muli %select_n3A_93, %mul3A_94 : i32
        %sub3A_96 = arith.subi %scan3A_69, %mul3A_95 : i32
        %eq3A_97 = vector.broadcast %sub3A_96 : i32 to vector<16xi32>
        %eq3A_98 = arith.cmpi eq, %iota3A, %eq3A_97 : vector<16xi32>
        %get3A = arith.index_cast %mul3A_95 : i32 to index
        %get3A_99 = tpu.vector_load %arg26[%get3A] {strides = array<i32>} : memref<5120xf32, #tpu.memory_space<vmem>>, vector<16xf32>,
        %jit3A_100 = arith.constant 0xFF800000 : f32
        %broadcast_in_dim3A_101 = vector.broadcast %jit3A_100 : f32 to vector<16xf32>
        %select_n3A_102 = arith.select %eq3A_98, %get3A_99, %broadcast_in_dim3A_101 : vector<16xi1>, vector<16xf32>
        %reduce_max3A = arith.constant true
        %reduce_max3A_103 = vector.broadcast %reduce_max3A : i1 to vector<16xi1>
        %reduce_max3A_104 = tpu.scan <max>, %select_n3A_102 masked %reduce_max3A_103 : vector<16xf32>, vector<16xi1> -> vector<16xf32>
        %reduce_max3A_105 = vector.extract %reduce_max3A_104[15] : f32 from vector<16xf32>
        %get3A_106 = arith.index_cast %mul3A_95 : i32 to index
        %get3A_107 = tpu.vector_load %arg22[%get3A_106] {strides = array<i32>} : memref<5120xf32, #tpu.memory_space<vmem>>, vector<16xf32>,
        %jit3A_108 = arith.constant 0xFF800000 : f32
        %broadcast_in_dim3A_109 = vector.broadcast %jit3A_108 : f32 to vector<16xf32>
        %select_n3A_110 = arith.select %eq3A_98, %get3A_107, %broadcast_in_dim3A_109 : vector<16xi1>, vector<16xf32>
        %reduce_max3A_111 = arith.constant true
        %reduce_max3A_112 = vector.broadcast %reduce_max3A_111 : i1 to vector<16xi1>
        %reduce_max3A_113 = tpu.scan <max>, %select_n3A_110 masked %reduce_max3A_112 : vector<16xf32>, vector<16xi1> -> vector<16xf32>
        %reduce_max3A_114 = vector.extract %reduce_max3A_113[15] : f32 from vector<16xf32>
        %get3A_115 = arith.index_cast %mul3A_95 : i32 to index
        %get3A_116 = tpu.vector_load %arg23[%get3A_115] {strides = array<i32>} : memref<5120xf32, #tpu.memory_space<vmem>>, vector<16xf32>,
        %jit3A_117 = arith.constant 0xFF800000 : f32
        %broadcast_in_dim3A_118 = vector.broadcast %jit3A_117 : f32 to vector<16xf32>
        %select_n3A_119 = arith.select %eq3A_98, %get3A_116, %broadcast_in_dim3A_118 : vector<16xi1>, vector<16xf32>
        %reduce_max3A_120 = arith.constant true
        %reduce_max3A_121 = vector.broadcast %reduce_max3A_120 : i1 to vector<16xi1>
        %reduce_max3A_122 = tpu.scan <max>, %select_n3A_119 masked %reduce_max3A_121 : vector<16xf32>, vector<16xi1> -> vector<16xf32>
        %reduce_max3A_123 = vector.extract %reduce_max3A_122[15] : f32 from vector<16xf32>
        %get3A_124 = arith.index_cast %mul3A_95 : i32 to index
        %get3A_125 = tpu.vector_load %arg24[%get3A_124] {strides = array<i32>} : memref<5120xf32, #tpu.memory_space<vmem>>, vector<16xf32>,
        %jit3A_126 = arith.constant 0xFF800000 : f32
        %broadcast_in_dim3A_127 = vector.broadcast %jit3A_126 : f32 to vector<16xf32>
        %select_n3A_128 = arith.select %eq3A_98, %get3A_125, %broadcast_in_dim3A_127 : vector<16xi1>, vector<16xf32>
        %reduce_max3A_129 = arith.constant true
        %reduce_max3A_130 = vector.broadcast %reduce_max3A_129 : i1 to vector<16xi1>
        %reduce_max3A_131 = tpu.scan <max>, %select_n3A_128 masked %reduce_max3A_130 : vector<16xf32>, vector<16xi1> -> vector<16xf32>
        %reduce_max3A_132 = vector.extract %reduce_max3A_131[15] : f32 from vector<16xf32>
        %get3A_133 = arith.index_cast %mul3A_95 : i32 to index
        %get3A_134 = tpu.vector_load %arg25[%get3A_133] {strides = array<i32>} : memref<5120xf32, #tpu.memory_space<vmem>>, vector<16xf32>,
        %jit3A_135 = arith.constant 0xFF800000 : f32
        %broadcast_in_dim3A_136 = vector.broadcast %jit3A_135 : f32 to vector<16xf32>
        %select_n3A_137 = arith.select %eq3A_98, %get3A_134, %broadcast_in_dim3A_136 : vector<16xi1>, vector<16xf32>
        %reduce_max3A_138 = arith.constant true
        %reduce_max3A_139 = vector.broadcast %reduce_max3A_138 : i1 to vector<16xi1>
        %reduce_max3A_140 = tpu.scan <max>, %select_n3A_137 masked %reduce_max3A_139 : vector<16xf32>, vector<16xi1> -> vector<16xf32>
        %reduce_max3A_141 = vector.extract %reduce_max3A_140[15] : f32 from vector<16xf32>
        %sub3A_142 = arith.subf %reduce_max3A_132, %reduce_max3A_114 : f32
        %sub3A_143 = arith.subf %reduce_max3A_141, %reduce_max3A_123 : f32
        %mul3A_144 = arith.mulf %sub3A_142, %sub3A_143 : f32
        %gt3A_145 = arith.constant 0xFF800000 : f32
        %gt3A_146 = arith.cmpf ogt, %reduce_max3A_105, %gt3A_145 : f32
        %convert_element_type3A_147 = arith.extui %gt3A_146 : i1 to i32
        %cond3A_148 = arith.constant 0 : i32
        %cond3A_149 = arith.cmpi ne, %convert_element_type3A_147, %cond3A_148 : i32
        scf.if %cond3A_149 {
          %scan3A_150 = arith.constant 0 : i32
          %scan3A_151 = arith.constant 4 : i32
          %scan3A_152 = arith.constant 36 : i32
          %scan3A_153 = arith.addi %scan3A_151, %scan3A_152 : i32
          %scan3A_154 = arith.constant 1 : i32
          scf.for %scan3A_156 = %scan3A_151 to %scan3A_153 step %scan3A_154  : i32 {
            %mul3A_157 = arith.constant 128 : i32
            %mul3A_158 = arith.muli %scan3A_156, %mul3A_157 : i32
            %add3A_159 = arith.constant 0 : i32
            %add3A_160 = arith.addi %mul3A_158, %add3A_159 : i32
            %get3A_161 = arith.index_cast %add3A_160 : i32 to index
            %get3A_162 = tpu.vector_load %arg22[%get3A_161] {strides = array<i32>} : memref<5120xf32, #tpu.memory_space<vmem>>, vector<16xf32>,
            %get3A_163 = arith.index_cast %add3A_160 : i32 to index
            %get3A_164 = tpu.vector_load %arg23[%get3A_163] {strides = array<i32>} : memref<5120xf32, #tpu.memory_space<vmem>>, vector<16xf32>,
            %get3A_165 = arith.index_cast %add3A_160 : i32 to index
            %get3A_166 = tpu.vector_load %arg24[%get3A_165] {strides = array<i32>} : memref<5120xf32, #tpu.memory_space<vmem>>, vector<16xf32>,
            %get3A_167 = arith.index_cast %add3A_160 : i32 to index
            %get3A_168 = tpu.vector_load %arg25[%get3A_167] {strides = array<i32>} : memref<5120xf32, #tpu.memory_space<vmem>>, vector<16xf32>,
            %add3A_169 = arith.constant 16 : i32
            %add3A_170 = arith.addi %mul3A_158, %add3A_169 : i32
            %get3A_171 = arith.index_cast %add3A_170 : i32 to index
            %get3A_172 = tpu.vector_load %arg22[%get3A_171] {strides = array<i32>} : memref<5120xf32, #tpu.memory_space<vmem>>, vector<16xf32>,
            %get3A_173 = arith.index_cast %add3A_170 : i32 to index
            %get3A_174 = tpu.vector_load %arg23[%get3A_173] {strides = array<i32>} : memref<5120xf32, #tpu.memory_space<vmem>>, vector<16xf32>,
            %get3A_175 = arith.index_cast %add3A_170 : i32 to index
            %get3A_176 = tpu.vector_load %arg24[%get3A_175] {strides = array<i32>} : memref<5120xf32, #tpu.memory_space<vmem>>, vector<16xf32>,
            %get3A_177 = arith.index_cast %add3A_170 : i32 to index
            %get3A_178 = tpu.vector_load %arg25[%get3A_177] {strides = array<i32>} : memref<5120xf32, #tpu.memory_space<vmem>>, vector<16xf32>,
            %add3A_179 = arith.constant 32 : i32
            %add3A_180 = arith.addi %mul3A_158, %add3A_179 : i32
            %get3A_181 = arith.index_cast %add3A_180 : i32 to index
            %get3A_182 = tpu.vector_load %arg22[%get3A_181] {strides = array<i32>} : memref<5120xf32, #tpu.memory_space<vmem>>, vector<16xf32>,
            %get3A_183 = arith.index_cast %add3A_180 : i32 to index
            %get3A_184 = tpu.vector_load %arg23[%get3A_183] {strides = array<i32>} : memref<5120xf32, #tpu.memory_space<vmem>>, vector<16xf32>,
            %get3A_185 = arith.index_cast %add3A_180 : i32 to index
            %get3A_186 = tpu.vector_load %arg24[%get3A_185] {strides = array<i32>} : memref<5120xf32, #tpu.memory_space<vmem>>, vector<16xf32>,
            %get3A_187 = arith.index_cast %add3A_180 : i32 to index
            %get3A_188 = tpu.vector_load %arg25[%get3A_187] {strides = array<i32>} : memref<5120xf32, #tpu.memory_space<vmem>>, vector<16xf32>,
            %add3A_189 = arith.constant 48 : i32
            %add3A_190 = arith.addi %mul3A_158, %add3A_189 : i32
            %get3A_191 = arith.index_cast %add3A_190 : i32 to index
            %get3A_192 = tpu.vector_load %arg22[%get3A_191] {strides = array<i32>} : memref<5120xf32, #tpu.memory_space<vmem>>, vector<16xf32>,
            %get3A_193 = arith.index_cast %add3A_190 : i32 to index
            %get3A_194 = tpu.vector_load %arg23[%get3A_193] {strides = array<i32>} : memref<5120xf32, #tpu.memory_space<vmem>>, vector<16xf32>,
            %get3A_195 = arith.index_cast %add3A_190 : i32 to index
            %get3A_196 = tpu.vector_load %arg24[%get3A_195] {strides = array<i32>} : memref<5120xf32, #tpu.memory_space<vmem>>, vector<16xf32>,
            %get3A_197 = arith.index_cast %add3A_190 : i32 to index
            %get3A_198 = tpu.vector_load %arg25[%get3A_197] {strides = array<i32>} : memref<5120xf32, #tpu.memory_space<vmem>>, vector<16xf32>,
            %add3A_199 = arith.constant 64 : i32
            %add3A_200 = arith.addi %mul3A_158, %add3A_199 : i32
            %get3A_201 = arith.index_cast %add3A_200 : i32 to index
            %get3A_202 = tpu.vector_load %arg22[%get3A_201] {strides = array<i32>} : memref<5120xf32, #tpu.memory_space<vmem>>, vector<16xf32>,
            %get3A_203 = arith.index_cast %add3A_200 : i32 to index
            %get3A_204 = tpu.vector_load %arg23[%get3A_203] {strides = array<i32>} : memref<5120xf32, #tpu.memory_space<vmem>>, vector<16xf32>,
            %get3A_205 = arith.index_cast %add3A_200 : i32 to index
            %get3A_206 = tpu.vector_load %arg24[%get3A_205] {strides = array<i32>} : memref<5120xf32, #tpu.memory_space<vmem>>, vector<16xf32>,
            %get3A_207 = arith.index_cast %add3A_200 : i32 to index
            %get3A_208 = tpu.vector_load %arg25[%get3A_207] {strides = array<i32>} : memref<5120xf32, #tpu.memory_space<vmem>>, vector<16xf32>,
            %add3A_209 = arith.constant 80 : i32
            %add3A_210 = arith.addi %mul3A_158, %add3A_209 : i32
            %get3A_211 = arith.index_cast %add3A_210 : i32 to index
            %get3A_212 = tpu.vector_load %arg22[%get3A_211] {strides = array<i32>} : memref<5120xf32, #tpu.memory_space<vmem>>, vector<16xf32>,
            %get3A_213 = arith.index_cast %add3A_210 : i32 to index
            %get3A_214 = tpu.vector_load %arg23[%get3A_213] {strides = array<i32>} : memref<5120xf32, #tpu.memory_space<vmem>>, vector<16xf32>,
            %get3A_215 = arith.index_cast %add3A_210 : i32 to index
            %get3A_216 = tpu.vector_load %arg24[%get3A_215] {strides = array<i32>} : memref<5120xf32, #tpu.memory_space<vmem>>, vector<16xf32>,
            %get3A_217 = arith.index_cast %add3A_210 : i32 to index
            %get3A_218 = tpu.vector_load %arg25[%get3A_217] {strides = array<i32>} : memref<5120xf32, #tpu.memory_space<vmem>>, vector<16xf32>,
            %add3A_219 = arith.constant 96 : i32
            %add3A_220 = arith.addi %mul3A_158, %add3A_219 : i32
            %get3A_221 = arith.index_cast %add3A_220 : i32 to index
            %get3A_222 = tpu.vector_load %arg22[%get3A_221] {strides = array<i32>} : memref<5120xf32, #tpu.memory_space<vmem>>, vector<16xf32>,
            %get3A_223 = arith.index_cast %add3A_220 : i32 to index
            %get3A_224 = tpu.vector_load %arg23[%get3A_223] {strides = array<i32>} : memref<5120xf32, #tpu.memory_space<vmem>>, vector<16xf32>,
            %get3A_225 = arith.index_cast %add3A_220 : i32 to index
            %get3A_226 = tpu.vector_load %arg24[%get3A_225] {strides = array<i32>} : memref<5120xf32, #tpu.memory_space<vmem>>, vector<16xf32>,
            %get3A_227 = arith.index_cast %add3A_220 : i32 to index
            %get3A_228 = tpu.vector_load %arg25[%get3A_227] {strides = array<i32>} : memref<5120xf32, #tpu.memory_space<vmem>>, vector<16xf32>,
            %add3A_229 = arith.constant 112 : i32
            %add3A_230 = arith.addi %mul3A_158, %add3A_229 : i32
            %get3A_231 = arith.index_cast %add3A_230 : i32 to index
            %get3A_232 = tpu.vector_load %arg22[%get3A_231] {strides = array<i32>} : memref<5120xf32, #tpu.memory_space<vmem>>, vector<16xf32>,
            %get3A_233 = arith.index_cast %add3A_230 : i32 to index
            %get3A_234 = tpu.vector_load %arg23[%get3A_233] {strides = array<i32>} : memref<5120xf32, #tpu.memory_space<vmem>>, vector<16xf32>,
            %get3A_235 = arith.index_cast %add3A_230 : i32 to index
            %get3A_236 = tpu.vector_load %arg24[%get3A_235] {strides = array<i32>} : memref<5120xf32, #tpu.memory_space<vmem>>, vector<16xf32>,
            %get3A_237 = arith.index_cast %add3A_230 : i32 to index
            %get3A_238 = tpu.vector_load %arg25[%get3A_237] {strides = array<i32>} : memref<5120xf32, #tpu.memory_space<vmem>>, vector<16xf32>,
            %max3A = vector.broadcast %reduce_max3A_114 : f32 to vector<16xf32>
            %max3A_239 = arith.maximumf %max3A, %get3A_162 : vector<16xf32>
            %max3A_240 = vector.broadcast %reduce_max3A_123 : f32 to vector<16xf32>
            %max3A_241 = arith.maximumf %max3A_240, %get3A_164 : vector<16xf32>
            %min3A_242 = vector.broadcast %reduce_max3A_132 : f32 to vector<16xf32>
            %min3A_243 = arith.minimumf %min3A_242, %get3A_166 : vector<16xf32>
            %min3A_244 = vector.broadcast %reduce_max3A_141 : f32 to vector<16xf32>
            %min3A_245 = arith.minimumf %min3A_244, %get3A_168 : vector<16xf32>
            %sub3A_246 = arith.subf %min3A_243, %max3A_239 : vector<16xf32>
            %max3A_247 = arith.constant 0.000000e+00 : f32
            %max3A_248 = vector.broadcast %max3A_247 : f32 to vector<16xf32>
            %max3A_249 = arith.maximumf %sub3A_246, %max3A_248 : vector<16xf32>
            %sub3A_250 = arith.subf %min3A_245, %max3A_241 : vector<16xf32>
            %max3A_251 = arith.constant 0.000000e+00 : f32
            %max3A_252 = vector.broadcast %max3A_251 : f32 to vector<16xf32>
            %max3A_253 = arith.maximumf %sub3A_250, %max3A_252 : vector<16xf32>
            %mul3A_254 = arith.mulf %max3A_249, %max3A_253 : vector<16xf32>
            %sub3A_255 = arith.subf %get3A_166, %get3A_162 : vector<16xf32>
            %sub3A_256 = arith.subf %get3A_168, %get3A_164 : vector<16xf32>
            %mul3A_257 = arith.mulf %sub3A_255, %sub3A_256 : vector<16xf32>
            %add3A_258 = vector.broadcast %mul3A_144 : f32 to vector<16xf32>
            %add3A_259 = arith.addf %add3A_258, %mul3A_257 : vector<16xf32>
            %sub3A_260 = arith.subf %add3A_259, %mul3A_254 : vector<16xf32>
            %max3A_261 = arith.constant 9.99999996E-13 : f32
            %max3A_262 = vector.broadcast %max3A_261 : f32 to vector<16xf32>
            %max3A_263 = arith.maximumf %sub3A_260, %max3A_262 : vector<16xf32>
            %mul3A_264 = arith.constant 5.000000e-01 : f32
            %mul3A_265 = vector.broadcast %mul3A_264 : f32 to vector<16xf32>
            %mul3A_266 = arith.mulf %mul3A_265, %max3A_263 : vector<16xf32>
            %gt3A_267 = arith.cmpf ogt, %mul3A_254, %mul3A_266 : vector<16xf32>
            %max3A_268 = vector.broadcast %reduce_max3A_114 : f32 to vector<16xf32>
            %max3A_269 = arith.maximumf %max3A_268, %get3A_172 : vector<16xf32>
            %max3A_270 = vector.broadcast %reduce_max3A_123 : f32 to vector<16xf32>
            %max3A_271 = arith.maximumf %max3A_270, %get3A_174 : vector<16xf32>
            %min3A_272 = vector.broadcast %reduce_max3A_132 : f32 to vector<16xf32>
            %min3A_273 = arith.minimumf %min3A_272, %get3A_176 : vector<16xf32>
            %min3A_274 = vector.broadcast %reduce_max3A_141 : f32 to vector<16xf32>
            %min3A_275 = arith.minimumf %min3A_274, %get3A_178 : vector<16xf32>
            %sub3A_276 = arith.subf %min3A_273, %max3A_269 : vector<16xf32>
            %max3A_277 = arith.constant 0.000000e+00 : f32
            %max3A_278 = vector.broadcast %max3A_277 : f32 to vector<16xf32>
            %max3A_279 = arith.maximumf %sub3A_276, %max3A_278 : vector<16xf32>
            %sub3A_280 = arith.subf %min3A_275, %max3A_271 : vector<16xf32>
            %max3A_281 = arith.constant 0.000000e+00 : f32
            %max3A_282 = vector.broadcast %max3A_281 : f32 to vector<16xf32>
            %max3A_283 = arith.maximumf %sub3A_280, %max3A_282 : vector<16xf32>
            %mul3A_284 = arith.mulf %max3A_279, %max3A_283 : vector<16xf32>
            %sub3A_285 = arith.subf %get3A_176, %get3A_172 : vector<16xf32>
            %sub3A_286 = arith.subf %get3A_178, %get3A_174 : vector<16xf32>
            %mul3A_287 = arith.mulf %sub3A_285, %sub3A_286 : vector<16xf32>
            %add3A_288 = vector.broadcast %mul3A_144 : f32 to vector<16xf32>
            %add3A_289 = arith.addf %add3A_288, %mul3A_287 : vector<16xf32>
            %sub3A_290 = arith.subf %add3A_289, %mul3A_284 : vector<16xf32>
            %max3A_291 = arith.constant 9.99999996E-13 : f32
            %max3A_292 = vector.broadcast %max3A_291 : f32 to vector<16xf32>
            %max3A_293 = arith.maximumf %sub3A_290, %max3A_292 : vector<16xf32>
            %mul3A_294 = arith.constant 5.000000e-01 : f32
            %mul3A_295 = vector.broadcast %mul3A_294 : f32 to vector<16xf32>
            %mul3A_296 = arith.mulf %mul3A_295, %max3A_293 : vector<16xf32>
            %gt3A_297 = arith.cmpf ogt, %mul3A_284, %mul3A_296 : vector<16xf32>
            %max3A_298 = vector.broadcast %reduce_max3A_114 : f32 to vector<16xf32>
            %max3A_299 = arith.maximumf %max3A_298, %get3A_182 : vector<16xf32>
            %max3A_300 = vector.broadcast %reduce_max3A_123 : f32 to vector<16xf32>
            %max3A_301 = arith.maximumf %max3A_300, %get3A_184 : vector<16xf32>
            %min3A_302 = vector.broadcast %reduce_max3A_132 : f32 to vector<16xf32>
            %min3A_303 = arith.minimumf %min3A_302, %get3A_186 : vector<16xf32>
            %min3A_304 = vector.broadcast %reduce_max3A_141 : f32 to vector<16xf32>
            %min3A_305 = arith.minimumf %min3A_304, %get3A_188 : vector<16xf32>
            %sub3A_306 = arith.subf %min3A_303, %max3A_299 : vector<16xf32>
            %max3A_307 = arith.constant 0.000000e+00 : f32
            %max3A_308 = vector.broadcast %max3A_307 : f32 to vector<16xf32>
            %max3A_309 = arith.maximumf %sub3A_306, %max3A_308 : vector<16xf32>
            %sub3A_310 = arith.subf %min3A_305, %max3A_301 : vector<16xf32>
            %max3A_311 = arith.constant 0.000000e+00 : f32
            %max3A_312 = vector.broadcast %max3A_311 : f32 to vector<16xf32>
            %max3A_313 = arith.maximumf %sub3A_310, %max3A_312 : vector<16xf32>
            %mul3A_314 = arith.mulf %max3A_309, %max3A_313 : vector<16xf32>
            %sub3A_315 = arith.subf %get3A_186, %get3A_182 : vector<16xf32>
            %sub3A_316 = arith.subf %get3A_188, %get3A_184 : vector<16xf32>
            %mul3A_317 = arith.mulf %sub3A_315, %sub3A_316 : vector<16xf32>
            %add3A_318 = vector.broadcast %mul3A_144 : f32 to vector<16xf32>
            %add3A_319 = arith.addf %add3A_318, %mul3A_317 : vector<16xf32>
            %sub3A_320 = arith.subf %add3A_319, %mul3A_314 : vector<16xf32>
            %max3A_321 = arith.constant 9.99999996E-13 : f32
            %max3A_322 = vector.broadcast %max3A_321 : f32 to vector<16xf32>
            %max3A_323 = arith.maximumf %sub3A_320, %max3A_322 : vector<16xf32>
            %mul3A_324 = arith.constant 5.000000e-01 : f32
            %mul3A_325 = vector.broadcast %mul3A_324 : f32 to vector<16xf32>
            %mul3A_326 = arith.mulf %mul3A_325, %max3A_323 : vector<16xf32>
            %gt3A_327 = arith.cmpf ogt, %mul3A_314, %mul3A_326 : vector<16xf32>
            %max3A_328 = vector.broadcast %reduce_max3A_114 : f32 to vector<16xf32>
            %max3A_329 = arith.maximumf %max3A_328, %get3A_192 : vector<16xf32>
            %max3A_330 = vector.broadcast %reduce_max3A_123 : f32 to vector<16xf32>
            %max3A_331 = arith.maximumf %max3A_330, %get3A_194 : vector<16xf32>
            %min3A_332 = vector.broadcast %reduce_max3A_132 : f32 to vector<16xf32>
            %min3A_333 = arith.minimumf %min3A_332, %get3A_196 : vector<16xf32>
            %min3A_334 = vector.broadcast %reduce_max3A_141 : f32 to vector<16xf32>
            %min3A_335 = arith.minimumf %min3A_334, %get3A_198 : vector<16xf32>
            %sub3A_336 = arith.subf %min3A_333, %max3A_329 : vector<16xf32>
            %max3A_337 = arith.constant 0.000000e+00 : f32
            %max3A_338 = vector.broadcast %max3A_337 : f32 to vector<16xf32>
            %max3A_339 = arith.maximumf %sub3A_336, %max3A_338 : vector<16xf32>
            %sub3A_340 = arith.subf %min3A_335, %max3A_331 : vector<16xf32>
            %max3A_341 = arith.constant 0.000000e+00 : f32
            %max3A_342 = vector.broadcast %max3A_341 : f32 to vector<16xf32>
            %max3A_343 = arith.maximumf %sub3A_340, %max3A_342 : vector<16xf32>
            %mul3A_344 = arith.mulf %max3A_339, %max3A_343 : vector<16xf32>
            %sub3A_345 = arith.subf %get3A_196, %get3A_192 : vector<16xf32>
            %sub3A_346 = arith.subf %get3A_198, %get3A_194 : vector<16xf32>
            %mul3A_347 = arith.mulf %sub3A_345, %sub3A_346 : vector<16xf32>
            %add3A_348 = vector.broadcast %mul3A_144 : f32 to vector<16xf32>
            %add3A_349 = arith.addf %add3A_348, %mul3A_347 : vector<16xf32>
            %sub3A_350 = arith.subf %add3A_349, %mul3A_344 : vector<16xf32>
            %max3A_351 = arith.constant 9.99999996E-13 : f32
            %max3A_352 = vector.broadcast %max3A_351 : f32 to vector<16xf32>
            %max3A_353 = arith.maximumf %sub3A_350, %max3A_352 : vector<16xf32>
            %mul3A_354 = arith.constant 5.000000e-01 : f32
            %mul3A_355 = vector.broadcast %mul3A_354 : f32 to vector<16xf32>
            %mul3A_356 = arith.mulf %mul3A_355, %max3A_353 : vector<16xf32>
            %gt3A_357 = arith.cmpf ogt, %mul3A_344, %mul3A_356 : vector<16xf32>
            %max3A_358 = vector.broadcast %reduce_max3A_114 : f32 to vector<16xf32>
            %max3A_359 = arith.maximumf %max3A_358, %get3A_202 : vector<16xf32>
            %max3A_360 = vector.broadcast %reduce_max3A_123 : f32 to vector<16xf32>
            %max3A_361 = arith.maximumf %max3A_360, %get3A_204 : vector<16xf32>
            %min3A_362 = vector.broadcast %reduce_max3A_132 : f32 to vector<16xf32>
            %min3A_363 = arith.minimumf %min3A_362, %get3A_206 : vector<16xf32>
            %min3A_364 = vector.broadcast %reduce_max3A_141 : f32 to vector<16xf32>
            %min3A_365 = arith.minimumf %min3A_364, %get3A_208 : vector<16xf32>
            %sub3A_366 = arith.subf %min3A_363, %max3A_359 : vector<16xf32>
            %max3A_367 = arith.constant 0.000000e+00 : f32
            %max3A_368 = vector.broadcast %max3A_367 : f32 to vector<16xf32>
            %max3A_369 = arith.maximumf %sub3A_366, %max3A_368 : vector<16xf32>
            %sub3A_370 = arith.subf %min3A_365, %max3A_361 : vector<16xf32>
            %max3A_371 = arith.constant 0.000000e+00 : f32
            %max3A_372 = vector.broadcast %max3A_371 : f32 to vector<16xf32>
            %max3A_373 = arith.maximumf %sub3A_370, %max3A_372 : vector<16xf32>
            %mul3A_374 = arith.mulf %max3A_369, %max3A_373 : vector<16xf32>
            %sub3A_375 = arith.subf %get3A_206, %get3A_202 : vector<16xf32>
            %sub3A_376 = arith.subf %get3A_208, %get3A_204 : vector<16xf32>
            %mul3A_377 = arith.mulf %sub3A_375, %sub3A_376 : vector<16xf32>
            %add3A_378 = vector.broadcast %mul3A_144 : f32 to vector<16xf32>
            %add3A_379 = arith.addf %add3A_378, %mul3A_377 : vector<16xf32>
            %sub3A_380 = arith.subf %add3A_379, %mul3A_374 : vector<16xf32>
            %max3A_381 = arith.constant 9.99999996E-13 : f32
            %max3A_382 = vector.broadcast %max3A_381 : f32 to vector<16xf32>
            %max3A_383 = arith.maximumf %sub3A_380, %max3A_382 : vector<16xf32>
            %mul3A_384 = arith.constant 5.000000e-01 : f32
            %mul3A_385 = vector.broadcast %mul3A_384 : f32 to vector<16xf32>
            %mul3A_386 = arith.mulf %mul3A_385, %max3A_383 : vector<16xf32>
            %gt3A_387 = arith.cmpf ogt, %mul3A_374, %mul3A_386 : vector<16xf32>
            %max3A_388 = vector.broadcast %reduce_max3A_114 : f32 to vector<16xf32>
            %max3A_389 = arith.maximumf %max3A_388, %get3A_212 : vector<16xf32>
            %max3A_390 = vector.broadcast %reduce_max3A_123 : f32 to vector<16xf32>
            %max3A_391 = arith.maximumf %max3A_390, %get3A_214 : vector<16xf32>
            %min3A_392 = vector.broadcast %reduce_max3A_132 : f32 to vector<16xf32>
            %min3A_393 = arith.minimumf %min3A_392, %get3A_216 : vector<16xf32>
            %min3A_394 = vector.broadcast %reduce_max3A_141 : f32 to vector<16xf32>
            %min3A_395 = arith.minimumf %min3A_394, %get3A_218 : vector<16xf32>
            %sub3A_396 = arith.subf %min3A_393, %max3A_389 : vector<16xf32>
            %max3A_397 = arith.constant 0.000000e+00 : f32
            %max3A_398 = vector.broadcast %max3A_397 : f32 to vector<16xf32>
            %max3A_399 = arith.maximumf %sub3A_396, %max3A_398 : vector<16xf32>
            %sub3A_400 = arith.subf %min3A_395, %max3A_391 : vector<16xf32>
            %max3A_401 = arith.constant 0.000000e+00 : f32
            %max3A_402 = vector.broadcast %max3A_401 : f32 to vector<16xf32>
            %max3A_403 = arith.maximumf %sub3A_400, %max3A_402 : vector<16xf32>
            %mul3A_404 = arith.mulf %max3A_399, %max3A_403 : vector<16xf32>
            %sub3A_405 = arith.subf %get3A_216, %get3A_212 : vector<16xf32>
            %sub3A_406 = arith.subf %get3A_218, %get3A_214 : vector<16xf32>
            %mul3A_407 = arith.mulf %sub3A_405, %sub3A_406 : vector<16xf32>
            %add3A_408 = vector.broadcast %mul3A_144 : f32 to vector<16xf32>
            %add3A_409 = arith.addf %add3A_408, %mul3A_407 : vector<16xf32>
            %sub3A_410 = arith.subf %add3A_409, %mul3A_404 : vector<16xf32>
            %max3A_411 = arith.constant 9.99999996E-13 : f32
            %max3A_412 = vector.broadcast %max3A_411 : f32 to vector<16xf32>
            %max3A_413 = arith.maximumf %sub3A_410, %max3A_412 : vector<16xf32>
            %mul3A_414 = arith.constant 5.000000e-01 : f32
            %mul3A_415 = vector.broadcast %mul3A_414 : f32 to vector<16xf32>
            %mul3A_416 = arith.mulf %mul3A_415, %max3A_413 : vector<16xf32>
            %gt3A_417 = arith.cmpf ogt, %mul3A_404, %mul3A_416 : vector<16xf32>
            %max3A_418 = vector.broadcast %reduce_max3A_114 : f32 to vector<16xf32>
            %max3A_419 = arith.maximumf %max3A_418, %get3A_222 : vector<16xf32>
            %max3A_420 = vector.broadcast %reduce_max3A_123 : f32 to vector<16xf32>
            %max3A_421 = arith.maximumf %max3A_420, %get3A_224 : vector<16xf32>
            %min3A_422 = vector.broadcast %reduce_max3A_132 : f32 to vector<16xf32>
            %min3A_423 = arith.minimumf %min3A_422, %get3A_226 : vector<16xf32>
            %min3A_424 = vector.broadcast %reduce_max3A_141 : f32 to vector<16xf32>
            %min3A_425 = arith.minimumf %min3A_424, %get3A_228 : vector<16xf32>
            %sub3A_426 = arith.subf %min3A_423, %max3A_419 : vector<16xf32>
            %max3A_427 = arith.constant 0.000000e+00 : f32
            %max3A_428 = vector.broadcast %max3A_427 : f32 to vector<16xf32>
            %max3A_429 = arith.maximumf %sub3A_426, %max3A_428 : vector<16xf32>
            %sub3A_430 = arith.subf %min3A_425, %max3A_421 : vector<16xf32>
            %max3A_431 = arith.constant 0.000000e+00 : f32
            %max3A_432 = vector.broadcast %max3A_431 : f32 to vector<16xf32>
            %max3A_433 = arith.maximumf %sub3A_430, %max3A_432 : vector<16xf32>
            %mul3A_434 = arith.mulf %max3A_429, %max3A_433 : vector<16xf32>
            %sub3A_435 = arith.subf %get3A_226, %get3A_222 : vector<16xf32>
            %sub3A_436 = arith.subf %get3A_228, %get3A_224 : vector<16xf32>
            %mul3A_437 = arith.mulf %sub3A_435, %sub3A_436 : vector<16xf32>
            %add3A_438 = vector.broadcast %mul3A_144 : f32 to vector<16xf32>
            %add3A_439 = arith.addf %add3A_438, %mul3A_437 : vector<16xf32>
            %sub3A_440 = arith.subf %add3A_439, %mul3A_434 : vector<16xf32>
            %max3A_441 = arith.constant 9.99999996E-13 : f32
            %max3A_442 = vector.broadcast %max3A_441 : f32 to vector<16xf32>
            %max3A_443 = arith.maximumf %sub3A_440, %max3A_442 : vector<16xf32>
            %mul3A_444 = arith.constant 5.000000e-01 : f32
            %mul3A_445 = vector.broadcast %mul3A_444 : f32 to vector<16xf32>
            %mul3A_446 = arith.mulf %mul3A_445, %max3A_443 : vector<16xf32>
            %gt3A_447 = arith.cmpf ogt, %mul3A_434, %mul3A_446 : vector<16xf32>
            %max3A_448 = vector.broadcast %reduce_max3A_114 : f32 to vector<16xf32>
            %max3A_449 = arith.maximumf %max3A_448, %get3A_232 : vector<16xf32>
            %max3A_450 = vector.broadcast %reduce_max3A_123 : f32 to vector<16xf32>
            %max3A_451 = arith.maximumf %max3A_450, %get3A_234 : vector<16xf32>
            %min3A_452 = vector.broadcast %reduce_max3A_132 : f32 to vector<16xf32>
            %min3A_453 = arith.minimumf %min3A_452, %get3A_236 : vector<16xf32>
            %min3A_454 = vector.broadcast %reduce_max3A_141 : f32 to vector<16xf32>
            %min3A_455 = arith.minimumf %min3A_454, %get3A_238 : vector<16xf32>
            %sub3A_456 = arith.subf %min3A_453, %max3A_449 : vector<16xf32>
            %max3A_457 = arith.constant 0.000000e+00 : f32
            %max3A_458 = vector.broadcast %max3A_457 : f32 to vector<16xf32>
            %max3A_459 = arith.maximumf %sub3A_456, %max3A_458 : vector<16xf32>
            %sub3A_460 = arith.subf %min3A_455, %max3A_451 : vector<16xf32>
            %max3A_461 = arith.constant 0.000000e+00 : f32
            %max3A_462 = vector.broadcast %max3A_461 : f32 to vector<16xf32>
            %max3A_463 = arith.maximumf %sub3A_460, %max3A_462 : vector<16xf32>
            %mul3A_464 = arith.mulf %max3A_459, %max3A_463 : vector<16xf32>
            %sub3A_465 = arith.subf %get3A_236, %get3A_232 : vector<16xf32>
            %sub3A_466 = arith.subf %get3A_238, %get3A_234 : vector<16xf32>
            %mul3A_467 = arith.mulf %sub3A_465, %sub3A_466 : vector<16xf32>
            %add3A_468 = vector.broadcast %mul3A_144 : f32 to vector<16xf32>
            %add3A_469 = arith.addf %add3A_468, %mul3A_467 : vector<16xf32>
            %sub3A_470 = arith.subf %add3A_469, %mul3A_464 : vector<16xf32>
            %max3A_471 = arith.constant 9.99999996E-13 : f32
            %max3A_472 = vector.broadcast %max3A_471 : f32 to vector<16xf32>
            %max3A_473 = arith.maximumf %sub3A_470, %max3A_472 : vector<16xf32>
            %mul3A_474 = arith.constant 5.000000e-01 : f32
            %mul3A_475 = vector.broadcast %mul3A_474 : f32 to vector<16xf32>
            %mul3A_476 = arith.mulf %mul3A_475, %max3A_473 : vector<16xf32>
            %gt3A_477 = arith.cmpf ogt, %mul3A_464, %mul3A_476 : vector<16xf32>
            %add3A_478 = arith.constant 0 : i32
            %add3A_479 = arith.addi %mul3A_158, %add3A_478 : i32
            %add3A_480 = vector.broadcast %add3A_479 : i32 to vector<16xi32>
            %add3A_481 = arith.addi %add3A_480, %iota3A : vector<16xi32>
            tpu.vector_store_idx %arg26[%add3A_481], %broadcast_in_dim3A_39 masked %gt3A_267 : memref<5120xf32, #tpu.memory_space<vmem>>[vector<16xi32>], vector<16xf32>, vector<16xi1>
            %add3A_482 = arith.constant 16 : i32
            %add3A_483 = arith.addi %mul3A_158, %add3A_482 : i32
            %add3A_484 = vector.broadcast %add3A_483 : i32 to vector<16xi32>
            %add3A_485 = arith.addi %add3A_484, %iota3A : vector<16xi32>
            tpu.vector_store_idx %arg26[%add3A_485], %broadcast_in_dim3A_39 masked %gt3A_297 : memref<5120xf32, #tpu.memory_space<vmem>>[vector<16xi32>], vector<16xf32>, vector<16xi1>
            %add3A_486 = arith.constant 32 : i32
            %add3A_487 = arith.addi %mul3A_158, %add3A_486 : i32
            %add3A_488 = vector.broadcast %add3A_487 : i32 to vector<16xi32>
            %add3A_489 = arith.addi %add3A_488, %iota3A : vector<16xi32>
            tpu.vector_store_idx %arg26[%add3A_489], %broadcast_in_dim3A_39 masked %gt3A_327 : memref<5120xf32, #tpu.memory_space<vmem>>[vector<16xi32>], vector<16xf32>, vector<16xi1>
            %add3A_490 = arith.constant 48 : i32
            %add3A_491 = arith.addi %mul3A_158, %add3A_490 : i32
            %add3A_492 = vector.broadcast %add3A_491 : i32 to vector<16xi32>
            %add3A_493 = arith.addi %add3A_492, %iota3A : vector<16xi32>
            tpu.vector_store_idx %arg26[%add3A_493], %broadcast_in_dim3A_39 masked %gt3A_357 : memref<5120xf32, #tpu.memory_space<vmem>>[vector<16xi32>], vector<16xf32>, vector<16xi1>
            %add3A_494 = arith.constant 64 : i32
            %add3A_495 = arith.addi %mul3A_158, %add3A_494 : i32
            %add3A_496 = vector.broadcast %add3A_495 : i32 to vector<16xi32>
            %add3A_497 = arith.addi %add3A_496, %iota3A : vector<16xi32>
            tpu.vector_store_idx %arg26[%add3A_497], %broadcast_in_dim3A_39 masked %gt3A_387 : memref<5120xf32, #tpu.memory_space<vmem>>[vector<16xi32>], vector<16xf32>, vector<16xi1>
            %add3A_498 = arith.constant 80 : i32
            %add3A_499 = arith.addi %mul3A_158, %add3A_498 : i32
            %add3A_500 = vector.broadcast %add3A_499 : i32 to vector<16xi32>
            %add3A_501 = arith.addi %add3A_500, %iota3A : vector<16xi32>
            tpu.vector_store_idx %arg26[%add3A_501], %broadcast_in_dim3A_39 masked %gt3A_417 : memref<5120xf32, #tpu.memory_space<vmem>>[vector<16xi32>], vector<16xf32>, vector<16xi1>
            %add3A_502 = arith.constant 96 : i32
            %add3A_503 = arith.addi %mul3A_158, %add3A_502 : i32
            %add3A_504 = vector.broadcast %add3A_503 : i32 to vector<16xi32>
            %add3A_505 = arith.addi %add3A_504, %iota3A : vector<16xi32>
            tpu.vector_store_idx %arg26[%add3A_505], %broadcast_in_dim3A_39 masked %gt3A_447 : memref<5120xf32, #tpu.memory_space<vmem>>[vector<16xi32>], vector<16xf32>, vector<16xi1>
            %add3A_506 = arith.constant 112 : i32
            %add3A_507 = arith.addi %mul3A_158, %add3A_506 : i32
            %add3A_508 = vector.broadcast %add3A_507 : i32 to vector<16xi32>
            %add3A_509 = arith.addi %add3A_508, %iota3A : vector<16xi32>
            tpu.vector_store_idx %arg26[%add3A_509], %broadcast_in_dim3A_39 masked %gt3A_477 : memref<5120xf32, #tpu.memory_space<vmem>>[vector<16xi32>], vector<16xf32>, vector<16xi1>
          }
          %scan3A_155 = arith.constant 36 : i32
        } else {
        }
      }
      %scan3A_66 = arith.constant 512 : i32
      %while3A_67 = arith.constant 512 : i32
      %while3A_68:2 = scf.while (%while3A_69 = %while3A_67, %while3A_70 = %while3A_49#1) : (i32, i32) -> (i32, i32) {
        %lt3A_71 = arith.cmpi slt, %while3A_69, %scan3A_44 : i32
        %lt3A_72 = arith.constant 300 : i32
        %lt3A_73 = arith.cmpi slt, %while3A_70, %lt3A_72 : i32
        %and3A_74 = arith.andi %lt3A_71, %lt3A_73 : i1
        scf.condition(%and3A_74) %while3A_69, %while3A_70 : i32, i32
      } do {
      ^bb0(%while3A_69: i32, %while3A_70: i32):
        %jit3A_71 = arith.constant 16 : i32
        %div3A_72 = arith.divsi %while3A_69, %jit3A_71 : i32
        %sign3A_73 = arith.constant 0 : i32
        %sign3A_74 = arith.cmpi sgt, %while3A_69, %sign3A_73 : i32
        %sign3A_75 = arith.extui %sign3A_74 : i1 to i32
        %sign3A_76 = arith.constant 0 : i32
        %sign3A_77 = arith.cmpi slt, %while3A_69, %sign3A_76 : i32
        %sign3A_78 = arith.extui %sign3A_77 : i1 to i32
        %sign3A_79 = arith.subi %sign3A_75, %sign3A_78 : i32
        %sign3A_80 = arith.constant 0 : i32
        %sign3A_81 = arith.cmpi sgt, %jit3A_71, %sign3A_80 : i32
        %sign3A_82 = arith.extui %sign3A_81 : i1 to i32
        %sign3A_83 = arith.constant 0 : i32
        %sign3A_84 = arith.cmpi slt, %jit3A_71, %sign3A_83 : i32
        %sign3A_85 = arith.extui %sign3A_84 : i1 to i32
        %sign3A_86 = arith.subi %sign3A_82, %sign3A_85 : i32
        %ne3A_87 = arith.cmpi ne, %sign3A_79, %sign3A_86 : i32
        %rem3A_88 = arith.remsi %while3A_69, %jit3A_71 : i32
        %ne3A_89 = arith.constant 0 : i32
        %ne3A_90 = arith.cmpi ne, %rem3A_88, %ne3A_89 : i32
        %and3A_91 = arith.andi %ne3A_87, %ne3A_90 : i1
        %sub3A_92 = arith.constant 1 : i32
        %sub3A_93 = arith.subi %div3A_72, %sub3A_92 : i32
        %select_n3A_94 = arith.select %and3A_91, %sub3A_93, %div3A_72 : i32
        %mul3A_95 = arith.constant 16 : i32
        %mul3A_96 = arith.muli %select_n3A_94, %mul3A_95 : i32
        %sub3A_97 = arith.subi %while3A_69, %mul3A_96 : i32
        %eq3A_98 = vector.broadcast %sub3A_97 : i32 to vector<16xi32>
        %eq3A_99 = arith.cmpi eq, %iota3A, %eq3A_98 : vector<16xi32>
        %get3A = arith.index_cast %mul3A_96 : i32 to index
        %get3A_100 = tpu.vector_load %arg26[%get3A] {strides = array<i32>} : memref<5120xf32, #tpu.memory_space<vmem>>, vector<16xf32>,
        %jit3A_101 = arith.constant 0xFF800000 : f32
        %broadcast_in_dim3A_102 = vector.broadcast %jit3A_101 : f32 to vector<16xf32>
        %select_n3A_103 = arith.select %eq3A_99, %get3A_100, %broadcast_in_dim3A_102 : vector<16xi1>, vector<16xf32>
        %reduce_max3A = arith.constant true
        %reduce_max3A_104 = vector.broadcast %reduce_max3A : i1 to vector<16xi1>
        %reduce_max3A_105 = tpu.scan <max>, %select_n3A_103 masked %reduce_max3A_104 : vector<16xf32>, vector<16xi1> -> vector<16xf32>
        %reduce_max3A_106 = vector.extract %reduce_max3A_105[15] : f32 from vector<16xf32>
        %get3A_107 = arith.index_cast %mul3A_96 : i32 to index
        %get3A_108 = tpu.vector_load %arg22[%get3A_107] {strides = array<i32>} : memref<5120xf32, #tpu.memory_space<vmem>>, vector<16xf32>,
        %jit3A_109 = arith.constant 0xFF800000 : f32
        %broadcast_in_dim3A_110 = vector.broadcast %jit3A_109 : f32 to vector<16xf32>
        %select_n3A_111 = arith.select %eq3A_99, %get3A_108, %broadcast_in_dim3A_110 : vector<16xi1>, vector<16xf32>
        %reduce_max3A_112 = arith.constant true
        %reduce_max3A_113 = vector.broadcast %reduce_max3A_112 : i1 to vector<16xi1>
        %reduce_max3A_114 = tpu.scan <max>, %select_n3A_111 masked %reduce_max3A_113 : vector<16xf32>, vector<16xi1> -> vector<16xf32>
        %reduce_max3A_115 = vector.extract %reduce_max3A_114[15] : f32 from vector<16xf32>
        %get3A_116 = arith.index_cast %mul3A_96 : i32 to index
        %get3A_117 = tpu.vector_load %arg23[%get3A_116] {strides = array<i32>} : memref<5120xf32, #tpu.memory_space<vmem>>, vector<16xf32>,
        %jit3A_118 = arith.constant 0xFF800000 : f32
        %broadcast_in_dim3A_119 = vector.broadcast %jit3A_118 : f32 to vector<16xf32>
        %select_n3A_120 = arith.select %eq3A_99, %get3A_117, %broadcast_in_dim3A_119 : vector<16xi1>, vector<16xf32>
        %reduce_max3A_121 = arith.constant true
        %reduce_max3A_122 = vector.broadcast %reduce_max3A_121 : i1 to vector<16xi1>
        %reduce_max3A_123 = tpu.scan <max>, %select_n3A_120 masked %reduce_max3A_122 : vector<16xf32>, vector<16xi1> -> vector<16xf32>
        %reduce_max3A_124 = vector.extract %reduce_max3A_123[15] : f32 from vector<16xf32>
        %get3A_125 = arith.index_cast %mul3A_96 : i32 to index
        %get3A_126 = tpu.vector_load %arg24[%get3A_125] {strides = array<i32>} : memref<5120xf32, #tpu.memory_space<vmem>>, vector<16xf32>,
        %jit3A_127 = arith.constant 0xFF800000 : f32
        %broadcast_in_dim3A_128 = vector.broadcast %jit3A_127 : f32 to vector<16xf32>
        %select_n3A_129 = arith.select %eq3A_99, %get3A_126, %broadcast_in_dim3A_128 : vector<16xi1>, vector<16xf32>
        %reduce_max3A_130 = arith.constant true
        %reduce_max3A_131 = vector.broadcast %reduce_max3A_130 : i1 to vector<16xi1>
        %reduce_max3A_132 = tpu.scan <max>, %select_n3A_129 masked %reduce_max3A_131 : vector<16xf32>, vector<16xi1> -> vector<16xf32>
        %reduce_max3A_133 = vector.extract %reduce_max3A_132[15] : f32 from vector<16xf32>
        %get3A_134 = arith.index_cast %mul3A_96 : i32 to index
        %get3A_135 = tpu.vector_load %arg25[%get3A_134] {strides = array<i32>} : memref<5120xf32, #tpu.memory_space<vmem>>, vector<16xf32>,
        %jit3A_136 = arith.constant 0xFF800000 : f32
        %broadcast_in_dim3A_137 = vector.broadcast %jit3A_136 : f32 to vector<16xf32>
        %select_n3A_138 = arith.select %eq3A_99, %get3A_135, %broadcast_in_dim3A_137 : vector<16xi1>, vector<16xf32>
        %reduce_max3A_139 = arith.constant true
        %reduce_max3A_140 = vector.broadcast %reduce_max3A_139 : i1 to vector<16xi1>
        %reduce_max3A_141 = tpu.scan <max>, %select_n3A_138 masked %reduce_max3A_140 : vector<16xf32>, vector<16xi1> -> vector<16xf32>
        %reduce_max3A_142 = vector.extract %reduce_max3A_141[15] : f32 from vector<16xf32>
        %sub3A_143 = arith.subf %reduce_max3A_133, %reduce_max3A_115 : f32
        %sub3A_144 = arith.subf %reduce_max3A_142, %reduce_max3A_124 : f32
        %mul3A_145 = arith.mulf %sub3A_143, %sub3A_144 : f32
        %gt3A_146 = arith.constant 0xFF800000 : f32
        %gt3A_147 = arith.cmpf ogt, %reduce_max3A_106, %gt3A_146 : f32
        %lt3A_148 = arith.constant 299 : i32
        %lt3A_149 = arith.cmpi slt, %while3A_70, %lt3A_148 : i32
        %and3A_150 = arith.andi %gt3A_147, %lt3A_149 : i1
        %convert_element_type3A_151 = arith.extui %and3A_150 : i1 to i32
        %cond3A_152 = arith.constant 0 : i32
        %cond3A_153 = arith.cmpi ne, %convert_element_type3A_151, %cond3A_152 : i32
        scf.if %cond3A_153 {
          %jit3A_160 = arith.constant 128 : i32
          %div3A_161 = arith.divsi %while3A_69, %jit3A_160 : i32
          %sign3A_162 = arith.constant 0 : i32
          %sign3A_163 = arith.cmpi sgt, %while3A_69, %sign3A_162 : i32
          %sign3A_164 = arith.extui %sign3A_163 : i1 to i32
          %sign3A_165 = arith.constant 0 : i32
          %sign3A_166 = arith.cmpi slt, %while3A_69, %sign3A_165 : i32
          %sign3A_167 = arith.extui %sign3A_166 : i1 to i32
          %sign3A_168 = arith.subi %sign3A_164, %sign3A_167 : i32
          %sign3A_169 = arith.constant 0 : i32
          %sign3A_170 = arith.cmpi sgt, %jit3A_160, %sign3A_169 : i32
          %sign3A_171 = arith.extui %sign3A_170 : i1 to i32
          %sign3A_172 = arith.constant 0 : i32
          %sign3A_173 = arith.cmpi slt, %jit3A_160, %sign3A_172 : i32
          %sign3A_174 = arith.extui %sign3A_173 : i1 to i32
          %sign3A_175 = arith.subi %sign3A_171, %sign3A_174 : i32
          %ne3A_176 = arith.cmpi ne, %sign3A_168, %sign3A_175 : i32
          %rem3A_177 = arith.remsi %while3A_69, %jit3A_160 : i32
          %ne3A_178 = arith.constant 0 : i32
          %ne3A_179 = arith.cmpi ne, %rem3A_177, %ne3A_178 : i32
          %and3A_180 = arith.andi %ne3A_176, %ne3A_179 : i1
          %sub3A_181 = arith.constant 1 : i32
          %sub3A_182 = arith.subi %div3A_161, %sub3A_181 : i32
          %select_n3A_183 = arith.select %and3A_180, %sub3A_182, %div3A_161 : i32
          %mul3A_184 = arith.constant 128 : i32
          %mul3A_185 = arith.muli %select_n3A_183, %mul3A_184 : i32
          %add3A_186 = arith.constant 0 : i32
          %add3A_187 = arith.addi %mul3A_185, %add3A_186 : i32
          %get3A_188 = arith.index_cast %add3A_187 : i32 to index
          %get3A_189 = tpu.vector_load %arg22[%get3A_188] {strides = array<i32>} : memref<5120xf32, #tpu.memory_space<vmem>>, vector<16xf32>,
          %get3A_190 = arith.index_cast %add3A_187 : i32 to index
          %get3A_191 = tpu.vector_load %arg23[%get3A_190] {strides = array<i32>} : memref<5120xf32, #tpu.memory_space<vmem>>, vector<16xf32>,
          %get3A_192 = arith.index_cast %add3A_187 : i32 to index
          %get3A_193 = tpu.vector_load %arg24[%get3A_192] {strides = array<i32>} : memref<5120xf32, #tpu.memory_space<vmem>>, vector<16xf32>,
          %get3A_194 = arith.index_cast %add3A_187 : i32 to index
          %get3A_195 = tpu.vector_load %arg25[%get3A_194] {strides = array<i32>} : memref<5120xf32, #tpu.memory_space<vmem>>, vector<16xf32>,
          %add3A_196 = arith.constant 16 : i32
          %add3A_197 = arith.addi %mul3A_185, %add3A_196 : i32
          %get3A_198 = arith.index_cast %add3A_197 : i32 to index
          %get3A_199 = tpu.vector_load %arg22[%get3A_198] {strides = array<i32>} : memref<5120xf32, #tpu.memory_space<vmem>>, vector<16xf32>,
          %get3A_200 = arith.index_cast %add3A_197 : i32 to index
          %get3A_201 = tpu.vector_load %arg23[%get3A_200] {strides = array<i32>} : memref<5120xf32, #tpu.memory_space<vmem>>, vector<16xf32>,
          %get3A_202 = arith.index_cast %add3A_197 : i32 to index
          %get3A_203 = tpu.vector_load %arg24[%get3A_202] {strides = array<i32>} : memref<5120xf32, #tpu.memory_space<vmem>>, vector<16xf32>,
          %get3A_204 = arith.index_cast %add3A_197 : i32 to index
          %get3A_205 = tpu.vector_load %arg25[%get3A_204] {strides = array<i32>} : memref<5120xf32, #tpu.memory_space<vmem>>, vector<16xf32>,
          %add3A_206 = arith.constant 32 : i32
          %add3A_207 = arith.addi %mul3A_185, %add3A_206 : i32
          %get3A_208 = arith.index_cast %add3A_207 : i32 to index
          %get3A_209 = tpu.vector_load %arg22[%get3A_208] {strides = array<i32>} : memref<5120xf32, #tpu.memory_space<vmem>>, vector<16xf32>,
          %get3A_210 = arith.index_cast %add3A_207 : i32 to index
          %get3A_211 = tpu.vector_load %arg23[%get3A_210] {strides = array<i32>} : memref<5120xf32, #tpu.memory_space<vmem>>, vector<16xf32>,
          %get3A_212 = arith.index_cast %add3A_207 : i32 to index
          %get3A_213 = tpu.vector_load %arg24[%get3A_212] {strides = array<i32>} : memref<5120xf32, #tpu.memory_space<vmem>>, vector<16xf32>,
          %get3A_214 = arith.index_cast %add3A_207 : i32 to index
          %get3A_215 = tpu.vector_load %arg25[%get3A_214] {strides = array<i32>} : memref<5120xf32, #tpu.memory_space<vmem>>, vector<16xf32>,
          %add3A_216 = arith.constant 48 : i32
          %add3A_217 = arith.addi %mul3A_185, %add3A_216 : i32
          %get3A_218 = arith.index_cast %add3A_217 : i32 to index
          %get3A_219 = tpu.vector_load %arg22[%get3A_218] {strides = array<i32>} : memref<5120xf32, #tpu.memory_space<vmem>>, vector<16xf32>,
          %get3A_220 = arith.index_cast %add3A_217 : i32 to index
          %get3A_221 = tpu.vector_load %arg23[%get3A_220] {strides = array<i32>} : memref<5120xf32, #tpu.memory_space<vmem>>, vector<16xf32>,
          %get3A_222 = arith.index_cast %add3A_217 : i32 to index
          %get3A_223 = tpu.vector_load %arg24[%get3A_222] {strides = array<i32>} : memref<5120xf32, #tpu.memory_space<vmem>>, vector<16xf32>,
          %get3A_224 = arith.index_cast %add3A_217 : i32 to index
          %get3A_225 = tpu.vector_load %arg25[%get3A_224] {strides = array<i32>} : memref<5120xf32, #tpu.memory_space<vmem>>, vector<16xf32>,
          %add3A_226 = arith.constant 64 : i32
          %add3A_227 = arith.addi %mul3A_185, %add3A_226 : i32
          %get3A_228 = arith.index_cast %add3A_227 : i32 to index
          %get3A_229 = tpu.vector_load %arg22[%get3A_228] {strides = array<i32>} : memref<5120xf32, #tpu.memory_space<vmem>>, vector<16xf32>,
          %get3A_230 = arith.index_cast %add3A_227 : i32 to index
          %get3A_231 = tpu.vector_load %arg23[%get3A_230] {strides = array<i32>} : memref<5120xf32, #tpu.memory_space<vmem>>, vector<16xf32>,
          %get3A_232 = arith.index_cast %add3A_227 : i32 to index
          %get3A_233 = tpu.vector_load %arg24[%get3A_232] {strides = array<i32>} : memref<5120xf32, #tpu.memory_space<vmem>>, vector<16xf32>,
          %get3A_234 = arith.index_cast %add3A_227 : i32 to index
          %get3A_235 = tpu.vector_load %arg25[%get3A_234] {strides = array<i32>} : memref<5120xf32, #tpu.memory_space<vmem>>, vector<16xf32>,
          %add3A_236 = arith.constant 80 : i32
          %add3A_237 = arith.addi %mul3A_185, %add3A_236 : i32
          %get3A_238 = arith.index_cast %add3A_237 : i32 to index
          %get3A_239 = tpu.vector_load %arg22[%get3A_238] {strides = array<i32>} : memref<5120xf32, #tpu.memory_space<vmem>>, vector<16xf32>,
          %get3A_240 = arith.index_cast %add3A_237 : i32 to index
          %get3A_241 = tpu.vector_load %arg23[%get3A_240] {strides = array<i32>} : memref<5120xf32, #tpu.memory_space<vmem>>, vector<16xf32>,
          %get3A_242 = arith.index_cast %add3A_237 : i32 to index
          %get3A_243 = tpu.vector_load %arg24[%get3A_242] {strides = array<i32>} : memref<5120xf32, #tpu.memory_space<vmem>>, vector<16xf32>,
          %get3A_244 = arith.index_cast %add3A_237 : i32 to index
          %get3A_245 = tpu.vector_load %arg25[%get3A_244] {strides = array<i32>} : memref<5120xf32, #tpu.memory_space<vmem>>, vector<16xf32>,
          %add3A_246 = arith.constant 96 : i32
          %add3A_247 = arith.addi %mul3A_185, %add3A_246 : i32
          %get3A_248 = arith.index_cast %add3A_247 : i32 to index
          %get3A_249 = tpu.vector_load %arg22[%get3A_248] {strides = array<i32>} : memref<5120xf32, #tpu.memory_space<vmem>>, vector<16xf32>,
          %get3A_250 = arith.index_cast %add3A_247 : i32 to index
          %get3A_251 = tpu.vector_load %arg23[%get3A_250] {strides = array<i32>} : memref<5120xf32, #tpu.memory_space<vmem>>, vector<16xf32>,
          %get3A_252 = arith.index_cast %add3A_247 : i32 to index
          %get3A_253 = tpu.vector_load %arg24[%get3A_252] {strides = array<i32>} : memref<5120xf32, #tpu.memory_space<vmem>>, vector<16xf32>,
          %get3A_254 = arith.index_cast %add3A_247 : i32 to index
          %get3A_255 = tpu.vector_load %arg25[%get3A_254] {strides = array<i32>} : memref<5120xf32, #tpu.memory_space<vmem>>, vector<16xf32>,
          %add3A_256 = arith.constant 112 : i32
          %add3A_257 = arith.addi %mul3A_185, %add3A_256 : i32
          %get3A_258 = arith.index_cast %add3A_257 : i32 to index
          %get3A_259 = tpu.vector_load %arg22[%get3A_258] {strides = array<i32>} : memref<5120xf32, #tpu.memory_space<vmem>>, vector<16xf32>,
          %get3A_260 = arith.index_cast %add3A_257 : i32 to index
          %get3A_261 = tpu.vector_load %arg23[%get3A_260] {strides = array<i32>} : memref<5120xf32, #tpu.memory_space<vmem>>, vector<16xf32>,
          %get3A_262 = arith.index_cast %add3A_257 : i32 to index
          %get3A_263 = tpu.vector_load %arg24[%get3A_262] {strides = array<i32>} : memref<5120xf32, #tpu.memory_space<vmem>>, vector<16xf32>,
          %get3A_264 = arith.index_cast %add3A_257 : i32 to index
          %get3A_265 = tpu.vector_load %arg25[%get3A_264] {strides = array<i32>} : memref<5120xf32, #tpu.memory_space<vmem>>, vector<16xf32>,
          %max3A = vector.broadcast %reduce_max3A_115 : f32 to vector<16xf32>
          %max3A_266 = arith.maximumf %max3A, %get3A_189 : vector<16xf32>
          %max3A_267 = vector.broadcast %reduce_max3A_124 : f32 to vector<16xf32>
          %max3A_268 = arith.maximumf %max3A_267, %get3A_191 : vector<16xf32>
          %min3A_269 = vector.broadcast %reduce_max3A_133 : f32 to vector<16xf32>
          %min3A_270 = arith.minimumf %min3A_269, %get3A_193 : vector<16xf32>
          %min3A_271 = vector.broadcast %reduce_max3A_142 : f32 to vector<16xf32>
          %min3A_272 = arith.minimumf %min3A_271, %get3A_195 : vector<16xf32>
          %sub3A_273 = arith.subf %min3A_270, %max3A_266 : vector<16xf32>
          %max3A_274 = arith.constant 0.000000e+00 : f32
          %max3A_275 = vector.broadcast %max3A_274 : f32 to vector<16xf32>
          %max3A_276 = arith.maximumf %sub3A_273, %max3A_275 : vector<16xf32>
          %sub3A_277 = arith.subf %min3A_272, %max3A_268 : vector<16xf32>
          %max3A_278 = arith.constant 0.000000e+00 : f32
          %max3A_279 = vector.broadcast %max3A_278 : f32 to vector<16xf32>
          %max3A_280 = arith.maximumf %sub3A_277, %max3A_279 : vector<16xf32>
          %mul3A_281 = arith.mulf %max3A_276, %max3A_280 : vector<16xf32>
          %sub3A_282 = arith.subf %get3A_193, %get3A_189 : vector<16xf32>
          %sub3A_283 = arith.subf %get3A_195, %get3A_191 : vector<16xf32>
          %mul3A_284 = arith.mulf %sub3A_282, %sub3A_283 : vector<16xf32>
          %add3A_285 = vector.broadcast %mul3A_145 : f32 to vector<16xf32>
          %add3A_286 = arith.addf %add3A_285, %mul3A_284 : vector<16xf32>
          %sub3A_287 = arith.subf %add3A_286, %mul3A_281 : vector<16xf32>
          %max3A_288 = arith.constant 9.99999996E-13 : f32
          %max3A_289 = vector.broadcast %max3A_288 : f32 to vector<16xf32>
          %max3A_290 = arith.maximumf %sub3A_287, %max3A_289 : vector<16xf32>
          %mul3A_291 = arith.constant 5.000000e-01 : f32
          %mul3A_292 = vector.broadcast %mul3A_291 : f32 to vector<16xf32>
          %mul3A_293 = arith.mulf %mul3A_292, %max3A_290 : vector<16xf32>
          %gt3A_294 = arith.cmpf ogt, %mul3A_281, %mul3A_293 : vector<16xf32>
          %add3A_295 = arith.constant 0 : i32
          %add3A_296 = arith.addi %mul3A_185, %add3A_295 : i32
          %add3A_297 = vector.broadcast %add3A_296 : i32 to vector<16xi32>
          %add3A_298 = arith.addi %add3A_297, %iota3A : vector<16xi32>
          %gt3A_299 = vector.broadcast %while3A_69 : i32 to vector<16xi32>
          %gt3A_300 = arith.cmpi sgt, %add3A_298, %gt3A_299 : vector<16xi32>
          %and3A_301 = arith.andi %gt3A_294, %gt3A_300 : vector<16xi1>
          %max3A_302 = vector.broadcast %reduce_max3A_115 : f32 to vector<16xf32>
          %max3A_303 = arith.maximumf %max3A_302, %get3A_199 : vector<16xf32>
          %max3A_304 = vector.broadcast %reduce_max3A_124 : f32 to vector<16xf32>
          %max3A_305 = arith.maximumf %max3A_304, %get3A_201 : vector<16xf32>
          %min3A_306 = vector.broadcast %reduce_max3A_133 : f32 to vector<16xf32>
          %min3A_307 = arith.minimumf %min3A_306, %get3A_203 : vector<16xf32>
          %min3A_308 = vector.broadcast %reduce_max3A_142 : f32 to vector<16xf32>
          %min3A_309 = arith.minimumf %min3A_308, %get3A_205 : vector<16xf32>
          %sub3A_310 = arith.subf %min3A_307, %max3A_303 : vector<16xf32>
          %max3A_311 = arith.constant 0.000000e+00 : f32
          %max3A_312 = vector.broadcast %max3A_311 : f32 to vector<16xf32>
          %max3A_313 = arith.maximumf %sub3A_310, %max3A_312 : vector<16xf32>
          %sub3A_314 = arith.subf %min3A_309, %max3A_305 : vector<16xf32>
          %max3A_315 = arith.constant 0.000000e+00 : f32
          %max3A_316 = vector.broadcast %max3A_315 : f32 to vector<16xf32>
          %max3A_317 = arith.maximumf %sub3A_314, %max3A_316 : vector<16xf32>
          %mul3A_318 = arith.mulf %max3A_313, %max3A_317 : vector<16xf32>
          %sub3A_319 = arith.subf %get3A_203, %get3A_199 : vector<16xf32>
          %sub3A_320 = arith.subf %get3A_205, %get3A_201 : vector<16xf32>
          %mul3A_321 = arith.mulf %sub3A_319, %sub3A_320 : vector<16xf32>
          %add3A_322 = vector.broadcast %mul3A_145 : f32 to vector<16xf32>
          %add3A_323 = arith.addf %add3A_322, %mul3A_321 : vector<16xf32>
          %sub3A_324 = arith.subf %add3A_323, %mul3A_318 : vector<16xf32>
          %max3A_325 = arith.constant 9.99999996E-13 : f32
          %max3A_326 = vector.broadcast %max3A_325 : f32 to vector<16xf32>
          %max3A_327 = arith.maximumf %sub3A_324, %max3A_326 : vector<16xf32>
          %mul3A_328 = arith.constant 5.000000e-01 : f32
          %mul3A_329 = vector.broadcast %mul3A_328 : f32 to vector<16xf32>
          %mul3A_330 = arith.mulf %mul3A_329, %max3A_327 : vector<16xf32>
          %gt3A_331 = arith.cmpf ogt, %mul3A_318, %mul3A_330 : vector<16xf32>
          %add3A_332 = arith.constant 16 : i32
          %add3A_333 = arith.addi %mul3A_185, %add3A_332 : i32
          %add3A_334 = vector.broadcast %add3A_333 : i32 to vector<16xi32>
          %add3A_335 = arith.addi %add3A_334, %iota3A : vector<16xi32>
          %gt3A_336 = vector.broadcast %while3A_69 : i32 to vector<16xi32>
          %gt3A_337 = arith.cmpi sgt, %add3A_335, %gt3A_336 : vector<16xi32>
          %and3A_338 = arith.andi %gt3A_331, %gt3A_337 : vector<16xi1>
          %max3A_339 = vector.broadcast %reduce_max3A_115 : f32 to vector<16xf32>
          %max3A_340 = arith.maximumf %max3A_339, %get3A_209 : vector<16xf32>
          %max3A_341 = vector.broadcast %reduce_max3A_124 : f32 to vector<16xf32>
          %max3A_342 = arith.maximumf %max3A_341, %get3A_211 : vector<16xf32>
          %min3A_343 = vector.broadcast %reduce_max3A_133 : f32 to vector<16xf32>
          %min3A_344 = arith.minimumf %min3A_343, %get3A_213 : vector<16xf32>
          %min3A_345 = vector.broadcast %reduce_max3A_142 : f32 to vector<16xf32>
          %min3A_346 = arith.minimumf %min3A_345, %get3A_215 : vector<16xf32>
          %sub3A_347 = arith.subf %min3A_344, %max3A_340 : vector<16xf32>
          %max3A_348 = arith.constant 0.000000e+00 : f32
          %max3A_349 = vector.broadcast %max3A_348 : f32 to vector<16xf32>
          %max3A_350 = arith.maximumf %sub3A_347, %max3A_349 : vector<16xf32>
          %sub3A_351 = arith.subf %min3A_346, %max3A_342 : vector<16xf32>
          %max3A_352 = arith.constant 0.000000e+00 : f32
          %max3A_353 = vector.broadcast %max3A_352 : f32 to vector<16xf32>
          %max3A_354 = arith.maximumf %sub3A_351, %max3A_353 : vector<16xf32>
          %mul3A_355 = arith.mulf %max3A_350, %max3A_354 : vector<16xf32>
          %sub3A_356 = arith.subf %get3A_213, %get3A_209 : vector<16xf32>
          %sub3A_357 = arith.subf %get3A_215, %get3A_211 : vector<16xf32>
          %mul3A_358 = arith.mulf %sub3A_356, %sub3A_357 : vector<16xf32>
          %add3A_359 = vector.broadcast %mul3A_145 : f32 to vector<16xf32>
          %add3A_360 = arith.addf %add3A_359, %mul3A_358 : vector<16xf32>
          %sub3A_361 = arith.subf %add3A_360, %mul3A_355 : vector<16xf32>
          %max3A_362 = arith.constant 9.99999996E-13 : f32
          %max3A_363 = vector.broadcast %max3A_362 : f32 to vector<16xf32>
          %max3A_364 = arith.maximumf %sub3A_361, %max3A_363 : vector<16xf32>
          %mul3A_365 = arith.constant 5.000000e-01 : f32
          %mul3A_366 = vector.broadcast %mul3A_365 : f32 to vector<16xf32>
          %mul3A_367 = arith.mulf %mul3A_366, %max3A_364 : vector<16xf32>
          %gt3A_368 = arith.cmpf ogt, %mul3A_355, %mul3A_367 : vector<16xf32>
          %add3A_369 = arith.constant 32 : i32
          %add3A_370 = arith.addi %mul3A_185, %add3A_369 : i32
          %add3A_371 = vector.broadcast %add3A_370 : i32 to vector<16xi32>
          %add3A_372 = arith.addi %add3A_371, %iota3A : vector<16xi32>
          %gt3A_373 = vector.broadcast %while3A_69 : i32 to vector<16xi32>
          %gt3A_374 = arith.cmpi sgt, %add3A_372, %gt3A_373 : vector<16xi32>
          %and3A_375 = arith.andi %gt3A_368, %gt3A_374 : vector<16xi1>
          %max3A_376 = vector.broadcast %reduce_max3A_115 : f32 to vector<16xf32>
          %max3A_377 = arith.maximumf %max3A_376, %get3A_219 : vector<16xf32>
          %max3A_378 = vector.broadcast %reduce_max3A_124 : f32 to vector<16xf32>
          %max3A_379 = arith.maximumf %max3A_378, %get3A_221 : vector<16xf32>
          %min3A_380 = vector.broadcast %reduce_max3A_133 : f32 to vector<16xf32>
          %min3A_381 = arith.minimumf %min3A_380, %get3A_223 : vector<16xf32>
          %min3A_382 = vector.broadcast %reduce_max3A_142 : f32 to vector<16xf32>
          %min3A_383 = arith.minimumf %min3A_382, %get3A_225 : vector<16xf32>
          %sub3A_384 = arith.subf %min3A_381, %max3A_377 : vector<16xf32>
          %max3A_385 = arith.constant 0.000000e+00 : f32
          %max3A_386 = vector.broadcast %max3A_385 : f32 to vector<16xf32>
          %max3A_387 = arith.maximumf %sub3A_384, %max3A_386 : vector<16xf32>
          %sub3A_388 = arith.subf %min3A_383, %max3A_379 : vector<16xf32>
          %max3A_389 = arith.constant 0.000000e+00 : f32
          %max3A_390 = vector.broadcast %max3A_389 : f32 to vector<16xf32>
          %max3A_391 = arith.maximumf %sub3A_388, %max3A_390 : vector<16xf32>
          %mul3A_392 = arith.mulf %max3A_387, %max3A_391 : vector<16xf32>
          %sub3A_393 = arith.subf %get3A_223, %get3A_219 : vector<16xf32>
          %sub3A_394 = arith.subf %get3A_225, %get3A_221 : vector<16xf32>
          %mul3A_395 = arith.mulf %sub3A_393, %sub3A_394 : vector<16xf32>
          %add3A_396 = vector.broadcast %mul3A_145 : f32 to vector<16xf32>
          %add3A_397 = arith.addf %add3A_396, %mul3A_395 : vector<16xf32>
          %sub3A_398 = arith.subf %add3A_397, %mul3A_392 : vector<16xf32>
          %max3A_399 = arith.constant 9.99999996E-13 : f32
          %max3A_400 = vector.broadcast %max3A_399 : f32 to vector<16xf32>
          %max3A_401 = arith.maximumf %sub3A_398, %max3A_400 : vector<16xf32>
          %mul3A_402 = arith.constant 5.000000e-01 : f32
          %mul3A_403 = vector.broadcast %mul3A_402 : f32 to vector<16xf32>
          %mul3A_404 = arith.mulf %mul3A_403, %max3A_401 : vector<16xf32>
          %gt3A_405 = arith.cmpf ogt, %mul3A_392, %mul3A_404 : vector<16xf32>
          %add3A_406 = arith.constant 48 : i32
          %add3A_407 = arith.addi %mul3A_185, %add3A_406 : i32
          %add3A_408 = vector.broadcast %add3A_407 : i32 to vector<16xi32>
          %add3A_409 = arith.addi %add3A_408, %iota3A : vector<16xi32>
          %gt3A_410 = vector.broadcast %while3A_69 : i32 to vector<16xi32>
          %gt3A_411 = arith.cmpi sgt, %add3A_409, %gt3A_410 : vector<16xi32>
          %and3A_412 = arith.andi %gt3A_405, %gt3A_411 : vector<16xi1>
          %max3A_413 = vector.broadcast %reduce_max3A_115 : f32 to vector<16xf32>
          %max3A_414 = arith.maximumf %max3A_413, %get3A_229 : vector<16xf32>
          %max3A_415 = vector.broadcast %reduce_max3A_124 : f32 to vector<16xf32>
          %max3A_416 = arith.maximumf %max3A_415, %get3A_231 : vector<16xf32>
          %min3A_417 = vector.broadcast %reduce_max3A_133 : f32 to vector<16xf32>
          %min3A_418 = arith.minimumf %min3A_417, %get3A_233 : vector<16xf32>
          %min3A_419 = vector.broadcast %reduce_max3A_142 : f32 to vector<16xf32>
          %min3A_420 = arith.minimumf %min3A_419, %get3A_235 : vector<16xf32>
          %sub3A_421 = arith.subf %min3A_418, %max3A_414 : vector<16xf32>
          %max3A_422 = arith.constant 0.000000e+00 : f32
          %max3A_423 = vector.broadcast %max3A_422 : f32 to vector<16xf32>
          %max3A_424 = arith.maximumf %sub3A_421, %max3A_423 : vector<16xf32>
          %sub3A_425 = arith.subf %min3A_420, %max3A_416 : vector<16xf32>
          %max3A_426 = arith.constant 0.000000e+00 : f32
          %max3A_427 = vector.broadcast %max3A_426 : f32 to vector<16xf32>
          %max3A_428 = arith.maximumf %sub3A_425, %max3A_427 : vector<16xf32>
          %mul3A_429 = arith.mulf %max3A_424, %max3A_428 : vector<16xf32>
          %sub3A_430 = arith.subf %get3A_233, %get3A_229 : vector<16xf32>
          %sub3A_431 = arith.subf %get3A_235, %get3A_231 : vector<16xf32>
          %mul3A_432 = arith.mulf %sub3A_430, %sub3A_431 : vector<16xf32>
          %add3A_433 = vector.broadcast %mul3A_145 : f32 to vector<16xf32>
          %add3A_434 = arith.addf %add3A_433, %mul3A_432 : vector<16xf32>
          %sub3A_435 = arith.subf %add3A_434, %mul3A_429 : vector<16xf32>
          %max3A_436 = arith.constant 9.99999996E-13 : f32
          %max3A_437 = vector.broadcast %max3A_436 : f32 to vector<16xf32>
          %max3A_438 = arith.maximumf %sub3A_435, %max3A_437 : vector<16xf32>
          %mul3A_439 = arith.constant 5.000000e-01 : f32
          %mul3A_440 = vector.broadcast %mul3A_439 : f32 to vector<16xf32>
          %mul3A_441 = arith.mulf %mul3A_440, %max3A_438 : vector<16xf32>
          %gt3A_442 = arith.cmpf ogt, %mul3A_429, %mul3A_441 : vector<16xf32>
          %add3A_443 = arith.constant 64 : i32
          %add3A_444 = arith.addi %mul3A_185, %add3A_443 : i32
          %add3A_445 = vector.broadcast %add3A_444 : i32 to vector<16xi32>
          %add3A_446 = arith.addi %add3A_445, %iota3A : vector<16xi32>
          %gt3A_447 = vector.broadcast %while3A_69 : i32 to vector<16xi32>
          %gt3A_448 = arith.cmpi sgt, %add3A_446, %gt3A_447 : vector<16xi32>
          %and3A_449 = arith.andi %gt3A_442, %gt3A_448 : vector<16xi1>
          %max3A_450 = vector.broadcast %reduce_max3A_115 : f32 to vector<16xf32>
          %max3A_451 = arith.maximumf %max3A_450, %get3A_239 : vector<16xf32>
          %max3A_452 = vector.broadcast %reduce_max3A_124 : f32 to vector<16xf32>
          %max3A_453 = arith.maximumf %max3A_452, %get3A_241 : vector<16xf32>
          %min3A_454 = vector.broadcast %reduce_max3A_133 : f32 to vector<16xf32>
          %min3A_455 = arith.minimumf %min3A_454, %get3A_243 : vector<16xf32>
          %min3A_456 = vector.broadcast %reduce_max3A_142 : f32 to vector<16xf32>
          %min3A_457 = arith.minimumf %min3A_456, %get3A_245 : vector<16xf32>
          %sub3A_458 = arith.subf %min3A_455, %max3A_451 : vector<16xf32>
          %max3A_459 = arith.constant 0.000000e+00 : f32
          %max3A_460 = vector.broadcast %max3A_459 : f32 to vector<16xf32>
          %max3A_461 = arith.maximumf %sub3A_458, %max3A_460 : vector<16xf32>
          %sub3A_462 = arith.subf %min3A_457, %max3A_453 : vector<16xf32>
          %max3A_463 = arith.constant 0.000000e+00 : f32
          %max3A_464 = vector.broadcast %max3A_463 : f32 to vector<16xf32>
          %max3A_465 = arith.maximumf %sub3A_462, %max3A_464 : vector<16xf32>
          %mul3A_466 = arith.mulf %max3A_461, %max3A_465 : vector<16xf32>
          %sub3A_467 = arith.subf %get3A_243, %get3A_239 : vector<16xf32>
          %sub3A_468 = arith.subf %get3A_245, %get3A_241 : vector<16xf32>
          %mul3A_469 = arith.mulf %sub3A_467, %sub3A_468 : vector<16xf32>
          %add3A_470 = vector.broadcast %mul3A_145 : f32 to vector<16xf32>
          %add3A_471 = arith.addf %add3A_470, %mul3A_469 : vector<16xf32>
          %sub3A_472 = arith.subf %add3A_471, %mul3A_466 : vector<16xf32>
          %max3A_473 = arith.constant 9.99999996E-13 : f32
          %max3A_474 = vector.broadcast %max3A_473 : f32 to vector<16xf32>
          %max3A_475 = arith.maximumf %sub3A_472, %max3A_474 : vector<16xf32>
          %mul3A_476 = arith.constant 5.000000e-01 : f32
          %mul3A_477 = vector.broadcast %mul3A_476 : f32 to vector<16xf32>
          %mul3A_478 = arith.mulf %mul3A_477, %max3A_475 : vector<16xf32>
          %gt3A_479 = arith.cmpf ogt, %mul3A_466, %mul3A_478 : vector<16xf32>
          %add3A_480 = arith.constant 80 : i32
          %add3A_481 = arith.addi %mul3A_185, %add3A_480 : i32
          %add3A_482 = vector.broadcast %add3A_481 : i32 to vector<16xi32>
          %add3A_483 = arith.addi %add3A_482, %iota3A : vector<16xi32>
          %gt3A_484 = vector.broadcast %while3A_69 : i32 to vector<16xi32>
          %gt3A_485 = arith.cmpi sgt, %add3A_483, %gt3A_484 : vector<16xi32>
          %and3A_486 = arith.andi %gt3A_479, %gt3A_485 : vector<16xi1>
          %max3A_487 = vector.broadcast %reduce_max3A_115 : f32 to vector<16xf32>
          %max3A_488 = arith.maximumf %max3A_487, %get3A_249 : vector<16xf32>
          %max3A_489 = vector.broadcast %reduce_max3A_124 : f32 to vector<16xf32>
          %max3A_490 = arith.maximumf %max3A_489, %get3A_251 : vector<16xf32>
          %min3A_491 = vector.broadcast %reduce_max3A_133 : f32 to vector<16xf32>
          %min3A_492 = arith.minimumf %min3A_491, %get3A_253 : vector<16xf32>
          %min3A_493 = vector.broadcast %reduce_max3A_142 : f32 to vector<16xf32>
          %min3A_494 = arith.minimumf %min3A_493, %get3A_255 : vector<16xf32>
          %sub3A_495 = arith.subf %min3A_492, %max3A_488 : vector<16xf32>
          %max3A_496 = arith.constant 0.000000e+00 : f32
          %max3A_497 = vector.broadcast %max3A_496 : f32 to vector<16xf32>
          %max3A_498 = arith.maximumf %sub3A_495, %max3A_497 : vector<16xf32>
          %sub3A_499 = arith.subf %min3A_494, %max3A_490 : vector<16xf32>
          %max3A_500 = arith.constant 0.000000e+00 : f32
          %max3A_501 = vector.broadcast %max3A_500 : f32 to vector<16xf32>
          %max3A_502 = arith.maximumf %sub3A_499, %max3A_501 : vector<16xf32>
          %mul3A_503 = arith.mulf %max3A_498, %max3A_502 : vector<16xf32>
          %sub3A_504 = arith.subf %get3A_253, %get3A_249 : vector<16xf32>
          %sub3A_505 = arith.subf %get3A_255, %get3A_251 : vector<16xf32>
          %mul3A_506 = arith.mulf %sub3A_504, %sub3A_505 : vector<16xf32>
          %add3A_507 = vector.broadcast %mul3A_145 : f32 to vector<16xf32>
          %add3A_508 = arith.addf %add3A_507, %mul3A_506 : vector<16xf32>
          %sub3A_509 = arith.subf %add3A_508, %mul3A_503 : vector<16xf32>
          %max3A_510 = arith.constant 9.99999996E-13 : f32
          %max3A_511 = vector.broadcast %max3A_510 : f32 to vector<16xf32>
          %max3A_512 = arith.maximumf %sub3A_509, %max3A_511 : vector<16xf32>
          %mul3A_513 = arith.constant 5.000000e-01 : f32
          %mul3A_514 = vector.broadcast %mul3A_513 : f32 to vector<16xf32>
          %mul3A_515 = arith.mulf %mul3A_514, %max3A_512 : vector<16xf32>
          %gt3A_516 = arith.cmpf ogt, %mul3A_503, %mul3A_515 : vector<16xf32>
          %add3A_517 = arith.constant 96 : i32
          %add3A_518 = arith.addi %mul3A_185, %add3A_517 : i32
          %add3A_519 = vector.broadcast %add3A_518 : i32 to vector<16xi32>
          %add3A_520 = arith.addi %add3A_519, %iota3A : vector<16xi32>
          %gt3A_521 = vector.broadcast %while3A_69 : i32 to vector<16xi32>
          %gt3A_522 = arith.cmpi sgt, %add3A_520, %gt3A_521 : vector<16xi32>
          %and3A_523 = arith.andi %gt3A_516, %gt3A_522 : vector<16xi1>
          %max3A_524 = vector.broadcast %reduce_max3A_115 : f32 to vector<16xf32>
          %max3A_525 = arith.maximumf %max3A_524, %get3A_259 : vector<16xf32>
          %max3A_526 = vector.broadcast %reduce_max3A_124 : f32 to vector<16xf32>
          %max3A_527 = arith.maximumf %max3A_526, %get3A_261 : vector<16xf32>
          %min3A_528 = vector.broadcast %reduce_max3A_133 : f32 to vector<16xf32>
          %min3A_529 = arith.minimumf %min3A_528, %get3A_263 : vector<16xf32>
          %min3A_530 = vector.broadcast %reduce_max3A_142 : f32 to vector<16xf32>
          %min3A_531 = arith.minimumf %min3A_530, %get3A_265 : vector<16xf32>
          %sub3A_532 = arith.subf %min3A_529, %max3A_525 : vector<16xf32>
          %max3A_533 = arith.constant 0.000000e+00 : f32
          %max3A_534 = vector.broadcast %max3A_533 : f32 to vector<16xf32>
          %max3A_535 = arith.maximumf %sub3A_532, %max3A_534 : vector<16xf32>
          %sub3A_536 = arith.subf %min3A_531, %max3A_527 : vector<16xf32>
          %max3A_537 = arith.constant 0.000000e+00 : f32
          %max3A_538 = vector.broadcast %max3A_537 : f32 to vector<16xf32>
          %max3A_539 = arith.maximumf %sub3A_536, %max3A_538 : vector<16xf32>
          %mul3A_540 = arith.mulf %max3A_535, %max3A_539 : vector<16xf32>
          %sub3A_541 = arith.subf %get3A_263, %get3A_259 : vector<16xf32>
          %sub3A_542 = arith.subf %get3A_265, %get3A_261 : vector<16xf32>
          %mul3A_543 = arith.mulf %sub3A_541, %sub3A_542 : vector<16xf32>
          %add3A_544 = vector.broadcast %mul3A_145 : f32 to vector<16xf32>
          %add3A_545 = arith.addf %add3A_544, %mul3A_543 : vector<16xf32>
          %sub3A_546 = arith.subf %add3A_545, %mul3A_540 : vector<16xf32>
          %max3A_547 = arith.constant 9.99999996E-13 : f32
          %max3A_548 = vector.broadcast %max3A_547 : f32 to vector<16xf32>
          %max3A_549 = arith.maximumf %sub3A_546, %max3A_548 : vector<16xf32>
          %mul3A_550 = arith.constant 5.000000e-01 : f32
          %mul3A_551 = vector.broadcast %mul3A_550 : f32 to vector<16xf32>
          %mul3A_552 = arith.mulf %mul3A_551, %max3A_549 : vector<16xf32>
          %gt3A_553 = arith.cmpf ogt, %mul3A_540, %mul3A_552 : vector<16xf32>
          %add3A_554 = arith.constant 112 : i32
          %add3A_555 = arith.addi %mul3A_185, %add3A_554 : i32
          %add3A_556 = vector.broadcast %add3A_555 : i32 to vector<16xi32>
          %add3A_557 = arith.addi %add3A_556, %iota3A : vector<16xi32>
          %gt3A_558 = vector.broadcast %while3A_69 : i32 to vector<16xi32>
          %gt3A_559 = arith.cmpi sgt, %add3A_557, %gt3A_558 : vector<16xi32>
          %and3A_560 = arith.andi %gt3A_553, %gt3A_559 : vector<16xi1>
          %add3A_561 = arith.constant 0 : i32
          %add3A_562 = arith.addi %mul3A_185, %add3A_561 : i32
          %add3A_563 = vector.broadcast %add3A_562 : i32 to vector<16xi32>
          %add3A_564 = arith.addi %add3A_563, %iota3A : vector<16xi32>
          tpu.vector_store_idx %arg26[%add3A_564], %broadcast_in_dim3A_39 masked %and3A_301 : memref<5120xf32, #tpu.memory_space<vmem>>[vector<16xi32>], vector<16xf32>, vector<16xi1>
          %add3A_565 = arith.constant 16 : i32
          %add3A_566 = arith.addi %mul3A_185, %add3A_565 : i32
          %add3A_567 = vector.broadcast %add3A_566 : i32 to vector<16xi32>
          %add3A_568 = arith.addi %add3A_567, %iota3A : vector<16xi32>
          tpu.vector_store_idx %arg26[%add3A_568], %broadcast_in_dim3A_39 masked %and3A_338 : memref<5120xf32, #tpu.memory_space<vmem>>[vector<16xi32>], vector<16xf32>, vector<16xi1>
          %add3A_569 = arith.constant 32 : i32
          %add3A_570 = arith.addi %mul3A_185, %add3A_569 : i32
          %add3A_571 = vector.broadcast %add3A_570 : i32 to vector<16xi32>
          %add3A_572 = arith.addi %add3A_571, %iota3A : vector<16xi32>
          tpu.vector_store_idx %arg26[%add3A_572], %broadcast_in_dim3A_39 masked %and3A_375 : memref<5120xf32, #tpu.memory_space<vmem>>[vector<16xi32>], vector<16xf32>, vector<16xi1>
          %add3A_573 = arith.constant 48 : i32
          %add3A_574 = arith.addi %mul3A_185, %add3A_573 : i32
          %add3A_575 = vector.broadcast %add3A_574 : i32 to vector<16xi32>
          %add3A_576 = arith.addi %add3A_575, %iota3A : vector<16xi32>
          tpu.vector_store_idx %arg26[%add3A_576], %broadcast_in_dim3A_39 masked %and3A_412 : memref<5120xf32, #tpu.memory_space<vmem>>[vector<16xi32>], vector<16xf32>, vector<16xi1>
          %add3A_577 = arith.constant 64 : i32
          %add3A_578 = arith.addi %mul3A_185, %add3A_577 : i32
          %add3A_579 = vector.broadcast %add3A_578 : i32 to vector<16xi32>
          %add3A_580 = arith.addi %add3A_579, %iota3A : vector<16xi32>
          tpu.vector_store_idx %arg26[%add3A_580], %broadcast_in_dim3A_39 masked %and3A_449 : memref<5120xf32, #tpu.memory_space<vmem>>[vector<16xi32>], vector<16xf32>, vector<16xi1>
          %add3A_581 = arith.constant 80 : i32
          %add3A_582 = arith.addi %mul3A_185, %add3A_581 : i32
          %add3A_583 = vector.broadcast %add3A_582 : i32 to vector<16xi32>
          %add3A_584 = arith.addi %add3A_583, %iota3A : vector<16xi32>
          tpu.vector_store_idx %arg26[%add3A_584], %broadcast_in_dim3A_39 masked %and3A_486 : memref<5120xf32, #tpu.memory_space<vmem>>[vector<16xi32>], vector<16xf32>, vector<16xi1>
          %add3A_585 = arith.constant 96 : i32
          %add3A_586 = arith.addi %mul3A_185, %add3A_585 : i32
          %add3A_587 = vector.broadcast %add3A_586 : i32 to vector<16xi32>
          %add3A_588 = arith.addi %add3A_587, %iota3A : vector<16xi32>
          tpu.vector_store_idx %arg26[%add3A_588], %broadcast_in_dim3A_39 masked %and3A_523 : memref<5120xf32, #tpu.memory_space<vmem>>[vector<16xi32>], vector<16xf32>, vector<16xi1>
          %add3A_589 = arith.constant 112 : i32
          %add3A_590 = arith.addi %mul3A_185, %add3A_589 : i32
          %add3A_591 = vector.broadcast %add3A_590 : i32 to vector<16xi32>
          %add3A_592 = arith.addi %add3A_591, %iota3A : vector<16xi32>
          tpu.vector_store_idx %arg26[%add3A_592], %broadcast_in_dim3A_39 masked %and3A_560 : memref<5120xf32, #tpu.memory_space<vmem>>[vector<16xi32>], vector<16xf32>, vector<16xi1>
          %jit3A_593 = arith.constant 128 : i32
          %div3A_594 = arith.divsi %while3A_69, %jit3A_593 : i32
          %sign3A_595 = arith.constant 0 : i32
          %sign3A_596 = arith.cmpi sgt, %while3A_69, %sign3A_595 : i32
          %sign3A_597 = arith.extui %sign3A_596 : i1 to i32
          %sign3A_598 = arith.constant 0 : i32
          %sign3A_599 = arith.cmpi slt, %while3A_69, %sign3A_598 : i32
          %sign3A_600 = arith.extui %sign3A_599 : i1 to i32
          %sign3A_601 = arith.subi %sign3A_597, %sign3A_600 : i32
          %sign3A_602 = arith.constant 0 : i32
          %sign3A_603 = arith.cmpi sgt, %jit3A_593, %sign3A_602 : i32
          %sign3A_604 = arith.extui %sign3A_603 : i1 to i32
          %sign3A_605 = arith.constant 0 : i32
          %sign3A_606 = arith.cmpi slt, %jit3A_593, %sign3A_605 : i32
          %sign3A_607 = arith.extui %sign3A_606 : i1 to i32
          %sign3A_608 = arith.subi %sign3A_604, %sign3A_607 : i32
          %ne3A_609 = arith.cmpi ne, %sign3A_601, %sign3A_608 : i32
          %rem3A_610 = arith.remsi %while3A_69, %jit3A_593 : i32
          %ne3A_611 = arith.constant 0 : i32
          %ne3A_612 = arith.cmpi ne, %rem3A_610, %ne3A_611 : i32
          %and3A_613 = arith.andi %ne3A_609, %ne3A_612 : i1
          %sub3A_614 = arith.constant 1 : i32
          %sub3A_615 = arith.subi %div3A_594, %sub3A_614 : i32
          %select_n3A_616 = arith.select %and3A_613, %sub3A_615, %div3A_594 : i32
          %add3A_617 = arith.constant 1 : i32
          %add3A_618 = arith.addi %select_n3A_616, %add3A_617 : i32
          %while3A_619 = arith.constant 0 : i32
          %while3A_620 = arith.constant 40 : i32
          %while3A_621 = arith.subi %while3A_620, %add3A_618 : i32
          %while3A_622 = arith.addi %add3A_618, %while3A_621 : i32
          %while3A_623 = arith.constant 1 : i32
          %while3A_624 = arith.divsi %while3A_621, %while3A_623 : i32
          %while3A_625 = arith.muli %while3A_624, %while3A_623 : i32
          %while3A_626 = arith.addi %add3A_618, %while3A_625 : i32
          %while3A_627 = arith.constant 1 : i32
          scf.for %while3A_629 = %add3A_618 to %while3A_626 step %while3A_627  : i32 {
            %mul3A_630 = arith.constant 128 : i32
            %mul3A_631 = arith.muli %while3A_629, %mul3A_630 : i32
            %add3A_632 = arith.constant 0 : i32
            %add3A_633 = arith.addi %mul3A_631, %add3A_632 : i32
            %get3A_634 = arith.index_cast %add3A_633 : i32 to index
            %get3A_635 = tpu.vector_load %arg22[%get3A_634] {strides = array<i32>} : memref<5120xf32, #tpu.memory_space<vmem>>, vector<16xf32>,
            %get3A_636 = arith.index_cast %add3A_633 : i32 to index
            %get3A_637 = tpu.vector_load %arg23[%get3A_636] {strides = array<i32>} : memref<5120xf32, #tpu.memory_space<vmem>>, vector<16xf32>,
            %get3A_638 = arith.index_cast %add3A_633 : i32 to index
            %get3A_639 = tpu.vector_load %arg24[%get3A_638] {strides = array<i32>} : memref<5120xf32, #tpu.memory_space<vmem>>, vector<16xf32>,
            %get3A_640 = arith.index_cast %add3A_633 : i32 to index
            %get3A_641 = tpu.vector_load %arg25[%get3A_640] {strides = array<i32>} : memref<5120xf32, #tpu.memory_space<vmem>>, vector<16xf32>,
            %add3A_642 = arith.constant 16 : i32
            %add3A_643 = arith.addi %mul3A_631, %add3A_642 : i32
            %get3A_644 = arith.index_cast %add3A_643 : i32 to index
            %get3A_645 = tpu.vector_load %arg22[%get3A_644] {strides = array<i32>} : memref<5120xf32, #tpu.memory_space<vmem>>, vector<16xf32>,
            %get3A_646 = arith.index_cast %add3A_643 : i32 to index
            %get3A_647 = tpu.vector_load %arg23[%get3A_646] {strides = array<i32>} : memref<5120xf32, #tpu.memory_space<vmem>>, vector<16xf32>,
            %get3A_648 = arith.index_cast %add3A_643 : i32 to index
            %get3A_649 = tpu.vector_load %arg24[%get3A_648] {strides = array<i32>} : memref<5120xf32, #tpu.memory_space<vmem>>, vector<16xf32>,
            %get3A_650 = arith.index_cast %add3A_643 : i32 to index
            %get3A_651 = tpu.vector_load %arg25[%get3A_650] {strides = array<i32>} : memref<5120xf32, #tpu.memory_space<vmem>>, vector<16xf32>,
            %add3A_652 = arith.constant 32 : i32
            %add3A_653 = arith.addi %mul3A_631, %add3A_652 : i32
            %get3A_654 = arith.index_cast %add3A_653 : i32 to index
            %get3A_655 = tpu.vector_load %arg22[%get3A_654] {strides = array<i32>} : memref<5120xf32, #tpu.memory_space<vmem>>, vector<16xf32>,
            %get3A_656 = arith.index_cast %add3A_653 : i32 to index
            %get3A_657 = tpu.vector_load %arg23[%get3A_656] {strides = array<i32>} : memref<5120xf32, #tpu.memory_space<vmem>>, vector<16xf32>,
            %get3A_658 = arith.index_cast %add3A_653 : i32 to index
            %get3A_659 = tpu.vector_load %arg24[%get3A_658] {strides = array<i32>} : memref<5120xf32, #tpu.memory_space<vmem>>, vector<16xf32>,
            %get3A_660 = arith.index_cast %add3A_653 : i32 to index
            %get3A_661 = tpu.vector_load %arg25[%get3A_660] {strides = array<i32>} : memref<5120xf32, #tpu.memory_space<vmem>>, vector<16xf32>,
            %add3A_662 = arith.constant 48 : i32
            %add3A_663 = arith.addi %mul3A_631, %add3A_662 : i32
            %get3A_664 = arith.index_cast %add3A_663 : i32 to index
            %get3A_665 = tpu.vector_load %arg22[%get3A_664] {strides = array<i32>} : memref<5120xf32, #tpu.memory_space<vmem>>, vector<16xf32>,
            %get3A_666 = arith.index_cast %add3A_663 : i32 to index
            %get3A_667 = tpu.vector_load %arg23[%get3A_666] {strides = array<i32>} : memref<5120xf32, #tpu.memory_space<vmem>>, vector<16xf32>,
            %get3A_668 = arith.index_cast %add3A_663 : i32 to index
            %get3A_669 = tpu.vector_load %arg24[%get3A_668] {strides = array<i32>} : memref<5120xf32, #tpu.memory_space<vmem>>, vector<16xf32>,
            %get3A_670 = arith.index_cast %add3A_663 : i32 to index
            %get3A_671 = tpu.vector_load %arg25[%get3A_670] {strides = array<i32>} : memref<5120xf32, #tpu.memory_space<vmem>>, vector<16xf32>,
            %add3A_672 = arith.constant 64 : i32
            %add3A_673 = arith.addi %mul3A_631, %add3A_672 : i32
            %get3A_674 = arith.index_cast %add3A_673 : i32 to index
            %get3A_675 = tpu.vector_load %arg22[%get3A_674] {strides = array<i32>} : memref<5120xf32, #tpu.memory_space<vmem>>, vector<16xf32>,
            %get3A_676 = arith.index_cast %add3A_673 : i32 to index
            %get3A_677 = tpu.vector_load %arg23[%get3A_676] {strides = array<i32>} : memref<5120xf32, #tpu.memory_space<vmem>>, vector<16xf32>,
            %get3A_678 = arith.index_cast %add3A_673 : i32 to index
            %get3A_679 = tpu.vector_load %arg24[%get3A_678] {strides = array<i32>} : memref<5120xf32, #tpu.memory_space<vmem>>, vector<16xf32>,
            %get3A_680 = arith.index_cast %add3A_673 : i32 to index
            %get3A_681 = tpu.vector_load %arg25[%get3A_680] {strides = array<i32>} : memref<5120xf32, #tpu.memory_space<vmem>>, vector<16xf32>,
            %add3A_682 = arith.constant 80 : i32
            %add3A_683 = arith.addi %mul3A_631, %add3A_682 : i32
            %get3A_684 = arith.index_cast %add3A_683 : i32 to index
            %get3A_685 = tpu.vector_load %arg22[%get3A_684] {strides = array<i32>} : memref<5120xf32, #tpu.memory_space<vmem>>, vector<16xf32>,
            %get3A_686 = arith.index_cast %add3A_683 : i32 to index
            %get3A_687 = tpu.vector_load %arg23[%get3A_686] {strides = array<i32>} : memref<5120xf32, #tpu.memory_space<vmem>>, vector<16xf32>,
            %get3A_688 = arith.index_cast %add3A_683 : i32 to index
            %get3A_689 = tpu.vector_load %arg24[%get3A_688] {strides = array<i32>} : memref<5120xf32, #tpu.memory_space<vmem>>, vector<16xf32>,
            %get3A_690 = arith.index_cast %add3A_683 : i32 to index
            %get3A_691 = tpu.vector_load %arg25[%get3A_690] {strides = array<i32>} : memref<5120xf32, #tpu.memory_space<vmem>>, vector<16xf32>,
            %add3A_692 = arith.constant 96 : i32
            %add3A_693 = arith.addi %mul3A_631, %add3A_692 : i32
            %get3A_694 = arith.index_cast %add3A_693 : i32 to index
            %get3A_695 = tpu.vector_load %arg22[%get3A_694] {strides = array<i32>} : memref<5120xf32, #tpu.memory_space<vmem>>, vector<16xf32>,
            %get3A_696 = arith.index_cast %add3A_693 : i32 to index
            %get3A_697 = tpu.vector_load %arg23[%get3A_696] {strides = array<i32>} : memref<5120xf32, #tpu.memory_space<vmem>>, vector<16xf32>,
            %get3A_698 = arith.index_cast %add3A_693 : i32 to index
            %get3A_699 = tpu.vector_load %arg24[%get3A_698] {strides = array<i32>} : memref<5120xf32, #tpu.memory_space<vmem>>, vector<16xf32>,
            %get3A_700 = arith.index_cast %add3A_693 : i32 to index
            %get3A_701 = tpu.vector_load %arg25[%get3A_700] {strides = array<i32>} : memref<5120xf32, #tpu.memory_space<vmem>>, vector<16xf32>,
            %add3A_702 = arith.constant 112 : i32
            %add3A_703 = arith.addi %mul3A_631, %add3A_702 : i32
            %get3A_704 = arith.index_cast %add3A_703 : i32 to index
            %get3A_705 = tpu.vector_load %arg22[%get3A_704] {strides = array<i32>} : memref<5120xf32, #tpu.memory_space<vmem>>, vector<16xf32>,
            %get3A_706 = arith.index_cast %add3A_703 : i32 to index
            %get3A_707 = tpu.vector_load %arg23[%get3A_706] {strides = array<i32>} : memref<5120xf32, #tpu.memory_space<vmem>>, vector<16xf32>,
            %get3A_708 = arith.index_cast %add3A_703 : i32 to index
            %get3A_709 = tpu.vector_load %arg24[%get3A_708] {strides = array<i32>} : memref<5120xf32, #tpu.memory_space<vmem>>, vector<16xf32>,
            %get3A_710 = arith.index_cast %add3A_703 : i32 to index
            %get3A_711 = tpu.vector_load %arg25[%get3A_710] {strides = array<i32>} : memref<5120xf32, #tpu.memory_space<vmem>>, vector<16xf32>,
            %max3A_712 = vector.broadcast %reduce_max3A_115 : f32 to vector<16xf32>
            %max3A_713 = arith.maximumf %max3A_712, %get3A_635 : vector<16xf32>
            %max3A_714 = vector.broadcast %reduce_max3A_124 : f32 to vector<16xf32>
            %max3A_715 = arith.maximumf %max3A_714, %get3A_637 : vector<16xf32>
            %min3A_716 = vector.broadcast %reduce_max3A_133 : f32 to vector<16xf32>
            %min3A_717 = arith.minimumf %min3A_716, %get3A_639 : vector<16xf32>
            %min3A_718 = vector.broadcast %reduce_max3A_142 : f32 to vector<16xf32>
            %min3A_719 = arith.minimumf %min3A_718, %get3A_641 : vector<16xf32>
            %sub3A_720 = arith.subf %min3A_717, %max3A_713 : vector<16xf32>
            %max3A_721 = arith.constant 0.000000e+00 : f32
            %max3A_722 = vector.broadcast %max3A_721 : f32 to vector<16xf32>
            %max3A_723 = arith.maximumf %sub3A_720, %max3A_722 : vector<16xf32>
            %sub3A_724 = arith.subf %min3A_719, %max3A_715 : vector<16xf32>
            %max3A_725 = arith.constant 0.000000e+00 : f32
            %max3A_726 = vector.broadcast %max3A_725 : f32 to vector<16xf32>
            %max3A_727 = arith.maximumf %sub3A_724, %max3A_726 : vector<16xf32>
            %mul3A_728 = arith.mulf %max3A_723, %max3A_727 : vector<16xf32>
            %sub3A_729 = arith.subf %get3A_639, %get3A_635 : vector<16xf32>
            %sub3A_730 = arith.subf %get3A_641, %get3A_637 : vector<16xf32>
            %mul3A_731 = arith.mulf %sub3A_729, %sub3A_730 : vector<16xf32>
            %add3A_732 = vector.broadcast %mul3A_145 : f32 to vector<16xf32>
            %add3A_733 = arith.addf %add3A_732, %mul3A_731 : vector<16xf32>
            %sub3A_734 = arith.subf %add3A_733, %mul3A_728 : vector<16xf32>
            %max3A_735 = arith.constant 9.99999996E-13 : f32
            %max3A_736 = vector.broadcast %max3A_735 : f32 to vector<16xf32>
            %max3A_737 = arith.maximumf %sub3A_734, %max3A_736 : vector<16xf32>
            %mul3A_738 = arith.constant 5.000000e-01 : f32
            %mul3A_739 = vector.broadcast %mul3A_738 : f32 to vector<16xf32>
            %mul3A_740 = arith.mulf %mul3A_739, %max3A_737 : vector<16xf32>
            %gt3A_741 = arith.cmpf ogt, %mul3A_728, %mul3A_740 : vector<16xf32>
            %max3A_742 = vector.broadcast %reduce_max3A_115 : f32 to vector<16xf32>
            %max3A_743 = arith.maximumf %max3A_742, %get3A_645 : vector<16xf32>
            %max3A_744 = vector.broadcast %reduce_max3A_124 : f32 to vector<16xf32>
            %max3A_745 = arith.maximumf %max3A_744, %get3A_647 : vector<16xf32>
            %min3A_746 = vector.broadcast %reduce_max3A_133 : f32 to vector<16xf32>
            %min3A_747 = arith.minimumf %min3A_746, %get3A_649 : vector<16xf32>
            %min3A_748 = vector.broadcast %reduce_max3A_142 : f32 to vector<16xf32>
            %min3A_749 = arith.minimumf %min3A_748, %get3A_651 : vector<16xf32>
            %sub3A_750 = arith.subf %min3A_747, %max3A_743 : vector<16xf32>
            %max3A_751 = arith.constant 0.000000e+00 : f32
            %max3A_752 = vector.broadcast %max3A_751 : f32 to vector<16xf32>
            %max3A_753 = arith.maximumf %sub3A_750, %max3A_752 : vector<16xf32>
            %sub3A_754 = arith.subf %min3A_749, %max3A_745 : vector<16xf32>
            %max3A_755 = arith.constant 0.000000e+00 : f32
            %max3A_756 = vector.broadcast %max3A_755 : f32 to vector<16xf32>
            %max3A_757 = arith.maximumf %sub3A_754, %max3A_756 : vector<16xf32>
            %mul3A_758 = arith.mulf %max3A_753, %max3A_757 : vector<16xf32>
            %sub3A_759 = arith.subf %get3A_649, %get3A_645 : vector<16xf32>
            %sub3A_760 = arith.subf %get3A_651, %get3A_647 : vector<16xf32>
            %mul3A_761 = arith.mulf %sub3A_759, %sub3A_760 : vector<16xf32>
            %add3A_762 = vector.broadcast %mul3A_145 : f32 to vector<16xf32>
            %add3A_763 = arith.addf %add3A_762, %mul3A_761 : vector<16xf32>
            %sub3A_764 = arith.subf %add3A_763, %mul3A_758 : vector<16xf32>
            %max3A_765 = arith.constant 9.99999996E-13 : f32
            %max3A_766 = vector.broadcast %max3A_765 : f32 to vector<16xf32>
            %max3A_767 = arith.maximumf %sub3A_764, %max3A_766 : vector<16xf32>
            %mul3A_768 = arith.constant 5.000000e-01 : f32
            %mul3A_769 = vector.broadcast %mul3A_768 : f32 to vector<16xf32>
            %mul3A_770 = arith.mulf %mul3A_769, %max3A_767 : vector<16xf32>
            %gt3A_771 = arith.cmpf ogt, %mul3A_758, %mul3A_770 : vector<16xf32>
            %max3A_772 = vector.broadcast %reduce_max3A_115 : f32 to vector<16xf32>
            %max3A_773 = arith.maximumf %max3A_772, %get3A_655 : vector<16xf32>
            %max3A_774 = vector.broadcast %reduce_max3A_124 : f32 to vector<16xf32>
            %max3A_775 = arith.maximumf %max3A_774, %get3A_657 : vector<16xf32>
            %min3A_776 = vector.broadcast %reduce_max3A_133 : f32 to vector<16xf32>
            %min3A_777 = arith.minimumf %min3A_776, %get3A_659 : vector<16xf32>
            %min3A_778 = vector.broadcast %reduce_max3A_142 : f32 to vector<16xf32>
            %min3A_779 = arith.minimumf %min3A_778, %get3A_661 : vector<16xf32>
            %sub3A_780 = arith.subf %min3A_777, %max3A_773 : vector<16xf32>
            %max3A_781 = arith.constant 0.000000e+00 : f32
            %max3A_782 = vector.broadcast %max3A_781 : f32 to vector<16xf32>
            %max3A_783 = arith.maximumf %sub3A_780, %max3A_782 : vector<16xf32>
            %sub3A_784 = arith.subf %min3A_779, %max3A_775 : vector<16xf32>
            %max3A_785 = arith.constant 0.000000e+00 : f32
            %max3A_786 = vector.broadcast %max3A_785 : f32 to vector<16xf32>
            %max3A_787 = arith.maximumf %sub3A_784, %max3A_786 : vector<16xf32>
            %mul3A_788 = arith.mulf %max3A_783, %max3A_787 : vector<16xf32>
            %sub3A_789 = arith.subf %get3A_659, %get3A_655 : vector<16xf32>
            %sub3A_790 = arith.subf %get3A_661, %get3A_657 : vector<16xf32>
            %mul3A_791 = arith.mulf %sub3A_789, %sub3A_790 : vector<16xf32>
            %add3A_792 = vector.broadcast %mul3A_145 : f32 to vector<16xf32>
            %add3A_793 = arith.addf %add3A_792, %mul3A_791 : vector<16xf32>
            %sub3A_794 = arith.subf %add3A_793, %mul3A_788 : vector<16xf32>
            %max3A_795 = arith.constant 9.99999996E-13 : f32
            %max3A_796 = vector.broadcast %max3A_795 : f32 to vector<16xf32>
            %max3A_797 = arith.maximumf %sub3A_794, %max3A_796 : vector<16xf32>
            %mul3A_798 = arith.constant 5.000000e-01 : f32
            %mul3A_799 = vector.broadcast %mul3A_798 : f32 to vector<16xf32>
            %mul3A_800 = arith.mulf %mul3A_799, %max3A_797 : vector<16xf32>
            %gt3A_801 = arith.cmpf ogt, %mul3A_788, %mul3A_800 : vector<16xf32>
            %max3A_802 = vector.broadcast %reduce_max3A_115 : f32 to vector<16xf32>
            %max3A_803 = arith.maximumf %max3A_802, %get3A_665 : vector<16xf32>
            %max3A_804 = vector.broadcast %reduce_max3A_124 : f32 to vector<16xf32>
            %max3A_805 = arith.maximumf %max3A_804, %get3A_667 : vector<16xf32>
            %min3A_806 = vector.broadcast %reduce_max3A_133 : f32 to vector<16xf32>
            %min3A_807 = arith.minimumf %min3A_806, %get3A_669 : vector<16xf32>
            %min3A_808 = vector.broadcast %reduce_max3A_142 : f32 to vector<16xf32>
            %min3A_809 = arith.minimumf %min3A_808, %get3A_671 : vector<16xf32>
            %sub3A_810 = arith.subf %min3A_807, %max3A_803 : vector<16xf32>
            %max3A_811 = arith.constant 0.000000e+00 : f32
            %max3A_812 = vector.broadcast %max3A_811 : f32 to vector<16xf32>
            %max3A_813 = arith.maximumf %sub3A_810, %max3A_812 : vector<16xf32>
            %sub3A_814 = arith.subf %min3A_809, %max3A_805 : vector<16xf32>
            %max3A_815 = arith.constant 0.000000e+00 : f32
            %max3A_816 = vector.broadcast %max3A_815 : f32 to vector<16xf32>
            %max3A_817 = arith.maximumf %sub3A_814, %max3A_816 : vector<16xf32>
            %mul3A_818 = arith.mulf %max3A_813, %max3A_817 : vector<16xf32>
            %sub3A_819 = arith.subf %get3A_669, %get3A_665 : vector<16xf32>
            %sub3A_820 = arith.subf %get3A_671, %get3A_667 : vector<16xf32>
            %mul3A_821 = arith.mulf %sub3A_819, %sub3A_820 : vector<16xf32>
            %add3A_822 = vector.broadcast %mul3A_145 : f32 to vector<16xf32>
            %add3A_823 = arith.addf %add3A_822, %mul3A_821 : vector<16xf32>
            %sub3A_824 = arith.subf %add3A_823, %mul3A_818 : vector<16xf32>
            %max3A_825 = arith.constant 9.99999996E-13 : f32
            %max3A_826 = vector.broadcast %max3A_825 : f32 to vector<16xf32>
            %max3A_827 = arith.maximumf %sub3A_824, %max3A_826 : vector<16xf32>
            %mul3A_828 = arith.constant 5.000000e-01 : f32
            %mul3A_829 = vector.broadcast %mul3A_828 : f32 to vector<16xf32>
            %mul3A_830 = arith.mulf %mul3A_829, %max3A_827 : vector<16xf32>
            %gt3A_831 = arith.cmpf ogt, %mul3A_818, %mul3A_830 : vector<16xf32>
            %max3A_832 = vector.broadcast %reduce_max3A_115 : f32 to vector<16xf32>
            %max3A_833 = arith.maximumf %max3A_832, %get3A_675 : vector<16xf32>
            %max3A_834 = vector.broadcast %reduce_max3A_124 : f32 to vector<16xf32>
            %max3A_835 = arith.maximumf %max3A_834, %get3A_677 : vector<16xf32>
            %min3A_836 = vector.broadcast %reduce_max3A_133 : f32 to vector<16xf32>
            %min3A_837 = arith.minimumf %min3A_836, %get3A_679 : vector<16xf32>
            %min3A_838 = vector.broadcast %reduce_max3A_142 : f32 to vector<16xf32>
            %min3A_839 = arith.minimumf %min3A_838, %get3A_681 : vector<16xf32>
            %sub3A_840 = arith.subf %min3A_837, %max3A_833 : vector<16xf32>
            %max3A_841 = arith.constant 0.000000e+00 : f32
            %max3A_842 = vector.broadcast %max3A_841 : f32 to vector<16xf32>
            %max3A_843 = arith.maximumf %sub3A_840, %max3A_842 : vector<16xf32>
            %sub3A_844 = arith.subf %min3A_839, %max3A_835 : vector<16xf32>
            %max3A_845 = arith.constant 0.000000e+00 : f32
            %max3A_846 = vector.broadcast %max3A_845 : f32 to vector<16xf32>
            %max3A_847 = arith.maximumf %sub3A_844, %max3A_846 : vector<16xf32>
            %mul3A_848 = arith.mulf %max3A_843, %max3A_847 : vector<16xf32>
            %sub3A_849 = arith.subf %get3A_679, %get3A_675 : vector<16xf32>
            %sub3A_850 = arith.subf %get3A_681, %get3A_677 : vector<16xf32>
            %mul3A_851 = arith.mulf %sub3A_849, %sub3A_850 : vector<16xf32>
            %add3A_852 = vector.broadcast %mul3A_145 : f32 to vector<16xf32>
            %add3A_853 = arith.addf %add3A_852, %mul3A_851 : vector<16xf32>
            %sub3A_854 = arith.subf %add3A_853, %mul3A_848 : vector<16xf32>
            %max3A_855 = arith.constant 9.99999996E-13 : f32
            %max3A_856 = vector.broadcast %max3A_855 : f32 to vector<16xf32>
            %max3A_857 = arith.maximumf %sub3A_854, %max3A_856 : vector<16xf32>
            %mul3A_858 = arith.constant 5.000000e-01 : f32
            %mul3A_859 = vector.broadcast %mul3A_858 : f32 to vector<16xf32>
            %mul3A_860 = arith.mulf %mul3A_859, %max3A_857 : vector<16xf32>
            %gt3A_861 = arith.cmpf ogt, %mul3A_848, %mul3A_860 : vector<16xf32>
            %max3A_862 = vector.broadcast %reduce_max3A_115 : f32 to vector<16xf32>
            %max3A_863 = arith.maximumf %max3A_862, %get3A_685 : vector<16xf32>
            %max3A_864 = vector.broadcast %reduce_max3A_124 : f32 to vector<16xf32>
            %max3A_865 = arith.maximumf %max3A_864, %get3A_687 : vector<16xf32>
            %min3A_866 = vector.broadcast %reduce_max3A_133 : f32 to vector<16xf32>
            %min3A_867 = arith.minimumf %min3A_866, %get3A_689 : vector<16xf32>
            %min3A_868 = vector.broadcast %reduce_max3A_142 : f32 to vector<16xf32>
            %min3A_869 = arith.minimumf %min3A_868, %get3A_691 : vector<16xf32>
            %sub3A_870 = arith.subf %min3A_867, %max3A_863 : vector<16xf32>
            %max3A_871 = arith.constant 0.000000e+00 : f32
            %max3A_872 = vector.broadcast %max3A_871 : f32 to vector<16xf32>
            %max3A_873 = arith.maximumf %sub3A_870, %max3A_872 : vector<16xf32>
            %sub3A_874 = arith.subf %min3A_869, %max3A_865 : vector<16xf32>
            %max3A_875 = arith.constant 0.000000e+00 : f32
            %max3A_876 = vector.broadcast %max3A_875 : f32 to vector<16xf32>
            %max3A_877 = arith.maximumf %sub3A_874, %max3A_876 : vector<16xf32>
            %mul3A_878 = arith.mulf %max3A_873, %max3A_877 : vector<16xf32>
            %sub3A_879 = arith.subf %get3A_689, %get3A_685 : vector<16xf32>
            %sub3A_880 = arith.subf %get3A_691, %get3A_687 : vector<16xf32>
            %mul3A_881 = arith.mulf %sub3A_879, %sub3A_880 : vector<16xf32>
            %add3A_882 = vector.broadcast %mul3A_145 : f32 to vector<16xf32>
            %add3A_883 = arith.addf %add3A_882, %mul3A_881 : vector<16xf32>
            %sub3A_884 = arith.subf %add3A_883, %mul3A_878 : vector<16xf32>
            %max3A_885 = arith.constant 9.99999996E-13 : f32
            %max3A_886 = vector.broadcast %max3A_885 : f32 to vector<16xf32>
            %max3A_887 = arith.maximumf %sub3A_884, %max3A_886 : vector<16xf32>
            %mul3A_888 = arith.constant 5.000000e-01 : f32
            %mul3A_889 = vector.broadcast %mul3A_888 : f32 to vector<16xf32>
            %mul3A_890 = arith.mulf %mul3A_889, %max3A_887 : vector<16xf32>
            %gt3A_891 = arith.cmpf ogt, %mul3A_878, %mul3A_890 : vector<16xf32>
            %max3A_892 = vector.broadcast %reduce_max3A_115 : f32 to vector<16xf32>
            %max3A_893 = arith.maximumf %max3A_892, %get3A_695 : vector<16xf32>
            %max3A_894 = vector.broadcast %reduce_max3A_124 : f32 to vector<16xf32>
            %max3A_895 = arith.maximumf %max3A_894, %get3A_697 : vector<16xf32>
            %min3A_896 = vector.broadcast %reduce_max3A_133 : f32 to vector<16xf32>
            %min3A_897 = arith.minimumf %min3A_896, %get3A_699 : vector<16xf32>
            %min3A_898 = vector.broadcast %reduce_max3A_142 : f32 to vector<16xf32>
            %min3A_899 = arith.minimumf %min3A_898, %get3A_701 : vector<16xf32>
            %sub3A_900 = arith.subf %min3A_897, %max3A_893 : vector<16xf32>
            %max3A_901 = arith.constant 0.000000e+00 : f32
            %max3A_902 = vector.broadcast %max3A_901 : f32 to vector<16xf32>
            %max3A_903 = arith.maximumf %sub3A_900, %max3A_902 : vector<16xf32>
            %sub3A_904 = arith.subf %min3A_899, %max3A_895 : vector<16xf32>
            %max3A_905 = arith.constant 0.000000e+00 : f32
            %max3A_906 = vector.broadcast %max3A_905 : f32 to vector<16xf32>
            %max3A_907 = arith.maximumf %sub3A_904, %max3A_906 : vector<16xf32>
            %mul3A_908 = arith.mulf %max3A_903, %max3A_907 : vector<16xf32>
            %sub3A_909 = arith.subf %get3A_699, %get3A_695 : vector<16xf32>
            %sub3A_910 = arith.subf %get3A_701, %get3A_697 : vector<16xf32>
            %mul3A_911 = arith.mulf %sub3A_909, %sub3A_910 : vector<16xf32>
            %add3A_912 = vector.broadcast %mul3A_145 : f32 to vector<16xf32>
            %add3A_913 = arith.addf %add3A_912, %mul3A_911 : vector<16xf32>
            %sub3A_914 = arith.subf %add3A_913, %mul3A_908 : vector<16xf32>
            %max3A_915 = arith.constant 9.99999996E-13 : f32
            %max3A_916 = vector.broadcast %max3A_915 : f32 to vector<16xf32>
            %max3A_917 = arith.maximumf %sub3A_914, %max3A_916 : vector<16xf32>
            %mul3A_918 = arith.constant 5.000000e-01 : f32
            %mul3A_919 = vector.broadcast %mul3A_918 : f32 to vector<16xf32>
            %mul3A_920 = arith.mulf %mul3A_919, %max3A_917 : vector<16xf32>
            %gt3A_921 = arith.cmpf ogt, %mul3A_908, %mul3A_920 : vector<16xf32>
            %max3A_922 = vector.broadcast %reduce_max3A_115 : f32 to vector<16xf32>
            %max3A_923 = arith.maximumf %max3A_922, %get3A_705 : vector<16xf32>
            %max3A_924 = vector.broadcast %reduce_max3A_124 : f32 to vector<16xf32>
            %max3A_925 = arith.maximumf %max3A_924, %get3A_707 : vector<16xf32>
            %min3A_926 = vector.broadcast %reduce_max3A_133 : f32 to vector<16xf32>
            %min3A_927 = arith.minimumf %min3A_926, %get3A_709 : vector<16xf32>
            %min3A_928 = vector.broadcast %reduce_max3A_142 : f32 to vector<16xf32>
            %min3A_929 = arith.minimumf %min3A_928, %get3A_711 : vector<16xf32>
            %sub3A_930 = arith.subf %min3A_927, %max3A_923 : vector<16xf32>
            %max3A_931 = arith.constant 0.000000e+00 : f32
            %max3A_932 = vector.broadcast %max3A_931 : f32 to vector<16xf32>
            %max3A_933 = arith.maximumf %sub3A_930, %max3A_932 : vector<16xf32>
            %sub3A_934 = arith.subf %min3A_929, %max3A_925 : vector<16xf32>
            %max3A_935 = arith.constant 0.000000e+00 : f32
            %max3A_936 = vector.broadcast %max3A_935 : f32 to vector<16xf32>
            %max3A_937 = arith.maximumf %sub3A_934, %max3A_936 : vector<16xf32>
            %mul3A_938 = arith.mulf %max3A_933, %max3A_937 : vector<16xf32>
            %sub3A_939 = arith.subf %get3A_709, %get3A_705 : vector<16xf32>
            %sub3A_940 = arith.subf %get3A_711, %get3A_707 : vector<16xf32>
            %mul3A_941 = arith.mulf %sub3A_939, %sub3A_940 : vector<16xf32>
            %add3A_942 = vector.broadcast %mul3A_145 : f32 to vector<16xf32>
            %add3A_943 = arith.addf %add3A_942, %mul3A_941 : vector<16xf32>
            %sub3A_944 = arith.subf %add3A_943, %mul3A_938 : vector<16xf32>
            %max3A_945 = arith.constant 9.99999996E-13 : f32
            %max3A_946 = vector.broadcast %max3A_945 : f32 to vector<16xf32>
            %max3A_947 = arith.maximumf %sub3A_944, %max3A_946 : vector<16xf32>
            %mul3A_948 = arith.constant 5.000000e-01 : f32
            %mul3A_949 = vector.broadcast %mul3A_948 : f32 to vector<16xf32>
            %mul3A_950 = arith.mulf %mul3A_949, %max3A_947 : vector<16xf32>
            %gt3A_951 = arith.cmpf ogt, %mul3A_938, %mul3A_950 : vector<16xf32>
            %add3A_952 = arith.constant 0 : i32
            %add3A_953 = arith.addi %mul3A_631, %add3A_952 : i32
            %add3A_954 = vector.broadcast %add3A_953 : i32 to vector<16xi32>
            %add3A_955 = arith.addi %add3A_954, %iota3A : vector<16xi32>
            tpu.vector_store_idx %arg26[%add3A_955], %broadcast_in_dim3A_39 masked %gt3A_741 : memref<5120xf32, #tpu.memory_space<vmem>>[vector<16xi32>], vector<16xf32>, vector<16xi1>
            %add3A_956 = arith.constant 16 : i32
            %add3A_957 = arith.addi %mul3A_631, %add3A_956 : i32
            %add3A_958 = vector.broadcast %add3A_957 : i32 to vector<16xi32>
            %add3A_959 = arith.addi %add3A_958, %iota3A : vector<16xi32>
            tpu.vector_store_idx %arg26[%add3A_959], %broadcast_in_dim3A_39 masked %gt3A_771 : memref<5120xf32, #tpu.memory_space<vmem>>[vector<16xi32>], vector<16xf32>, vector<16xi1>
            %add3A_960 = arith.constant 32 : i32
            %add3A_961 = arith.addi %mul3A_631, %add3A_960 : i32
            %add3A_962 = vector.broadcast %add3A_961 : i32 to vector<16xi32>
            %add3A_963 = arith.addi %add3A_962, %iota3A : vector<16xi32>
            tpu.vector_store_idx %arg26[%add3A_963], %broadcast_in_dim3A_39 masked %gt3A_801 : memref<5120xf32, #tpu.memory_space<vmem>>[vector<16xi32>], vector<16xf32>, vector<16xi1>
            %add3A_964 = arith.constant 48 : i32
            %add3A_965 = arith.addi %mul3A_631, %add3A_964 : i32
            %add3A_966 = vector.broadcast %add3A_965 : i32 to vector<16xi32>
            %add3A_967 = arith.addi %add3A_966, %iota3A : vector<16xi32>
            tpu.vector_store_idx %arg26[%add3A_967], %broadcast_in_dim3A_39 masked %gt3A_831 : memref<5120xf32, #tpu.memory_space<vmem>>[vector<16xi32>], vector<16xf32>, vector<16xi1>
            %add3A_968 = arith.constant 64 : i32
            %add3A_969 = arith.addi %mul3A_631, %add3A_968 : i32
            %add3A_970 = vector.broadcast %add3A_969 : i32 to vector<16xi32>
            %add3A_971 = arith.addi %add3A_970, %iota3A : vector<16xi32>
            tpu.vector_store_idx %arg26[%add3A_971], %broadcast_in_dim3A_39 masked %gt3A_861 : memref<5120xf32, #tpu.memory_space<vmem>>[vector<16xi32>], vector<16xf32>, vector<16xi1>
            %add3A_972 = arith.constant 80 : i32
            %add3A_973 = arith.addi %mul3A_631, %add3A_972 : i32
            %add3A_974 = vector.broadcast %add3A_973 : i32 to vector<16xi32>
            %add3A_975 = arith.addi %add3A_974, %iota3A : vector<16xi32>
            tpu.vector_store_idx %arg26[%add3A_975], %broadcast_in_dim3A_39 masked %gt3A_891 : memref<5120xf32, #tpu.memory_space<vmem>>[vector<16xi32>], vector<16xf32>, vector<16xi1>
            %add3A_976 = arith.constant 96 : i32
            %add3A_977 = arith.addi %mul3A_631, %add3A_976 : i32
            %add3A_978 = vector.broadcast %add3A_977 : i32 to vector<16xi32>
            %add3A_979 = arith.addi %add3A_978, %iota3A : vector<16xi32>
            tpu.vector_store_idx %arg26[%add3A_979], %broadcast_in_dim3A_39 masked %gt3A_921 : memref<5120xf32, #tpu.memory_space<vmem>>[vector<16xi32>], vector<16xf32>, vector<16xi1>
            %add3A_980 = arith.constant 112 : i32
            %add3A_981 = arith.addi %mul3A_631, %add3A_980 : i32
            %add3A_982 = vector.broadcast %add3A_981 : i32 to vector<16xi32>
            %add3A_983 = arith.addi %add3A_982, %iota3A : vector<16xi32>
            tpu.vector_store_idx %arg26[%add3A_983], %broadcast_in_dim3A_39 masked %gt3A_951 : memref<5120xf32, #tpu.memory_space<vmem>>[vector<16xi32>], vector<16xf32>, vector<16xi1>
          }
          %while3A_628 = arith.constant 1 : i32
          scf.for %while3A_629 = %while3A_626 to %while3A_622 step %while3A_628  : i32 {
            %mul3A_630 = arith.constant 128 : i32
            %mul3A_631 = arith.muli %while3A_629, %mul3A_630 : i32
            %add3A_632 = arith.constant 0 : i32
            %add3A_633 = arith.addi %mul3A_631, %add3A_632 : i32
            %get3A_634 = arith.index_cast %add3A_633 : i32 to index
            %get3A_635 = tpu.vector_load %arg22[%get3A_634] {strides = array<i32>} : memref<5120xf32, #tpu.memory_space<vmem>>, vector<16xf32>,
            %get3A_636 = arith.index_cast %add3A_633 : i32 to index
            %get3A_637 = tpu.vector_load %arg23[%get3A_636] {strides = array<i32>} : memref<5120xf32, #tpu.memory_space<vmem>>, vector<16xf32>,
            %get3A_638 = arith.index_cast %add3A_633 : i32 to index
            %get3A_639 = tpu.vector_load %arg24[%get3A_638] {strides = array<i32>} : memref<5120xf32, #tpu.memory_space<vmem>>, vector<16xf32>,
            %get3A_640 = arith.index_cast %add3A_633 : i32 to index
            %get3A_641 = tpu.vector_load %arg25[%get3A_640] {strides = array<i32>} : memref<5120xf32, #tpu.memory_space<vmem>>, vector<16xf32>,
            %add3A_642 = arith.constant 16 : i32
            %add3A_643 = arith.addi %mul3A_631, %add3A_642 : i32
            %get3A_644 = arith.index_cast %add3A_643 : i32 to index
            %get3A_645 = tpu.vector_load %arg22[%get3A_644] {strides = array<i32>} : memref<5120xf32, #tpu.memory_space<vmem>>, vector<16xf32>,
            %get3A_646 = arith.index_cast %add3A_643 : i32 to index
            %get3A_647 = tpu.vector_load %arg23[%get3A_646] {strides = array<i32>} : memref<5120xf32, #tpu.memory_space<vmem>>, vector<16xf32>,
            %get3A_648 = arith.index_cast %add3A_643 : i32 to index
            %get3A_649 = tpu.vector_load %arg24[%get3A_648] {strides = array<i32>} : memref<5120xf32, #tpu.memory_space<vmem>>, vector<16xf32>,
            %get3A_650 = arith.index_cast %add3A_643 : i32 to index
            %get3A_651 = tpu.vector_load %arg25[%get3A_650] {strides = array<i32>} : memref<5120xf32, #tpu.memory_space<vmem>>, vector<16xf32>,
            %add3A_652 = arith.constant 32 : i32
            %add3A_653 = arith.addi %mul3A_631, %add3A_652 : i32
            %get3A_654 = arith.index_cast %add3A_653 : i32 to index
            %get3A_655 = tpu.vector_load %arg22[%get3A_654] {strides = array<i32>} : memref<5120xf32, #tpu.memory_space<vmem>>, vector<16xf32>,
            %get3A_656 = arith.index_cast %add3A_653 : i32 to index
            %get3A_657 = tpu.vector_load %arg23[%get3A_656] {strides = array<i32>} : memref<5120xf32, #tpu.memory_space<vmem>>, vector<16xf32>,
            %get3A_658 = arith.index_cast %add3A_653 : i32 to index
            %get3A_659 = tpu.vector_load %arg24[%get3A_658] {strides = array<i32>} : memref<5120xf32, #tpu.memory_space<vmem>>, vector<16xf32>,
            %get3A_660 = arith.index_cast %add3A_653 : i32 to index
            %get3A_661 = tpu.vector_load %arg25[%get3A_660] {strides = array<i32>} : memref<5120xf32, #tpu.memory_space<vmem>>, vector<16xf32>,
            %add3A_662 = arith.constant 48 : i32
            %add3A_663 = arith.addi %mul3A_631, %add3A_662 : i32
            %get3A_664 = arith.index_cast %add3A_663 : i32 to index
            %get3A_665 = tpu.vector_load %arg22[%get3A_664] {strides = array<i32>} : memref<5120xf32, #tpu.memory_space<vmem>>, vector<16xf32>,
            %get3A_666 = arith.index_cast %add3A_663 : i32 to index
            %get3A_667 = tpu.vector_load %arg23[%get3A_666] {strides = array<i32>} : memref<5120xf32, #tpu.memory_space<vmem>>, vector<16xf32>,
            %get3A_668 = arith.index_cast %add3A_663 : i32 to index
            %get3A_669 = tpu.vector_load %arg24[%get3A_668] {strides = array<i32>} : memref<5120xf32, #tpu.memory_space<vmem>>, vector<16xf32>,
            %get3A_670 = arith.index_cast %add3A_663 : i32 to index
            %get3A_671 = tpu.vector_load %arg25[%get3A_670] {strides = array<i32>} : memref<5120xf32, #tpu.memory_space<vmem>>, vector<16xf32>,
            %add3A_672 = arith.constant 64 : i32
            %add3A_673 = arith.addi %mul3A_631, %add3A_672 : i32
            %get3A_674 = arith.index_cast %add3A_673 : i32 to index
            %get3A_675 = tpu.vector_load %arg22[%get3A_674] {strides = array<i32>} : memref<5120xf32, #tpu.memory_space<vmem>>, vector<16xf32>,
            %get3A_676 = arith.index_cast %add3A_673 : i32 to index
            %get3A_677 = tpu.vector_load %arg23[%get3A_676] {strides = array<i32>} : memref<5120xf32, #tpu.memory_space<vmem>>, vector<16xf32>,
            %get3A_678 = arith.index_cast %add3A_673 : i32 to index
            %get3A_679 = tpu.vector_load %arg24[%get3A_678] {strides = array<i32>} : memref<5120xf32, #tpu.memory_space<vmem>>, vector<16xf32>,
            %get3A_680 = arith.index_cast %add3A_673 : i32 to index
            %get3A_681 = tpu.vector_load %arg25[%get3A_680] {strides = array<i32>} : memref<5120xf32, #tpu.memory_space<vmem>>, vector<16xf32>,
            %add3A_682 = arith.constant 80 : i32
            %add3A_683 = arith.addi %mul3A_631, %add3A_682 : i32
            %get3A_684 = arith.index_cast %add3A_683 : i32 to index
            %get3A_685 = tpu.vector_load %arg22[%get3A_684] {strides = array<i32>} : memref<5120xf32, #tpu.memory_space<vmem>>, vector<16xf32>,
            %get3A_686 = arith.index_cast %add3A_683 : i32 to index
            %get3A_687 = tpu.vector_load %arg23[%get3A_686] {strides = array<i32>} : memref<5120xf32, #tpu.memory_space<vmem>>, vector<16xf32>,
            %get3A_688 = arith.index_cast %add3A_683 : i32 to index
            %get3A_689 = tpu.vector_load %arg24[%get3A_688] {strides = array<i32>} : memref<5120xf32, #tpu.memory_space<vmem>>, vector<16xf32>,
            %get3A_690 = arith.index_cast %add3A_683 : i32 to index
            %get3A_691 = tpu.vector_load %arg25[%get3A_690] {strides = array<i32>} : memref<5120xf32, #tpu.memory_space<vmem>>, vector<16xf32>,
            %add3A_692 = arith.constant 96 : i32
            %add3A_693 = arith.addi %mul3A_631, %add3A_692 : i32
            %get3A_694 = arith.index_cast %add3A_693 : i32 to index
            %get3A_695 = tpu.vector_load %arg22[%get3A_694] {strides = array<i32>} : memref<5120xf32, #tpu.memory_space<vmem>>, vector<16xf32>,
            %get3A_696 = arith.index_cast %add3A_693 : i32 to index
            %get3A_697 = tpu.vector_load %arg23[%get3A_696] {strides = array<i32>} : memref<5120xf32, #tpu.memory_space<vmem>>, vector<16xf32>,
            %get3A_698 = arith.index_cast %add3A_693 : i32 to index
            %get3A_699 = tpu.vector_load %arg24[%get3A_698] {strides = array<i32>} : memref<5120xf32, #tpu.memory_space<vmem>>, vector<16xf32>,
            %get3A_700 = arith.index_cast %add3A_693 : i32 to index
            %get3A_701 = tpu.vector_load %arg25[%get3A_700] {strides = array<i32>} : memref<5120xf32, #tpu.memory_space<vmem>>, vector<16xf32>,
            %add3A_702 = arith.constant 112 : i32
            %add3A_703 = arith.addi %mul3A_631, %add3A_702 : i32
            %get3A_704 = arith.index_cast %add3A_703 : i32 to index
            %get3A_705 = tpu.vector_load %arg22[%get3A_704] {strides = array<i32>} : memref<5120xf32, #tpu.memory_space<vmem>>, vector<16xf32>,
            %get3A_706 = arith.index_cast %add3A_703 : i32 to index
            %get3A_707 = tpu.vector_load %arg23[%get3A_706] {strides = array<i32>} : memref<5120xf32, #tpu.memory_space<vmem>>, vector<16xf32>,
            %get3A_708 = arith.index_cast %add3A_703 : i32 to index
            %get3A_709 = tpu.vector_load %arg24[%get3A_708] {strides = array<i32>} : memref<5120xf32, #tpu.memory_space<vmem>>, vector<16xf32>,
            %get3A_710 = arith.index_cast %add3A_703 : i32 to index
            %get3A_711 = tpu.vector_load %arg25[%get3A_710] {strides = array<i32>} : memref<5120xf32, #tpu.memory_space<vmem>>, vector<16xf32>,
            %max3A_712 = vector.broadcast %reduce_max3A_115 : f32 to vector<16xf32>
            %max3A_713 = arith.maximumf %max3A_712, %get3A_635 : vector<16xf32>
            %max3A_714 = vector.broadcast %reduce_max3A_124 : f32 to vector<16xf32>
            %max3A_715 = arith.maximumf %max3A_714, %get3A_637 : vector<16xf32>
            %min3A_716 = vector.broadcast %reduce_max3A_133 : f32 to vector<16xf32>
            %min3A_717 = arith.minimumf %min3A_716, %get3A_639 : vector<16xf32>
            %min3A_718 = vector.broadcast %reduce_max3A_142 : f32 to vector<16xf32>
            %min3A_719 = arith.minimumf %min3A_718, %get3A_641 : vector<16xf32>
            %sub3A_720 = arith.subf %min3A_717, %max3A_713 : vector<16xf32>
            %max3A_721 = arith.constant 0.000000e+00 : f32
            %max3A_722 = vector.broadcast %max3A_721 : f32 to vector<16xf32>
            %max3A_723 = arith.maximumf %sub3A_720, %max3A_722 : vector<16xf32>
            %sub3A_724 = arith.subf %min3A_719, %max3A_715 : vector<16xf32>
            %max3A_725 = arith.constant 0.000000e+00 : f32
            %max3A_726 = vector.broadcast %max3A_725 : f32 to vector<16xf32>
            %max3A_727 = arith.maximumf %sub3A_724, %max3A_726 : vector<16xf32>
            %mul3A_728 = arith.mulf %max3A_723, %max3A_727 : vector<16xf32>
            %sub3A_729 = arith.subf %get3A_639, %get3A_635 : vector<16xf32>
            %sub3A_730 = arith.subf %get3A_641, %get3A_637 : vector<16xf32>
            %mul3A_731 = arith.mulf %sub3A_729, %sub3A_730 : vector<16xf32>
            %add3A_732 = vector.broadcast %mul3A_145 : f32 to vector<16xf32>
            %add3A_733 = arith.addf %add3A_732, %mul3A_731 : vector<16xf32>
            %sub3A_734 = arith.subf %add3A_733, %mul3A_728 : vector<16xf32>
            %max3A_735 = arith.constant 9.99999996E-13 : f32
            %max3A_736 = vector.broadcast %max3A_735 : f32 to vector<16xf32>
            %max3A_737 = arith.maximumf %sub3A_734, %max3A_736 : vector<16xf32>
            %mul3A_738 = arith.constant 5.000000e-01 : f32
            %mul3A_739 = vector.broadcast %mul3A_738 : f32 to vector<16xf32>
            %mul3A_740 = arith.mulf %mul3A_739, %max3A_737 : vector<16xf32>
            %gt3A_741 = arith.cmpf ogt, %mul3A_728, %mul3A_740 : vector<16xf32>
            %max3A_742 = vector.broadcast %reduce_max3A_115 : f32 to vector<16xf32>
            %max3A_743 = arith.maximumf %max3A_742, %get3A_645 : vector<16xf32>
            %max3A_744 = vector.broadcast %reduce_max3A_124 : f32 to vector<16xf32>
            %max3A_745 = arith.maximumf %max3A_744, %get3A_647 : vector<16xf32>
            %min3A_746 = vector.broadcast %reduce_max3A_133 : f32 to vector<16xf32>
            %min3A_747 = arith.minimumf %min3A_746, %get3A_649 : vector<16xf32>
            %min3A_748 = vector.broadcast %reduce_max3A_142 : f32 to vector<16xf32>
            %min3A_749 = arith.minimumf %min3A_748, %get3A_651 : vector<16xf32>
            %sub3A_750 = arith.subf %min3A_747, %max3A_743 : vector<16xf32>
            %max3A_751 = arith.constant 0.000000e+00 : f32
            %max3A_752 = vector.broadcast %max3A_751 : f32 to vector<16xf32>
            %max3A_753 = arith.maximumf %sub3A_750, %max3A_752 : vector<16xf32>
            %sub3A_754 = arith.subf %min3A_749, %max3A_745 : vector<16xf32>
            %max3A_755 = arith.constant 0.000000e+00 : f32
            %max3A_756 = vector.broadcast %max3A_755 : f32 to vector<16xf32>
            %max3A_757 = arith.maximumf %sub3A_754, %max3A_756 : vector<16xf32>
            %mul3A_758 = arith.mulf %max3A_753, %max3A_757 : vector<16xf32>
            %sub3A_759 = arith.subf %get3A_649, %get3A_645 : vector<16xf32>
            %sub3A_760 = arith.subf %get3A_651, %get3A_647 : vector<16xf32>
            %mul3A_761 = arith.mulf %sub3A_759, %sub3A_760 : vector<16xf32>
            %add3A_762 = vector.broadcast %mul3A_145 : f32 to vector<16xf32>
            %add3A_763 = arith.addf %add3A_762, %mul3A_761 : vector<16xf32>
            %sub3A_764 = arith.subf %add3A_763, %mul3A_758 : vector<16xf32>
            %max3A_765 = arith.constant 9.99999996E-13 : f32
            %max3A_766 = vector.broadcast %max3A_765 : f32 to vector<16xf32>
            %max3A_767 = arith.maximumf %sub3A_764, %max3A_766 : vector<16xf32>
            %mul3A_768 = arith.constant 5.000000e-01 : f32
            %mul3A_769 = vector.broadcast %mul3A_768 : f32 to vector<16xf32>
            %mul3A_770 = arith.mulf %mul3A_769, %max3A_767 : vector<16xf32>
            %gt3A_771 = arith.cmpf ogt, %mul3A_758, %mul3A_770 : vector<16xf32>
            %max3A_772 = vector.broadcast %reduce_max3A_115 : f32 to vector<16xf32>
            %max3A_773 = arith.maximumf %max3A_772, %get3A_655 : vector<16xf32>
            %max3A_774 = vector.broadcast %reduce_max3A_124 : f32 to vector<16xf32>
            %max3A_775 = arith.maximumf %max3A_774, %get3A_657 : vector<16xf32>
            %min3A_776 = vector.broadcast %reduce_max3A_133 : f32 to vector<16xf32>
            %min3A_777 = arith.minimumf %min3A_776, %get3A_659 : vector<16xf32>
            %min3A_778 = vector.broadcast %reduce_max3A_142 : f32 to vector<16xf32>
            %min3A_779 = arith.minimumf %min3A_778, %get3A_661 : vector<16xf32>
            %sub3A_780 = arith.subf %min3A_777, %max3A_773 : vector<16xf32>
            %max3A_781 = arith.constant 0.000000e+00 : f32
            %max3A_782 = vector.broadcast %max3A_781 : f32 to vector<16xf32>
            %max3A_783 = arith.maximumf %sub3A_780, %max3A_782 : vector<16xf32>
            %sub3A_784 = arith.subf %min3A_779, %max3A_775 : vector<16xf32>
            %max3A_785 = arith.constant 0.000000e+00 : f32
            %max3A_786 = vector.broadcast %max3A_785 : f32 to vector<16xf32>
            %max3A_787 = arith.maximumf %sub3A_784, %max3A_786 : vector<16xf32>
            %mul3A_788 = arith.mulf %max3A_783, %max3A_787 : vector<16xf32>
            %sub3A_789 = arith.subf %get3A_659, %get3A_655 : vector<16xf32>
            %sub3A_790 = arith.subf %get3A_661, %get3A_657 : vector<16xf32>
            %mul3A_791 = arith.mulf %sub3A_789, %sub3A_790 : vector<16xf32>
            %add3A_792 = vector.broadcast %mul3A_145 : f32 to vector<16xf32>
            %add3A_793 = arith.addf %add3A_792, %mul3A_791 : vector<16xf32>
            %sub3A_794 = arith.subf %add3A_793, %mul3A_788 : vector<16xf32>
            %max3A_795 = arith.constant 9.99999996E-13 : f32
            %max3A_796 = vector.broadcast %max3A_795 : f32 to vector<16xf32>
            %max3A_797 = arith.maximumf %sub3A_794, %max3A_796 : vector<16xf32>
            %mul3A_798 = arith.constant 5.000000e-01 : f32
            %mul3A_799 = vector.broadcast %mul3A_798 : f32 to vector<16xf32>
            %mul3A_800 = arith.mulf %mul3A_799, %max3A_797 : vector<16xf32>
            %gt3A_801 = arith.cmpf ogt, %mul3A_788, %mul3A_800 : vector<16xf32>
            %max3A_802 = vector.broadcast %reduce_max3A_115 : f32 to vector<16xf32>
            %max3A_803 = arith.maximumf %max3A_802, %get3A_665 : vector<16xf32>
            %max3A_804 = vector.broadcast %reduce_max3A_124 : f32 to vector<16xf32>
            %max3A_805 = arith.maximumf %max3A_804, %get3A_667 : vector<16xf32>
            %min3A_806 = vector.broadcast %reduce_max3A_133 : f32 to vector<16xf32>
            %min3A_807 = arith.minimumf %min3A_806, %get3A_669 : vector<16xf32>
            %min3A_808 = vector.broadcast %reduce_max3A_142 : f32 to vector<16xf32>
            %min3A_809 = arith.minimumf %min3A_808, %get3A_671 : vector<16xf32>
            %sub3A_810 = arith.subf %min3A_807, %max3A_803 : vector<16xf32>
            %max3A_811 = arith.constant 0.000000e+00 : f32
            %max3A_812 = vector.broadcast %max3A_811 : f32 to vector<16xf32>
            %max3A_813 = arith.maximumf %sub3A_810, %max3A_812 : vector<16xf32>
            %sub3A_814 = arith.subf %min3A_809, %max3A_805 : vector<16xf32>
            %max3A_815 = arith.constant 0.000000e+00 : f32
            %max3A_816 = vector.broadcast %max3A_815 : f32 to vector<16xf32>
            %max3A_817 = arith.maximumf %sub3A_814, %max3A_816 : vector<16xf32>
            %mul3A_818 = arith.mulf %max3A_813, %max3A_817 : vector<16xf32>
            %sub3A_819 = arith.subf %get3A_669, %get3A_665 : vector<16xf32>
            %sub3A_820 = arith.subf %get3A_671, %get3A_667 : vector<16xf32>
            %mul3A_821 = arith.mulf %sub3A_819, %sub3A_820 : vector<16xf32>
            %add3A_822 = vector.broadcast %mul3A_145 : f32 to vector<16xf32>
            %add3A_823 = arith.addf %add3A_822, %mul3A_821 : vector<16xf32>
            %sub3A_824 = arith.subf %add3A_823, %mul3A_818 : vector<16xf32>
            %max3A_825 = arith.constant 9.99999996E-13 : f32
            %max3A_826 = vector.broadcast %max3A_825 : f32 to vector<16xf32>
            %max3A_827 = arith.maximumf %sub3A_824, %max3A_826 : vector<16xf32>
            %mul3A_828 = arith.constant 5.000000e-01 : f32
            %mul3A_829 = vector.broadcast %mul3A_828 : f32 to vector<16xf32>
            %mul3A_830 = arith.mulf %mul3A_829, %max3A_827 : vector<16xf32>
            %gt3A_831 = arith.cmpf ogt, %mul3A_818, %mul3A_830 : vector<16xf32>
            %max3A_832 = vector.broadcast %reduce_max3A_115 : f32 to vector<16xf32>
            %max3A_833 = arith.maximumf %max3A_832, %get3A_675 : vector<16xf32>
            %max3A_834 = vector.broadcast %reduce_max3A_124 : f32 to vector<16xf32>
            %max3A_835 = arith.maximumf %max3A_834, %get3A_677 : vector<16xf32>
            %min3A_836 = vector.broadcast %reduce_max3A_133 : f32 to vector<16xf32>
            %min3A_837 = arith.minimumf %min3A_836, %get3A_679 : vector<16xf32>
            %min3A_838 = vector.broadcast %reduce_max3A_142 : f32 to vector<16xf32>
            %min3A_839 = arith.minimumf %min3A_838, %get3A_681 : vector<16xf32>
            %sub3A_840 = arith.subf %min3A_837, %max3A_833 : vector<16xf32>
            %max3A_841 = arith.constant 0.000000e+00 : f32
            %max3A_842 = vector.broadcast %max3A_841 : f32 to vector<16xf32>
            %max3A_843 = arith.maximumf %sub3A_840, %max3A_842 : vector<16xf32>
            %sub3A_844 = arith.subf %min3A_839, %max3A_835 : vector<16xf32>
            %max3A_845 = arith.constant 0.000000e+00 : f32
            %max3A_846 = vector.broadcast %max3A_845 : f32 to vector<16xf32>
            %max3A_847 = arith.maximumf %sub3A_844, %max3A_846 : vector<16xf32>
            %mul3A_848 = arith.mulf %max3A_843, %max3A_847 : vector<16xf32>
            %sub3A_849 = arith.subf %get3A_679, %get3A_675 : vector<16xf32>
            %sub3A_850 = arith.subf %get3A_681, %get3A_677 : vector<16xf32>
            %mul3A_851 = arith.mulf %sub3A_849, %sub3A_850 : vector<16xf32>
            %add3A_852 = vector.broadcast %mul3A_145 : f32 to vector<16xf32>
            %add3A_853 = arith.addf %add3A_852, %mul3A_851 : vector<16xf32>
            %sub3A_854 = arith.subf %add3A_853, %mul3A_848 : vector<16xf32>
            %max3A_855 = arith.constant 9.99999996E-13 : f32
            %max3A_856 = vector.broadcast %max3A_855 : f32 to vector<16xf32>
            %max3A_857 = arith.maximumf %sub3A_854, %max3A_856 : vector<16xf32>
            %mul3A_858 = arith.constant 5.000000e-01 : f32
            %mul3A_859 = vector.broadcast %mul3A_858 : f32 to vector<16xf32>
            %mul3A_860 = arith.mulf %mul3A_859, %max3A_857 : vector<16xf32>
            %gt3A_861 = arith.cmpf ogt, %mul3A_848, %mul3A_860 : vector<16xf32>
            %max3A_862 = vector.broadcast %reduce_max3A_115 : f32 to vector<16xf32>
            %max3A_863 = arith.maximumf %max3A_862, %get3A_685 : vector<16xf32>
            %max3A_864 = vector.broadcast %reduce_max3A_124 : f32 to vector<16xf32>
            %max3A_865 = arith.maximumf %max3A_864, %get3A_687 : vector<16xf32>
            %min3A_866 = vector.broadcast %reduce_max3A_133 : f32 to vector<16xf32>
            %min3A_867 = arith.minimumf %min3A_866, %get3A_689 : vector<16xf32>
            %min3A_868 = vector.broadcast %reduce_max3A_142 : f32 to vector<16xf32>
            %min3A_869 = arith.minimumf %min3A_868, %get3A_691 : vector<16xf32>
            %sub3A_870 = arith.subf %min3A_867, %max3A_863 : vector<16xf32>
            %max3A_871 = arith.constant 0.000000e+00 : f32
            %max3A_872 = vector.broadcast %max3A_871 : f32 to vector<16xf32>
            %max3A_873 = arith.maximumf %sub3A_870, %max3A_872 : vector<16xf32>
            %sub3A_874 = arith.subf %min3A_869, %max3A_865 : vector<16xf32>
            %max3A_875 = arith.constant 0.000000e+00 : f32
            %max3A_876 = vector.broadcast %max3A_875 : f32 to vector<16xf32>
            %max3A_877 = arith.maximumf %sub3A_874, %max3A_876 : vector<16xf32>
            %mul3A_878 = arith.mulf %max3A_873, %max3A_877 : vector<16xf32>
            %sub3A_879 = arith.subf %get3A_689, %get3A_685 : vector<16xf32>
            %sub3A_880 = arith.subf %get3A_691, %get3A_687 : vector<16xf32>
            %mul3A_881 = arith.mulf %sub3A_879, %sub3A_880 : vector<16xf32>
            %add3A_882 = vector.broadcast %mul3A_145 : f32 to vector<16xf32>
            %add3A_883 = arith.addf %add3A_882, %mul3A_881 : vector<16xf32>
            %sub3A_884 = arith.subf %add3A_883, %mul3A_878 : vector<16xf32>
            %max3A_885 = arith.constant 9.99999996E-13 : f32
            %max3A_886 = vector.broadcast %max3A_885 : f32 to vector<16xf32>
            %max3A_887 = arith.maximumf %sub3A_884, %max3A_886 : vector<16xf32>
            %mul3A_888 = arith.constant 5.000000e-01 : f32
            %mul3A_889 = vector.broadcast %mul3A_888 : f32 to vector<16xf32>
            %mul3A_890 = arith.mulf %mul3A_889, %max3A_887 : vector<16xf32>
            %gt3A_891 = arith.cmpf ogt, %mul3A_878, %mul3A_890 : vector<16xf32>
            %max3A_892 = vector.broadcast %reduce_max3A_115 : f32 to vector<16xf32>
            %max3A_893 = arith.maximumf %max3A_892, %get3A_695 : vector<16xf32>
            %max3A_894 = vector.broadcast %reduce_max3A_124 : f32 to vector<16xf32>
            %max3A_895 = arith.maximumf %max3A_894, %get3A_697 : vector<16xf32>
            %min3A_896 = vector.broadcast %reduce_max3A_133 : f32 to vector<16xf32>
            %min3A_897 = arith.minimumf %min3A_896, %get3A_699 : vector<16xf32>
            %min3A_898 = vector.broadcast %reduce_max3A_142 : f32 to vector<16xf32>
            %min3A_899 = arith.minimumf %min3A_898, %get3A_701 : vector<16xf32>
            %sub3A_900 = arith.subf %min3A_897, %max3A_893 : vector<16xf32>
            %max3A_901 = arith.constant 0.000000e+00 : f32
            %max3A_902 = vector.broadcast %max3A_901 : f32 to vector<16xf32>
            %max3A_903 = arith.maximumf %sub3A_900, %max3A_902 : vector<16xf32>
            %sub3A_904 = arith.subf %min3A_899, %max3A_895 : vector<16xf32>
            %max3A_905 = arith.constant 0.000000e+00 : f32
            %max3A_906 = vector.broadcast %max3A_905 : f32 to vector<16xf32>
            %max3A_907 = arith.maximumf %sub3A_904, %max3A_906 : vector<16xf32>
            %mul3A_908 = arith.mulf %max3A_903, %max3A_907 : vector<16xf32>
            %sub3A_909 = arith.subf %get3A_699, %get3A_695 : vector<16xf32>
            %sub3A_910 = arith.subf %get3A_701, %get3A_697 : vector<16xf32>
            %mul3A_911 = arith.mulf %sub3A_909, %sub3A_910 : vector<16xf32>
            %add3A_912 = vector.broadcast %mul3A_145 : f32 to vector<16xf32>
            %add3A_913 = arith.addf %add3A_912, %mul3A_911 : vector<16xf32>
            %sub3A_914 = arith.subf %add3A_913, %mul3A_908 : vector<16xf32>
            %max3A_915 = arith.constant 9.99999996E-13 : f32
            %max3A_916 = vector.broadcast %max3A_915 : f32 to vector<16xf32>
            %max3A_917 = arith.maximumf %sub3A_914, %max3A_916 : vector<16xf32>
            %mul3A_918 = arith.constant 5.000000e-01 : f32
            %mul3A_919 = vector.broadcast %mul3A_918 : f32 to vector<16xf32>
            %mul3A_920 = arith.mulf %mul3A_919, %max3A_917 : vector<16xf32>
            %gt3A_921 = arith.cmpf ogt, %mul3A_908, %mul3A_920 : vector<16xf32>
            %max3A_922 = vector.broadcast %reduce_max3A_115 : f32 to vector<16xf32>
            %max3A_923 = arith.maximumf %max3A_922, %get3A_705 : vector<16xf32>
            %max3A_924 = vector.broadcast %reduce_max3A_124 : f32 to vector<16xf32>
            %max3A_925 = arith.maximumf %max3A_924, %get3A_707 : vector<16xf32>
            %min3A_926 = vector.broadcast %reduce_max3A_133 : f32 to vector<16xf32>
            %min3A_927 = arith.minimumf %min3A_926, %get3A_709 : vector<16xf32>
            %min3A_928 = vector.broadcast %reduce_max3A_142 : f32 to vector<16xf32>
            %min3A_929 = arith.minimumf %min3A_928, %get3A_711 : vector<16xf32>
            %sub3A_930 = arith.subf %min3A_927, %max3A_923 : vector<16xf32>
            %max3A_931 = arith.constant 0.000000e+00 : f32
            %max3A_932 = vector.broadcast %max3A_931 : f32 to vector<16xf32>
            %max3A_933 = arith.maximumf %sub3A_930, %max3A_932 : vector<16xf32>
            %sub3A_934 = arith.subf %min3A_929, %max3A_925 : vector<16xf32>
            %max3A_935 = arith.constant 0.000000e+00 : f32
            %max3A_936 = vector.broadcast %max3A_935 : f32 to vector<16xf32>
            %max3A_937 = arith.maximumf %sub3A_934, %max3A_936 : vector<16xf32>
            %mul3A_938 = arith.mulf %max3A_933, %max3A_937 : vector<16xf32>
            %sub3A_939 = arith.subf %get3A_709, %get3A_705 : vector<16xf32>
            %sub3A_940 = arith.subf %get3A_711, %get3A_707 : vector<16xf32>
            %mul3A_941 = arith.mulf %sub3A_939, %sub3A_940 : vector<16xf32>
            %add3A_942 = vector.broadcast %mul3A_145 : f32 to vector<16xf32>
            %add3A_943 = arith.addf %add3A_942, %mul3A_941 : vector<16xf32>
            %sub3A_944 = arith.subf %add3A_943, %mul3A_938 : vector<16xf32>
            %max3A_945 = arith.constant 9.99999996E-13 : f32
            %max3A_946 = vector.broadcast %max3A_945 : f32 to vector<16xf32>
            %max3A_947 = arith.maximumf %sub3A_944, %max3A_946 : vector<16xf32>
            %mul3A_948 = arith.constant 5.000000e-01 : f32
            %mul3A_949 = vector.broadcast %mul3A_948 : f32 to vector<16xf32>
            %mul3A_950 = arith.mulf %mul3A_949, %max3A_947 : vector<16xf32>
            %gt3A_951 = arith.cmpf ogt, %mul3A_938, %mul3A_950 : vector<16xf32>
            %add3A_952 = arith.constant 0 : i32
            %add3A_953 = arith.addi %mul3A_631, %add3A_952 : i32
            %add3A_954 = vector.broadcast %add3A_953 : i32 to vector<16xi32>
            %add3A_955 = arith.addi %add3A_954, %iota3A : vector<16xi32>
            tpu.vector_store_idx %arg26[%add3A_955], %broadcast_in_dim3A_39 masked %gt3A_741 : memref<5120xf32, #tpu.memory_space<vmem>>[vector<16xi32>], vector<16xf32>, vector<16xi1>
            %add3A_956 = arith.constant 16 : i32
            %add3A_957 = arith.addi %mul3A_631, %add3A_956 : i32
            %add3A_958 = vector.broadcast %add3A_957 : i32 to vector<16xi32>
            %add3A_959 = arith.addi %add3A_958, %iota3A : vector<16xi32>
            tpu.vector_store_idx %arg26[%add3A_959], %broadcast_in_dim3A_39 masked %gt3A_771 : memref<5120xf32, #tpu.memory_space<vmem>>[vector<16xi32>], vector<16xf32>, vector<16xi1>
            %add3A_960 = arith.constant 32 : i32
            %add3A_961 = arith.addi %mul3A_631, %add3A_960 : i32
            %add3A_962 = vector.broadcast %add3A_961 : i32 to vector<16xi32>
            %add3A_963 = arith.addi %add3A_962, %iota3A : vector<16xi32>
            tpu.vector_store_idx %arg26[%add3A_963], %broadcast_in_dim3A_39 masked %gt3A_801 : memref<5120xf32, #tpu.memory_space<vmem>>[vector<16xi32>], vector<16xf32>, vector<16xi1>
            %add3A_964 = arith.constant 48 : i32
            %add3A_965 = arith.addi %mul3A_631, %add3A_964 : i32
            %add3A_966 = vector.broadcast %add3A_965 : i32 to vector<16xi32>
            %add3A_967 = arith.addi %add3A_966, %iota3A : vector<16xi32>
            tpu.vector_store_idx %arg26[%add3A_967], %broadcast_in_dim3A_39 masked %gt3A_831 : memref<5120xf32, #tpu.memory_space<vmem>>[vector<16xi32>], vector<16xf32>, vector<16xi1>
            %add3A_968 = arith.constant 64 : i32
            %add3A_969 = arith.addi %mul3A_631, %add3A_968 : i32
            %add3A_970 = vector.broadcast %add3A_969 : i32 to vector<16xi32>
            %add3A_971 = arith.addi %add3A_970, %iota3A : vector<16xi32>
            tpu.vector_store_idx %arg26[%add3A_971], %broadcast_in_dim3A_39 masked %gt3A_861 : memref<5120xf32, #tpu.memory_space<vmem>>[vector<16xi32>], vector<16xf32>, vector<16xi1>
            %add3A_972 = arith.constant 80 : i32
            %add3A_973 = arith.addi %mul3A_631, %add3A_972 : i32
            %add3A_974 = vector.broadcast %add3A_973 : i32 to vector<16xi32>
            %add3A_975 = arith.addi %add3A_974, %iota3A : vector<16xi32>
            tpu.vector_store_idx %arg26[%add3A_975], %broadcast_in_dim3A_39 masked %gt3A_891 : memref<5120xf32, #tpu.memory_space<vmem>>[vector<16xi32>], vector<16xf32>, vector<16xi1>
            %add3A_976 = arith.constant 96 : i32
            %add3A_977 = arith.addi %mul3A_631, %add3A_976 : i32
            %add3A_978 = vector.broadcast %add3A_977 : i32 to vector<16xi32>
            %add3A_979 = arith.addi %add3A_978, %iota3A : vector<16xi32>
            tpu.vector_store_idx %arg26[%add3A_979], %broadcast_in_dim3A_39 masked %gt3A_921 : memref<5120xf32, #tpu.memory_space<vmem>>[vector<16xi32>], vector<16xf32>, vector<16xi1>
            %add3A_980 = arith.constant 112 : i32
            %add3A_981 = arith.addi %mul3A_631, %add3A_980 : i32
            %add3A_982 = vector.broadcast %add3A_981 : i32 to vector<16xi32>
            %add3A_983 = arith.addi %add3A_982, %iota3A : vector<16xi32>
            tpu.vector_store_idx %arg26[%add3A_983], %broadcast_in_dim3A_39 masked %gt3A_951 : memref<5120xf32, #tpu.memory_space<vmem>>[vector<16xi32>], vector<16xf32>, vector<16xi1>
          }
        } else {
        }
        %jit3A_154 = arith.constant 1 : i32
        %jit3A_155 = arith.constant 0 : i32
        %select_n3A_156 = arith.select %gt3A_147, %jit3A_154, %jit3A_155 : i32
        %add3A_157 = arith.addi %while3A_70, %select_n3A_156 : i32
        %add3A_158 = arith.constant 1 : i32
        %add3A_159 = arith.addi %while3A_69, %add3A_158 : i32
        scf.yield %add3A_159, %add3A_157 : i32, i32
      }
    } else {
    }
    %convert_element_type3A_58 = arith.extui %eq3A_32 : i1 to i32
    %cond3A_59 = arith.constant 0 : i32
    %cond3A_60 = arith.cmpi ne, %convert_element_type3A_58, %cond3A_59 : i32
    scf.if %cond3A_60 {
      %while3A_61 = arith.constant 0 : i32
      %while3A_62 = arith.constant 0 : i32
      %while3A_63:2 = scf.while (%while3A_64 = %while3A_61, %while3A_65 = %while3A_62) : (i32, i32) -> (i32, i32) {
        %lt3A_66 = arith.constant 320 : i32
        %lt3A_67 = arith.cmpi slt, %while3A_64, %lt3A_66 : i32
        %lt3A_68 = arith.constant 300 : i32
        %lt3A_69 = arith.cmpi slt, %while3A_65, %lt3A_68 : i32
        %and3A_70 = arith.andi %lt3A_67, %lt3A_69 : i1
        scf.condition(%and3A_70) %while3A_64, %while3A_65 : i32, i32
      } do {
      ^bb0(%while3A_64: i32, %while3A_65: i32):
        %mul3A_66 = arith.constant 16 : i32
        %mul3A_67 = arith.muli %while3A_64, %mul3A_66 : i32
        %get3A = arith.index_cast %mul3A_67 : i32 to index
        %get3A_68 = tpu.vector_load %arg26[%get3A] {strides = array<i32>} : memref<5120xf32, #tpu.memory_space<vmem>>, vector<16xf32>,
        %gt3A_69 = arith.constant 0xFF800000 : f32
        %gt3A_70 = vector.broadcast %gt3A_69 : f32 to vector<16xf32>
        %gt3A_71 = arith.cmpf ogt, %get3A_68, %gt3A_70 : vector<16xf32>
        %convert_element_type3A_72 = arith.extui %gt3A_71 : vector<16xi1> to vector<16xi32>
        %broadcast_in_dim3A_73 = arith.constant true
        %broadcast_in_dim3A_74 = vector.broadcast %broadcast_in_dim3A_73 : i1 to vector<16xi1>
        %masked_cumsum3A = tpu.scan <sum>, %convert_element_type3A_72 masked %broadcast_in_dim3A_74 : vector<16xi32>, vector<16xi1> -> vector<16xi32>
        %add3A_75 = vector.broadcast %while3A_65 : i32 to vector<16xi32>
        %add3A_76 = arith.addi %add3A_75, %masked_cumsum3A : vector<16xi32>
        %sub3A_77 = arith.constant 1 : i32
        %sub3A_78 = vector.broadcast %sub3A_77 : i32 to vector<16xi32>
        %sub3A_79 = arith.subi %add3A_76, %sub3A_78 : vector<16xi32>
        %gt3A_80 = arith.constant 0 : i32
        %gt3A_81 = vector.broadcast %gt3A_80 : i32 to vector<16xi32>
        %gt3A_82 = arith.cmpi sgt, %convert_element_type3A_72, %gt3A_81 : vector<16xi32>
        %lt3A_83 = arith.constant 300 : i32
        %lt3A_84 = vector.broadcast %lt3A_83 : i32 to vector<16xi32>
        %lt3A_85 = arith.cmpi slt, %sub3A_79, %lt3A_84 : vector<16xi32>
        %and3A_86 = arith.andi %gt3A_82, %lt3A_85 : vector<16xi1>
        %get3A_87 = arith.index_cast %mul3A_67 : i32 to index
        %get3A_88 = tpu.vector_load %arg22[%get3A_87] {strides = array<i32>} : memref<5120xf32, #tpu.memory_space<vmem>>, vector<16xf32>,
        tpu.vector_store_idx %arg28[%sub3A_79], %get3A_88 masked %and3A_86 : memref<304xf32, #tpu.memory_space<vmem>>[vector<16xi32>], vector<16xf32>, vector<16xi1>
        %get3A_89 = arith.index_cast %mul3A_67 : i32 to index
        %get3A_90 = tpu.vector_load %arg23[%get3A_89] {strides = array<i32>} : memref<5120xf32, #tpu.memory_space<vmem>>, vector<16xf32>,
        tpu.vector_store_idx %arg29[%sub3A_79], %get3A_90 masked %and3A_86 : memref<304xf32, #tpu.memory_space<vmem>>[vector<16xi32>], vector<16xf32>, vector<16xi1>
        %get3A_91 = arith.index_cast %mul3A_67 : i32 to index
        %get3A_92 = tpu.vector_load %arg24[%get3A_91] {strides = array<i32>} : memref<5120xf32, #tpu.memory_space<vmem>>, vector<16xf32>,
        tpu.vector_store_idx %arg30[%sub3A_79], %get3A_92 masked %and3A_86 : memref<304xf32, #tpu.memory_space<vmem>>[vector<16xi32>], vector<16xf32>, vector<16xi1>
        %get3A_93 = arith.index_cast %mul3A_67 : i32 to index
        %get3A_94 = tpu.vector_load %arg25[%get3A_93] {strides = array<i32>} : memref<5120xf32, #tpu.memory_space<vmem>>, vector<16xf32>,
        tpu.vector_store_idx %arg31[%sub3A_79], %get3A_94 masked %and3A_86 : memref<304xf32, #tpu.memory_space<vmem>>[vector<16xi32>], vector<16xf32>, vector<16xi1>
        %get3A_95 = arith.index_cast %mul3A_67 : i32 to index
        %get3A_96 = tpu.vector_load %arg26[%get3A_95] {strides = array<i32>} : memref<5120xf32, #tpu.memory_space<vmem>>, vector<16xf32>,
        tpu.vector_store_idx %arg32[%sub3A_79], %get3A_96 masked %and3A_86 : memref<304xf32, #tpu.memory_space<vmem>>[vector<16xi32>], vector<16xf32>, vector<16xi1>
        %get3A_97 = arith.index_cast %mul3A_67 : i32 to index
        %get3A_98 = tpu.vector_load %arg27[%get3A_97] {strides = array<i32>} : memref<5120xf32, #tpu.memory_space<vmem>>, vector<16xf32>,
        tpu.vector_store_idx %arg33[%sub3A_79], %get3A_98 masked %and3A_86 : memref<304xf32, #tpu.memory_space<vmem>>[vector<16xi32>], vector<16xf32>, vector<16xi1>
        %add3A_99 = arith.constant 1 : i32
        %add3A_100 = arith.addi %while3A_64, %add3A_99 : i32
        %reduce_max3A = arith.constant true
        %reduce_max3A_101 = vector.broadcast %reduce_max3A : i1 to vector<16xi1>
        %reduce_max3A_102 = arith.constant -2147483648 : i32
        %reduce_max3A_103 = vector.broadcast %reduce_max3A_102 : i32 to vector<16xi32>
        %reduce_max3A_104 = arith.xori %masked_cumsum3A, %reduce_max3A_103 : vector<16xi32>
        %reduce_max3A_105 = tpu.scan <max>, %reduce_max3A_104 masked %reduce_max3A_101 : vector<16xi32>, vector<16xi1> -> vector<16xi32>
        %reduce_max3A_106 = arith.xori %reduce_max3A_105, %reduce_max3A_103 : vector<16xi32>
        %reduce_max3A_107 = vector.extract %reduce_max3A_106[15] : i32 from vector<16xi32>
        %add3A_108 = arith.addi %while3A_65, %reduce_max3A_107 : i32
        scf.yield %add3A_100, %add3A_108 : i32, i32
      }
      "tpu.region"() ({
        %run_scoped3A = tpu.sem_alloc : memref<!tpu.dma_semaphore, #tpu.memory_space<semaphore_mem>>
        %dma_start3A = arith.constant 0 : i32
        %dma_start3A_64 = tpu.memref_slice %arg9[%select_n3A, %dma_start3A] : memref<8x304xf32, #tpu.memory_space<hbm>> -> memref<1x304xf32, #tpu.memory_space<hbm>>
        %dma_start3A_65 = tpu.memref_squeeze %dma_start3A_64 : memref<1x304xf32, #tpu.memory_space<hbm>> -> memref<304xf32, #tpu.memory_space<hbm>>
        %dma_start3A_66 = arith.constant 0 : i32
        %dma_start3A_67 = tpu.memref_slice %arg9[%select_n3A, %dma_start3A_66] : memref<8x304xf32, #tpu.memory_space<hbm>> -> memref<1x304xf32, #tpu.memory_space<hbm>>
        %dma_start3A_68 = tpu.memref_squeeze %dma_start3A_67 : memref<1x304xf32, #tpu.memory_space<hbm>> -> memref<304xf32, #tpu.memory_space<hbm>>
        tpu.enqueue_dma source(%arg28 : memref<304xf32, #tpu.memory_space<vmem>>) target(%dma_start3A_68 : memref<304xf32, #tpu.memory_space<hbm>>) target_semaphore(%run_scoped3A : memref<!tpu.dma_semaphore, #tpu.memory_space<semaphore_mem>>)
        %dma_wait3A = arith.constant 0 : i32
        %dma_wait3A_69 = tpu.memref_slice %arg9[%select_n3A, %dma_wait3A] : memref<8x304xf32, #tpu.memory_space<hbm>> -> memref<1x304xf32, #tpu.memory_space<hbm>>
        %dma_wait3A_70 = tpu.memref_squeeze %dma_wait3A_69 : memref<1x304xf32, #tpu.memory_space<hbm>> -> memref<304xf32, #tpu.memory_space<hbm>>
        %dma_wait3A_71 = arith.constant 0 : i32
        %dma_wait3A_72 = tpu.memref_slice %arg9[%select_n3A, %dma_wait3A_71] : memref<8x304xf32, #tpu.memory_space<hbm>> -> memref<1x304xf32, #tpu.memory_space<hbm>>
        %dma_wait3A_73 = tpu.memref_squeeze %dma_wait3A_72 : memref<1x304xf32, #tpu.memory_space<hbm>> -> memref<304xf32, #tpu.memory_space<hbm>>
        tpu.wait_dma2 semaphore(%run_scoped3A : memref<!tpu.dma_semaphore, #tpu.memory_space<semaphore_mem>>) src(%arg28 : memref<304xf32, #tpu.memory_space<vmem>>) dst(%dma_wait3A_73 : memref<304xf32, #tpu.memory_space<hbm>>)
        tpu.yield
      }) : () -> ()
      "tpu.region"() ({
        %run_scoped3A = tpu.sem_alloc : memref<!tpu.dma_semaphore, #tpu.memory_space<semaphore_mem>>
        %dma_start3A = arith.constant 0 : i32
        %dma_start3A_64 = tpu.memref_slice %arg10[%select_n3A, %dma_start3A] : memref<8x304xf32, #tpu.memory_space<hbm>> -> memref<1x304xf32, #tpu.memory_space<hbm>>
        %dma_start3A_65 = tpu.memref_squeeze %dma_start3A_64 : memref<1x304xf32, #tpu.memory_space<hbm>> -> memref<304xf32, #tpu.memory_space<hbm>>
        %dma_start3A_66 = arith.constant 0 : i32
        %dma_start3A_67 = tpu.memref_slice %arg10[%select_n3A, %dma_start3A_66] : memref<8x304xf32, #tpu.memory_space<hbm>> -> memref<1x304xf32, #tpu.memory_space<hbm>>
        %dma_start3A_68 = tpu.memref_squeeze %dma_start3A_67 : memref<1x304xf32, #tpu.memory_space<hbm>> -> memref<304xf32, #tpu.memory_space<hbm>>
        tpu.enqueue_dma source(%arg29 : memref<304xf32, #tpu.memory_space<vmem>>) target(%dma_start3A_68 : memref<304xf32, #tpu.memory_space<hbm>>) target_semaphore(%run_scoped3A : memref<!tpu.dma_semaphore, #tpu.memory_space<semaphore_mem>>)
        %dma_wait3A = arith.constant 0 : i32
        %dma_wait3A_69 = tpu.memref_slice %arg10[%select_n3A, %dma_wait3A] : memref<8x304xf32, #tpu.memory_space<hbm>> -> memref<1x304xf32, #tpu.memory_space<hbm>>
        %dma_wait3A_70 = tpu.memref_squeeze %dma_wait3A_69 : memref<1x304xf32, #tpu.memory_space<hbm>> -> memref<304xf32, #tpu.memory_space<hbm>>
        %dma_wait3A_71 = arith.constant 0 : i32
        %dma_wait3A_72 = tpu.memref_slice %arg10[%select_n3A, %dma_wait3A_71] : memref<8x304xf32, #tpu.memory_space<hbm>> -> memref<1x304xf32, #tpu.memory_space<hbm>>
        %dma_wait3A_73 = tpu.memref_squeeze %dma_wait3A_72 : memref<1x304xf32, #tpu.memory_space<hbm>> -> memref<304xf32, #tpu.memory_space<hbm>>
        tpu.wait_dma2 semaphore(%run_scoped3A : memref<!tpu.dma_semaphore, #tpu.memory_space<semaphore_mem>>) src(%arg29 : memref<304xf32, #tpu.memory_space<vmem>>) dst(%dma_wait3A_73 : memref<304xf32, #tpu.memory_space<hbm>>)
        tpu.yield
      }) : () -> ()
      "tpu.region"() ({
        %run_scoped3A = tpu.sem_alloc : memref<!tpu.dma_semaphore, #tpu.memory_space<semaphore_mem>>
        %dma_start3A = arith.constant 0 : i32
        %dma_start3A_64 = tpu.memref_slice %arg11[%select_n3A, %dma_start3A] : memref<8x304xf32, #tpu.memory_space<hbm>> -> memref<1x304xf32, #tpu.memory_space<hbm>>
        %dma_start3A_65 = tpu.memref_squeeze %dma_start3A_64 : memref<1x304xf32, #tpu.memory_space<hbm>> -> memref<304xf32, #tpu.memory_space<hbm>>
        %dma_start3A_66 = arith.constant 0 : i32
        %dma_start3A_67 = tpu.memref_slice %arg11[%select_n3A, %dma_start3A_66] : memref<8x304xf32, #tpu.memory_space<hbm>> -> memref<1x304xf32, #tpu.memory_space<hbm>>
        %dma_start3A_68 = tpu.memref_squeeze %dma_start3A_67 : memref<1x304xf32, #tpu.memory_space<hbm>> -> memref<304xf32, #tpu.memory_space<hbm>>
        tpu.enqueue_dma source(%arg30 : memref<304xf32, #tpu.memory_space<vmem>>) target(%dma_start3A_68 : memref<304xf32, #tpu.memory_space<hbm>>) target_semaphore(%run_scoped3A : memref<!tpu.dma_semaphore, #tpu.memory_space<semaphore_mem>>)
        %dma_wait3A = arith.constant 0 : i32
        %dma_wait3A_69 = tpu.memref_slice %arg11[%select_n3A, %dma_wait3A] : memref<8x304xf32, #tpu.memory_space<hbm>> -> memref<1x304xf32, #tpu.memory_space<hbm>>
        %dma_wait3A_70 = tpu.memref_squeeze %dma_wait3A_69 : memref<1x304xf32, #tpu.memory_space<hbm>> -> memref<304xf32, #tpu.memory_space<hbm>>
        %dma_wait3A_71 = arith.constant 0 : i32
        %dma_wait3A_72 = tpu.memref_slice %arg11[%select_n3A, %dma_wait3A_71] : memref<8x304xf32, #tpu.memory_space<hbm>> -> memref<1x304xf32, #tpu.memory_space<hbm>>
        %dma_wait3A_73 = tpu.memref_squeeze %dma_wait3A_72 : memref<1x304xf32, #tpu.memory_space<hbm>> -> memref<304xf32, #tpu.memory_space<hbm>>
        tpu.wait_dma2 semaphore(%run_scoped3A : memref<!tpu.dma_semaphore, #tpu.memory_space<semaphore_mem>>) src(%arg30 : memref<304xf32, #tpu.memory_space<vmem>>) dst(%dma_wait3A_73 : memref<304xf32, #tpu.memory_space<hbm>>)
        tpu.yield
      }) : () -> ()
      "tpu.region"() ({
        %run_scoped3A = tpu.sem_alloc : memref<!tpu.dma_semaphore, #tpu.memory_space<semaphore_mem>>
        %dma_start3A = arith.constant 0 : i32
        %dma_start3A_64 = tpu.memref_slice %arg12[%select_n3A, %dma_start3A] : memref<8x304xf32, #tpu.memory_space<hbm>> -> memref<1x304xf32, #tpu.memory_space<hbm>>
        %dma_start3A_65 = tpu.memref_squeeze %dma_start3A_64 : memref<1x304xf32, #tpu.memory_space<hbm>> -> memref<304xf32, #tpu.memory_space<hbm>>
        %dma_start3A_66 = arith.constant 0 : i32
        %dma_start3A_67 = tpu.memref_slice %arg12[%select_n3A, %dma_start3A_66] : memref<8x304xf32, #tpu.memory_space<hbm>> -> memref<1x304xf32, #tpu.memory_space<hbm>>
        %dma_start3A_68 = tpu.memref_squeeze %dma_start3A_67 : memref<1x304xf32, #tpu.memory_space<hbm>> -> memref<304xf32, #tpu.memory_space<hbm>>
        tpu.enqueue_dma source(%arg31 : memref<304xf32, #tpu.memory_space<vmem>>) target(%dma_start3A_68 : memref<304xf32, #tpu.memory_space<hbm>>) target_semaphore(%run_scoped3A : memref<!tpu.dma_semaphore, #tpu.memory_space<semaphore_mem>>)
        %dma_wait3A = arith.constant 0 : i32
        %dma_wait3A_69 = tpu.memref_slice %arg12[%select_n3A, %dma_wait3A] : memref<8x304xf32, #tpu.memory_space<hbm>> -> memref<1x304xf32, #tpu.memory_space<hbm>>
        %dma_wait3A_70 = tpu.memref_squeeze %dma_wait3A_69 : memref<1x304xf32, #tpu.memory_space<hbm>> -> memref<304xf32, #tpu.memory_space<hbm>>
        %dma_wait3A_71 = arith.constant 0 : i32
        %dma_wait3A_72 = tpu.memref_slice %arg12[%select_n3A, %dma_wait3A_71] : memref<8x304xf32, #tpu.memory_space<hbm>> -> memref<1x304xf32, #tpu.memory_space<hbm>>
        %dma_wait3A_73 = tpu.memref_squeeze %dma_wait3A_72 : memref<1x304xf32, #tpu.memory_space<hbm>> -> memref<304xf32, #tpu.memory_space<hbm>>
        tpu.wait_dma2 semaphore(%run_scoped3A : memref<!tpu.dma_semaphore, #tpu.memory_space<semaphore_mem>>) src(%arg31 : memref<304xf32, #tpu.memory_space<vmem>>) dst(%dma_wait3A_73 : memref<304xf32, #tpu.memory_space<hbm>>)
        tpu.yield
      }) : () -> ()
      "tpu.region"() ({
        %run_scoped3A = tpu.sem_alloc : memref<!tpu.dma_semaphore, #tpu.memory_space<semaphore_mem>>
        %dma_start3A = arith.constant 0 : i32
        %dma_start3A_64 = tpu.memref_slice %arg13[%select_n3A, %dma_start3A] : memref<8x304xf32, #tpu.memory_space<hbm>> -> memref<1x304xf32, #tpu.memory_space<hbm>>
        %dma_start3A_65 = tpu.memref_squeeze %dma_start3A_64 : memref<1x304xf32, #tpu.memory_space<hbm>> -> memref<304xf32, #tpu.memory_space<hbm>>
        %dma_start3A_66 = arith.constant 0 : i32
        %dma_start3A_67 = tpu.memref_slice %arg13[%select_n3A, %dma_start3A_66] : memref<8x304xf32, #tpu.memory_space<hbm>> -> memref<1x304xf32, #tpu.memory_space<hbm>>
        %dma_start3A_68 = tpu.memref_squeeze %dma_start3A_67 : memref<1x304xf32, #tpu.memory_space<hbm>> -> memref<304xf32, #tpu.memory_space<hbm>>
        tpu.enqueue_dma source(%arg32 : memref<304xf32, #tpu.memory_space<vmem>>) target(%dma_start3A_68 : memref<304xf32, #tpu.memory_space<hbm>>) target_semaphore(%run_scoped3A : memref<!tpu.dma_semaphore, #tpu.memory_space<semaphore_mem>>)
        %dma_wait3A = arith.constant 0 : i32
        %dma_wait3A_69 = tpu.memref_slice %arg13[%select_n3A, %dma_wait3A] : memref<8x304xf32, #tpu.memory_space<hbm>> -> memref<1x304xf32, #tpu.memory_space<hbm>>
        %dma_wait3A_70 = tpu.memref_squeeze %dma_wait3A_69 : memref<1x304xf32, #tpu.memory_space<hbm>> -> memref<304xf32, #tpu.memory_space<hbm>>
        %dma_wait3A_71 = arith.constant 0 : i32
        %dma_wait3A_72 = tpu.memref_slice %arg13[%select_n3A, %dma_wait3A_71] : memref<8x304xf32, #tpu.memory_space<hbm>> -> memref<1x304xf32, #tpu.memory_space<hbm>>
        %dma_wait3A_73 = tpu.memref_squeeze %dma_wait3A_72 : memref<1x304xf32, #tpu.memory_space<hbm>> -> memref<304xf32, #tpu.memory_space<hbm>>
        tpu.wait_dma2 semaphore(%run_scoped3A : memref<!tpu.dma_semaphore, #tpu.memory_space<semaphore_mem>>) src(%arg32 : memref<304xf32, #tpu.memory_space<vmem>>) dst(%dma_wait3A_73 : memref<304xf32, #tpu.memory_space<hbm>>)
        tpu.yield
      }) : () -> ()
      "tpu.region"() ({
        %run_scoped3A = tpu.sem_alloc : memref<!tpu.dma_semaphore, #tpu.memory_space<semaphore_mem>>
        %dma_start3A = arith.constant 0 : i32
        %dma_start3A_64 = tpu.memref_slice %arg14[%select_n3A, %dma_start3A] : memref<8x304xf32, #tpu.memory_space<hbm>> -> memref<1x304xf32, #tpu.memory_space<hbm>>
        %dma_start3A_65 = tpu.memref_squeeze %dma_start3A_64 : memref<1x304xf32, #tpu.memory_space<hbm>> -> memref<304xf32, #tpu.memory_space<hbm>>
        %dma_start3A_66 = arith.constant 0 : i32
        %dma_start3A_67 = tpu.memref_slice %arg14[%select_n3A, %dma_start3A_66] : memref<8x304xf32, #tpu.memory_space<hbm>> -> memref<1x304xf32, #tpu.memory_space<hbm>>
        %dma_start3A_68 = tpu.memref_squeeze %dma_start3A_67 : memref<1x304xf32, #tpu.memory_space<hbm>> -> memref<304xf32, #tpu.memory_space<hbm>>
        tpu.enqueue_dma source(%arg33 : memref<304xf32, #tpu.memory_space<vmem>>) target(%dma_start3A_68 : memref<304xf32, #tpu.memory_space<hbm>>) target_semaphore(%run_scoped3A : memref<!tpu.dma_semaphore, #tpu.memory_space<semaphore_mem>>)
        %dma_wait3A = arith.constant 0 : i32
        %dma_wait3A_69 = tpu.memref_slice %arg14[%select_n3A, %dma_wait3A] : memref<8x304xf32, #tpu.memory_space<hbm>> -> memref<1x304xf32, #tpu.memory_space<hbm>>
        %dma_wait3A_70 = tpu.memref_squeeze %dma_wait3A_69 : memref<1x304xf32, #tpu.memory_space<hbm>> -> memref<304xf32, #tpu.memory_space<hbm>>
        %dma_wait3A_71 = arith.constant 0 : i32
        %dma_wait3A_72 = tpu.memref_slice %arg14[%select_n3A, %dma_wait3A_71] : memref<8x304xf32, #tpu.memory_space<hbm>> -> memref<1x304xf32, #tpu.memory_space<hbm>>
        %dma_wait3A_73 = tpu.memref_squeeze %dma_wait3A_72 : memref<1x304xf32, #tpu.memory_space<hbm>> -> memref<304xf32, #tpu.memory_space<hbm>>
        tpu.wait_dma2 semaphore(%run_scoped3A : memref<!tpu.dma_semaphore, #tpu.memory_space<semaphore_mem>>) src(%arg33 : memref<304xf32, #tpu.memory_space<vmem>>) dst(%dma_wait3A_73 : memref<304xf32, #tpu.memory_space<hbm>>)
        tpu.yield
      }) : () -> ()
    } else {
    }
    return
  }
}

module attributes {stable_mosaic.version = 14 : i64} {
  func.func @_score_label_body(%arg0: i32, %arg1: memref<1x80x5000xf32, #tpu.memory_space<vmem>>, %arg2: memref<1x1x5000xf32, #tpu.memory_space<vmem>>, %arg3: memref<1x1x5000xf32, #tpu.memory_space<vmem>>) attributes {dimension_semantics = [#tpu.dimension_semantics<arbitrary>], iteration_bounds = array<i64: 8>, scalar_prefetch = 0 : i64, scratch_operands = 0 : i64, tpu.core_type = #tpu.core_type<tc>, window_params = [{transform_indices = @transform_0, window_bounds = array<i64: 1, 80, 5000>}, {transform_indices = @transform_1, window_bounds = array<i64: 1, 1, 5000>}, {transform_indices = @transform_2, window_bounds = array<i64: 1, 1, 5000>}]} {
    %get3A = arith.constant 0 : index
    %get3A_0 = arith.constant 0 : index
    %get3A_1 = arith.constant 0 : index
    %get3A_2 = vector.load %arg1[%get3A, %get3A_0, %get3A_1] : memref<1x80x5000xf32, #tpu.memory_space<vmem>>, vector<1x80x5000xf32>
    %get3A_3 = vector.shape_cast %get3A_2 : vector<1x80x5000xf32> to vector<80x5000xf32>
    %reduce_max3A = arith.constant dense<0xFF800000> : vector<5000xf32>
    %reduce_max3A_4 = vector.multi_reduction <maximumf>, %get3A_3, %reduce_max3A [0] : vector<80x5000xf32> to vector<5000xf32>
    %iota3A = tpu.iota {dimensions = array<i32: 0>} : vector<80x5000xi32>
    %broadcast_in_dim3A = vector.shape_cast %reduce_max3A_4 : vector<5000xf32> to vector<1x5000xf32>
    %eq3A = vector.broadcast %broadcast_in_dim3A : vector<1x5000xf32> to vector<80x5000xf32>
    %eq3A_5 = arith.cmpf oeq, %get3A_3, %eq3A : vector<80x5000xf32>
    %jit3A = arith.constant 80 : i32
    %broadcast_in_dim3A_6 = vector.broadcast %jit3A : i32 to vector<80x5000xi32>
    %select_n3A = arith.select %eq3A_5, %iota3A, %broadcast_in_dim3A_6 : vector<80x5000xi1>, vector<80x5000xi32>
    %reduce_min3A = arith.constant dense<2147483647> : vector<5000xi32>
    %reduce_min3A_7 = vector.multi_reduction <minsi>, %select_n3A, %reduce_min3A [0] : vector<80x5000xi32> to vector<5000xi32>
    %convert_element_type3A = arith.sitofp %reduce_min3A_7 : vector<5000xi32> to vector<5000xf32>
    %gt3A = arith.constant 5.000000e-02 : f32
    %gt3A_8 = vector.broadcast %gt3A : f32 to vector<5000xf32>
    %gt3A_9 = arith.cmpf ogt, %reduce_max3A_4, %gt3A_8 : vector<5000xf32>
    %jit3A_10 = arith.constant 0xFF800000 : f32
    %broadcast_in_dim3A_11 = vector.broadcast %jit3A_10 : f32 to vector<5000xf32>
    %select_n3A_12 = arith.select %gt3A_9, %reduce_max3A_4, %broadcast_in_dim3A_11 : vector<5000xi1>, vector<5000xf32>
    %swap3A = arith.constant 0 : index
    %swap3A_13 = arith.constant 0 : index
    %swap3A_14 = arith.constant 0 : index
    %swap3A_15 = vector.load %arg2[%swap3A, %swap3A_13, %swap3A_14] : memref<1x1x5000xf32, #tpu.memory_space<vmem>>, vector<1x1x5000xf32>
    %swap3A_16 = vector.shape_cast %swap3A_15 : vector<1x1x5000xf32> to vector<5000xf32>
    %swap3A_17 = vector.shape_cast %select_n3A_12 : vector<5000xf32> to vector<1x1x5000xf32>
    tpu.vector_store %arg2[%swap3A, %swap3A_13, %swap3A_14], %swap3A_17 {strides = array<i32>} : memref<1x1x5000xf32, #tpu.memory_space<vmem>>, vector<1x1x5000xf32>,
    %swap3A_18 = arith.constant 0 : index
    %swap3A_19 = arith.constant 0 : index
    %swap3A_20 = arith.constant 0 : index
    %swap3A_21 = vector.load %arg3[%swap3A_18, %swap3A_19, %swap3A_20] : memref<1x1x5000xf32, #tpu.memory_space<vmem>>, vector<1x1x5000xf32>
    %swap3A_22 = vector.shape_cast %swap3A_21 : vector<1x1x5000xf32> to vector<5000xf32>
    %swap3A_23 = vector.shape_cast %convert_element_type3A : vector<5000xf32> to vector<1x1x5000xf32>
    tpu.vector_store %arg3[%swap3A_18, %swap3A_19, %swap3A_20], %swap3A_23 {strides = array<i32>} : memref<1x1x5000xf32, #tpu.memory_space<vmem>>, vector<1x1x5000xf32>,
    return
  }
  func.func @transform_0(%arg0: i32) -> (i32, i32, i32) {
    %c0_i32 = arith.constant 0 : i32
    %c0_i32_0 = arith.constant 0 : i32
    %c0_i32_1 = arith.constant 0 : i32
    return %arg0, %c0_i32, %c0_i32_0 : i32, i32, i32
  }
  func.func @transform_1(%arg0: i32) -> (i32, i32, i32) {
    %c0_i32 = arith.constant 0 : i32
    %c0_i32_0 = arith.constant 0 : i32
    %c0_i32_1 = arith.constant 0 : i32
    return %arg0, %c0_i32, %c0_i32_0 : i32, i32, i32
  }
  func.func @transform_2(%arg0: i32) -> (i32, i32, i32) {
    %c0_i32 = arith.constant 0 : i32
    %c0_i32_0 = arith.constant 0 : i32
    %c0_i32_1 = arith.constant 0 : i32
    return %arg0, %c0_i32, %c0_i32_0 : i32, i32, i32
  }
}

</mosaic_0001>

<sc_bundles>
// kernel: kernel.4.cloned.1.call-start
scs
__scs_entry_jumppad:
0x0: {  	(pc) =	sbr.rel $0x88, $3  }
0x1: {  	(tag) =	ssettag $0x0;
	lr =	simm.s32 $0x1  }
0x2: {  	[smem:$0x3F9F] =	sst lr;
	_ =	strace $0xD0000000  }
0x3: {  	_ = 	snop  }
0x4: {  	_ = 	snop  }
0x5: {  	_ = 	snop  }
0x6: {  	_ = 	snop  }
0x7: {  	_ = 	snop  }
__scs_overlays_trampoline_lowered:
0x8: {  	[smem:$0x3FAE] =	sst s0  }
0x9: {  	[smem:$0x3FAF] =	sst s1  }
0xa: {  	[smem:$0x3FB0] =	sst s2  }
0xb: {  	[smem:$0x3FB1] =	sst s3  }
0xc: {  	[smem:$0x3FB2] =	sst s4  }
0xd: {  	[smem:$0x3FB3] =	sst s5  }
0xe: {  	[smem:$0x3FB4] =	sst s6  }
0xf: {  	[smem:$0x3FB5] =	sst s7  }
0x10: {  	[smem:$0x3FB6] =	sst s8  }
0x11: {  	[smem:$0x3FB7] =	sst s9;
	s0 =	simm.s32 @!p0 $0x0  }
0x12: {  	s1 =	sld [smem:$0x3F9D];
	s0 =	simm.s32 @p0 $0x1  }
0x13: {  	[smem:$0x3FB8] =	sst s0;
	s0 =	simm.s32 @!p1 $0x0  }
0x14: {  	s2 =	sld [smem:$0x3F9C];
	s0 =	simm.s32 @p1 $0x1  }
0x15: {  	[smem:$0x3FB9] =	sst s0;
	s0 =	simm.s32 @!p2 $0x0  }
0x16: {  	s3 =	sld [smem:$0x3FDB];
	s0 =	simm.s32 @p2 $0x1  }
0x17: {  	s4 =	simm.s32 $0x1BF5;
	[smem:$0x3FBB] =	sst s0  }
0x18: {  	s0 =	sld [smem:$0x3F9E];
	_ =	swait.ge [sflag:s4], $0x0  }
0x19: {  	s7 =	sld [smem:$0x3F9F]  }
0x1a: {  	s8 =	sadd.s32 $0xFFFFE003, lr  }
0x1b: {  	s9 =	sadd.s32 $0xFFFFFEF7, lr;
	s5 =	simm.s32 $0xFFFFFFFF;
	p2 =	slt.u32 s8, $0xFFFFF086  }
0x1c: {  	p1 =	slt.u32 s9, $0xF7A;
	s5 =	simm.s32 @!p2 $0x0  }
0x1d: {  	s5 =	simm.s32 @p1 $0x1;
	p0 =	seq.s32 s7, s2  }
0x1e: {  	s7 =	smul.u32 @!p0 $0xF7A, s2;
	p2 =	seq.s32 @!p0 s5, $0x0  }
0x1f: {  	s9 =	smul.u32 $0xF7A, s1;
	s8 =	simm.s32 @!p0 $0x1BF5;
	p2 =	por !p2, p0  }
0x20: {  	[sflag:s8] =	ssyncset.s32 @!p0 $0xFFFFF086;
	s6 =	sadd.s32 @!p0 s3, s7;
	s7 =	simm.s32 @!p0 $0x108  }
0x21: {  	s3 =	sadd.s32 s3, s9;
	s6 =	sadd.s32 @!p0 $0x88, s6;
	s7 =	simm.s32 @p2 $0x1082  }
0x22: {  	[simem:s7], [sflag:s8] =	dma.local @!p0 [hbm:s6], $0xF7A  }
0x23: {  	s9 =	sor.u32 $0xD0000000, s2;
	s6 =	simm.s32 $0x108;
	_ =	swait.ge @!p0 [sflag:s8], $0x0  }
0x24: {  	s3 =	sadd.s32 $0x88, s3;
	s6 =	simm.s32 @!p1 $0x1082;
	[sflag:s4] =	ssyncset.s32 $0xFFFFF086  }
0x25: {  	[simem:s6], [sflag:s4] =	dma.local [hbm:s3], $0xF7A  }
0x26: {  	[smem:$0x3F9F] =	sst s1;
	(tag) =	ssettag s2;
	_ =	strace s9  }
0x27: {  	s1 =	sld [smem:$0x3FAF]  }
0x28: {  	s2 =	sld [smem:$0x3FB0]  }
0x29: {  	s4 =	sld [smem:$0x3FB2]  }
0x2a: {  	p0 =	seq.s32 s5, $0x0;
	s5 =	sld [smem:$0x3FB3]  }
0x2b: {  	s6 =	sld [smem:$0x3FB4]  }
0x2c: {  	s7 =	sld [smem:$0x3FB5]  }
0x2d: {  	s3 =	simm.s32 $0x108;
	s8 =	sld [smem:$0x3FB6]  }
0x2e: {  	s3 =	simm.s32 @!p0 $0x1082;
	s9 =	sld [smem:$0x3FB7]  }
0x2f: {  	lr =	sadd.s32 s0, s3;
	s0 =	sld [smem:$0x3FAE]  }
0x30: {  	s3 =	sld [smem:$0x3FB1]  }
0x31: {  	[smem:$0x3FBA] =	sst s10  }
0x32: {  	s10 =	sld [smem:$0x3FB8];
	_ =	sdelay $0x3  }
0x33: {  	p0 =	seq.s32 s10, $0x1;
	s10 =	sld [smem:$0x3FBA];
	_ =	sdelay $0x3  }
0x34: {  	[smem:$0x3FBA] =	sst s10  }
0x35: {  	s10 =	sld [smem:$0x3FB9];
	_ =	sdelay $0x3  }
0x36: {  	p1 =	seq.s32 s10, $0x1;
	s10 =	sld [smem:$0x3FBA];
	_ =	sdelay $0x3  }
0x37: {  	[smem:$0x3FBA] =	sst s10  }
0x38: {  	s10 =	sld [smem:$0x3FBB]  }
0x39: {  	_ = 	snop;
	(pc) =	sbr.ind lr, $3  }
0x3a: {  	_ = 	snop  }
0x3b: {  	_ = 	snop  }
0x3c: {  	p2 =	seq.s32 s10, $0x1;
	s10 =	sld [smem:$0x3FBA]  }
0x3d: {  	_ =	shalt  }
0x3e: {  	_ =	shalt  }
0x3f: {  	_ =	shalt  }
0x40: {  	_ =	shalt  }
0x41: {  	_ =	shalt  }
0x42: {  	_ =	shalt  }
0x43: {  	_ =	shalt  }
0x44: {  	_ =	shalt  }
0x45: {  	_ =	shalt  }
0x46: {  	_ =	shalt  }
0x47: {  	_ =	shalt  }
0x48: {  	_ =	shalt  }
0x49: {  	_ =	shalt  }
0x4a: {  	_ =	shalt  }
0x4b: {  	_ =	shalt  }
0x4c: {  	_ =	shalt  }
0x4d: {  	_ =	shalt  }
0x4e: {  	_ =	shalt  }
0x4f: {  	_ =	shalt  }
0x50: {  	_ =	shalt  }
0x51: {  	_ =	shalt  }
0x52: {  	_ =	shalt  }
0x53: {  	_ =	shalt  }
0x54: {  	_ =	shalt  }
0x55: {  	_ =	shalt  }
0x56: {  	_ =	shalt  }
0x57: {  	_ =	shalt  }
0x58: {  	_ =	shalt  }
0x59: {  	_ =	shalt  }
0x5a: {  	_ =	shalt  }
0x5b: {  	_ =	shalt  }
0x5c: {  	_ =	shalt  }
0x5d: {  	_ =	shalt  }
0x5e: {  	_ =	shalt  }
0x5f: {  	_ =	shalt  }
0x60: {  	_ =	shalt  }
0x61: {  	_ =	shalt  }
0x62: {  	_ =	shalt  }
0x63: {  	_ =	shalt  }
0x64: {  	_ =	shalt  }
0x65: {  	_ =	shalt  }
0x66: {  	_ =	shalt  }
0x67: {  	_ =	shalt  }
0x68: {  	_ =	shalt  }
0x69: {  	_ =	shalt  }
0x6a: {  	_ =	shalt  }
0x6b: {  	_ =	shalt  }
0x6c: {  	_ =	shalt  }
0x6d: {  	_ =	shalt  }
0x6e: {  	_ =	shalt  }
0x6f: {  	_ =	shalt  }
0x70: {  	_ =	shalt  }
0x71: {  	_ =	shalt  }
0x72: {  	_ =	shalt  }
0x73: {  	_ =	shalt  }
0x74: {  	_ =	shalt  }
0x75: {  	_ =	shalt  }
0x76: {  	_ =	shalt  }
0x77: {  	_ =	shalt  }
0x78: {  	_ =	shalt  }
0x79: {  	_ =	shalt  }
0x7a: {  	_ =	shalt  }
0x7b: {  	_ =	shalt  }
0x7c: {  	_ =	shalt  }
0x7d: {  	_ =	shalt  }
0x7e: {  	_ =	shalt  }
0x7f: {  	_ =	shalt  }
0x80: {  	_ =	shalt  }
0x81: {  	_ =	shalt  }
0x82: {  	_ =	shalt  }
0x83: {  	_ =	shalt  }
0x84: {  	_ =	shalt  }
0x85: {  	_ =	shalt  }
0x86: {  	_ =	shalt  }
0x87: {  	_ =	shalt  }
.Lfunc_end0:
.L_simem_size_0:
called_computation_lowered:
.L_overlay_start_0:
0x88: {  	s2 =	sld [smem:$0x3FD9]  }
0x89: {  	s3 =	sld [smem:$0x3FFE];
	_ =	sdelay $0x1  }
0x8a: {  	s1 =	srdreg.scid  }
0x8b: {  	s0 =	sand.u32 $0x1, s1  }
0x8c: {  	s14 =	sshll.u32 s0, $0xA;
	s2 =	sadd.s32 s3, s2  }
0x8d: {  	s2 =	sadd.s32 s2, s14  }
0x8e: {  	[smem:$0x3FC6] =	sst s2  }
0x8f: {  	_ = 	snop  }
0x90: {  	s2 =	sld [smem:$0x3FD0];
	_ =	sdelay $0x2  }
0x91: {  	s15 =	simm.s32 $0xA;
	s4 =	simm.s32 $0x10  }
0x92: {  	[smem:s4], [sflag:s15] =	dma.local [hbm:s2], $0x1  }
0x93: {  	_ =	swait.eq [sflag:s15], $0x1  }
0x94: {  	s16 =	sld [smem:$0x10];
	[sflag:s15] =	ssyncset.done $0x0  }
0x95: {  	s17 =	sld [smem:$0x11];
	[sflag:s15] =	ssyncadd.s32 $0xFFFFFFFF  }
0x96: {  	s18 =	sld [smem:$0x12];
	(tm) =	ssettm $0x1  }
0x97: {  	s5 =	sld [smem:$0x3FFB];
	_ =	sdelay $0x3  }
0x98: {  	_ =	strace s5  }
0x99: {  	s5 =	sld [smem:$0x3FFC];
	_ =	sdelay $0x3  }
0x9a: {  	_ =	strace s5  }
0x9b: {  	s5 =	sld [smem:$0x3FFD];
	_ =	sdelay $0x3  }
0x9c: {  	_ =	strace s5  }
0x9d: {  	_ =	strace $0x8FFFFFFF  }
0x9e: {  	s19 =	sld [smem:$0x3FDB];
	_ =	sdelay $0x1  }
0x9f: {  	s6 =	simm.s32 $_scs_section_size  }
0xa0: {  	s7 =	simm.s32 $_size__tile_overlayer_lowered;
	s8 =	simm.s32 $_tile_overlayer_lowered  }
0xa1: {  	s22 =	simm.s32 $0x1BFF;
	s21 =	sshll.u32 s8, $0x1;
	s5 =	sadd.s32 s6, s19  }
0xa2: {  	s9 =	simm.s32 $0x0;
	s20 =	sshll.u32 s7, $0x1;
	s7 =	sadd.s32 s21, s5  }
0xa3: {  	[timem:s9], [sflag:s22] =	dma.local [hbm:s7], s20  }
0xa4: {  	_ =	swait.ge [sflag:s22], s20  }
0xa5: {  	s6 =	ssub.s32 $0x0, s20;
	[sflag:s22] =	ssyncset.done $0x0  }
0xa6: {  	[sflag:s22] =	ssyncadd.s32 s6;
	_ =	sdelay $0x1  }
0xa7: {  	s23 =	simm.s32 $0x1B8B  }
0xa8: {  	_ =	swait.ge [sflag:s23], $0x1  }
0xa9: {  	[sflag:s23] =	ssyncset.done $0x0  }
0xaa: {  	s25 =	simm.s32 $0x1B8E;
	s24 =	sld [smem:$0x3FFE];
	[sflag:s23] =	ssyncadd.s32 $0xFFFFFFFF  }
0xab: {  	s26 =	simm.s32 $execute0_lowered;
	[smem:$0x3FD2] =	sst s25  }
0xac: {  	s7 =	sshll.u32 s26, $0x1;
	_ =	strace $0x80000046;
	[dreg:$0x1] =	wrdreg $0xFFFFFFFF  }
0xad: {  	s28 =	simm.s32 $_size_execute0_lowered;
	s5 =	sadd.s32 s5, s7;
	[dreg:$0x0] =	wrdreg $0x0  }
0xae: {  	s7 =	sshll.u32 s28, $0x1;
	[dreg:$0x2] =	wrdreg s5  }
0xaf: {  	[dreg:$0x3] =	wrdreg s7  }
0xb0: {  	[dreg:$0x4] =	wrdreg $0xC0  }
0xb1: {  	_ =	task [dreg:s9], $0x5FFFF  }
0xb2: {  	[dreg:$0x1] =	wrdreg $0xFFFFFFFF  }
0xb3: {  	[dreg:$0x0] =	wrdreg $0x60  }
0xb4: {  	[dreg:$0x2] =	wrdreg s24  }
0xb5: {  	[dreg:$0x3] =	wrdreg s18  }
0xb6: {  	[dreg:$0x4] =	wrdreg s17  }
0xb7: {  	[dreg:$0x5] =	wrdreg s16  }
0xb8: {  	[dreg:$0x6] =	wrdreg $0x9  }
0xb9: {  	_ =	task.clear_ibuf [dreg:s9], $0x7FFFF;
	_ =	strace $0x90000046  }
0xba: {  	s29 =	simm.s32 $0x9;
	_ =	strace $0x80000048  }
0xbb: {  	_ =	swait.ge [sflag:s29], $0x1  }
0xbc: {  	[sflag:s29] =	ssyncadd.s32 $0xFFFFFFFF  }
0xbd: {  	_ =	strace $0x90000048  }
0xbe: {  	_ =	sfence  }
0xbf: {  	s30 =	sld [smem:$0x0];
	_ =	sdelay $0x2  }
0xc0: {  	s31 =	sshll.u32 s1, $0xD;
	s1 =	sshrl.u32 s1, $0x2  }
0xc1: {  	s3 =	sand.u32 $0x4000, s31;
	s1 =	sadd.s32 s1, s30  }
0xc2: {  	s0 =	sor.u32 s3, s0;
	s1 =	sshll.u32 s1, $0x11  }
0xc3: {  	s0 =	sor.u32 s1, s0  }
0xc4: {  	s0 =	sadd.s32 $0x8F2B, s0  }
0xc5: {  	[sflag:s0] =	ssyncadd.remote.s32 $0x1  }
0xc6: {  	_ =	sfence.sel $0xFFFF  }
0xc7: {  	[dreg:$0x0] =	wrdreg $0xFFFFFFFF;
	(pc) =	sbr.abs _section_cstart, $3  }
0xc8: {  	[dreg:$0x1] =	wrdreg $0xFFFFFFFF  }
0xc9: {  	_ =	task.clear_ibuf [dreg:s9], $0x2FFFF;
	_ =	strace $0x9FFFFFFF  }
0xca: {  	(tm) =	ssettm $0x7FFFFFFF  }
0xcb: {  	_ =	shalt  }
tec
execute0_lowered:
.L_overlay_start_1:
0x0: {  	(tag) =	ssettag $0x1  }
0x1: {  	s0 =	rddreg [dreg:$0x0]  }
0x2: {  	s1 =	rddreg [dreg:$0x1]  }
0x3: {  	s5 =	rddreg [dreg:$0x2]  }
0x4: {  	s6 =	rddreg [dreg:$0x3]  }
0x5: {  	s12 =	stileid.u32;
	s3 =	srdreg.scid  }
0x6: {  	s2 =	simm.s32 $0x0;
	s28 =	simm.s32 $0x1400;
	s29 =	simm.s32 $0x2800  }
0x7: {  	s30 =	simm.s32 $0x3C00;
	s31 =	simm.s32 $0x5000;
	s10 =	sshll.u32 s12, $0x3  }
0x8: {  	s4 =	sshll.u32 s12, $0x1;
	s7 =	sand.u32 $0x1, s3;
	s10 =	sand.u32 $0x70, s10  }
0x9: {  	[smem:$0x7FF] =	sst s2;
	s25 =	sand.u32 $0x1, s12;
	s1 =	sadd.s32 s1, s10  }
0xa: {  	_ =	strace $0x80000047;
	s18 =	sadd.s32 s5, s10;
	[dreg:$0xc] =	wrdreg s1  }
0xb: {  	s21 =	sand.u32 $0x2, s4;
	s19 =	sadd.s32 s6, s10;
	[dreg:$0xd] =	wrdreg s18  }
0xc: {  	s22 =	ssub.s32 $0x2, s7;
	s13 =	sadd.s32 s0, s10;
	[dreg:$0xe] =	wrdreg s19  }
0xd: {  	s14 =	smul.u32 $0x2400, s25;
	s0 =	sadd.s32 $0x3C00, s13;
	[dreg:$0x5] =	wrdreg s13  }
0xe: {  	s17 =	smul.u32 $0x1200, s7;
	s24 =	sadd.s32 $0x1400, s13;
	[dreg:$0x6] =	wrdreg s0  }
0xf: {  	s20 =	smul.u32 $0x480, s7;
	s26 =	sadd.s32 $0x2800, s13;
	[dreg:$0x7] =	wrdreg s24  }
0x10: {  	s8 =	sor.u32 s7, s21;
	s12 =	sadd.s32 $0x5000, s13;
	[dreg:$0x8] =	wrdreg s26  }
0x11: {  	s23 =	sshrl.u32 s22, $0x1;
	s15 =	sadd.s32 $0x6400, s13;
	[dreg:$0x9] =	wrdreg s12  }
0x12: {  	s9 =	smul.u32 $0x9, s8;
	s16 =	sadd.s32 $0x7800, s13;
	[dreg:$0xa] =	wrdreg s15  }
0x13: {  	s11 =	ssub.s32 s22, s23;
	s22 =	sadd.s32 $0x8C00, s13;
	[dreg:$0xb] =	wrdreg s16  }
0x14: {  	s21 =	sadd.s32 s17, s14;
	s23 =	sadd.s32 $0x8E00, s13;
	[dreg:$0xf] =	wrdreg s22  }
0x15: {  	p0 =	sne.s32 s8, $0x0;
	s0 =	smul.u32 $0x900, s25;
	[dreg:$0x10] =	wrdreg s23  }
0x16: {  	s5 =	sadd.s32 $0x9C0, s21;
	s24 =	sadd.s32 $0x9000, s13;
	s26 =	smax.u32 s11, $0x1  }
.Ltmp0:
0x17: {  	s12 =	simm.s32 $0xDC00;
	s3 =	sadd.s32 $0x4, s9;
	(pc) =	sbr.rel .LBB2_1-.Ltmp0, $4  }
0x18: {  	s4 =	sadd.s32 $0xD, s9;
	[dreg:$0x11] =	wrdreg s24;
	s25 =	sshrl.u32 s5, $0x2  }
0x19: {  	[dreg:$0x12] =	wrdreg s26;
	s5 =	simm.s32 $0x0;
	s0 =	sadd.s32 s20, s0  }
0x1a: {  	v0 =	vimm.s32 $0x0;
	v1 =	vimm.f32 $-1.000000000e+00;
	s20 =	sadd.s32 $0xC800, s25;
	s21 =	sadd.s32 $0xB400, s25;
	s22 =	sadd.s32 $0xA000, s25  }
0x1b: {  	v2 =	vlaneseq.u32;
	v3 =	vimm.f32 $-Inf;
	vm0 =	vcmask $0x300;
	s23 =	sadd.s32 $0x8C00, s25;
	s19 =	sadd.s32 $0x270, s0;
	s0 =	simm.s32 $0x6400  }
.LBB2_30:
.Ltmp1:
0x1c: {  	(pc) =	sbr.rel @!p0 .LBB2_31-.Ltmp1, $2  }
0x1d: {  	_ =	sdelay $0x2  }
0x1e: {  	s5 =	rddreg [dreg:$0x13]  }
.LBB2_34:
0x1f: {  	s5 =	sadd.s32 $0x1, s5;
	s1 =	rddreg [dreg:$0x12]  }
0x20: {  	p1 =	sne.s32 s5, s1  }
.Ltmp2:
0x21: {  	_ = 	snop;
	(pc) =	sbr.rel @!p1 .LBB2_35-.Ltmp2, $1  }
0x22: {  	_ =	sdelay $0x3  }
.LBB2_1:
0x23: {  	[dreg:$0x13] =	wrdreg s5  }
0x24: {  	s1 =	rddreg [dreg:$0x6]  }
0x25: {  	s14 =	simm.s32 $0x80;
	s6 =	simm.s32 $0x400;
	s7 =	simm.s32 $0x1  }
0x26: {  	[tilespmem:s2], [sflag:$0x1] =	stream.strided.gather [hbm4b:s1+s14], $0x1400, s6, s14, $0x38;
	[tilespmem:$0x10D00] =	vst v63  }
0x27: {  	_ =	swait.ge [sflag:s7], $0x1400  }
0x28: {  	[sflag:s7] =	ssyncset.done $0x0  }
0x29: {  	s15 =	rddreg [dreg:$0x7];
	[sflag:s7] =	ssyncadd.s32 $0xFFFFEC00  }
0x2a: {  	[tilespmem:s28], [sflag:$0x1] =	stream.strided.gather [hbm4b:s15+s14], $0x1400, s6, s14, $0x38;
	[tilespmem:$0x10D00] =	vst v63  }
0x2b: {  	_ =	swait.ge [sflag:s7], $0x1400  }
0x2c: {  	[sflag:s7] =	ssyncset.done $0x0  }
0x2d: {  	s16 =	rddreg [dreg:$0x8];
	[sflag:s7] =	ssyncadd.s32 $0xFFFFEC00  }
0x2e: {  	[tilespmem:s29], [sflag:$0x1] =	stream.strided.gather [hbm4b:s16+s14], $0x1400, s6, s14, $0x38;
	[tilespmem:$0x10D00] =	vst v63  }
0x2f: {  	_ =	swait.ge [sflag:s7], $0x1400  }
0x30: {  	[sflag:s7] =	ssyncset.done $0x0  }
0x31: {  	s17 =	rddreg [dreg:$0x5];
	[sflag:s7] =	ssyncadd.s32 $0xFFFFEC00  }
0x32: {  	[tilespmem:s30], [sflag:$0x1] =	stream.strided.gather [hbm4b:s17+s14], $0x1400, s6, s14, $0x38;
	[tilespmem:$0x10D00] =	vst v63  }
0x33: {  	_ =	swait.ge [sflag:s7], $0x1400  }
0x34: {  	[sflag:s7] =	ssyncset.done $0x0  }
0x35: {  	s18 =	rddreg [dreg:$0x9];
	[sflag:s7] =	ssyncadd.s32 $0xFFFFEC00  }
0x36: {  	[tilespmem:s31], [sflag:$0x1] =	stream.strided.gather [hbm4b:s18+s14], $0x1400, s6, s14, $0x38;
	[tilespmem:$0x10D00] =	vst v63  }
0x37: {  	_ =	swait.ge [sflag:s7], $0x1400  }
0x38: {  	[sflag:s7] =	ssyncset.done $0x0  }
0x39: {  	s24 =	rddreg [dreg:$0xa];
	[sflag:s7] =	ssyncadd.s32 $0xFFFFEC00  }
0x3a: {  	[tilespmem:s0], [sflag:$0x1] =	stream.strided.gather [hbm4b:s24+s14], $0x1400, s6, s14, $0x38;
	[tilespmem:$0x10D00] =	vst v63  }
0x3b: {  	_ =	swait.ge [sflag:s7], $0x1400  }
0x3c: {  	[sflag:s7] =	ssyncset.done $0x0  }
0x3d: {  	s8 =	simm.s32 $0x7800;
	s25 =	rddreg [dreg:$0xb];
	[sflag:s7] =	ssyncadd.s32 $0xFFFFEC00  }
0x3e: {  	[tilespmem:s8], [sflag:$0x1] =	stream.strided.gather [hbm4b:s25+s14], $0x1400, s6, s14, $0x38;
	[tilespmem:$0x10D00] =	vst v63  }
0x3f: {  	_ =	swait.ge [sflag:s7], $0x1400  }
0x40: {  	[sflag:s7] =	ssyncset.done $0x0  }
0x41: {  	s26 =	simm.s32 $0x0;
	[sflag:s7] =	ssyncadd.s32 $0xFFFFEC00  }
0x42: {  	v5 =	vld [tilespmem:s26+$0x7800];
	_ =	sdelay $0x7  }
0x43: {  	v4 =	vld.idx.msk [tilespmem:v5+s2+$0x0], $0xffff;
	_ =	sdelay $0x4  }
0x44: {  	[tilespmem:s26+$0x8C00] =	vst v4  }
0x45: {  	v4 =	vld.idx.msk [tilespmem:v5+s28+$0x0], $0xffff;
	_ =	sdelay $0x4  }
0x46: {  	[tilespmem:s26+$0xA000] =	vst v4  }
0x47: {  	v4 =	vld.idx.msk [tilespmem:v5+s29+$0x0], $0xffff;
	_ =	sdelay $0x4  }
0x48: {  	[tilespmem:s26+$0xB400] =	vst v4  }
0x49: {  	v4 =	vld.idx.msk [tilespmem:v5+s30+$0x0], $0xffff;
	_ =	sdelay $0x4  }
0x4a: {  	[tilespmem:s26+$0xC800] =	vst v4  }
0x4b: {  	v6 =	vld.idx.msk [tilespmem:v5+s31+$0x0], $0xffff;
	_ =	sdelay $0x4  }
0x4c: {  	vm1 =	vlt.f32 v6, $-Inf;
	vm2 =	vgt.f32 v6, $-Inf  }
0x4d: {  	s6 =	simm.s32 $0x10;
	vm1 =	vmor vm2, vm1  }
0x4e: {  	v4 =	vld [tilespmem:s6+$0x7800];
	[tilespmem:s26+$0xDC00] =	vst v6;
	v6 =	vsel vm1, $0x1, v0  }
0x4f: {  	(xrf0) =	vadd.scan.msk.s32 $0xffff, v6  }
0x50: {  	v5 =	vld.idx.msk [tilespmem:v5+s0+$0x0], $0xffff;
	_ =	sdelay $0x4  }
0x51: {  	[tilespmem:s26+$0xF000] =	vst v5;
	v6, _, _ =	vpop (xrf0)  }
0x52: {  	v5 =	vld.idx.msk [tilespmem:v4+s2+$0x0], $0xffff;
	(v2sf) =	vpush v6, $0xF;
	_ =	sdelay $0x4  }
0x53: {  	[tilespmem:s6+$0x8C00] =	vst v5  }
0x54: {  	v5 =	vld.idx.msk [tilespmem:v4+s28+$0x0], $0xffff;
	_ =	sdelay $0x4  }
0x55: {  	[tilespmem:s6+$0xA000] =	vst v5  }
0x56: {  	s5 =	simm.s32 $0x0;
	s8 =	simm.s32 $0xC0;
	s7 =	simm.s32 $0x80;
	v5 =	vld.idx.msk [tilespmem:v4+s29+$0x0], $0xffff  }
.LBB2_2:
0x57: {  	p1 =	sne.s32 s8, $0x4FC0;
	_ =	sdelay $0x1  }
0x58: {  	s1 =	spop (v2sf)  }
0x59: {  	s5 =	sadd.s32 s5, s1;
	_ =	sdelay $0x1  }
0x5a: {  	[tilespmem:s6+$0xB400] =	vst v5  }
0x5b: {  	v5 =	vld.idx.msk [tilespmem:v4+s30+$0x0], $0xffff;
	_ =	sdelay $0x5  }
0x5c: {  	[tilespmem:s6+$0xC800] =	vst v5  }
0x5d: {  	v5 =	vld.idx.msk [tilespmem:v4+s31+$0x0], $0xffff;
	_ =	sdelay $0x4  }
0x5e: {  	s1 =	sshra.s32 s7, $0x2;
	s7 =	smov.u32 s8  }
0x5f: {  	vm1 =	vlt.f32 v5, $-Inf;
	vm2 =	vgt.f32 v5, $-Inf;
	v6 =	vld [tilespmem:s1+$0x7800];
	[tilespmem:s6+$0xDC00] =	vst v5  }
0x60: {  	vm1 =	vmor vm2, vm1;
	v5 =	vld.idx.msk [tilespmem:v4+s0+$0x0], $0xffff  }
0x61: {  	v4 =	vsel vm1, $0x1, v0  }
0x62: {  	(xrf0) =	vadd.scan.msk.s32 $0xffff, v4;
	_ =	sdelay $0x1  }
0x63: {  	v4 =	vmov v6;
	_ =	sdelay $0x1  }
0x64: {  	[tilespmem:s6+$0xF000] =	vst v5;
	s6 =	smov.u32 s1  }
0x65: {  	v5 =	vld.idx.msk [tilespmem:v6+s2+$0x0], $0xffff  }
0x66: {  	v6, _, _ =	vpop (xrf0)  }
0x67: {  	(v2sf) =	vpush v6, $0xF;
	_ =	sdelay $0x3  }
0x68: {  	[tilespmem:s6+$0x8C00] =	vst v5  }
0x69: {  	v5 =	vld.idx.msk [tilespmem:v4+s28+$0x0], $0xffff;
	_ =	sdelay $0x2  }
.Ltmp3:
0x6a: {  	(pc) =	sbr.rel @p1 .LBB2_2-.Ltmp3, $3  }
0x6b: {  	_ =	sdelay $0x1  }
0x6c: {  	[tilespmem:s6+$0xA000] =	vst v5  }
0x6d: {  	s8 =	sadd.s32 $0x40, s8;
	v5 =	vld.idx.msk [tilespmem:v4+s29+$0x0], $0xffff  }
0x6e: {  	_ =	sdelay $0x3  }
0x6f: {  	[tilespmem:s6+$0xB400] =	vst v5  }
0x70: {  	v5 =	vld.idx.msk [tilespmem:v4+s30+$0x0], $0xffff;
	_ =	sdelay $0x4  }
0x71: {  	[tilespmem:s6+$0xC800] =	vst v5  }
0x72: {  	v5 =	vld.idx.msk [tilespmem:v4+s31+$0x0], $0xffff;
	_ =	sdelay $0x2  }
0x73: {  	s1 =	sshra.s32 s7, $0x2  }
0x74: {  	v6 =	vld [tilespmem:s1+$0x7800]  }
0x75: {  	[tilespmem:s6+$0xDC00] =	vst v5  }
0x76: {  	v4 =	vld.idx.msk [tilespmem:v4+s0+$0x0], $0xffff;
	_ =	sdelay $0x4  }
0x77: {  	[tilespmem:s6+$0xF000] =	vst v4  }
0x78: {  	v4 =	vld.idx.msk [tilespmem:v6+s2+$0x0], $0xffff;
	_ =	sdelay $0x4  }
0x79: {  	[tilespmem:s1+$0x8C00] =	vst v4  }
0x7a: {  	v4 =	vld.idx.msk [tilespmem:v6+s28+$0x0], $0xffff;
	_ =	sdelay $0x4  }
0x7b: {  	[tilespmem:s1+$0xA000] =	vst v4  }
0x7c: {  	v4 =	vld.idx.msk [tilespmem:v6+s29+$0x0], $0xffff;
	_ =	sdelay $0x4  }
0x7d: {  	[tilespmem:s1+$0xB400] =	vst v4  }
0x7e: {  	v4 =	vld.idx.msk [tilespmem:v6+s30+$0x0], $0xffff;
	_ =	sdelay $0x4  }
0x7f: {  	[tilespmem:s1+$0xC800] =	vst v4  }
0x80: {  	v4 =	vld.idx.msk [tilespmem:v6+s31+$0x0], $0xffff;
	_ =	sdelay $0x3  }
0x81: {  	vm1 =	vlt.f32 v5, $-Inf;
	vm2 =	vgt.f32 v5, $-Inf  }
0x82: {  	vm1 =	vmor vm2, vm1;
	vm2 =	vlt.f32 v4, $-Inf;
	vm3 =	vgt.f32 v4, $-Inf  }
0x83: {  	v5 =	vsel vm1, $0x1, v0;
	vm2 =	vmor vm3, vm2  }
0x84: {  	(xrf0) =	vadd.scan.msk.s32 $0xffff, v5;
	v5 =	vsel vm2, $0x1, v0  }
0x85: {  	(xrf0) =	vadd.scan.msk.s32 $0xffff, v5;
	_ =	sdelay $0x4  }
0x86: {  	v5, _, _ =	vpop (xrf0)  }
0x87: {  	(v2sf) =	vpush v5, $0xF;
	v5, _, _ =	vpop (xrf0)  }
0x88: {  	(v2sf) =	vpush v5, $0xF;
	_ =	sdelay $0x9  }
0x89: {  	[tilespmem:s1+$0xDC00] =	vst v4  }
0x8a: {  	v4 =	vld.idx.msk [tilespmem:v6+s0+$0x0], $0xffff  }
.Ltmp4:
0x8b: {  	_ = 	snop;
	(pc) =	sbr.rel @p0 .LBB2_7-.Ltmp4, $4  }
0x8c: {  	s24 =	spop (v2sf)  }
0x8d: {  	s5 =	sadd.s32 s5, s24;
	s25 =	spop (v2sf)  }
0x8e: {  	s5 =	sadd.s32 s5, s25;
	s26 =	spop (v2sf)  }
0x8f: {  	[tilespmem:s1+$0xF000] =	vst v4;
	s9 =	sadd.s32 s5, s26  }
0x90: {  	s1 =	simm.s32 $0x0  }
0x91: {  	[tilespmem:s1+$0x10B80] =	vst v1  }
0x92: {  	[tilespmem:s1+$0x10400] =	vst v1  }
0x93: {  	[tilespmem:s1+$0x10580] =	vst v1  }
0x94: {  	[tilespmem:s1+$0x10700] =	vst v1  }
0x95: {  	s5 =	simm.s32 $0x40;
	[tilespmem:s1+$0x10880] =	vst v1  }
.LBB2_5:
0x96: {  	p1 =	sne.s32 s5, $0x480;
	[tilespmem:s1+$0x10A00] =	vst v1;
	s1 =	sshra.s32 s5, $0x2;
	s5 =	sadd.s32 $0x40, s5  }
.Ltmp5:
0x97: {  	[tilespmem:s1+$0x10B80] =	vst v1;
	(pc) =	sbr.rel @p1 .LBB2_5-.Ltmp5, $4  }
0x98: {  	[tilespmem:s1+$0x10400] =	vst v1  }
0x99: {  	[tilespmem:s1+$0x10580] =	vst v1  }
0x9a: {  	[tilespmem:s1+$0x10700] =	vst v1  }
0x9b: {  	[tilespmem:s1+$0x10880] =	vst v1  }
0x9c: {  	[tilespmem:s1+$0x10A00] =	vst v1  }
.LBB2_7:
0x9d: {  	p1 =	slt.s32 s9, $0x1  }
.Ltmp6:
0x9e: {  	_ = 	snop;
	(pc) =	sbr.rel @p1 .LBB2_30-.Ltmp6, $1  }
0x9f: {  	_ =	sdelay $0x3  }
.Ltmp7:
0xa0: {  	(pc) =	sbr.rel .LBB2_9-.Ltmp7, $3  }
0xa1: {  	_ =	sdelay $0x1  }
0xa2: {  	p1 =	slt.s32 s9, $0x200;
	s7 =	smov.u32 s9  }
0xa3: {  	s8 =	simm.s32 $0x0;
	s10 =	simm.s32 $0x0;
	s7 =	simm.s32 @!p1 $0x200  }
.LBB2_16:
0xa4: {  	v5 =	vmax.f32 v56, $0.0e+00;
	v6 =	vmax.f32 v59, $9.999999960e-13;
	v7 =	vsub.f32 v39, v47  }
0xa5: {  	v4 =	vmax.f32 v4, v53;
	v16 =	vsub.f32 v25, v28;
	v17 =	vsub.f32 v51, v55  }
0xa6: {  	vm2 =	vgt.f32 v49, v58;
	v62 =	vsub.f32 v41, v29;
	v63 =	vsub.f32 v57, v48  }
0xa7: {  	v39 =	vsub.f32 v33, v36;
	v41 =	vsub.f32 v34, v30;
	v47 =	vmul.f32 v40, v45  }
0xa8: {  	v48 =	vor.u32 v2, v42;
	v49 =	vsub.f32 v46, v44;
	v24 =	vsub.f32 v24, v26  }
0xa9: {  	v51 =	vmax.f32 v37, $0.0e+00;
	v20 =	vshll.u32 v20, v14;
	v13 =	vor.u32 v13, v23  }
0xaa: {  	v58 =	vshll.u32 v18, v14;
	v19 =	vbroadcast v19, $0x0;
	v60 =	vshll.u32 v15, v14  }
0xab: {  	v6 =	vmul.f32 $5.000000000e-01, v6;
	v5 =	vmul.f32 v27, v5;
	v4 =	vsub.f32 v38, v4  }
0xac: {  	v61 =	vbroadcast v60, $0x0;
	v7 =	vmul.f32 v54, v7;
	v17 =	vmax.f32 v17, $0.0e+00  }
0xad: {  	v25 =	vmax.f32 v62, $9.999999960e-13;
	v27 =	vmul.f32 v39, v50;
	v34 =	vmax.f32 v49, $0.0e+00  }
0xae: {  	v28 =	vmul.f32 v43, v41;
	v16 =	vmul.f32 v16, v24;
	vm1 =	vgt.f32 v52, v6  }
0xaf: {  	v32 =	vsub.f32 v32, v5;
	v6 =	vmax.f32 v63, $0.0e+00;
	v52 =	vsub.f32 v31, v35  }
0xb0: {  	v25 =	vmul.f32 $5.000000000e-01, v25;
	v4 =	vmax.f32 v4, $0.0e+00;
	v7 =	vadd.f32 v7, v8  }
0xb1: {  	v28 =	vadd.f32 v28, v8;
	v55 =	vadd.f32 v16, v8;
	v56 =	vmax.f32 v52, $0.0e+00  }
0xb2: {  	v54 =	vadd.f32 v27, v8;
	v50 =	vmax.f32 v32, $9.999999960e-13;
	v16 =	vmul.f32 v17, v56  }
0xb3: {  	v4 =	vmul.f32 v34, v4;
	v53 =	vmul.f32 $5.000000000e-01, v50;
	v8 =	vsub.f32 v55, v47  }
0xb4: {  	v6 =	vmul.f32 v51, v6;
	vm3 =	vgt.f32 v29, v25;
	v7 =	vsub.f32 v7, v16  }
0xb5: {  	vm4 =	vgt.f32 v5, v53;
	v5 =	vsub.f32 v54, v4;
	v8 =	vmax.f32 v8, $9.999999960e-13  }
0xb6: {  	v57 =	vsub.f32 v28, v6;
	v8 =	vmul.f32 $5.000000000e-01, v8;
	v7 =	vmax.f32 v7, $9.999999960e-13  }
0xb7: {  	v62 =	vbroadcast v20, $0x0;
	v5 =	vmax.f32 v5, $9.999999960e-13;
	v7 =	vmul.f32 $5.000000000e-01, v7  }
0xb8: {  	v59 =	vmax.f32 v57, $9.999999960e-13;
	v5 =	vmul.f32 $5.000000000e-01, v5;
	vm5 =	vgt.f32 v47, v8  }
0xb9: {  	v12 =	vor.u32 v12, v19;
	v18 =	vmul.f32 $5.000000000e-01, v59;
	vm6 =	vgt.f32 v16, v7  }
0xba: {  	[tilespmem:v48+s12+$0x0] =	vst.idx.msk vm2, v3;
	vm2 =	vgt.f32 v4, v5;
	v4 =	vbroadcast v58, $0x0;
	v5 =	vor.u32 v10, v61  }
0xbb: {  	v63 =	vor.u32 v11, v62;
	[tilespmem:v22+s12+$0x0] =	vst.idx.msk vm3, v3;
	vm3 =	vgt.f32 v6, v18  }
0xbc: {  	[tilespmem:v13+s12+$0x0] =	vst.idx.msk vm4, v3;
	v4 =	vor.u32 v9, v4  }
0xbd: {  	[tilespmem:v21+s12+$0x0] =	vst.idx.msk vm1, v3  }
0xbe: {  	[tilespmem:v12+s12+$0x0] =	vst.idx.msk vm5, v3  }
0xbf: {  	[tilespmem:v5+s12+$0x0] =	vst.idx.msk vm6, v3  }
0xc0: {  	[tilespmem:v63+s12+$0x0] =	vst.idx.msk vm2, v3  }
0xc1: {  	[tilespmem:v4+s12+$0x0] =	vst.idx.msk vm3, v3  }
.LBB2_17:
0xc2: {  	p1 =	sgt.f32 s11, $-Inf  }
0xc3: {  	s1 =	simm.s32 $0x1  }
0xc4: {  	s10 =	sadd.s32 $0x1, s10;
	s1 =	simm.s32 @!p1 $0x0  }
0xc5: {  	p1 =	sge.s32 s10, s7;
	s8 =	sadd.s32 s1, s8  }
0xc6: {  	p2 =	slt.u32 @!p1 s8, $0x12C  }
0xc7: {  	p1 =	por p1, !p2  }
.Ltmp8:
0xc8: {  	_ = 	snop;
	(pc) =	sbr.rel @p1 .LBB2_18-.Ltmp8, $1  }
0xc9: {  	_ =	sdelay $0x3  }
.LBB2_9:
0xca: {  	s1 =	sand.u32 $0x7FFFFFF0, s10  }
0xcb: {  	v4 =	vld [tilespmem:s1+$0xDC00];
	_ =	sdelay $0x1  }
0xcc: {  	s5 =	sand.u32 $0xF, s10  }
0xcd: {  	v5 =	vmov s5  }
0xce: {  	vm1 =	veq.s32 v5, v2  }
0xcf: {  	v4 =	vnsel vm1, $0xFF800000, v4  }
0xd0: {  	(xrf0) =	vmax.scan.msk.f32 $0xffff, v4;
	_ =	sdelay $0x5  }
0xd1: {  	v4, _, _ =	vpop (xrf0)  }
0xd2: {  	(v2sf) =	vpush v4, $0xF;
	_ =	sdelay $0xe  }
0xd3: {  	p1 =	sgt.u32 s8, $0x12A;
	s11 =	spop (v2sf)  }
0xd4: {  	p2 =	slt.f32 @!p1 s11, $-Inf;
	p3 =	sgt.f32 @!p1 s11, $-Inf  }
0xd5: {  	_ = 	snop  }
0xd6: {  	p2 =	por @!p1 p3, p2  }
0xd7: {  	p2 =	por @!p1 !p2, !p2  }
0xd8: {  	p1 =	por p1, p2  }
.Ltmp9:
0xd9: {  	_ = 	snop;
	(pc) =	sbr.rel @p1 .LBB2_17-.Ltmp9, $1  }
0xda: {  	_ =	sdelay $0x3  }
0xdb: {  	v4 =	vld [tilespmem:s1+$0xB400]  }
0xdc: {  	v5 =	vld [tilespmem:s1+$0x8C00]  }
0xdd: {  	v6 =	vld [tilespmem:s1+$0xC800]  }
0xde: {  	v7 =	vld [tilespmem:s1+$0xA000];
	_ =	sdelay $0x1  }
0xdf: {  	v4 =	vnsel vm1, $0xFF800000, v4  }
0xe0: {  	(xrf0) =	vmax.scan.msk.f32 $0xffff, v4;
	v4 =	vnsel vm1, $0xFF800000, v5  }
0xe1: {  	s5 =	sand.u32 $0x7FFFFF80, s10;
	(xrf0) =	vmax.scan.msk.f32 $0xffff, v4;
	v4 =	vnsel vm1, $0xFF800000, v6  }
0xe2: {  	v8 =	vld [tilespmem:s5+$0x8C00];
	(xrf0) =	vmax.scan.msk.f32 $0xffff, v4;
	v4 =	vnsel vm1, $0xFF800000, v7  }
0xe3: {  	v10 =	vld [tilespmem:s5+$0xB400];
	(xrf0) =	vmax.scan.msk.f32 $0xffff, v4  }
0xe4: {  	v11 =	vld [tilespmem:s5+$0xC800]  }
0xe5: {  	v39 =	vld [tilespmem:s5+$0xC810]  }
0xe6: {  	v40 =	vld [tilespmem:s5+$0x8C20];
	v6, _, _ =	vpop (xrf0)  }
0xe7: {  	v16 =	vld [tilespmem:s5+$0xB420];
	v4, _, _ =	vpop (xrf0);
	(v2sf) =	vpush v6, $0xF  }
0xe8: {  	v23 =	vld [tilespmem:s5+$0xA030];
	v7, _, _ =	vpop (xrf0);
	(v2sf) =	vpush v4, $0xF  }
0xe9: {  	v49 =	vld [tilespmem:s5+$0xC830];
	(v2sf) =	vpush v7, $0xF;
	v5, _, _ =	vpop (xrf0)  }
0xea: {  	v46 =	vld [tilespmem:s5+$0xB430];
	(v2sf) =	vpush v5, $0xF  }
0xeb: {  	v54 =	vld [tilespmem:s5+$0xB440]  }
0xec: {  	v42 =	vld [tilespmem:s5+$0x8C30];
	s16 =	sor.u32 $0x10, s5  }
0xed: {  	v50 =	vld [tilespmem:s5+$0x8C40];
	v36 =	vor.u32 s16, v2;
	v6 =	vbroadcast v6, $0xF  }
0xee: {  	v17 =	vld [tilespmem:s5+$0xC820];
	vm3 =	vgt.u32 v36, s10;
	v59 =	vsub.f32 v49, v23  }
0xef: {  	v9 =	vld [tilespmem:s5+$0xA000];
	v4 =	vbroadcast v4, $0xF;
	v7 =	vbroadcast v7, $0xF;
	v14 =	vmin.f32 v6, v10  }
0xf0: {  	v38 =	vld [tilespmem:s5+$0xA010];
	v45 =	vmin.f32 v6, v16;
	v57 =	vmin.f32 v6, v46;
	v62 =	vmin.f32 v6, v54  }
0xf1: {  	v41 =	vld [tilespmem:s5+$0xA020];
	v5 =	vbroadcast v5, $0xF;
	v12 =	vmax.f32 v4, v8;
	v8 =	vsub.f32 v10, v8  }
0xf2: {  	v53 =	vld [tilespmem:s5+$0xA040];
	v43 =	vmax.f32 v4, v40;
	v55 =	vmax.f32 v4, v42;
	v60 =	vmax.f32 v4, v50  }
0xf3: {  	v35 =	vld [tilespmem:s5+$0xB450];
	v15 =	vmin.f32 v7, v11;
	v21 =	vmin.f32 v7, v39;
	v24 =	vmin.f32 v7, v17  }
0xf4: {  	v34 =	vld [tilespmem:s5+$0xA050];
	v58 =	vmin.f32 v7, v49;
	v27 =	vsub.f32 v62, v60;
	v13 =	vmax.f32 v5, v9  }
0xf5: {  	v25 =	vld [tilespmem:s5+$0xC870];
	v9 =	vsub.f32 v11, v9;
	v11 =	vsub.f32 v14, v12;
	v19 =	vmax.f32 v5, v38  }
0xf6: {  	v44 =	vmax.f32 v5, v41;
	v14 =	vsub.f32 v45, v43;
	v56 =	vmax.f32 v5, v23;
	s14 =	spop (v2sf)  }
0xf7: {  	v10 =	vld [tilespmem:s5+$0x8C10];
	v61 =	vmax.f32 v5, v53;
	v37 =	vsub.f32 v15, v13;
	v19 =	vsub.f32 v21, v19;
	s6 =	spop (v2sf)  }
0xf8: {  	v43 =	vmin.f32 v6, v35;
	v15 =	vsub.f32 v17, v41;
	v48 =	vsub.f32 v24, v44;
	s13 =	spop (v2sf)  }
0xf9: {  	v21 =	vsub.f32 v58, v56;
	v13 =	vsub.f32 v46, v42;
	v31 =	vmax.f32 v27, $0.0e+00;
	s1 =	ssub.f32 s14, s6;
	s15 =	spop (v2sf)  }
0xfa: {  	v41 =	vld [tilespmem:s5+$0xC860];
	v42 =	vmax.f32 v5, v34;
	v58 =	vmin.f32 v7, v25;
	v8 =	vmul.f32 v9, v8;
	s6 =	ssub.f32 s13, s15  }
0xfb: {  	v46 =	vld [tilespmem:s5+$0xA070];
	v11 =	vmax.f32 v11, $0.0e+00;
	v14 =	vmax.f32 v14, $0.0e+00;
	v12 =	vmax.f32 v37, $0.0e+00  }
0xfc: {  	v9 =	vld [tilespmem:s5+$0xB410];
	v18 =	vmax.f32 v4, v10;
	v19 =	vmax.f32 v19, $0.0e+00;
	v52 =	vmax.f32 v48, $0.0e+00;
	s6 =	smul.f32 s6, s1  }
0xfd: {  	s18 =	sor.u32 $0x30, s5;
	v29 =	vmax.f32 v21, $0.0e+00;
	v13 =	vmul.f32 v59, v13;
	v37 =	vld [tilespmem:s5+$0xC850];
	v11 =	vmul.f32 v12, v11  }
0xfe: {  	v12 =	vsub.f32 v16, v40;
	v40 =	vor.u32 s18, v2;
	v8 =	vadd.f32 s6, v8  }
0xff: {  	v14 =	vmul.f32 v52, v14;
	vm11 =	vgt.u32 v40, s10;
	v27 =	vmin.f32 v7, v41  }
0x100: {  	v33 =	vld [tilespmem:s5+$0x8C50];
	v56 =	vmax.f32 v5, v46;
	v59 =	vsub.f32 v25, v46;
	v8 =	vsub.f32 v8, v11  }
0x101: {  	v44 =	vld [tilespmem:s5+$0x8C70];
	v20 =	vmin.f32 v6, v9;
	v9 =	vsub.f32 v9, v10;
	v10 =	vsub.f32 v39, v38  }
0x102: {  	v18 =	vsub.f32 v20, v18;
	v45 =	vmin.f32 v7, v37;
	v8 =	vmax.f32 v8, $9.999999960e-13  }
0x103: {  	v48 =	vld [tilespmem:s5+$0xB470];
	v17 =	vsub.f32 v37, v34;
	v9 =	vmul.f32 v10, v9;
	v22 =	vmul.f32 $5.000000000e-01, v8  }
0x104: {  	v10 =	vmul.f32 v15, v12;
	v12 =	vsub.f32 v54, v50;
	v47 =	vmax.f32 v18, $0.0e+00  }
0x105: {  	s24 =	sor.u32 $0x40, s5;
	v51 =	vmul.f32 v19, v47;
	v19 =	vsub.f32 v57, v55;
	vm1 =	vgt.f32 v11, v22;
	v11 =	vld [tilespmem:s5+$0xC840]  }
0x106: {  	v39 =	vld [tilespmem:s5+$0xB460];
	v18 =	vsub.f32 v35, v33;
	v47 =	vor.u32 s24, v2;
	v55 =	vmax.f32 v4, v44  }
0x107: {  	v26 =	vmax.f32 v19, $0.0e+00;
	v9 =	vadd.f32 s6, v9;
	v10 =	vadd.f32 s6, v10  }
0x108: {  	v57 =	vmin.f32 v6, v48;
	v30 =	vmul.f32 v29, v26;
	v13 =	vadd.f32 s6, v13  }
0x109: {  	v17 =	vmul.f32 v17, v18;
	v9 =	vsub.f32 v9, v51;
	v10 =	vsub.f32 v10, v14  }
0x10a: {  	v13 =	vsub.f32 v13, v30;
	v63 =	vmin.f32 v7, v11;
	v11 =	vsub.f32 v11, v53  }
0x10b: {  	v50 =	vmin.f32 v6, v39;
	v9 =	vmax.f32 v9, $9.999999960e-13;
	v28 =	vsub.f32 v63, v61  }
0x10c: {  	v38 =	vld [tilespmem:s5+$0xA060];
	v10 =	vmax.f32 v10, $9.999999960e-13;
	v13 =	vmax.f32 v13, $9.999999960e-13;
	v11 =	vmul.f32 v11, v12  }
0x10d: {  	v8 =	vor.u32 s5, v2;
	v9 =	vmul.f32 $5.000000000e-01, v9;
	v32 =	vmax.f32 v28, $0.0e+00  }
0x10e: {  	vm2 =	vgt.u32 v8, s10;
	v16 =	vmul.f32 v32, v31;
	v11 =	vadd.f32 s6, v11  }
0x10f: {  	v10 =	vmul.f32 $5.000000000e-01, v10;
	vm1 =	vmand vm2, vm1;
	vm2 =	vgt.f32 v51, v9;
	v9 =	vld [tilespmem:s5+$0x8C60]  }
0x110: {  	v60 =	vsub.f32 v57, v55;
	v13 =	vmul.f32 $5.000000000e-01, v13;
	v11 =	vsub.f32 v11, v16  }
0x111: {  	s17 =	sor.u32 $0x20, s5;
	v26 =	vmax.f32 v5, v38;
	v52 =	vadd.f32 s6, v17;
	vm4 =	vgt.f32 v14, v10  }
0x112: {  	v10 =	vor.u32 s17, v2;
	vm10 =	vgt.f32 v30, v13;
	v11 =	vmax.f32 v11, $9.999999960e-13  }
0x113: {  	v14 =	vsub.f32 v41, v38;
	v13 =	vsub.f32 v48, v44;
	v11 =	vmul.f32 $5.000000000e-01, v11  }
0x114: {  	vm5 =	vgt.u32 v10, s10;
	v51 =	vsub.f32 v27, v26;
	v49 =	vmax.f32 v4, v9  }
0x115: {  	v9 =	vsub.f32 v39, v9;
	vm6 =	vgt.f32 v16, v11;
	v11 =	vmax.f32 v4, v33  }
0x116: {  	v13 =	vmul.f32 v59, v13;
	v12 =	vsub.f32 v45, v42;
	v11 =	vsub.f32 v43, v11  }
0x117: {  	v54 =	vmax.f32 v51, $0.0e+00;
	v61 =	vsub.f32 v58, v56;
	v18 =	vsub.f32 v50, v49  }
0x118: {  	v9 =	vmul.f32 v14, v9;
	v12 =	vmax.f32 v12, $0.0e+00;
	v11 =	vmax.f32 v11, $0.0e+00  }
0x119: {  	v14 =	vmax.f32 v60, $0.0e+00;
	v15 =	vmax.f32 v61, $0.0e+00;
	v11 =	vmul.f32 v12, v11  }
0x11a: {  	v13 =	vadd.f32 s6, v13;
	v53 =	vmax.f32 v18, $0.0e+00;
	v14 =	vmul.f32 v15, v14  }
0x11b: {  	v17 =	vmul.f32 v54, v53;
	v9 =	vadd.f32 s6, v9;
	v12 =	vsub.f32 v52, v11  }
0x11c: {  	vm7 =	vgt.u32 v47, s10;
	vm2 =	vmand vm3, vm2;
	vm3 =	vmand vm5, vm4  }
0x11d: {  	s26 =	sor.u32 $0x60, s5;
	v13 =	vsub.f32 v13, v14;
	v9 =	vsub.f32 v9, v17;
	v12 =	vmax.f32 v12, $9.999999960e-13  }
0x11e: {  	vm4 =	vmand vm11, vm10;
	v63 =	vor.u32 s26, v2;
	v12 =	vmul.f32 $5.000000000e-01, v12  }
0x11f: {  	s25 =	sor.u32 $0x50, s5;
	vm8 =	vgt.u32 v63, s10;
	v62 =	vmax.f32 v13, $9.999999960e-13;
	v9 =	vmax.f32 v9, $9.999999960e-13  }
0x120: {  	v9 =	vmul.f32 $5.000000000e-01, v9;
	vm12 =	vgt.f32 v11, v12;
	v11 =	vor.u32 s25, v2  }
0x121: {  	s5 =	sor.u32 $0x70, s5;
	vm5 =	vmand vm7, vm6;
	v12 =	vmul.f32 $5.000000000e-01, v62;
	vm13 =	vgt.u32 v11, s10  }
0x122: {  	vm14 =	vgt.f32 v17, v9;
	v9 =	vor.u32 s5, v2;
	vm6 =	vmand vm13, vm12  }
0x123: {  	[tilespmem:v8+s12+$0x0] =	vst.idx.msk vm1, v3;
	vm7 =	vmand vm8, vm14;
	vm9 =	vgt.u32 v9, s10;
	vm15 =	vgt.f32 v14, v12  }
0x124: {  	[tilespmem:v36+s12+$0x0] =	vst.idx.msk vm2, v3;
	vm1 =	vmand vm9, vm15  }
0x125: {  	p1 =	sgt.u32 s10, $0x17F;
	[tilespmem:v10+s12+$0x0] =	vst.idx.msk vm3, v3  }
.Ltmp10:
0x126: {  	[tilespmem:v40+s12+$0x0] =	vst.idx.msk vm4, v3;
	(pc) =	sbr.rel @p1 .LBB2_14-.Ltmp10, $4  }
0x127: {  	[tilespmem:v47+s12+$0x0] =	vst.idx.msk vm5, v3  }
0x128: {  	[tilespmem:v11+s12+$0x0] =	vst.idx.msk vm6, v3  }
0x129: {  	[tilespmem:v63+s12+$0x0] =	vst.idx.msk vm7, v3  }
0x12a: {  	v8 =	vmov s6;
	[tilespmem:v9+s12+$0x0] =	vst.idx.msk vm1, v3  }
0x12b: {  	s14 =	sand.u32 $0x3FFFFF80, s10  }
0x12c: {  	s5 =	sadd.s32 $0xC8F0, s14  }
0x12d: {  	s6 =	sadd.s32 $0xB4F0, s14;
	v35 =	vld [tilespmem:s5+$0x0]  }
0x12e: {  	v29 =	vld [tilespmem:s6+$0xFFFFFFB0]  }
0x12f: {  	s13 =	sadd.s32 $0xA0F0, s14;
	v22 =	vld [tilespmem:s5+$0xFFFFFFB0]  }
0x130: {  	s1 =	sand.u32 $0xFFFFFF80, s10;
	v24 =	vld [tilespmem:s13+$0xFFFFFF90]  }
0x131: {  	v12 =	vor.u32 $0x40, v2;
	s18 =	sadd.s32 $0xF0, s1;
	v25 =	vld [tilespmem:s13+$0xFFFFFFB0]  }
0x132: {  	v10 =	vor.u32 $0x50, v2;
	v9 =	vor.u32 $0x70, v2;
	v13 =	vor.u32 $0x20, v2;
	s14 =	sadd.s32 $0x8CF0, s14;
	s1 =	sadd.s32 $0xFFFFFFC0, s18;
	v26 =	vld [tilespmem:s5+$0xFFFFFFA0]  }
0x133: {  	v16 =	vor.u32 $0x10, v2;
	s15 =	sadd.s32 $0xFFFFFFA0, s18;
	s16 =	sadd.s32 $0xFFFFFFB0, s18;
	s17 =	sadd.s32 $0xFFFFFFD0, s18;
	v23 =	vmov s18;
	v28 =	vld [tilespmem:s6+$0xFFFFFFA0];
	v14 =	vmov s1  }
0x134: {  	s26 =	sadd.s32 $0xFFFFFFF0, s18;
	s24 =	sadd.s32 $0xFFFFFFE0, s18;
	v27 =	vld [tilespmem:s5+$0xFFFFFF90];
	s25 =	sadd.s32 $0xFFFFFF90, s18;
	v19 =	vmov s15;
	v17 =	vmov s16;
	v21 =	vmov s17  }
0x135: {  	v39 =	vld [tilespmem:s14+$0xFFFFFFA0];
	v18 =	vmov s26;
	v11 =	vmov s24;
	v62 =	vmov s25  }
0x136: {  	v41 =	vld [tilespmem:s14+$0xFFFFFFB0];
	v15 =	vshrl.u32 v11, $0x7;
	v11 =	vor.u32 $0x60, v2;
	v20 =	vshrl.u32 v18, $0x7  }
0x137: {  	v42 =	vld [tilespmem:s5+$0xFFFFFFC0];
	v18 =	vshrl.u32 v23, $0x7;
	v30 =	vshrl.u32 v17, $0x7;
	v17 =	vor.u32 $0x30, v2  }
0x138: {  	v45 =	vld [tilespmem:s13+$0xFFFFFFC0];
	v21 =	vshrl.u32 v21, $0x7;
	v31 =	vshrl.u32 v19, $0x7;
	v32 =	vshrl.u32 v14, $0x7  }
0x139: {  	v37 =	vmin.f32 v7, v35;
	v14 =	vmax.f32 v5, v25;
	v19 =	vmin.f32 v7, v22  }
0x13a: {  	v34 =	vsub.f32 v22, v25;
	v36 =	vmin.f32 v7, v26;
	v40 =	vmin.f32 v6, v28  }
0x13b: {  	v23 =	vld [tilespmem:s13+$0xFFFFFFA0];
	v43 =	vmin.f32 v6, v29;
	v59 =	vmax.f32 v5, v24;
	v24 =	vsub.f32 v27, v24  }
0x13c: {  	v44 =	vmin.f32 v7, v27;
	v46 =	vmax.f32 v4, v39;
	v60 =	vmin.f32 v7, v42  }
0x13d: {  	v48 =	vld [tilespmem:s6+$0xFFFFFFC0];
	v42 =	vsub.f32 v42, v45;
	v51 =	vmax.f32 v4, v41;
	v61 =	vmax.f32 v5, v45  }
0x13e: {  	v29 =	vsub.f32 v29, v41;
	v45 =	vshrl.u32 v62, $0x7;
	v38 =	vsub.f32 v19, v14  }
0x13f: {  	v33 =	vld [tilespmem:s6+$0xFFFFFF90];
	v14 =	vsel vm0, $0x7, v0;
	v40 =	vsub.f32 v40, v46;
	v63 =	vsub.f32 v60, v61  }
0x140: {  	v22 =	vld [tilespmem:s14+$0xFFFFFF90];
	v19 =	vshll.u32 v21, v14;
	v21 =	vmax.f32 v5, v23;
	v23 =	vsub.f32 v26, v23  }
0x141: {  	v26 =	vshll.u32 v32, v14;
	v31 =	vshll.u32 v31, v14;
	v30 =	vshll.u32 v30, v14  }
0x142: {  	v54 =	vld [tilespmem:s13+$0x0];
	v32 =	vsub.f32 v44, v59;
	v44 =	vmin.f32 v6, v48;
	v34 =	vmul.f32 v34, v29  }
0x143: {  	v25 =	vld [tilespmem:s5+$0xFFFFFFD0];
	v45 =	vshll.u32 v45, v14;
	v36 =	vsub.f32 v36, v21;
	v21 =	vbroadcast v26, $0x0  }
0x144: {  	v27 =	vmax.f32 v38, $0.0e+00;
	v38 =	vld [tilespmem:s14+$0xFFFFFFC0];
	v59 =	vmax.f32 v40, $0.0e+00;
	v56 =	vmax.f32 v63, $0.0e+00  }
0x145: {  	v57 =	vld [tilespmem:s6+$0xFFFFFFF0];
	v26 =	vmax.f32 v4, v22;
	v22 =	vsub.f32 v33, v22;
	v33 =	vmin.f32 v6, v33  }
0x146: {  	v53 =	vmax.f32 v32, $0.0e+00;
	v33 =	vsub.f32 v33, v26;
	v26 =	vsub.f32 v28, v39;
	v28 =	vld [tilespmem:s13+$0xFFFFFFD0]  }
0x147: {  	v32 =	vadd.f32 v34, v8;
	v21 =	vor.u32 v17, v21;
	v36 =	vmax.f32 v36, $0.0e+00;
	v39 =	vld [tilespmem:s6+$0xFFFFFFE0]  }
0x148: {  	v47 =	vmin.f32 v7, v25;
	v29 =	vmul.f32 v36, v59;
	v22 =	vmul.f32 v24, v22;
	v24 =	vld [tilespmem:s6+$0xFFFFFFD0]  }
0x149: {  	v49 =	vmax.f32 v4, v38;
	v52 =	vmax.f32 v33, $0.0e+00;
	v33 =	vld [tilespmem:s5+$0xFFFFFFF0];
	v62 =	vsub.f32 v48, v38  }
0x14a: {  	v50 =	vadd.f32 v22, v8;
	v22 =	vbroadcast v31, $0x0;
	v31 =	vmul.f32 v23, v26;
	v26 =	vld [tilespmem:s14+$0xFFFFFFD0]  }
0x14b: {  	v36 =	vld [tilespmem:s13+$0xFFFFFFF0];
	v38 =	vmin.f32 v6, v57;
	v44 =	vsub.f32 v44, v49;
	v49 =	vmul.f32 v53, v52  }
0x14c: {  	v23 =	vbroadcast v30, $0x0;
	v30 =	vld [tilespmem:s14+$0x0];
	v22 =	vor.u32 v16, v22;
	v60 =	vmax.f32 v5, v28  }
0x14d: {  	v58 =	vld [tilespmem:s5+$0xFFFFFFE0];
	v41 =	vadd.f32 v31, v8;
	v31 =	vmin.f32 v6, v39;
	v50 =	vsub.f32 v50, v49  }
0x14e: {  	s26 =	sshrl.u32 s10, $0x7;
	v59 =	vld [tilespmem:s13+$0xFFFFFFE0];
	v46 =	vmin.f32 v6, v24;
	v61 =	vsub.f32 v47, v60;
	v60 =	vmul.f32 v42, v62  }
0x14f: {  	s1 =	sadd.s32 $0xFFFFFFFF, s26;
	v34 =	vld [tilespmem:s6+$0x0];
	v42 =	vbroadcast v45, $0x0;
	v47 =	vmin.f32 v7, v33;
	v63 =	vmax.f32 v4, v26  }
0x150: {  	s24 =	sadd.s32 $0x1, s1;
	v53 =	vld [tilespmem:s14+$0xFFFFFFF0];
	v50 =	vmax.f32 v50, $9.999999960e-13;
	v40 =	vmax.f32 v61, $0.0e+00;
	v55 =	vsub.f32 v46, v63  }
0x151: {  	p1 =	slt.u32 s24, $0x2;
	v48 =	vmax.f32 v4, v30;
	v46 =	vld [tilespmem:s14+$0xFFFFFFE0];
	v63 =	vmax.f32 v44, $0.0e+00;
	v44 =	vmax.f32 v5, v36  }
.Ltmp11:
0x152: {  	v52 =	vmul.f32 v56, v63;
	v45 =	vmax.f32 v55, $0.0e+00;
	v55 =	vsub.f32 v43, v51;
	(pc) =	sbr.rel @!p1 .LBB2_13-.Ltmp11, $4  }
0x153: {  	v56 =	vmax.f32 v5, v59;
	v43 =	vsub.f32 v35, v54;
	v35 =	vadd.f32 v60, v8  }
0x154: {  	v51 =	vmin.f32 v7, v58;
	v60 =	vmax.f32 v5, v54;
	v54 =	vsub.f32 v58, v59  }
0x155: {  	v58 =	vmul.f32 $5.000000000e-01, v50;
	v50 =	vsub.f32 v57, v53;
	v59 =	vsub.f32 v35, v52  }
0x156: {  	s25 =	sadd.s32 $0x80, s6;
	s6 =	sadd.s32 $0x80, s13;
	s13 =	sadd.s32 $0x80, s14;
	v57 =	vmin.f32 v6, v34;
	v37 =	vsub.f32 v37, v60;
	v35 =	vmax.f32 v4, v46  }
.LBB2_12:
0x157: {  	s24 =	sadd.s32 $0x1, s24;
	v55 =	vmax.f32 v55, $0.0e+00;
	v59 =	vmax.f32 v59, $9.999999960e-13;
	v53 =	vmax.f32 v4, v53;
	s18 =	sadd.s32 $0x80, s18;
	s5 =	sadd.s32 $0x80, s5  }
0x158: {  	v39 =	vsub.f32 v39, v46;
	s1 =	sadd.s32 $0xFFFFFFA0, s18;
	s26 =	sadd.s32 $0xFFFFFFC0, s18;
	p1 =	slt.u32 s24, $0x2;
	vm2 =	vgt.f32 v49, v58;
	v49 =	vmul.f32 $5.000000000e-01, v59  }
0x159: {  	v25 =	vsub.f32 v25, v28;
	v28 =	vsub.f32 v51, v56;
	s17 =	sadd.s32 $0xFFFFFFB0, s18;
	s16 =	sadd.s32 $0xFFFFFFD0, s18;
	s14 =	sadd.s32 $0xFFFFFFF0, s18;
	v27 =	vmul.f32 v27, v55  }
0x15a: {  	v41 =	vsub.f32 v41, v29;
	v46 =	vsub.f32 v57, v48;
	s15 =	sadd.s32 $0xFFFFFFE0, s18;
	vm1 =	vgt.f32 v52, v49  }
0x15b: {  	v33 =	vsub.f32 v33, v36;
	v30 =	vsub.f32 v34, v30;
	v39 =	vmul.f32 v54, v39  }
0x15c: {  	v34 =	vmul.f32 v40, v45;
	v36 =	vor.u32 v2, v42;
	v28 =	vmax.f32 v28, $0.0e+00  }
0x15d: {  	v40 =	vmax.f32 v41, $9.999999960e-13;
	v41 =	vsub.f32 v47, v44;
	v39 =	vadd.f32 v39, v8  }
0x15e: {  	v38 =	vsub.f32 v38, v53;
	v33 =	vmul.f32 v33, v50;
	v32 =	vsub.f32 v32, v27  }
0x15f: {  	v42 =	vmax.f32 v46, $0.0e+00;
	v30 =	vmul.f32 v43, v30;
	v41 =	vmax.f32 v41, $0.0e+00  }
0x160: {  	v24 =	vsub.f32 v24, v26;
	v40 =	vmul.f32 $5.000000000e-01, v40;
	v26 =	vmax.f32 v38, $0.0e+00  }
0x161: {  	v37 =	vmax.f32 v37, $0.0e+00;
	v30 =	vadd.f32 v30, v8;
	v32 =	vmax.f32 v32, $9.999999960e-13;
	[tilespmem:v36+s12+$0x0] =	vst.idx.msk vm2, v3  }
0x162: {  	vm2 =	vgt.f32 v29, v40;
	v29 =	vmul.f32 $5.000000000e-01, v32;
	v32 =	vadd.f32 v33, v8  }
0x163: {  	v20 =	vshll.u32 v20, v14;
	v26 =	vmul.f32 v41, v26;
	v33 =	vmul.f32 v37, v42  }
0x164: {  	v23 =	vor.u32 v13, v23;
	v24 =	vmul.f32 v25, v24;
	vm3 =	vgt.f32 v27, v29  }
0x165: {  	v18 =	vshll.u32 v18, v14;
	v25 =	vsub.f32 v31, v35;
	v27 =	vsub.f32 v30, v33  }
0x166: {  	v24 =	vadd.f32 v24, v8;
	v29 =	vmov s26;
	v30 =	vsub.f32 v32, v26  }
0x167: {  	v31 =	vmov s1;
	v25 =	vmax.f32 v25, $0.0e+00;
	v27 =	vmax.f32 v27, $9.999999960e-13  }
0x168: {  	v24 =	vsub.f32 v24, v34;
	v30 =	vmax.f32 v30, $9.999999960e-13;
	v27 =	vmul.f32 $5.000000000e-01, v27;
	[tilespmem:v22+s12+$0x0] =	vst.idx.msk vm2, v3  }
0x169: {  	v25 =	vmul.f32 v28, v25;
	v28 =	vmul.f32 $5.000000000e-01, v30;
	v22 =	vmov s17  }
0x16a: {  	v20 =	vbroadcast v20, $0x0;
	v24 =	vmax.f32 v24, $9.999999960e-13;
	vm2 =	vgt.f32 v33, v27;
	[tilespmem:v23+s12+$0x0] =	vst.idx.msk vm3, v3  }
0x16b: {  	v18 =	vbroadcast v18, $0x0;
	v23 =	vsub.f32 v39, v25;
	vm3 =	vgt.f32 v26, v28;
	[tilespmem:v21+s12+$0x0] =	vst.idx.msk vm1, v3  }
0x16c: {  	v20 =	vor.u32 v11, v20;
	v24 =	vmul.f32 $5.000000000e-01, v24;
	v21 =	vmov s16  }
0x16d: {  	v19 =	vbroadcast v19, $0x0;
	v18 =	vor.u32 v9, v18;
	v23 =	vmax.f32 v23, $9.999999960e-13  }
0x16e: {  	v15 =	vshll.u32 v15, v14;
	vm1 =	vgt.f32 v34, v24;
	v23 =	vmul.f32 $5.000000000e-01, v23  }
0x16f: {  	v15 =	vbroadcast v15, $0x0;
	v19 =	vor.u32 v12, v19;
	v24 =	vmov s14  }
0x170: {  	v27 =	vmov s18;
	v26 =	vmov s15;
	vm4 =	vgt.f32 v25, v23  }
0x171: {  	v15 =	vor.u32 v10, v15;
	_ =	sdelay $0x2  }
0x172: {  	[tilespmem:v19+s12+$0x0] =	vst.idx.msk vm1, v3;
	_ =	sdelay $0x1  }
0x173: {  	[tilespmem:v15+s12+$0x0] =	vst.idx.msk vm4, v3  }
0x174: {  	[tilespmem:v20+s12+$0x0] =	vst.idx.msk vm3, v3  }
0x175: {  	[tilespmem:v18+s12+$0x0] =	vst.idx.msk vm2, v3  }
0x176: {  	v35 =	vld [tilespmem:s5+$0x0]  }
0x177: {  	v32 =	vld [tilespmem:s25+$0xFFFFFFB0]  }
0x178: {  	v19 =	vld [tilespmem:s5+$0xFFFFFFB0]  }
0x179: {  	v23 =	vld [tilespmem:s6+$0xFFFFFF90]  }
0x17a: {  	v25 =	vld [tilespmem:s6+$0xFFFFFFB0]  }
0x17b: {  	v15 =	vshrl.u32 v26, $0x7;
	v28 =	vld [tilespmem:s5+$0xFFFFFFA0]  }
0x17c: {  	v20 =	vshrl.u32 v24, $0x7;
	v18 =	vshrl.u32 v27, $0x7;
	v26 =	vld [tilespmem:s25+$0xFFFFFFA0]  }
0x17d: {  	v22 =	vshrl.u32 v22, $0x7;
	v21 =	vshrl.u32 v21, $0x7;
	v24 =	vld [tilespmem:s6+$0xFFFFFFA0]  }
0x17e: {  	v29 =	vshrl.u32 v29, $0x7;
	v30 =	vshrl.u32 v31, $0x7;
	v37 =	vmin.f32 v7, v35;
	v27 =	vld [tilespmem:s5+$0xFFFFFF90]  }
0x17f: {  	v34 =	vmin.f32 v7, v19;
	v31 =	vld [tilespmem:s25+$0xFFFFFF90];
	v33 =	vmax.f32 v5, v25;
	v36 =	vsub.f32 v19, v25  }
0x180: {  	v38 =	vld [tilespmem:s13+$0xFFFFFF90];
	v39 =	vmin.f32 v7, v28;
	v33 =	vsub.f32 v34, v33  }
0x181: {  	v43 =	vmin.f32 v6, v32;
	v19 =	vshll.u32 v21, v14;
	v34 =	vld [tilespmem:s13+$0xFFFFFFA0];
	v40 =	vmin.f32 v6, v26  }
0x182: {  	v41 =	vld [tilespmem:s13+$0xFFFFFFB0];
	v21 =	vmax.f32 v5, v24;
	v42 =	vsub.f32 v28, v24;
	v24 =	vshll.u32 v29, v14  }
0x183: {  	v30 =	vshll.u32 v30, v14;
	v29 =	vmax.f32 v5, v23;
	v25 =	vld [tilespmem:s5+$0xFFFFFFD0];
	v23 =	vsub.f32 v27, v23  }
0x184: {  	v45 =	vmin.f32 v7, v27;
	v28 =	vsub.f32 v39, v21;
	v21 =	vbroadcast v24, $0x0;
	v44 =	vld [tilespmem:s5+$0xFFFFFFC0]  }
0x185: {  	v27 =	vmax.f32 v33, $0.0e+00;
	v39 =	vld [tilespmem:s6+$0xFFFFFFC0];
	v46 =	vmax.f32 v4, v38;
	v38 =	vsub.f32 v31, v38  }
0x186: {  	v31 =	vmin.f32 v6, v31;
	v21 =	vor.u32 v17, v21;
	v47 =	vld [tilespmem:s13+$0xFFFFFFC0];
	v33 =	vmax.f32 v4, v34  }
0x187: {  	v22 =	vshll.u32 v22, v14;
	v24 =	vld [tilespmem:s25+$0xFFFFFFD0];
	v23 =	vmul.f32 v23, v38;
	v38 =	vmax.f32 v28, $0.0e+00  }
0x188: {  	v31 =	vsub.f32 v31, v46;
	v34 =	vsub.f32 v26, v34;
	v48 =	vld [tilespmem:s25+$0xFFFFFFC0];
	v46 =	vmin.f32 v7, v25  }
0x189: {  	v30 =	vbroadcast v30, $0x0;
	v28 =	vld [tilespmem:s6+$0xFFFFFFD0];
	v50 =	vadd.f32 v23, v8;
	v49 =	vmin.f32 v7, v44  }
0x18a: {  	v42 =	vmul.f32 v42, v34;
	v23 =	vbroadcast v22, $0x0;
	v26 =	vld [tilespmem:s13+$0xFFFFFFD0];
	v44 =	vsub.f32 v44, v39  }
0x18b: {  	s1 =	sadd.s32 $0xFFFFFF90, s18;
	v51 =	vmax.f32 v4, v41;
	v22 =	vor.u32 v16, v30;
	v54 =	vld [tilespmem:s6+$0x0];
	v52 =	vmax.f32 v4, v47  }
0x18c: {  	v53 =	vmov s1;
	v31 =	vmax.f32 v31, $0.0e+00;
	v39 =	vmax.f32 v5, v39;
	v34 =	vld [tilespmem:s25+$0x0]  }
0x18d: {  	v40 =	vsub.f32 v40, v33;
	v32 =	vsub.f32 v32, v41;
	v55 =	vmin.f32 v6, v24;
	v30 =	vld [tilespmem:s13+$0x0]  }
0x18e: {  	v29 =	vsub.f32 v45, v29;
	v41 =	vsub.f32 v49, v39;
	v45 =	vmin.f32 v6, v48;
	v33 =	vld [tilespmem:s5+$0xFFFFFFF0]  }
0x18f: {  	v40 =	vmax.f32 v40, $0.0e+00;
	v32 =	vmul.f32 v36, v32;
	v49 =	vmax.f32 v5, v28;
	v57 =	vld [tilespmem:s25+$0xFFFFFFF0]  }
0x190: {  	v56 =	vmax.f32 v29, $0.0e+00;
	v29 =	vmul.f32 v38, v40;
	v38 =	vshrl.u32 v53, $0x7;
	v39 =	vld [tilespmem:s25+$0xFFFFFFE0]  }
0x191: {  	v32 =	vadd.f32 v32, v8;
	v58 =	vmax.f32 v41, $0.0e+00;
	v40 =	vsub.f32 v46, v49;
	v36 =	vld [tilespmem:s6+$0xFFFFFFF0]  }
0x192: {  	v59 =	vshll.u32 v38, v14;
	v47 =	vsub.f32 v48, v47;
	v48 =	vmax.f32 v4, v26;
	v46 =	vld [tilespmem:s13+$0xFFFFFFE0]  }
0x193: {  	v41 =	vadd.f32 v42, v8;
	v52 =	vsub.f32 v45, v52;
	v40 =	vmax.f32 v40, $0.0e+00;
	v60 =	vld [tilespmem:s5+$0xFFFFFFE0]  }
0x194: {  	v49 =	vmul.f32 v56, v31;
	v45 =	vsub.f32 v55, v48;
	v61 =	vld [tilespmem:s6+$0xFFFFFFE0];
	v38 =	vmin.f32 v6, v57  }
0x195: {  	v42 =	vbroadcast v59, $0x0;
	v56 =	vmul.f32 v44, v47;
	v53 =	vld [tilespmem:s13+$0xFFFFFFF0];
	v31 =	vmin.f32 v6, v39  }
0x196: {  	v50 =	vsub.f32 v50, v49;
	v45 =	vmax.f32 v45, $0.0e+00;
	v48 =	vmax.f32 v4, v30  }
0x197: {  	v55 =	vsub.f32 v43, v51;
	v52 =	vmax.f32 v52, $0.0e+00;
	v44 =	vmax.f32 v5, v36  }
.Ltmp12:
0x198: {  	v43 =	vsub.f32 v35, v54;
	v47 =	vmin.f32 v7, v33;
	v51 =	vmin.f32 v7, v60;
	(pc) =	sbr.rel @p1 .LBB2_12-.Ltmp12, $4  }
0x199: {  	v52 =	vmul.f32 v58, v52;
	v35 =	vadd.f32 v56, v8;
	v58 =	vmax.f32 v5, v54  }
0x19a: {  	v50 =	vmax.f32 v50, $9.999999960e-13;
	v56 =	vmax.f32 v5, v61;
	v54 =	vsub.f32 v60, v61  }
0x19b: {  	v37 =	vsub.f32 v37, v58;
	v59 =	vsub.f32 v35, v52;
	v35 =	vmax.f32 v4, v46  }
0x19c: {  	s25 =	sadd.s32 $0x80, s25;
	v58 =	vmul.f32 $5.000000000e-01, v50;
	s6 =	sadd.s32 $0x80, s6;
	s13 =	sadd.s32 $0x80, s13;
	v50 =	vsub.f32 v57, v53;
	v57 =	vmin.f32 v6, v34  }
.LBB2_13:
0x19d: {  	v16 =	vmax.f32 v55, $0.0e+00;
	v39 =	vsub.f32 v39, v46;
	v25 =	vsub.f32 v25, v28  }
0x19e: {  	v17 =	vmax.f32 v59, $9.999999960e-13;
	v63 =	vsub.f32 v51, v56;
	v46 =	vsub.f32 v41, v29  }
0x19f: {  	v53 =	vmax.f32 v4, v53;
	v48 =	vsub.f32 v57, v48;
	v33 =	vsub.f32 v33, v36  }
0x1a0: {  	v30 =	vsub.f32 v34, v30;
	v51 =	vor.u32 v2, v42;
	v24 =	vsub.f32 v24, v26  }
0x1a1: {  	v20 =	vshll.u32 v20, v14;
	v13 =	vor.u32 v13, v23;
	v18 =	vshll.u32 v18, v14  }
0x1a2: {  	v19 =	vbroadcast v19, $0x0;
	v60 =	vshll.u32 v15, v14;
	v17 =	vmul.f32 $5.000000000e-01, v17  }
0x1a3: {  	vm2 =	vgt.f32 v49, v58;
	v16 =	vmul.f32 v27, v16;
	v49 =	vmul.f32 v40, v45  }
0x1a4: {  	v38 =	vsub.f32 v38, v53;
	v37 =	vmax.f32 v37, $0.0e+00;
	v14 =	vbroadcast v60, $0x0  }
0x1a5: {  	v39 =	vmul.f32 v54, v39;
	v27 =	vmax.f32 v63, $0.0e+00;
	v33 =	vmul.f32 v33, v50  }
0x1a6: {  	v28 =	vmax.f32 v46, $9.999999960e-13;
	v30 =	vmul.f32 v43, v30;
	v24 =	vmul.f32 v25, v24  }
0x1a7: {  	v54 =	vsub.f32 v31, v35;
	vm1 =	vgt.f32 v52, v17;
	v52 =	vsub.f32 v47, v44  }
0x1a8: {  	v32 =	vsub.f32 v32, v16;
	v17 =	vmax.f32 v48, $0.0e+00;
	v28 =	vmul.f32 $5.000000000e-01, v28  }
0x1a9: {  	v53 =	vmax.f32 v38, $0.0e+00;
	v39 =	vadd.f32 v39, v8;
	v30 =	vadd.f32 v30, v8  }
0x1aa: {  	v56 =	vadd.f32 v33, v8;
	v24 =	vadd.f32 v24, v8;
	v25 =	vmax.f32 v54, $0.0e+00  }
0x1ab: {  	v17 =	vmul.f32 v37, v17;
	v40 =	vmax.f32 v52, $0.0e+00;
	v25 =	vmul.f32 v27, v25  }
0x1ac: {  	v32 =	vmax.f32 v32, $9.999999960e-13;
	v26 =	vmul.f32 v40, v53;
	v24 =	vsub.f32 v24, v49  }
0x1ad: {  	vm3 =	vgt.f32 v29, v28;
	v55 =	vmul.f32 $5.000000000e-01, v32;
	v58 =	vsub.f32 v39, v25  }
0x1ae: {  	v30 =	vsub.f32 v30, v17;
	v57 =	vsub.f32 v56, v26;
	v24 =	vmax.f32 v24, $9.999999960e-13  }
0x1af: {  	vm4 =	vgt.f32 v16, v55;
	v24 =	vmul.f32 $5.000000000e-01, v24;
	v23 =	vmax.f32 v58, $9.999999960e-13  }
0x1b0: {  	v62 =	vbroadcast v20, $0x0;
	v16 =	vmax.f32 v57, $9.999999960e-13;
	v23 =	vmul.f32 $5.000000000e-01, v23  }
0x1b1: {  	v59 =	vmax.f32 v30, $9.999999960e-13;
	v61 =	vmul.f32 $5.000000000e-01, v16;
	vm5 =	vgt.f32 v49, v24  }
0x1b2: {  	v12 =	vor.u32 v12, v19;
	v27 =	vmul.f32 $5.000000000e-01, v59;
	vm6 =	vgt.f32 v25, v23  }
0x1b3: {  	v63 =	vbroadcast v18, $0x0;
	v10 =	vor.u32 v10, v14;
	[tilespmem:v51+s12+$0x0] =	vst.idx.msk vm2, v3;
	vm2 =	vgt.f32 v26, v61  }
0x1b4: {  	v11 =	vor.u32 v11, v62;
	[tilespmem:v22+s12+$0x0] =	vst.idx.msk vm3, v3;
	vm3 =	vgt.f32 v17, v27  }
0x1b5: {  	v9 =	vor.u32 v9, v63;
	[tilespmem:v13+s12+$0x0] =	vst.idx.msk vm4, v3  }
0x1b6: {  	[tilespmem:v21+s12+$0x0] =	vst.idx.msk vm1, v3  }
0x1b7: {  	[tilespmem:v12+s12+$0x0] =	vst.idx.msk vm5, v3  }
0x1b8: {  	[tilespmem:v10+s12+$0x0] =	vst.idx.msk vm6, v3  }
0x1b9: {  	[tilespmem:v11+s12+$0x0] =	vst.idx.msk vm2, v3  }
0x1ba: {  	[tilespmem:v9+s12+$0x0] =	vst.idx.msk vm3, v3  }
.LBB2_14:
0x1bb: {  	v35 =	vld [tilespmem:s20+$0x0]  }
0x1bc: {  	v29 =	vld [tilespmem:s21+$0xFFFFFFB0]  }
0x1bd: {  	v22 =	vld [tilespmem:s20+$0xFFFFFFB0]  }
0x1be: {  	v24 =	vld [tilespmem:s22+$0xFFFFFF90]  }
0x1bf: {  	v23 =	vmov s19;
	v25 =	vld [tilespmem:s22+$0xFFFFFFB0]  }
0x1c0: {  	s1 =	sadd.s32 $0xFFFFFFC0, s19;
	v12 =	vor.u32 $0x40, v2;
	v10 =	vor.u32 $0x50, v2;
	v9 =	vor.u32 $0x70, v2;
	v26 =	vld [tilespmem:s20+$0xFFFFFFA0]  }
0x1c1: {  	s5 =	sadd.s32 $0xFFFFFFA0, s19;
	s6 =	sadd.s32 $0xFFFFFFB0, s19;
	s13 =	sadd.s32 $0xFFFFFFD0, s19;
	v13 =	vor.u32 $0x20, v2;
	v28 =	vld [tilespmem:s21+$0xFFFFFFA0];
	v16 =	vor.u32 $0x10, v2;
	v14 =	vmov s1  }
0x1c2: {  	s25 =	sadd.s32 $0xFFFFFFF0, s19;
	s14 =	sadd.s32 $0xFFFFFFE0, s19;
	v27 =	vld [tilespmem:s20+$0xFFFFFF90];
	s26 =	sadd.s32 $0xFFFFFF90, s19;
	v19 =	vmov s5;
	v17 =	vmov s6;
	v21 =	vmov s13  }
0x1c3: {  	v39 =	vld [tilespmem:s23+$0xFFFFFFA0];
	v18 =	vmov s25;
	v11 =	vmov s14;
	v62 =	vmov s26  }
0x1c4: {  	v41 =	vld [tilespmem:s23+$0xFFFFFFB0];
	v15 =	vshrl.u32 v11, $0x7;
	v11 =	vor.u32 $0x60, v2;
	v20 =	vshrl.u32 v18, $0x7  }
0x1c5: {  	v42 =	vld [tilespmem:s20+$0xFFFFFFC0];
	v18 =	vshrl.u32 v23, $0x7;
	v30 =	vshrl.u32 v17, $0x7;
	v17 =	vor.u32 $0x30, v2  }
0x1c6: {  	v45 =	vld [tilespmem:s22+$0xFFFFFFC0];
	v21 =	vshrl.u32 v21, $0x7;
	v31 =	vshrl.u32 v19, $0x7;
	v32 =	vshrl.u32 v14, $0x7  }
0x1c7: {  	v37 =	vmin.f32 v7, v35;
	v14 =	vmax.f32 v5, v25;
	v19 =	vmin.f32 v7, v22  }
0x1c8: {  	v34 =	vsub.f32 v22, v25;
	v36 =	vmin.f32 v7, v26;
	v40 =	vmin.f32 v6, v28  }
0x1c9: {  	v54 =	vld [tilespmem:s22+$0x0];
	v43 =	vmin.f32 v6, v29;
	v59 =	vmax.f32 v5, v24;
	v24 =	vsub.f32 v27, v24  }
0x1ca: {  	v23 =	vld [tilespmem:s22+$0xFFFFFFA0];
	v44 =	vmin.f32 v7, v27;
	v46 =	vmax.f32 v4, v39;
	v60 =	vmin.f32 v7, v42  }
0x1cb: {  	v42 =	vsub.f32 v42, v45;
	v51 =	vmax.f32 v4, v41;
	v61 =	vmax.f32 v5, v45  }
0x1cc: {  	v48 =	vld [tilespmem:s21+$0xFFFFFFC0];
	v29 =	vsub.f32 v29, v41;
	v45 =	vshrl.u32 v62, $0x7;
	v38 =	vsub.f32 v19, v14  }
0x1cd: {  	v33 =	vld [tilespmem:s21+$0xFFFFFF90];
	v14 =	vsel vm0, $0x7, v0;
	v40 =	vsub.f32 v40, v46;
	v63 =	vsub.f32 v60, v61  }
0x1ce: {  	v22 =	vld [tilespmem:s23+$0xFFFFFF90];
	v56 =	vsub.f32 v43, v51;
	v43 =	vsub.f32 v35, v54;
	v19 =	vshll.u32 v21, v14  }
0x1cf: {  	v21 =	vmax.f32 v5, v23;
	v23 =	vsub.f32 v26, v23;
	v26 =	vshll.u32 v32, v14  }
0x1d0: {  	v31 =	vshll.u32 v31, v14;
	v30 =	vshll.u32 v30, v14;
	v32 =	vsub.f32 v44, v59  }
0x1d1: {  	v25 =	vld [tilespmem:s20+$0xFFFFFFD0];
	v44 =	vmin.f32 v6, v48;
	v34 =	vmul.f32 v34, v29;
	v45 =	vshll.u32 v45, v14  }
0x1d2: {  	v36 =	vsub.f32 v36, v21;
	v21 =	vbroadcast v26, $0x0;
	v27 =	vmax.f32 v38, $0.0e+00;
	v38 =	vld [tilespmem:s23+$0xFFFFFFC0]  }
0x1d3: {  	v57 =	vld [tilespmem:s21+$0xFFFFFFF0];
	v26 =	vmax.f32 v4, v22;
	v22 =	vsub.f32 v33, v22;
	v33 =	vmin.f32 v6, v33  }
0x1d4: {  	v58 =	vmax.f32 v40, $0.0e+00;
	v33 =	vsub.f32 v33, v26;
	v26 =	vsub.f32 v28, v39;
	v28 =	vld [tilespmem:s22+$0xFFFFFFD0]  }
0x1d5: {  	v55 =	vmax.f32 v63, $0.0e+00;
	v53 =	vmax.f32 v32, $0.0e+00;
	v36 =	vmax.f32 v36, $0.0e+00;
	v39 =	vld [tilespmem:s21+$0xFFFFFFE0]  }
0x1d6: {  	v32 =	vadd.f32 v34, v8;
	v21 =	vor.u32 v17, v21;
	v29 =	vmul.f32 v36, v58;
	v36 =	vld [tilespmem:s22+$0xFFFFFFF0]  }
0x1d7: {  	v47 =	vmin.f32 v7, v25;
	v58 =	vld [tilespmem:s20+$0xFFFFFFE0];
	v22 =	vmul.f32 v24, v22;
	v49 =	vmax.f32 v4, v38  }
0x1d8: {  	v24 =	vld [tilespmem:s21+$0xFFFFFFD0];
	v52 =	vmax.f32 v33, $0.0e+00;
	v61 =	vsub.f32 v48, v38;
	v38 =	vmin.f32 v6, v57  }
0x1d9: {  	v50 =	vadd.f32 v22, v8;
	v22 =	vbroadcast v31, $0x0;
	v31 =	vmul.f32 v23, v26;
	v26 =	vld [tilespmem:s23+$0xFFFFFFD0]  }
0x1da: {  	v34 =	vld [tilespmem:s21+$0x0];
	v23 =	vbroadcast v30, $0x0;
	v44 =	vsub.f32 v44, v49;
	v49 =	vmul.f32 v53, v52  }
0x1db: {  	v30 =	vld [tilespmem:s23+$0x0];
	v22 =	vor.u32 v16, v22;
	v59 =	vmax.f32 v5, v28;
	v41 =	vadd.f32 v31, v8  }
0x1dc: {  	v33 =	vld [tilespmem:s20+$0xFFFFFFF0];
	v31 =	vmin.f32 v6, v39;
	v50 =	vsub.f32 v50, v49;
	v63 =	vmax.f32 v44, $0.0e+00  }
0x1dd: {  	v44 =	vmax.f32 v5, v36;
	v51 =	vmin.f32 v7, v58;
	v60 =	vsub.f32 v47, v59;
	v59 =	vld [tilespmem:s22+$0xFFFFFFE0]  }
0x1de: {  	s5 =	sadd.s32 $0x1, s3;
	v53 =	vld [tilespmem:s23+$0xFFFFFFF0];
	v46 =	vmin.f32 v6, v24;
	v52 =	vmul.f32 v55, v63;
	v62 =	vmax.f32 v4, v26  }
0x1df: {  	p1 =	slt.u32 s5, s4;
	v47 =	vld [tilespmem:s23+$0xFFFFFFE0];
	v40 =	vmax.f32 v60, $0.0e+00;
	v60 =	vmul.f32 v42, v61;
	v46 =	vsub.f32 v46, v62  }
.Ltmp13:
0x1e0: {  	v50 =	vmax.f32 v50, $9.999999960e-13;
	v42 =	vbroadcast v45, $0x0;
	v48 =	vmax.f32 v4, v30;
	(pc) =	sbr.rel @!p1 .LBB2_16-.Ltmp13, $4  }
0x1e1: {  	v35 =	vadd.f32 v60, v8;
	v60 =	vmax.f32 v5, v54;
	v45 =	vmax.f32 v46, $0.0e+00  }
0x1e2: {  	v46 =	vmin.f32 v7, v33;
	v55 =	vmax.f32 v5, v59;
	v54 =	vsub.f32 v58, v59  }
0x1e3: {  	s18 =	sadd.s32 $0x80, s21;
	s24 =	sadd.s32 $0x80, s22;
	v37 =	vsub.f32 v37, v60;
	v58 =	vmul.f32 $5.000000000e-01, v50;
	v59 =	vsub.f32 v35, v52  }
0x1e4: {  	s25 =	sadd.s32 $0x80, s23;
	s6 =	smov.u32 s19;
	s13 =	smov.u32 s20;
	v50 =	vsub.f32 v57, v53;
	v57 =	vmin.f32 v6, v34;
	v35 =	vmax.f32 v4, v47  }
.LBB2_15:
0x1e5: {  	s5 =	sadd.s32 $0x1, s5;
	v56 =	vmax.f32 v56, $0.0e+00;
	v59 =	vmax.f32 v59, $9.999999960e-13;
	v53 =	vmax.f32 v4, v53;
	s6 =	sadd.s32 $0x80, s6;
	s13 =	sadd.s32 $0x80, s13  }
0x1e6: {  	vm2 =	vgt.f32 v49, v58;
	v39 =	vsub.f32 v39, v47;
	s1 =	sadd.s32 $0xFFFFFFA0, s6;
	s26 =	sadd.s32 $0xFFFFFFC0, s6;
	p1 =	slt.u32 s5, s4;
	v49 =	vmul.f32 $5.000000000e-01, v59  }
0x1e7: {  	v25 =	vsub.f32 v25, v28;
	v28 =	vsub.f32 v51, v55;
	s17 =	sadd.s32 $0xFFFFFFB0, s6;
	s16 =	sadd.s32 $0xFFFFFFD0, s6;
	s14 =	sadd.s32 $0xFFFFFFF0, s6;
	v27 =	vmul.f32 v27, v56  }
0x1e8: {  	v41 =	vsub.f32 v41, v29;
	v47 =	vsub.f32 v57, v48;
	s15 =	sadd.s32 $0xFFFFFFE0, s6;
	vm1 =	vgt.f32 v52, v49  }
0x1e9: {  	v33 =	vsub.f32 v33, v36;
	v30 =	vsub.f32 v34, v30;
	v39 =	vmul.f32 v54, v39  }
0x1ea: {  	v34 =	vmul.f32 v40, v45;
	v36 =	vor.u32 v2, v42;
	v28 =	vmax.f32 v28, $0.0e+00  }
0x1eb: {  	v40 =	vmax.f32 v41, $9.999999960e-13;
	v41 =	vsub.f32 v46, v44;
	v39 =	vadd.f32 v39, v8  }
0x1ec: {  	v38 =	vsub.f32 v38, v53;
	v33 =	vmul.f32 v33, v50;
	v32 =	vsub.f32 v32, v27  }
0x1ed: {  	v42 =	vmax.f32 v47, $0.0e+00;
	v30 =	vmul.f32 v43, v30;
	v41 =	vmax.f32 v41, $0.0e+00  }
0x1ee: {  	v24 =	vsub.f32 v24, v26;
	v40 =	vmul.f32 $5.000000000e-01, v40;
	v26 =	vmax.f32 v38, $0.0e+00  }
0x1ef: {  	v37 =	vmax.f32 v37, $0.0e+00;
	v30 =	vadd.f32 v30, v8;
	v32 =	vmax.f32 v32, $9.999999960e-13;
	[tilespmem:v36+s12+$0x0] =	vst.idx.msk vm2, v3  }
0x1f0: {  	vm2 =	vgt.f32 v29, v40;
	v29 =	vmul.f32 $5.000000000e-01, v32;
	v32 =	vadd.f32 v33, v8  }
0x1f1: {  	v20 =	vshll.u32 v20, v14;
	v26 =	vmul.f32 v41, v26;
	v33 =	vmul.f32 v37, v42  }
0x1f2: {  	v23 =	vor.u32 v13, v23;
	v24 =	vmul.f32 v25, v24;
	vm3 =	vgt.f32 v27, v29  }
0x1f3: {  	v18 =	vshll.u32 v18, v14;
	v25 =	vsub.f32 v31, v35;
	v27 =	vsub.f32 v30, v33  }
0x1f4: {  	v24 =	vadd.f32 v24, v8;
	v29 =	vmov s26;
	v30 =	vsub.f32 v32, v26  }
0x1f5: {  	v31 =	vmov s1;
	v25 =	vmax.f32 v25, $0.0e+00;
	v27 =	vmax.f32 v27, $9.999999960e-13  }
0x1f6: {  	v24 =	vsub.f32 v24, v34;
	v30 =	vmax.f32 v30, $9.999999960e-13;
	v27 =	vmul.f32 $5.000000000e-01, v27;
	[tilespmem:v22+s12+$0x0] =	vst.idx.msk vm2, v3  }
0x1f7: {  	v25 =	vmul.f32 v28, v25;
	v28 =	vmul.f32 $5.000000000e-01, v30;
	v22 =	vmov s17  }
0x1f8: {  	v20 =	vbroadcast v20, $0x0;
	v24 =	vmax.f32 v24, $9.999999960e-13;
	vm2 =	vgt.f32 v33, v27;
	[tilespmem:v23+s12+$0x0] =	vst.idx.msk vm3, v3  }
0x1f9: {  	v18 =	vbroadcast v18, $0x0;
	v23 =	vsub.f32 v39, v25;
	vm3 =	vgt.f32 v26, v28;
	[tilespmem:v21+s12+$0x0] =	vst.idx.msk vm1, v3  }
0x1fa: {  	v20 =	vor.u32 v11, v20;
	v24 =	vmul.f32 $5.000000000e-01, v24;
	v21 =	vmov s16  }
0x1fb: {  	v19 =	vbroadcast v19, $0x0;
	v18 =	vor.u32 v9, v18;
	v23 =	vmax.f32 v23, $9.999999960e-13  }
0x1fc: {  	v15 =	vshll.u32 v15, v14;
	vm1 =	vgt.f32 v34, v24;
	v23 =	vmul.f32 $5.000000000e-01, v23  }
0x1fd: {  	v15 =	vbroadcast v15, $0x0;
	v19 =	vor.u32 v12, v19;
	v24 =	vmov s14  }
0x1fe: {  	v27 =	vmov s6;
	v26 =	vmov s15;
	vm4 =	vgt.f32 v25, v23  }
0x1ff: {  	v15 =	vor.u32 v10, v15;
	_ =	sdelay $0x2  }
0x200: {  	[tilespmem:v19+s12+$0x0] =	vst.idx.msk vm1, v3;
	_ =	sdelay $0x1  }
0x201: {  	[tilespmem:v15+s12+$0x0] =	vst.idx.msk vm4, v3  }
0x202: {  	[tilespmem:v20+s12+$0x0] =	vst.idx.msk vm3, v3  }
0x203: {  	[tilespmem:v18+s12+$0x0] =	vst.idx.msk vm2, v3  }
0x204: {  	v35 =	vld [tilespmem:s13+$0x0]  }
0x205: {  	v32 =	vld [tilespmem:s18+$0xFFFFFFB0]  }
0x206: {  	v19 =	vld [tilespmem:s13+$0xFFFFFFB0]  }
0x207: {  	v23 =	vld [tilespmem:s24+$0xFFFFFF90]  }
0x208: {  	v25 =	vld [tilespmem:s24+$0xFFFFFFB0]  }
0x209: {  	v15 =	vshrl.u32 v26, $0x7;
	v28 =	vld [tilespmem:s13+$0xFFFFFFA0]  }
0x20a: {  	v20 =	vshrl.u32 v24, $0x7;
	v18 =	vshrl.u32 v27, $0x7;
	v26 =	vld [tilespmem:s18+$0xFFFFFFA0]  }
0x20b: {  	v22 =	vshrl.u32 v22, $0x7;
	v21 =	vshrl.u32 v21, $0x7;
	v24 =	vld [tilespmem:s24+$0xFFFFFFA0]  }
0x20c: {  	v29 =	vshrl.u32 v29, $0x7;
	v30 =	vshrl.u32 v31, $0x7;
	v37 =	vmin.f32 v7, v35;
	v27 =	vld [tilespmem:s13+$0xFFFFFF90]  }
0x20d: {  	v34 =	vmin.f32 v7, v19;
	v31 =	vld [tilespmem:s18+$0xFFFFFF90];
	v33 =	vmax.f32 v5, v25;
	v36 =	vsub.f32 v19, v25  }
0x20e: {  	v38 =	vld [tilespmem:s25+$0xFFFFFF90];
	v39 =	vmin.f32 v7, v28;
	v33 =	vsub.f32 v34, v33  }
0x20f: {  	v43 =	vmin.f32 v6, v32;
	v19 =	vshll.u32 v21, v14;
	v34 =	vld [tilespmem:s25+$0xFFFFFFA0];
	v40 =	vmin.f32 v6, v26  }
0x210: {  	v41 =	vld [tilespmem:s25+$0xFFFFFFB0];
	v21 =	vmax.f32 v5, v24;
	v42 =	vsub.f32 v28, v24;
	v24 =	vshll.u32 v29, v14  }
0x211: {  	v30 =	vshll.u32 v30, v14;
	v29 =	vmax.f32 v5, v23;
	v25 =	vld [tilespmem:s13+$0xFFFFFFD0];
	v23 =	vsub.f32 v27, v23  }
0x212: {  	v45 =	vmin.f32 v7, v27;
	v28 =	vsub.f32 v39, v21;
	v21 =	vbroadcast v24, $0x0;
	v44 =	vld [tilespmem:s13+$0xFFFFFFC0]  }
0x213: {  	v27 =	vmax.f32 v33, $0.0e+00;
	v39 =	vld [tilespmem:s24+$0xFFFFFFC0];
	v46 =	vmax.f32 v4, v38;
	v38 =	vsub.f32 v31, v38  }
0x214: {  	v31 =	vmin.f32 v6, v31;
	v21 =	vor.u32 v17, v21;
	v48 =	vld [tilespmem:s25+$0xFFFFFFC0];
	v33 =	vmax.f32 v4, v34  }
0x215: {  	v22 =	vshll.u32 v22, v14;
	v24 =	vld [tilespmem:s18+$0xFFFFFFD0];
	v23 =	vmul.f32 v23, v38;
	v38 =	vmax.f32 v28, $0.0e+00  }
0x216: {  	v31 =	vsub.f32 v31, v46;
	v34 =	vsub.f32 v26, v34;
	v49 =	vld [tilespmem:s18+$0xFFFFFFC0];
	v46 =	vmin.f32 v7, v25  }
0x217: {  	v30 =	vbroadcast v30, $0x0;
	v28 =	vld [tilespmem:s24+$0xFFFFFFD0];
	v50 =	vadd.f32 v23, v8;
	v47 =	vmin.f32 v7, v44  }
0x218: {  	v42 =	vmul.f32 v42, v34;
	v23 =	vbroadcast v22, $0x0;
	v26 =	vld [tilespmem:s25+$0xFFFFFFD0];
	v44 =	vsub.f32 v44, v39  }
0x219: {  	s1 =	sadd.s32 $0xFFFFFF90, s6;
	v51 =	vmax.f32 v4, v41;
	v22 =	vor.u32 v16, v30;
	v54 =	vld [tilespmem:s24+$0x0];
	v52 =	vmax.f32 v4, v48  }
0x21a: {  	v53 =	vmov s1;
	v31 =	vmax.f32 v31, $0.0e+00;
	v39 =	vmax.f32 v5, v39;
	v34 =	vld [tilespmem:s18+$0x0]  }
0x21b: {  	v40 =	vsub.f32 v40, v33;
	v32 =	vsub.f32 v32, v41;
	v55 =	vmin.f32 v6, v24;
	v30 =	vld [tilespmem:s25+$0x0]  }
0x21c: {  	v29 =	vsub.f32 v45, v29;
	v41 =	vsub.f32 v47, v39;
	v45 =	vmin.f32 v6, v49;
	v33 =	vld [tilespmem:s13+$0xFFFFFFF0]  }
0x21d: {  	v40 =	vmax.f32 v40, $0.0e+00;
	v32 =	vmul.f32 v36, v32;
	v47 =	vmax.f32 v5, v28;
	v57 =	vld [tilespmem:s18+$0xFFFFFFF0]  }
0x21e: {  	v56 =	vmax.f32 v29, $0.0e+00;
	v29 =	vmul.f32 v38, v40;
	v38 =	vshrl.u32 v53, $0x7;
	v39 =	vld [tilespmem:s18+$0xFFFFFFE0]  }
0x21f: {  	v32 =	vadd.f32 v32, v8;
	v58 =	vmax.f32 v41, $0.0e+00;
	v40 =	vsub.f32 v46, v47;
	v36 =	vld [tilespmem:s24+$0xFFFFFFF0]  }
0x220: {  	v59 =	vshll.u32 v38, v14;
	v46 =	vsub.f32 v49, v48;
	v48 =	vmax.f32 v4, v26;
	v47 =	vld [tilespmem:s25+$0xFFFFFFE0]  }
0x221: {  	v41 =	vadd.f32 v42, v8;
	v52 =	vsub.f32 v45, v52;
	v40 =	vmax.f32 v40, $0.0e+00;
	v60 =	vld [tilespmem:s13+$0xFFFFFFE0]  }
0x222: {  	v49 =	vmul.f32 v56, v31;
	v45 =	vsub.f32 v55, v48;
	v61 =	vld [tilespmem:s24+$0xFFFFFFE0];
	v38 =	vmin.f32 v6, v57  }
0x223: {  	v42 =	vbroadcast v59, $0x0;
	v55 =	vmul.f32 v44, v46;
	v53 =	vld [tilespmem:s25+$0xFFFFFFF0];
	v31 =	vmin.f32 v6, v39  }
0x224: {  	v50 =	vsub.f32 v50, v49;
	v45 =	vmax.f32 v45, $0.0e+00;
	v48 =	vmax.f32 v4, v30  }
0x225: {  	v56 =	vsub.f32 v43, v51;
	v52 =	vmax.f32 v52, $0.0e+00;
	v44 =	vmax.f32 v5, v36  }
.Ltmp14:
0x226: {  	v43 =	vsub.f32 v35, v54;
	v46 =	vmin.f32 v7, v33;
	v51 =	vmin.f32 v7, v60;
	(pc) =	sbr.rel @p1 .LBB2_15-.Ltmp14, $4  }
0x227: {  	v52 =	vmul.f32 v58, v52;
	v58 =	vmax.f32 v5, v54;
	v35 =	vadd.f32 v55, v8  }
0x228: {  	v50 =	vmax.f32 v50, $9.999999960e-13;
	v55 =	vmax.f32 v5, v61;
	v54 =	vsub.f32 v60, v61  }
0x229: {  	v37 =	vsub.f32 v37, v58;
	v59 =	vsub.f32 v35, v52;
	v35 =	vmax.f32 v4, v47  }
0x22a: {  	s18 =	sadd.s32 $0x80, s18;
	v58 =	vmul.f32 $5.000000000e-01, v50;
	s24 =	sadd.s32 $0x80, s24;
	s25 =	sadd.s32 $0x80, s25;
	v50 =	vsub.f32 v57, v53;
	v57 =	vmin.f32 v6, v34  }
.Ltmp15:
0x22b: {  	_ = 	snop;
	(pc) =	sbr.rel .LBB2_16-.Ltmp15, $1  }
0x22c: {  	_ =	sdelay $0x3  }
.LBB2_18:
0x22d: {  	p1 =	slt.s32 @!p0 s9, $0x201  }
0x22e: {  	p1 =	por p0, p1  }
0x22f: {  	p2 =	slt.u32 @!p1 s8, $0x12C  }
0x230: {  	p1 =	por p1, !p2  }
.Ltmp16:
0x231: {  	_ = 	snop;
	(pc) =	sbr.rel @!p1 .LBB2_19-.Ltmp16, $4  }
.Ltmp17:
0x232: {  	_ = 	snop;
	(pc) =	sbr.rel @p1 .LBB2_30-.Ltmp17, $4  }
0x233: {  	_ = 	snop  }
0x234: {  	_ = 	snop  }
0x235: {  	s7 =	simm.s32 $0x0  }
0x236: {  	_ = 	snop  }
.LBB2_23:
0x237: {  	s7 =	sadd.s32 $0x1, s7  }
0x238: {  	p1 =	seq.s32 s7, $0x200  }
.Ltmp18:
0x239: {  	_ = 	snop;
	(pc) =	sbr.rel @p1 .LBB2_24-.Ltmp18, $1  }
0x23a: {  	_ =	sdelay $0x3  }
.LBB2_19:
0x23b: {  	s1 =	sand.u32 $0x1F0, s7  }
0x23c: {  	v4 =	vld [tilespmem:s1+$0xDC00];
	_ =	sdelay $0x1  }
0x23d: {  	s5 =	sand.u32 $0xF, s7  }
0x23e: {  	v5 =	vmov s5  }
0x23f: {  	vm1 =	veq.s32 v5, v2  }
0x240: {  	v4 =	vnsel vm1, $0xFF800000, v4  }
0x241: {  	(xrf0) =	vmax.scan.msk.f32 $0xffff, v4;
	_ =	sdelay $0x5  }
0x242: {  	v4, _, _ =	vpop (xrf0)  }
0x243: {  	(v2sf) =	vpush v4, $0xF;
	_ =	sdelay $0xe  }
0x244: {  	s26 =	spop (v2sf)  }
0x245: {  	p1 =	slt.f32 s26, $-Inf;
	p2 =	sgt.f32 s26, $-Inf  }
0x246: {  	_ = 	snop  }
0x247: {  	p1 =	por p2, p1  }
0x248: {  	p1 =	por !p1, !p1  }
.Ltmp19:
0x249: {  	_ = 	snop;
	(pc) =	sbr.rel @p1 .LBB2_23-.Ltmp19, $1  }
0x24a: {  	_ =	sdelay $0x3  }
0x24b: {  	v4 =	vld [tilespmem:s1+$0xB400]  }
0x24c: {  	v5 =	vld [tilespmem:s1+$0x8C00];
	_ =	sdelay $0x1  }
0x24d: {  	v6 =	vld [tilespmem:s1+$0xC800]  }
0x24e: {  	v7 =	vld [tilespmem:s1+$0xA000]  }
0x24f: {  	v4 =	vnsel vm1, $0xFF800000, v4  }
0x250: {  	(xrf0) =	vmax.scan.msk.f32 $0xffff, v4;
	v4 =	vnsel vm1, $0xFF800000, v5  }
0x251: {  	(xrf0) =	vmax.scan.msk.f32 $0xffff, v4  }
0x252: {  	v4 =	vnsel vm1, $0xFF800000, v6  }
0x253: {  	(xrf0) =	vmax.scan.msk.f32 $0xffff, v4;
	v4 =	vnsel vm1, $0xFF800000, v7  }
0x254: {  	(xrf0) =	vmax.scan.msk.f32 $0xffff, v4;
	_ =	sdelay $0x1  }
0x255: {  	v4, _, _ =	vpop (xrf0)  }
0x256: {  	v5, _, _ =	vpop (xrf0);
	(v2sf) =	vpush v4, $0xF  }
0x257: {  	(v2sf) =	vpush v5, $0xF  }
0x258: {  	v6, _, _ =	vpop (xrf0)  }
0x259: {  	(v2sf) =	vpush v6, $0xF;
	v7, _, _ =	vpop (xrf0)  }
0x25a: {  	(v2sf) =	vpush v7, $0xF;
	_ =	sdelay $0x4  }
0x25b: {  	s11 =	simm.s32 $0xCA70  }
0x25c: {  	s18 =	simm.s32 $0xB670;
	v21 =	vld [tilespmem:s11+$0xFFFFFFB0]  }
0x25d: {  	v25 =	vld [tilespmem:s18+$0xFFFFFFB0]  }
0x25e: {  	v17 =	vld [tilespmem:s11+$0xFFFFFFA0]  }
0x25f: {  	v22 =	vld [tilespmem:s18+$0xFFFFFFA0]  }
0x260: {  	s15 =	simm.s32 $0x240;
	s16 =	simm.s32 $0x260;
	s17 =	simm.s32 $0x8E70;
	v24 =	vld [tilespmem:s11+$0xFFFFFF90]  }
0x261: {  	v14 =	vor.u32 $0x10, v2;
	v8 =	vor.u32 $0x20, v2;
	s24 =	simm.s32 $0x220;
	s26 =	simm.s32 $0x200;
	v16 =	vmov s15;
	v45 =	vld [tilespmem:s18+$0xFFFFFFC0];
	s14 =	spop (v2sf)  }
0x262: {  	v20 =	vmov s16;
	v36 =	vld [tilespmem:s17+$0xFFFFFFB0];
	v33 =	vmov s24;
	v48 =	vmov s26;
	s5 =	spop (v2sf)  }
0x263: {  	v58 =	vld [tilespmem:s11+$0xFFFFFFE0];
	v29 =	vshrl.u32 v20, $0x7;
	v16 =	vshrl.u32 v16, $0x7;
	v48 =	vshrl.u32 v48, $0x7;
	s1 =	ssub.f32 s14, s5;
	s5 =	simm.s32 $0xA270  }
0x264: {  	v10 =	vbroadcast v4, $0xF;
	v4 =	vor.u32 $0x70, v2;
	v11 =	vbroadcast v5, $0xF;
	s6 =	spop (v2sf);
	v15 =	vld [tilespmem:s5+$0xFFFFFF90]  }
0x265: {  	v5 =	vor.u32 $0x40, v2;
	v12 =	vbroadcast v6, $0xF;
	v6 =	vor.u32 $0x60, v2;
	s10 =	spop (v2sf);
	v18 =	vld [tilespmem:s5+$0xFFFFFFB0]  }
0x266: {  	v35 =	vmin.f32 v10, v22;
	v20 =	vmin.f32 v10, v25;
	v50 =	vmin.f32 v10, v45;
	v19 =	vld [tilespmem:s5+$0xFFFFFFA0];
	s6 =	ssub.f32 s6, s10  }
0x267: {  	v26 =	vld [tilespmem:s18+$0xFFFFFF90];
	v25 =	vsub.f32 v25, v36;
	v13 =	vbroadcast v7, $0xF;
	v7 =	vsel vm0, $0x7, v0  }
0x268: {  	v30 =	vld [tilespmem:s17+$0xFFFFFF90];
	v28 =	vmin.f32 v12, v21;
	v31 =	vmin.f32 v12, v17;
	v16 =	vshll.u32 v16, v7;
	s10 =	simm.s32 $0x270;
	s1 =	smul.f32 s6, s1  }
0x269: {  	v55 =	vld [tilespmem:s18+$0xFFFFFFF0];
	v40 =	vmin.f32 v12, v24;
	v52 =	vmin.f32 v12, v58;
	v23 =	vmov s10  }
0x26a: {  	v23 =	vshrl.u32 v23, $0x7;
	v9 =	vmov s1;
	v27 =	vmax.f32 v13, v18  }
0x26b: {  	v34 =	vld [tilespmem:s17+$0xFFFFFFA0];
	v37 =	vsub.f32 v17, v19;
	v17 =	vshll.u32 v23, v7;
	v23 =	vsub.f32 v24, v15  }
0x26c: {  	v39 =	vmax.f32 v13, v15;
	v18 =	vsub.f32 v21, v18;
	v32 =	vsub.f32 v28, v27  }
0x26d: {  	v38 =	vld [tilespmem:s11+$0xFFFFFFC0];
	v27 =	vmax.f32 v13, v19;
	v15 =	vbroadcast v17, $0x0;
	v17 =	vshll.u32 v29, v7  }
0x26e: {  	v21 =	vld [tilespmem:s17+$0xFFFFFFC0];
	v28 =	vsub.f32 v26, v30;
	v63 =	vsub.f32 v40, v39;
	v40 =	vmin.f32 v10, v55  }
0x26f: {  	v19 =	vld [tilespmem:s11+$0xFFFFFFD0];
	v24 =	vsub.f32 v31, v27;
	v27 =	vmax.f32 v11, v30;
	v30 =	vmin.f32 v10, v26  }
0x270: {  	v29 =	vld [tilespmem:s5+$0xFFFFFFC0];
	v31 =	vmax.f32 v11, v34;
	v18 =	vmul.f32 v18, v25;
	v23 =	vmul.f32 v23, v28  }
0x271: {  	s13 =	simm.s32 $0x230;
	v39 =	vld [tilespmem:s5+$0xFFFFFFE0];
	v43 =	vsub.f32 v30, v27;
	v30 =	vshrl.u32 v33, $0x7;
	v31 =	vsub.f32 v35, v31  }
0x272: {  	s25 =	simm.s32 $0x210;
	v26 =	vld [tilespmem:s18+$0xFFFFFFD0];
	v42 =	vmax.f32 v24, $0.0e+00;
	v24 =	vmov s13;
	v59 =	vshll.u32 v30, v7  }
0x273: {  	v30 =	vmov s25;
	v33 =	vadd.f32 v23, v9;
	v23 =	vmin.f32 v12, v38  }
0x274: {  	v28 =	vld [tilespmem:s5+$0xFFFFFFD0];
	v27 =	vshrl.u32 v24, $0x7;
	v24 =	vmax.f32 v32, $0.0e+00;
	v32 =	vmax.f32 v11, v36  }
0x275: {  	v47 =	vmax.f32 v11, v21;
	v56 =	vmax.f32 v43, $0.0e+00;
	v21 =	vsub.f32 v45, v21  }
0x276: {  	v46 =	vsub.f32 v38, v29;
	v41 =	vmax.f32 v13, v29;
	v29 =	vshrl.u32 v30, $0x7;
	v30 =	vld [tilespmem:s17+$0xFFFFFFD0]  }
0x277: {  	v44 =	vmin.f32 v12, v19;
	v57 =	vmax.f32 v13, v39;
	v49 =	vmin.f32 v10, v26  }
0x278: {  	v35 =	vld [tilespmem:s11+$0xFFFFFFF0];
	v60 =	vshll.u32 v29, v7;
	v51 =	vsub.f32 v23, v41;
	v23 =	vmax.f32 v31, $0.0e+00  }
0x279: {  	v38 =	vld [tilespmem:s5+$0xFFFFFFF0];
	v31 =	vsub.f32 v22, v34;
	v53 =	vbroadcast v60, $0x0;
	v61 =	vmax.f32 v13, v28  }
0x27a: {  	v29 =	vld [tilespmem:s17+$0x0];
	v22 =	vmul.f32 v42, v23;
	v23 =	vbroadcast v59, $0x0;
	v42 =	vsub.f32 v50, v47  }
0x27b: {  	v41 =	vld [tilespmem:s18+$0xFFFFFFE0];
	v21 =	vmul.f32 v46, v21;
	v50 =	vshll.u32 v48, v7;
	v62 =	vmax.f32 v11, v30  }
0x27c: {  	v46 =	vld [tilespmem:s17+$0xFFFFFFE0];
	v54 =	vmax.f32 v51, $0.0e+00;
	v34 =	vsub.f32 v44, v61;
	v36 =	vsub.f32 v49, v62  }
0x27d: {  	v31 =	vmul.f32 v37, v31;
	v51 =	vld [tilespmem:s17+$0xFFFFFFF0];
	v44 =	vmin.f32 v12, v35;
	v25 =	vor.u32 v14, v53  }
0x27e: {  	v37 =	vld [tilespmem:s5+$0x0];
	v60 =	vmax.f32 v36, $0.0e+00;
	v36 =	vadd.f32 v18, v9;
	v18 =	vmax.f32 v42, $0.0e+00  }
0x27f: {  	v59 =	vmax.f32 v34, $0.0e+00;
	v49 =	vmax.f32 v63, $0.0e+00;
	v53 =	vmul.f32 v54, v18  }
0x280: {  	v18 =	vadd.f32 v21, v9;
	v54 =	vsub.f32 v58, v39;
	v39 =	vmul.f32 v49, v56;
	v56 =	vld [tilespmem:s11+$0x0]  }
0x281: {  	v45 =	vadd.f32 v31, v9;
	v34 =	vld [tilespmem:s18+$0x0];
	v43 =	vmin.f32 v10, v41;
	v47 =	vmax.f32 v11, v29  }
0x282: {  	v42 =	vmax.f32 v13, v38;
	v48 =	vsub.f32 v55, v51;
	v58 =	vsub.f32 v18, v53  }
0x283: {  	s24 =	simm.s32 $0x2F0;
	s25 =	simm.s32 $0x8EF0;
	v55 =	vmax.f32 v13, v37;
	v49 =	vmax.f32 v11, v46;
	v31 =	vmul.f32 v59, v60  }
.LBB2_21:
0x284: {  	v18 =	vsub.f32 v33, v39;
	v21 =	vmax.f32 v58, $9.999999960e-13;
	v33 =	vmax.f32 v11, v51;
	s11 =	sadd.s32 $0x80, s11;
	s18 =	sadd.s32 $0x80, s18;
	s5 =	sadd.s32 $0x80, s5  }
0x285: {  	p1 =	sne.s32 s24, $0x13F0;
	v41 =	vsub.f32 v41, v46;
	s6 =	smov.u32 s24;
	s24 =	sadd.s32 $0x80, s24;
	v21 =	vmul.f32 $5.000000000e-01, v21;
	v46 =	vmin.f32 v12, v56  }
0x286: {  	v51 =	vsub.f32 v52, v57;
	v52 =	vmin.f32 v10, v34;
	v37 =	vsub.f32 v56, v37  }
0x287: {  	v20 =	vsub.f32 v20, v32;
	vm1 =	vgt.f32 v53, v21;
	v21 =	vsub.f32 v52, v47  }
0x288: {  	v35 =	vsub.f32 v35, v38;
	v18 =	vmax.f32 v18, $9.999999960e-13;
	v32 =	vmul.f32 v54, v41  }
0x289: {  	v26 =	vsub.f32 v26, v30;
	v20 =	vmax.f32 v20, $0.0e+00;
	v30 =	vmax.f32 v51, $0.0e+00  }
0x28a: {  	v38 =	vsub.f32 v46, v55;
	v41 =	vbroadcast v50, $0x0;
	v32 =	vadd.f32 v32, v9  }
0x28b: {  	v19 =	vsub.f32 v19, v28;
	v27 =	vshll.u32 v27, v7;
	v28 =	vsub.f32 v40, v33  }
0x28c: {  	v33 =	vsub.f32 v43, v49;
	v38 =	vmax.f32 v38, $0.0e+00;
	v21 =	vmax.f32 v21, $0.0e+00  }
0x28d: {  	v29 =	vsub.f32 v34, v29;
	v35 =	vmul.f32 v35, v48;
	v28 =	vmax.f32 v28, $0.0e+00  }
0x28e: {  	v34 =	vsub.f32 v45, v22;
	v40 =	vsub.f32 v44, v42;
	v27 =	vbroadcast v27, $0x0  }
0x28f: {  	v19 =	vmul.f32 v19, v26;
	v20 =	vmul.f32 v24, v20;
	v24 =	vmax.f32 v33, $0.0e+00  }
0x290: {  	v26 =	vmax.f32 v34, $9.999999960e-13;
	v29 =	vmul.f32 v37, v29;
	v21 =	vmul.f32 v38, v21  }
0x291: {  	v33 =	vmul.f32 $5.000000000e-01, v18;
	v35 =	vadd.f32 v35, v9;
	v34 =	vsub.f32 v36, v20  }
0x292: {  	v18 =	vor.u32 $0x30, v2;
	v24 =	vmul.f32 v30, v24;
	v29 =	vadd.f32 v29, v9  }
0x293: {  	v26 =	vmul.f32 $5.000000000e-01, v26;
	v19 =	vadd.f32 v19, v9;
	vm2 =	vgt.f32 v39, v33  }
0x294: {  	v30 =	vor.u32 v2, v41;
	v27 =	vor.u32 v18, v27;
	v29 =	vsub.f32 v29, v21  }
0x295: {  	v33 =	vmax.f32 v40, $0.0e+00;
	v19 =	vsub.f32 v19, v31;
	v32 =	vsub.f32 v32, v24  }
0x296: {  	v17 =	vbroadcast v17, $0x0;
	v28 =	vmul.f32 v33, v28;
	v34 =	vmax.f32 v34, $9.999999960e-13  }
0x297: {  	v16 =	vbroadcast v16, $0x0;
	v33 =	vmul.f32 $5.000000000e-01, v34;
	v32 =	vmax.f32 v32, $9.999999960e-13  }
0x298: {  	s1 =	sadd.s32 $0xFFFFFFE0, s10;
	v23 =	vor.u32 v8, v23;
	s10 =	smov.u32 s6;
	vm3 =	vgt.f32 v22, v26;
	v22 =	vmul.f32 $5.000000000e-01, v32  }
0x299: {  	v17 =	vor.u32 v6, v17;
	v19 =	vmax.f32 v19, $9.999999960e-13;
	vm4 =	vgt.f32 v20, v33;
	[tilespmem:v30+s12+$0x0] =	vst.idx.msk vm2, v3  }
0x29a: {  	v15 =	vor.u32 v4, v15;
	v20 =	vsub.f32 v35, v28;
	vm2 =	vgt.f32 v24, v22  }
0x29b: {  	v19 =	vmul.f32 $5.000000000e-01, v19;
	v22 =	vmax.f32 v29, $9.999999960e-13;
	v24 =	vmov s1  }
0x29c: {  	v20 =	vmax.f32 v20, $9.999999960e-13;
	v22 =	vmul.f32 $5.000000000e-01, v22;
	v24 =	vshrl.u32 v24, $0x7  }
0x29d: {  	v16 =	vor.u32 v5, v16;
	vm5 =	vgt.f32 v31, v19;
	v19 =	vshll.u32 v24, v7  }
0x29e: {  	v20 =	vmul.f32 $5.000000000e-01, v20;
	vm6 =	vgt.f32 v21, v22;
	v19 =	vbroadcast v19, $0x0;
	[tilespmem:v25+s12+$0x0] =	vst.idx.msk vm3, v3  }
0x29f: {  	v21 =	vor.u32 $0x50, v2;
	[tilespmem:v23+s12+$0x0] =	vst.idx.msk vm4, v3  }
0x2a0: {  	vm3 =	vgt.f32 v28, v20;
	v19 =	vor.u32 v21, v19;
	[tilespmem:v27+s12+$0x0] =	vst.idx.msk vm1, v3;
	_ =	sdelay $0x2  }
0x2a1: {  	[tilespmem:v16+s12+$0x0] =	vst.idx.msk vm5, v3;
	_ =	sdelay $0x1  }
0x2a2: {  	[tilespmem:v19+s12+$0x0] =	vst.idx.msk vm2, v3  }
0x2a3: {  	[tilespmem:v17+s12+$0x0] =	vst.idx.msk vm3, v3  }
0x2a4: {  	[tilespmem:v15+s12+$0x0] =	vst.idx.msk vm6, v3  }
0x2a5: {  	v15 =	vld [tilespmem:s5+$0xFFFFFF90]  }
0x2a6: {  	v22 =	vld [tilespmem:s5+$0xFFFFFFB0]  }
0x2a7: {  	v23 =	vld [tilespmem:s11+$0xFFFFFFB0]  }
0x2a8: {  	v25 =	vld [tilespmem:s18+$0xFFFFFFB0]  }
0x2a9: {  	v17 =	vld [tilespmem:s11+$0xFFFFFFA0]  }
0x2aa: {  	s6 =	sadd.s32 $0xFFFFFFF0, s10;
	s1 =	sadd.s32 $0xFFFFFFD0, s10;
	v31 =	vld [tilespmem:s18+$0xFFFFFFA0]  }
0x2ab: {  	v24 =	vmov s10;
	v20 =	vmov s6;
	v16 =	vmov s1;
	v19 =	vld [tilespmem:s5+$0xFFFFFFA0]  }
0x2ac: {  	v24 =	vshrl.u32 v24, $0x7;
	s1 =	sadd.s32 $0xFFFFFFC0, s10;
	v26 =	vld [tilespmem:s11+$0xFFFFFF90]  }
0x2ad: {  	s6 =	sadd.s32 $0xFFFFFFB0, s10;
	v30 =	vshrl.u32 v20, $0x7;
	v28 =	vmax.f32 v13, v22;
	v29 =	vmin.f32 v12, v23;
	v27 =	vld [tilespmem:s18+$0xFFFFFF90]  }
0x2ae: {  	v16 =	vshrl.u32 v16, $0x7;
	v29 =	vsub.f32 v29, v28;
	v32 =	vld [tilespmem:s25+$0xFFFFFF90];
	v33 =	vmin.f32 v12, v17  }
0x2af: {  	v16 =	vshll.u32 v16, v7;
	v20 =	vmin.f32 v10, v25;
	v36 =	vld [tilespmem:s25+$0xFFFFFFA0];
	v35 =	vmin.f32 v10, v31  }
0x2b0: {  	v39 =	vld [tilespmem:s25+$0xFFFFFFB0];
	v28 =	vmax.f32 v13, v19;
	v40 =	vsub.f32 v17, v19;
	v17 =	vshll.u32 v24, v7  }
0x2b1: {  	v42 =	vmax.f32 v13, v15;
	v19 =	vld [tilespmem:s11+$0xFFFFFFD0];
	v24 =	vsub.f32 v26, v15;
	v15 =	vbroadcast v17, $0x0  }
0x2b2: {  	v43 =	vmin.f32 v12, v26;
	v28 =	vsub.f32 v33, v28;
	v17 =	vshll.u32 v30, v7;
	v34 =	vld [tilespmem:s11+$0xFFFFFFC0]  }
0x2b3: {  	v44 =	vsub.f32 v23, v22;
	v38 =	vld [tilespmem:s5+$0xFFFFFFC0];
	v30 =	vmax.f32 v11, v32;
	v32 =	vsub.f32 v27, v32  }
0x2b4: {  	v22 =	vmin.f32 v10, v27;
	v27 =	vmov s6;
	v45 =	vld [tilespmem:s25+$0xFFFFFFC0];
	v23 =	vmax.f32 v11, v36  }
0x2b5: {  	v46 =	vmax.f32 v28, $0.0e+00;
	v26 =	vld [tilespmem:s18+$0xFFFFFFD0];
	v24 =	vmul.f32 v24, v32;
	v32 =	vmov s1  }
0x2b6: {  	v48 =	vsub.f32 v22, v30;
	v22 =	vshrl.u32 v27, $0x7;
	v47 =	vld [tilespmem:s18+$0xFFFFFFC0];
	v49 =	vmin.f32 v12, v19  }
0x2b7: {  	s1 =	sadd.s32 $0xFFFFFFA0, s10;
	v27 =	vshrl.u32 v32, $0x7;
	v28 =	vld [tilespmem:s5+$0xFFFFFFD0];
	v33 =	vadd.f32 v24, v9;
	v41 =	vmin.f32 v12, v34  }
0x2b8: {  	v51 =	vshll.u32 v22, v7;
	v24 =	vmax.f32 v29, $0.0e+00;
	v30 =	vld [tilespmem:s25+$0xFFFFFFD0];
	v50 =	vsub.f32 v34, v38  }
0x2b9: {  	s6 =	sadd.s32 $0xFFFFFF90, s10;
	v32 =	vmax.f32 v11, v39;
	v22 =	vmov s1;
	v37 =	vld [tilespmem:s5+$0x0];
	v52 =	vmax.f32 v11, v45  }
0x2ba: {  	v53 =	vmov s6;
	v22 =	vshrl.u32 v22, $0x7;
	v38 =	vmax.f32 v13, v38;
	v34 =	vld [tilespmem:s18+$0x0]  }
0x2bb: {  	v23 =	vsub.f32 v35, v23;
	v22 =	vshll.u32 v22, v7;
	v54 =	vmin.f32 v10, v26;
	v29 =	vld [tilespmem:s25+$0x0]  }
0x2bc: {  	v56 =	vsub.f32 v41, v38;
	v57 =	vbroadcast v22, $0x0;
	v55 =	vmin.f32 v10, v47;
	v35 =	vld [tilespmem:s11+$0xFFFFFFF0]  }
0x2bd: {  	v31 =	vsub.f32 v31, v36;
	v22 =	vmax.f32 v23, $0.0e+00;
	v36 =	vmax.f32 v13, v28;
	v59 =	vld [tilespmem:s18+$0xFFFFFFF0]  }
0x2be: {  	v58 =	vshrl.u32 v53, $0x7;
	v23 =	vbroadcast v51, $0x0;
	v22 =	vmul.f32 v46, v22;
	v41 =	vld [tilespmem:s18+$0xFFFFFFE0]  }
0x2bf: {  	v25 =	vsub.f32 v25, v39;
	v39 =	vmax.f32 v56, $0.0e+00;
	v36 =	vsub.f32 v49, v36;
	v38 =	vld [tilespmem:s5+$0xFFFFFFF0]  }
0x2c0: {  	v48 =	vmax.f32 v48, $0.0e+00;
	v45 =	vsub.f32 v47, v45;
	v47 =	vmax.f32 v11, v30;
	v46 =	vld [tilespmem:s25+$0xFFFFFFE0]  }
0x2c1: {  	v31 =	vmul.f32 v40, v31;
	v52 =	vsub.f32 v55, v52;
	v55 =	vmax.f32 v36, $0.0e+00;
	v49 =	vld [tilespmem:s11+$0xFFFFFFE0]  }
0x2c2: {  	v36 =	vsub.f32 v43, v42;
	v42 =	vsub.f32 v54, v47;
	v60 =	vld [tilespmem:s5+$0xFFFFFFE0];
	v40 =	vmin.f32 v10, v59  }
0x2c3: {  	v25 =	vmul.f32 v44, v25;
	v50 =	vmul.f32 v50, v45;
	v51 =	vld [tilespmem:s25+$0xFFFFFFF0];
	v43 =	vmin.f32 v10, v41  }
0x2c4: {  	v47 =	vmax.f32 v11, v29;
	v61 =	vmax.f32 v36, $0.0e+00;
	v62 =	vmax.f32 v42, $0.0e+00  }
0x2c5: {  	v53 =	vmax.f32 v52, $0.0e+00;
	v36 =	vadd.f32 v25, v9;
	v42 =	vmax.f32 v13, v38  }
.Ltmp20:
0x2c6: {  	v44 =	vmin.f32 v12, v35;
	v25 =	vor.u32 v14, v57;
	v52 =	vmin.f32 v12, v49;
	(pc) =	sbr.rel @p1 .LBB2_21-.Ltmp20, $4  }
0x2c7: {  	v45 =	vadd.f32 v31, v9;
	v53 =	vmul.f32 v39, v53;
	v31 =	vadd.f32 v50, v9;
	v56 =	vld [tilespmem:s11+$0x0]  }
0x2c8: {  	v50 =	vshll.u32 v58, v7;
	v57 =	vmax.f32 v13, v60;
	v54 =	vsub.f32 v49, v60  }
0x2c9: {  	v58 =	vsub.f32 v31, v53;
	v39 =	vmul.f32 v61, v48;
	v49 =	vmax.f32 v11, v46  }
0x2ca: {  	v31 =	vmul.f32 v55, v62;
	v55 =	vmax.f32 v13, v37;
	s25 =	sadd.s32 $0x80, s25;
	v48 =	vsub.f32 v59, v51  }
0x2cb: {  	v13 =	vsub.f32 v33, v39;
	v14 =	vmax.f32 v58, $9.999999960e-13  }
0x2cc: {  	v11 =	vmax.f32 v11, v51;
	v59 =	vsub.f32 v41, v46;
	v60 =	vsub.f32 v52, v57  }
0x2cd: {  	v10 =	vmin.f32 v10, v34;
	v20 =	vsub.f32 v20, v32;
	v62 =	vsub.f32 v35, v38  }
0x2ce: {  	v26 =	vsub.f32 v26, v30;
	v38 =	vbroadcast v50, $0x0;
	v19 =	vsub.f32 v19, v28  }
0x2cf: {  	v27 =	vshll.u32 v27, v7;
	v41 =	vsub.f32 v43, v49;
	v29 =	vsub.f32 v34, v29  }
0x2d0: {  	v43 =	vsub.f32 v45, v22;
	v45 =	vsub.f32 v44, v42;
	v17 =	vbroadcast v17, $0x0  }
0x2d1: {  	v16 =	vbroadcast v16, $0x0;
	v8 =	vor.u32 v8, v23;
	v14 =	vmul.f32 $5.000000000e-01, v14  }
0x2d2: {  	v12 =	vmin.f32 v12, v56;
	v37 =	vsub.f32 v56, v37;
	v10 =	vsub.f32 v10, v47  }
0x2d3: {  	v11 =	vsub.f32 v40, v11;
	v27 =	vbroadcast v27, $0x0;
	v13 =	vmax.f32 v13, $9.999999960e-13  }
0x2d4: {  	v61 =	vmul.f32 v54, v59;
	v20 =	vmax.f32 v20, $0.0e+00;
	v63 =	vmax.f32 v60, $0.0e+00  }
0x2d5: {  	v12 =	vsub.f32 v12, v55;
	v32 =	vmul.f32 v62, v48;
	v19 =	vmul.f32 v19, v26  }
0x2d6: {  	s1 =	sadd.s32 $0xFFFFFFE0, s10;
	v46 =	vmax.f32 v41, $0.0e+00;
	v47 =	vmax.f32 v43, $9.999999960e-13;
	v55 =	vor.u32 v2, v38  }
0x2d7: {  	v56 =	vmax.f32 v45, $0.0e+00;
	v59 =	vmov s1;
	vm1 =	vgt.f32 v53, v14  }
0x2d8: {  	v10 =	vmax.f32 v10, $0.0e+00;
	v20 =	vmul.f32 v24, v20;
	v48 =	vmul.f32 v37, v29  }
0x2d9: {  	v11 =	vmax.f32 v11, $0.0e+00;
	v49 =	vmul.f32 $5.000000000e-01, v13;
	v24 =	vmul.f32 v63, v46  }
0x2da: {  	v52 =	vmul.f32 $5.000000000e-01, v47;
	v18 =	vor.u32 v18, v27;
	v60 =	vshrl.u32 v59, $0x7  }
0x2db: {  	v14 =	vadd.f32 v61, v9;
	v12 =	vmax.f32 v12, $0.0e+00;
	v51 =	vadd.f32 v32, v9  }
0x2dc: {  	v53 =	vadd.f32 v19, v9;
	v11 =	vmul.f32 v56, v11;
	v50 =	vsub.f32 v36, v20  }
0x2dd: {  	v61 =	vshll.u32 v60, v7;
	v10 =	vmul.f32 v12, v10;
	v28 =	vadd.f32 v48, v9  }
0x2de: {  	vm2 =	vgt.f32 v39, v49;
	v9 =	vsub.f32 v53, v31;
	v13 =	vmax.f32 v50, $9.999999960e-13  }
0x2df: {  	vm3 =	vgt.f32 v22, v52;
	v14 =	vsub.f32 v14, v24;
	v13 =	vmul.f32 $5.000000000e-01, v13  }
0x2e0: {  	v58 =	vsub.f32 v51, v11;
	v54 =	vsub.f32 v28, v10;
	v9 =	vmax.f32 v9, $9.999999960e-13  }
0x2e1: {  	v14 =	vmax.f32 v14, $9.999999960e-13;
	v9 =	vmul.f32 $5.000000000e-01, v9;
	vm4 =	vgt.f32 v20, v13  }
0x2e2: {  	v7 =	vbroadcast v61, $0x0;
	v57 =	vmul.f32 $5.000000000e-01, v14;
	v14 =	vmax.f32 v58, $9.999999960e-13  }
0x2e3: {  	v19 =	vmax.f32 v54, $9.999999960e-13;
	v62 =	vmul.f32 $5.000000000e-01, v14;
	vm5 =	vgt.f32 v31, v9  }
0x2e4: {  	v5 =	vor.u32 v5, v16;
	v63 =	vmul.f32 $5.000000000e-01, v19;
	vm6 =	vgt.f32 v24, v57  }
0x2e5: {  	v7 =	vor.u32 v21, v7;
	[tilespmem:v55+s12+$0x0] =	vst.idx.msk vm2, v3;
	vm2 =	vgt.f32 v11, v62  }
0x2e6: {  	v6 =	vor.u32 v6, v17;
	[tilespmem:v25+s12+$0x0] =	vst.idx.msk vm3, v3;
	vm3 =	vgt.f32 v10, v63  }
0x2e7: {  	v4 =	vor.u32 v4, v15;
	[tilespmem:v8+s12+$0x0] =	vst.idx.msk vm4, v3  }
.Ltmp21:
0x2e8: {  	[tilespmem:v18+s12+$0x0] =	vst.idx.msk vm1, v3;
	(pc) =	sbr.rel .LBB2_23-.Ltmp21, $4  }
0x2e9: {  	[tilespmem:v5+s12+$0x0] =	vst.idx.msk vm5, v3  }
0x2ea: {  	[tilespmem:v7+s12+$0x0] =	vst.idx.msk vm6, v3  }
0x2eb: {  	[tilespmem:v6+s12+$0x0] =	vst.idx.msk vm2, v3  }
0x2ec: {  	[tilespmem:v4+s12+$0x0] =	vst.idx.msk vm3, v3  }
.LBB2_24:
0x2ed: {  	p1 =	slt.u32 s8, $0x12C  }
.Ltmp22:
0x2ee: {  	_ = 	snop;
	(pc) =	sbr.rel @!p1 .LBB2_30-.Ltmp22, $4  }
.Ltmp23:
0x2ef: {  	_ = 	snop;
	(pc) =	sbr.rel @p1 .LBB2_25-.Ltmp23, $4  }
0x2f0: {  	_ = 	snop  }
0x2f1: {  	_ = 	snop  }
0x2f2: {  	s7 =	simm.s32 $0x200  }
0x2f3: {  	_ = 	snop  }
.LBB2_28:
0x2f4: {  	v5 =	vmax.f32 v56, $0.0e+00;
	v6 =	vmax.f32 v59, $9.999999960e-13;
	v7 =	vsub.f32 v39, v47  }
0x2f5: {  	v4 =	vmax.f32 v4, v53;
	v16 =	vsub.f32 v25, v28;
	v17 =	vsub.f32 v51, v55  }
0x2f6: {  	vm2 =	vgt.f32 v49, v58;
	v62 =	vsub.f32 v41, v29;
	v63 =	vsub.f32 v57, v48  }
0x2f7: {  	v39 =	vsub.f32 v33, v36;
	v41 =	vsub.f32 v34, v30;
	v47 =	vmul.f32 v40, v45  }
0x2f8: {  	v48 =	vor.u32 v2, v42;
	v49 =	vsub.f32 v46, v44;
	v24 =	vsub.f32 v24, v26  }
0x2f9: {  	v51 =	vmax.f32 v37, $0.0e+00;
	v20 =	vshll.u32 v20, v14;
	v13 =	vor.u32 v13, v23  }
0x2fa: {  	v58 =	vshll.u32 v18, v14;
	v19 =	vbroadcast v19, $0x0;
	v60 =	vshll.u32 v15, v14  }
0x2fb: {  	v6 =	vmul.f32 $5.000000000e-01, v6;
	v5 =	vmul.f32 v27, v5;
	v4 =	vsub.f32 v38, v4  }
0x2fc: {  	v61 =	vbroadcast v60, $0x0;
	v7 =	vmul.f32 v54, v7;
	v17 =	vmax.f32 v17, $0.0e+00  }
0x2fd: {  	v25 =	vmax.f32 v62, $9.999999960e-13;
	v27 =	vmul.f32 v39, v50;
	v34 =	vmax.f32 v49, $0.0e+00  }
0x2fe: {  	v28 =	vmul.f32 v43, v41;
	v16 =	vmul.f32 v16, v24;
	vm1 =	vgt.f32 v52, v6  }
0x2ff: {  	v32 =	vsub.f32 v32, v5;
	v6 =	vmax.f32 v63, $0.0e+00;
	v52 =	vsub.f32 v31, v35  }
0x300: {  	v25 =	vmul.f32 $5.000000000e-01, v25;
	v4 =	vmax.f32 v4, $0.0e+00;
	v7 =	vadd.f32 v7, v12  }
0x301: {  	v28 =	vadd.f32 v28, v12;
	v55 =	vadd.f32 v16, v12;
	v56 =	vmax.f32 v52, $0.0e+00  }
0x302: {  	v54 =	vadd.f32 v27, v12;
	v50 =	vmax.f32 v32, $9.999999960e-13;
	v16 =	vmul.f32 v17, v56  }
0x303: {  	v4 =	vmul.f32 v34, v4;
	v53 =	vmul.f32 $5.000000000e-01, v50;
	v12 =	vsub.f32 v55, v47  }
0x304: {  	v6 =	vmul.f32 v51, v6;
	vm3 =	vgt.f32 v29, v25;
	v7 =	vsub.f32 v7, v16  }
0x305: {  	vm4 =	vgt.f32 v5, v53;
	v5 =	vsub.f32 v54, v4;
	v12 =	vmax.f32 v12, $9.999999960e-13  }
0x306: {  	v57 =	vsub.f32 v28, v6;
	v12 =	vmul.f32 $5.000000000e-01, v12;
	v7 =	vmax.f32 v7, $9.999999960e-13  }
0x307: {  	v62 =	vbroadcast v20, $0x0;
	v5 =	vmax.f32 v5, $9.999999960e-13;
	v7 =	vmul.f32 $5.000000000e-01, v7  }
0x308: {  	v59 =	vmax.f32 v57, $9.999999960e-13;
	v5 =	vmul.f32 $5.000000000e-01, v5;
	vm5 =	vgt.f32 v47, v12  }
0x309: {  	v11 =	vor.u32 v11, v19;
	v18 =	vmul.f32 $5.000000000e-01, v59;
	vm6 =	vgt.f32 v16, v7  }
0x30a: {  	[tilespmem:v48+s12+$0x0] =	vst.idx.msk vm2, v3;
	vm2 =	vgt.f32 v4, v5;
	v4 =	vbroadcast v58, $0x0;
	v5 =	vor.u32 v9, v61  }
0x30b: {  	v63 =	vor.u32 v10, v62;
	[tilespmem:v22+s12+$0x0] =	vst.idx.msk vm3, v3;
	vm3 =	vgt.f32 v6, v18  }
0x30c: {  	[tilespmem:v13+s12+$0x0] =	vst.idx.msk vm4, v3;
	v4 =	vor.u32 v8, v4  }
0x30d: {  	[tilespmem:v21+s12+$0x0] =	vst.idx.msk vm1, v3  }
0x30e: {  	[tilespmem:v11+s12+$0x0] =	vst.idx.msk vm5, v3  }
0x30f: {  	[tilespmem:v5+s12+$0x0] =	vst.idx.msk vm6, v3  }
0x310: {  	[tilespmem:v63+s12+$0x0] =	vst.idx.msk vm2, v3  }
0x311: {  	[tilespmem:v4+s12+$0x0] =	vst.idx.msk vm3, v3  }
.LBB2_29:
0x312: {  	p1 =	sgt.f32 s10, $-Inf  }
0x313: {  	s1 =	simm.s32 $0x1  }
0x314: {  	s7 =	sadd.s32 $0x1, s7;
	s1 =	simm.s32 @!p1 $0x0  }
0x315: {  	p1 =	sge.s32 s7, s9;
	s8 =	sadd.s32 s1, s8  }
0x316: {  	p2 =	slt.u32 @!p1 s8, $0x12C  }
0x317: {  	p1 =	por p1, !p2  }
.Ltmp24:
0x318: {  	_ = 	snop;
	(pc) =	sbr.rel @p1 .LBB2_30-.Ltmp24, $1  }
0x319: {  	_ =	sdelay $0x3  }
.LBB2_25:
0x31a: {  	s1 =	sand.u32 $0x7FFFFFF0, s7  }
0x31b: {  	v4 =	vld [tilespmem:s1+$0xDC00];
	_ =	sdelay $0x1  }
0x31c: {  	s5 =	sand.u32 $0xF, s7  }
0x31d: {  	v5 =	vmov s5  }
0x31e: {  	vm1 =	veq.s32 v5, v2  }
0x31f: {  	v4 =	vnsel vm1, $0xFF800000, v4  }
0x320: {  	(xrf0) =	vmax.scan.msk.f32 $0xffff, v4;
	_ =	sdelay $0x5  }
0x321: {  	v4, _, _ =	vpop (xrf0)  }
0x322: {  	(v2sf) =	vpush v4, $0xF;
	_ =	sdelay $0xe  }
0x323: {  	p1 =	sgt.u32 s8, $0x12A;
	s10 =	spop (v2sf)  }
0x324: {  	p2 =	slt.f32 @!p1 s10, $-Inf;
	p3 =	sgt.f32 @!p1 s10, $-Inf  }
0x325: {  	_ = 	snop  }
0x326: {  	p2 =	por @!p1 p3, p2  }
0x327: {  	p2 =	por @!p1 !p2, !p2  }
0x328: {  	p1 =	por p1, p2  }
0x329: {  	v4 =	vld @!p1 [tilespmem:s1+$0xB400]  }
0x32a: {  	v6 =	vld @!p1 [tilespmem:s1+$0x8C00]  }
0x32b: {  	v7 =	vld @!p1 [tilespmem:s1+$0xC800]  }
0x32c: {  	v8 =	vlaneseq.u32 @!p1;
	v9 =	vld @!p1 [tilespmem:s1+$0xA000]  }
0x32d: {  	vm1 =	veq.s32 @!p1 v5, v8  }
0x32e: {  	v4 =	vnsel @!p1 vm1, $0xFF800000, v4  }
0x32f: {  	(xrf0) =	vmax.scan.msk.f32 @!p1 $0xffff, v4;
	v4 =	vnsel @!p1 vm1, $0xFF800000, v6  }
0x330: {  	(xrf0) =	vmax.scan.msk.f32 @!p1 $0xffff, v4;
	v4 =	vnsel @!p1 vm1, $0xFF800000, v7  }
0x331: {  	(xrf0) =	vmax.scan.msk.f32 @!p1 $0xffff, v4;
	v4 =	vnsel @!p1 vm1, $0xFF800000, v9  }
0x332: {  	(xrf0) =	vmax.scan.msk.f32 @!p1 $0xffff, v4;
	_ =	sdelay $0x2  }
0x333: {  	v6, _, _ =	vpop @!p1 (xrf0)  }
0x334: {  	v4, _, _ =	vpop @!p1 (xrf0);
	(v2sf) =	vpush @!p1 v6, $0xF  }
0x335: {  	s5 =	sand.u32 @!p1 $0x7FFFFF80, s7;
	v7, _, _ =	vpop @!p1 (xrf0);
	(v2sf) =	vpush @!p1 v4, $0xF  }
0x336: {  	v11 =	vld @!p1 [tilespmem:s5+$0xB400];
	(v2sf) =	vpush @!p1 v7, $0xF;
	v5, _, _ =	vpop @!p1 (xrf0)  }
0x337: {  	v12 =	vld @!p1 [tilespmem:s5+$0xC800];
	(v2sf) =	vpush @!p1 v5, $0xF  }
0x338: {  	v9 =	vld @!p1 [tilespmem:s5+$0x8C00]  }
0x339: {  	v10 =	vld @!p1 [tilespmem:s5+$0xA000]  }
0x33a: {  	v6 =	vbroadcast @!p1 v6, $0xF  }
0x33b: {  	v17 =	vld @!p1 [tilespmem:s5+$0xB420];
	v4 =	vbroadcast @!p1 v4, $0xF;
	v7 =	vbroadcast @!p1 v7, $0xF  }
0x33c: {  	v18 =	vld @!p1 [tilespmem:s5+$0xC820];
	v15 =	vmin.f32 @!p1 v6, v11;
	v5 =	vbroadcast @!p1 v5, $0xF  }
0x33d: {  	v13 =	vmax.f32 @!p1 v4, v9;
	v9 =	vsub.f32 @!p1 v11, v9;
	v11 =	vld @!p1 [tilespmem:s5+$0x8C10];
	v16 =	vmin.f32 @!p1 v7, v12  }
0x33e: {  	v14 =	vmax.f32 @!p1 v5, v10;
	v10 =	vsub.f32 @!p1 v12, v10;
	v12 =	vsub.f32 @!p1 v15, v13;
	v15 =	vld @!p1 [tilespmem:s5+$0xC810]  }
0x33f: {  	v13 =	vsub.f32 @!p1 v16, v14;
	v14 =	vld @!p1 [tilespmem:s5+$0xA010]  }
0x340: {  	v9 =	vmul.f32 @!p1 v10, v9;
	v10 =	vld @!p1 [tilespmem:s5+$0xB410]  }
0x341: {  	v16 =	vld @!p1 [tilespmem:s5+$0xA020];
	v12 =	vmax.f32 @!p1 v12, $0.0e+00;
	v13 =	vmax.f32 @!p1 v13, $0.0e+00  }
0x342: {  	v12 =	vmul.f32 @!p1 v13, v12;
	v13 =	vld @!p1 [tilespmem:s5+$0x8C20]  }
0x343: {  	v25 =	vmin.f32 @!p1 v7, v18;
	s1 =	spop @!p1 (v2sf)  }
0x344: {  	v19 =	vmax.f32 @!p1 v4, v11;
	v22 =	vmin.f32 @!p1 v7, v15;
	v20 =	vmax.f32 @!p1 v5, v14;
	s6 =	spop @!p1 (v2sf)  }
0x345: {  	v21 =	vmin.f32 @!p1 v6, v10;
	v20 =	vsub.f32 @!p1 v22, v20;
	v10 =	vsub.f32 @!p1 v10, v11;
	s11 =	spop @!p1 (v2sf)  }
0x346: {  	v11 =	vsub.f32 @!p1 v15, v14;
	v14 =	vld @!p1 [tilespmem:s5+$0x8C30];
	v22 =	vmin.f32 @!p1 v6, v17;
	v19 =	vsub.f32 @!p1 v21, v19;
	s1 =	ssub.f32 @!p1 s1, s6;
	s6 =	spop @!p1 (v2sf)  }
0x347: {  	v21 =	vmax.f32 @!p1 v5, v16;
	v15 =	vmax.f32 @!p1 v4, v13;
	v13 =	vsub.f32 @!p1 v17, v13;
	v17 =	vld @!p1 [tilespmem:s5+$0xB430];
	s6 =	ssub.f32 @!p1 s11, s6  }
0x348: {  	v24 =	vld @!p1 [tilespmem:s5+$0xA030];
	v16 =	vsub.f32 @!p1 v18, v16;
	v20 =	vmax.f32 @!p1 v20, $0.0e+00;
	v15 =	vsub.f32 @!p1 v22, v15  }
0x349: {  	v10 =	vmul.f32 @!p1 v11, v10;
	v18 =	vmax.f32 @!p1 v19, $0.0e+00;
	v19 =	vsub.f32 @!p1 v25, v21;
	v21 =	vld @!p1 [tilespmem:s5+$0xC830];
	s6 =	smul.f32 @!p1 s6, s1  }
0x34a: {  	v11 =	vmul.f32 @!p1 v16, v13;
	v13 =	vld @!p1 [tilespmem:s5+$0x8C40];
	v16 =	vmul.f32 @!p1 v20, v18;
	v15 =	vmax.f32 @!p1 v15, $0.0e+00  }
0x34b: {  	v18 =	vmax.f32 @!p1 v19, $0.0e+00;
	v22 =	vmax.f32 @!p1 v4, v14;
	v9 =	vadd.f32 @!p1 s6, v9  }
0x34c: {  	v25 =	vmin.f32 @!p1 v6, v17;
	v14 =	vsub.f32 @!p1 v17, v14;
	v20 =	vadd.f32 @!p1 s6, v10  }
0x34d: {  	v15 =	vmul.f32 @!p1 v18, v15;
	v22 =	vsub.f32 @!p1 v25, v22;
	v9 =	vsub.f32 @!p1 v9, v12  }
0x34e: {  	v26 =	vmin.f32 @!p1 v7, v21;
	v17 =	vsub.f32 @!p1 v21, v24;
	v20 =	vsub.f32 @!p1 v20, v16  }
0x34f: {  	v18 =	vld @!p1 [tilespmem:s5+$0xB440];
	v21 =	vmax.f32 @!p1 v4, v13;
	v11 =	vadd.f32 @!p1 s6, v11;
	v9 =	vmax.f32 @!p1 v9, $9.999999960e-13  }
0x350: {  	v14 =	vmul.f32 @!p1 v17, v14;
	v20 =	vmax.f32 @!p1 v20, $9.999999960e-13;
	v23 =	vmul.f32 @!p1 $5.000000000e-01, v9  }
0x351: {  	v19 =	vld @!p1 [tilespmem:s5+$0xA040];
	v11 =	vsub.f32 @!p1 v11, v15;
	v9 =	vor.u32 @!p1 s5, v8;
	v20 =	vmul.f32 @!p1 $5.000000000e-01, v20  }
0x352: {  	v10 =	vimm.f32 @!p1 $-Inf;
	vm2 =	vgt.u32 @!p1 v9, s7;
	vm1 =	vgt.f32 @!p1 v12, v23;
	v12 =	vld @!p1 [tilespmem:s5+$0xC840]  }
0x353: {  	v11 =	vmax.f32 @!p1 v11, $9.999999960e-13;
	vm1 =	vmand @!p1 vm2, vm1;
	vm2 =	vgt.f32 @!p1 v16, v20;
	v16 =	vld @!p1 [tilespmem:s5+$0xA060]  }
0x354: {  	v25 =	vmin.f32 @!p1 v6, v18;
	v11 =	vmul.f32 @!p1 $5.000000000e-01, v11;
	v23 =	vmax.f32 @!p1 v5, v24  }
0x355: {  	v13 =	vsub.f32 @!p1 v18, v13;
	v18 =	vmax.f32 @!p1 v22, $0.0e+00;
	v23 =	vsub.f32 @!p1 v26, v23  }
0x356: {  	v14 =	vadd.f32 @!p1 s6, v14;
	v24 =	vmax.f32 @!p1 v5, v19;
	vm4 =	vgt.f32 @!p1 v15, v11  }
0x357: {  	v22 =	vmax.f32 @!p1 v23, $0.0e+00;
	v23 =	vld @!p1 [tilespmem:s5+$0xC850];
	v26 =	vmin.f32 @!p1 v7, v12;
	v12 =	vsub.f32 @!p1 v12, v19  }
0x358: {  	s1 =	sor.u32 @!p1 $0x10, s5;
	v19 =	vsub.f32 @!p1 v25, v21;
	v21 =	vsub.f32 @!p1 v26, v24;
	v28 =	vmax.f32 @!p1 v5, v16  }
0x359: {  	v12 =	vmul.f32 @!p1 v12, v13;
	v13 =	vmul.f32 @!p1 v22, v18;
	v22 =	vor.u32 @!p1 s1, v8;
	s1 =	sor.u32 @!p1 $0x20, s5  }
0x35a: {  	v25 =	vld @!p1 [tilespmem:s5+$0xC860];
	v17 =	vmax.f32 @!p1 v19, $0.0e+00;
	v18 =	vmax.f32 @!p1 v21, $0.0e+00;
	v15 =	vor.u32 @!p1 s1, v8  }
0x35b: {  	v21 =	vld @!p1 [tilespmem:s5+$0xB450];
	v17 =	vmul.f32 @!p1 v18, v17;
	v12 =	vadd.f32 @!p1 s6, v12;
	v14 =	vsub.f32 @!p1 v14, v13  }
0x35c: {  	vm3 =	vgt.u32 @!p1 v22, s7;
	v26 =	vmin.f32 @!p1 v7, v23;
	v18 =	vld @!p1 [tilespmem:s5+$0xA050];
	vm5 =	vgt.u32 @!p1 v15, s7  }
0x35d: {  	v19 =	vld @!p1 [tilespmem:s5+$0x8C50];
	s1 =	sor.u32 @!p1 $0x30, s5;
	vm2 =	vmand @!p1 vm3, vm2;
	v12 =	vsub.f32 @!p1 v12, v17;
	v14 =	vmax.f32 @!p1 v14, $9.999999960e-13  }
0x35e: {  	v20 =	vld @!p1 [tilespmem:s5+$0xB460];
	v24 =	vor.u32 @!p1 s1, v8;
	vm3 =	vmand @!p1 vm5, vm4;
	v14 =	vmul.f32 @!p1 $5.000000000e-01, v14  }
0x35f: {  	v11 =	vld @!p1 [tilespmem:s5+$0x8C60];
	vm5 =	vgt.u32 @!p1 v24, s7;
	v29 =	vmin.f32 @!p1 v7, v25;
	v12 =	vmax.f32 @!p1 v12, $9.999999960e-13  }
0x360: {  	v16 =	vsub.f32 @!p1 v25, v16;
	v12 =	vmul.f32 @!p1 $5.000000000e-01, v12;
	vm4 =	vgt.f32 @!p1 v13, v14  }
0x361: {  	v27 =	vld @!p1 [tilespmem:s5+$0xC870];
	v13 =	vmax.f32 @!p1 v5, v18;
	v14 =	vmin.f32 @!p1 v6, v21;
	v18 =	vsub.f32 @!p1 v23, v18  }
0x362: {  	s1 =	sor.u32 @!p1 $0x40, s5;
	vm6 =	vgt.f32 @!p1 v17, v12;
	v12 =	vmax.f32 @!p1 v4, v19;
	v17 =	vld @!p1 [tilespmem:s5+$0x8C70];
	v19 =	vsub.f32 @!p1 v21, v19  }
0x363: {  	v23 =	vor.u32 @!p1 s1, v8;
	v13 =	vsub.f32 @!p1 v26, v13;
	v26 =	vmin.f32 @!p1 v6, v20;
	v21 =	vld @!p1 [tilespmem:s5+$0xA070]  }
0x364: {  	v12 =	vsub.f32 @!p1 v14, v12;
	v14 =	vld @!p1 [tilespmem:s5+$0xB470];
	v18 =	vmul.f32 @!p1 v18, v19;
	v19 =	vmax.f32 @!p1 v4, v11  }
0x365: {  	v13 =	vmax.f32 @!p1 v13, $0.0e+00;
	v11 =	vsub.f32 @!p1 v20, v11;
	v19 =	vsub.f32 @!p1 v26, v19  }
0x366: {  	v12 =	vmax.f32 @!p1 v12, $0.0e+00;
	v26 =	vsub.f32 @!p1 v29, v28;
	v28 =	vmin.f32 @!p1 v7, v27  }
0x367: {  	v12 =	vmul.f32 @!p1 v13, v12;
	v13 =	vadd.f32 @!p1 s6, v18;
	v18 =	vmax.f32 @!p1 v19, $0.0e+00  }
0x368: {  	v19 =	vmax.f32 @!p1 v26, $0.0e+00;
	v20 =	vmax.f32 @!p1 v4, v17;
	v25 =	vmax.f32 @!p1 v5, v21  }
0x369: {  	v26 =	vmin.f32 @!p1 v6, v14;
	v14 =	vsub.f32 @!p1 v14, v17;
	v17 =	vsub.f32 @!p1 v27, v21  }
0x36a: {  	v11 =	vmul.f32 @!p1 v16, v11;
	v16 =	vsub.f32 @!p1 v26, v20;
	v20 =	vsub.f32 @!p1 v28, v25  }
0x36b: {  	v13 =	vsub.f32 @!p1 v13, v12;
	v18 =	vmul.f32 @!p1 v19, v18;
	v14 =	vmul.f32 @!p1 v17, v14  }
0x36c: {  	v11 =	vadd.f32 @!p1 s6, v11;
	v16 =	vmax.f32 @!p1 v16, $0.0e+00;
	v17 =	vmax.f32 @!p1 v20, $0.0e+00  }
0x36d: {  	v13 =	vmax.f32 @!p1 v13, $9.999999960e-13;
	v16 =	vmul.f32 @!p1 v17, v16;
	v14 =	vadd.f32 @!p1 s6, v14  }
0x36e: {  	vm7 =	vgt.u32 @!p1 v23, s7;
	v11 =	vsub.f32 @!p1 v11, v18;
	v13 =	vmul.f32 @!p1 $5.000000000e-01, v13  }
0x36f: {  	s1 =	sor.u32 @!p1 $0x50, s5;
	vm4 =	vmand @!p1 vm5, vm4;
	vm5 =	vmand @!p1 vm7, vm6;
	v14 =	vsub.f32 @!p1 v14, v16  }
0x370: {  	v11 =	vmax.f32 @!p1 v11, $9.999999960e-13;
	vm6 =	vgt.f32 @!p1 v12, v13;
	v12 =	vor.u32 @!p1 s1, v8  }
0x371: {  	s1 =	sor.u32 @!p1 $0x60, s5;
	v11 =	vmul.f32 @!p1 $5.000000000e-01, v11;
	vm7 =	vgt.u32 @!p1 v12, s7;
	v13 =	vmax.f32 @!p1 v14, $9.999999960e-13  }
0x372: {  	s5 =	sor.u32 @!p1 $0x70, s5;
	vm6 =	vmand @!p1 vm7, vm6;
	v14 =	vor.u32 @!p1 s1, v8;
	v13 =	vmul.f32 @!p1 $5.000000000e-01, v13  }
0x373: {  	vm7 =	vgt.f32 @!p1 v18, v11;
	v8 =	vor.u32 @!p1 s5, v8;
	s1 =	simm.s32 @!p1 $0xDC00;
	vm8 =	vgt.u32 @!p1 v14, s7  }
0x374: {  	vm9 =	vgt.u32 @!p1 v8, s7;
	[tilespmem:v9+s1+$0x0] =	vst.idx.msk @!p1 vm1, v10;
	vm7 =	vmand @!p1 vm8, vm7;
	vm8 =	vgt.f32 @!p1 v16, v13  }
0x375: {  	p2 =	sgt.u32 @!p1 s7, $0x137F;
	[tilespmem:v22+s1+$0x0] =	vst.idx.msk @!p1 vm2, v10;
	vm1 =	vmand @!p1 vm9, vm8  }
0x376: {  	p2 =	por p1, p2;
	[tilespmem:v15+s1+$0x0] =	vst.idx.msk @!p1 vm3, v10  }
.Ltmp25:
0x377: {  	[tilespmem:v24+s1+$0x0] =	vst.idx.msk @!p1 vm4, v10;
	(pc) =	sbr.rel @p2 .LBB2_29-.Ltmp25, $4  }
0x378: {  	[tilespmem:v23+s1+$0x0] =	vst.idx.msk @!p1 vm5, v10  }
0x379: {  	[tilespmem:v12+s1+$0x0] =	vst.idx.msk @!p1 vm6, v10  }
0x37a: {  	[tilespmem:v14+s1+$0x0] =	vst.idx.msk @!p1 vm7, v10  }
0x37b: {  	[tilespmem:v8+s1+$0x0] =	vst.idx.msk @!p1 vm1, v10  }
0x37c: {  	s18 =	sshrl.u32 s7, $0x7  }
0x37d: {  	s1 =	sshll.u32 s18, $0x9  }
0x37e: {  	s5 =	sand.u32 $0xFFFFFF80, s7;
	s1 =	sshra.s32 s1, $0x2  }
0x37f: {  	s11 =	sadd.s32 $0xF0, s5;
	s5 =	sadd.s32 $0xC8F0, s1  }
0x380: {  	s13 =	sadd.s32 $0xB4F0, s1;
	v35 =	vld [tilespmem:s5+$0x0]  }
0x381: {  	v29 =	vld [tilespmem:s13+$0xFFFFFFB0]  }
0x382: {  	v12 =	vmov @!p1 s6;
	s6 =	sadd.s32 $0xA0F0, s1;
	v22 =	vld [tilespmem:s5+$0xFFFFFFB0]  }
0x383: {  	v24 =	vld [tilespmem:s6+$0xFFFFFF90]  }
0x384: {  	v11 =	vor.u32 $0x40, v2;
	v25 =	vld [tilespmem:s6+$0xFFFFFFB0]  }
0x385: {  	v9 =	vor.u32 $0x50, v2;
	v8 =	vor.u32 $0x70, v2;
	v13 =	vor.u32 $0x20, v2;
	s14 =	sadd.s32 $0xFFFFFFC0, s11;
	s15 =	sadd.s32 $0xFFFFFFA0, s11;
	v26 =	vld [tilespmem:s5+$0xFFFFFFA0]  }
0x386: {  	v16 =	vor.u32 $0x10, v2;
	s16 =	sadd.s32 $0xFFFFFFB0, s11;
	s17 =	sadd.s32 $0xFFFFFFD0, s11;
	s26 =	sadd.s32 $0xFFFFFFF0, s11;
	v23 =	vmov s11;
	v14 =	vmov s14;
	v28 =	vld [tilespmem:s13+$0xFFFFFFA0]  }
0x387: {  	s24 =	sadd.s32 $0xFFFFFFE0, s11;
	s25 =	sadd.s32 $0xFFFFFF90, s11;
	v19 =	vmov s15;
	v17 =	vmov s16;
	v21 =	vmov s17;
	s17 =	sadd.s32 $0x8CF0, s1;
	v27 =	vld [tilespmem:s5+$0xFFFFFF90]  }
0x388: {  	v18 =	vmov s26;
	v10 =	vmov s24;
	v62 =	vmov s25;
	v39 =	vld [tilespmem:s17+$0xFFFFFFA0]  }
0x389: {  	v15 =	vshrl.u32 v10, $0x7;
	v10 =	vor.u32 $0x60, v2;
	v20 =	vshrl.u32 v18, $0x7;
	v41 =	vld [tilespmem:s17+$0xFFFFFFB0]  }
0x38a: {  	v18 =	vshrl.u32 v23, $0x7;
	v30 =	vshrl.u32 v17, $0x7;
	v17 =	vor.u32 $0x30, v2;
	v42 =	vld [tilespmem:s5+$0xFFFFFFC0]  }
0x38b: {  	v21 =	vshrl.u32 v21, $0x7;
	v31 =	vshrl.u32 v19, $0x7;
	v32 =	vshrl.u32 v14, $0x7;
	v45 =	vld [tilespmem:s6+$0xFFFFFFC0]  }
0x38c: {  	v37 =	vmin.f32 v7, v35;
	v14 =	vmax.f32 v5, v25;
	v19 =	vmin.f32 v7, v22  }
0x38d: {  	v34 =	vsub.f32 v22, v25;
	v36 =	vmin.f32 v7, v26;
	v40 =	vmin.f32 v6, v28  }
0x38e: {  	v54 =	vld [tilespmem:s6+$0x0];
	v43 =	vmin.f32 v6, v29;
	v59 =	vmax.f32 v5, v24;
	v24 =	vsub.f32 v27, v24  }
0x38f: {  	v23 =	vld [tilespmem:s6+$0xFFFFFFA0];
	v44 =	vmin.f32 v7, v27;
	v46 =	vmax.f32 v4, v39;
	v60 =	vmin.f32 v7, v42  }
0x390: {  	v42 =	vsub.f32 v42, v45;
	v51 =	vmax.f32 v4, v41;
	v61 =	vmax.f32 v5, v45  }
0x391: {  	v48 =	vld [tilespmem:s13+$0xFFFFFFC0];
	v29 =	vsub.f32 v29, v41;
	v45 =	vshrl.u32 v62, $0x7;
	v38 =	vsub.f32 v19, v14  }
0x392: {  	v33 =	vld [tilespmem:s13+$0xFFFFFF90];
	v14 =	vsel vm0, $0x7, v0;
	v40 =	vsub.f32 v40, v46;
	v63 =	vsub.f32 v60, v61  }
0x393: {  	v22 =	vld [tilespmem:s17+$0xFFFFFF90];
	v56 =	vsub.f32 v43, v51;
	v43 =	vsub.f32 v35, v54;
	v19 =	vshll.u32 v21, v14  }
0x394: {  	v21 =	vmax.f32 v5, v23;
	v23 =	vsub.f32 v26, v23;
	v26 =	vshll.u32 v32, v14  }
0x395: {  	v31 =	vshll.u32 v31, v14;
	v30 =	vshll.u32 v30, v14;
	v32 =	vsub.f32 v44, v59  }
0x396: {  	v25 =	vld [tilespmem:s5+$0xFFFFFFD0];
	v44 =	vmin.f32 v6, v48;
	v34 =	vmul.f32 v34, v29;
	v45 =	vshll.u32 v45, v14  }
0x397: {  	v36 =	vsub.f32 v36, v21;
	v21 =	vbroadcast v26, $0x0;
	v27 =	vmax.f32 v38, $0.0e+00;
	v38 =	vld [tilespmem:s17+$0xFFFFFFC0]  }
0x398: {  	v57 =	vld [tilespmem:s13+$0xFFFFFFF0];
	v26 =	vmax.f32 v4, v22;
	v22 =	vsub.f32 v33, v22;
	v33 =	vmin.f32 v6, v33  }
0x399: {  	v58 =	vmax.f32 v40, $0.0e+00;
	v33 =	vsub.f32 v33, v26;
	v26 =	vsub.f32 v28, v39;
	v28 =	vld [tilespmem:s6+$0xFFFFFFD0]  }
0x39a: {  	v55 =	vmax.f32 v63, $0.0e+00;
	v53 =	vmax.f32 v32, $0.0e+00;
	v36 =	vmax.f32 v36, $0.0e+00;
	v39 =	vld [tilespmem:s13+$0xFFFFFFE0]  }
0x39b: {  	v32 =	vadd.f32 v34, v12;
	v21 =	vor.u32 v17, v21;
	v29 =	vmul.f32 v36, v58;
	v36 =	vld [tilespmem:s6+$0xFFFFFFF0]  }
0x39c: {  	v47 =	vmin.f32 v7, v25;
	v58 =	vld [tilespmem:s5+$0xFFFFFFE0];
	v22 =	vmul.f32 v24, v22;
	v49 =	vmax.f32 v4, v38  }
0x39d: {  	v24 =	vld [tilespmem:s13+$0xFFFFFFD0];
	v52 =	vmax.f32 v33, $0.0e+00;
	v61 =	vsub.f32 v48, v38;
	v38 =	vmin.f32 v6, v57  }
0x39e: {  	v50 =	vadd.f32 v22, v12;
	v22 =	vbroadcast v31, $0x0;
	v31 =	vmul.f32 v23, v26;
	v26 =	vld [tilespmem:s17+$0xFFFFFFD0]  }
0x39f: {  	v34 =	vld [tilespmem:s13+$0x0];
	v23 =	vbroadcast v30, $0x0;
	v44 =	vsub.f32 v44, v49;
	v49 =	vmul.f32 v53, v52  }
0x3a0: {  	v30 =	vld [tilespmem:s17+$0x0];
	v22 =	vor.u32 v16, v22;
	v59 =	vmax.f32 v5, v28;
	v41 =	vadd.f32 v31, v12  }
0x3a1: {  	v33 =	vld [tilespmem:s5+$0xFFFFFFF0];
	v31 =	vmin.f32 v6, v39;
	v50 =	vsub.f32 v50, v49;
	v63 =	vmax.f32 v44, $0.0e+00  }
0x3a2: {  	s26 =	sadd.s32 $0xFFFFFFFF, s18;
	v44 =	vmax.f32 v5, v36;
	v51 =	vmin.f32 v7, v58;
	v60 =	vsub.f32 v47, v59;
	v59 =	vld [tilespmem:s6+$0xFFFFFFE0]  }
0x3a3: {  	s18 =	sadd.s32 $0x1, s26;
	v53 =	vld [tilespmem:s17+$0xFFFFFFF0];
	v46 =	vmin.f32 v6, v24;
	v52 =	vmul.f32 v55, v63;
	v62 =	vmax.f32 v4, v26  }
0x3a4: {  	p1 =	slt.u32 s18, $0x26;
	v47 =	vld [tilespmem:s17+$0xFFFFFFE0];
	v40 =	vmax.f32 v60, $0.0e+00;
	v60 =	vmul.f32 v42, v61;
	v46 =	vsub.f32 v46, v62  }
.Ltmp26:
0x3a5: {  	v50 =	vmax.f32 v50, $9.999999960e-13;
	v42 =	vbroadcast v45, $0x0;
	v48 =	vmax.f32 v4, v30;
	(pc) =	sbr.rel @!p1 .LBB2_28-.Ltmp26, $4  }
0x3a6: {  	v35 =	vadd.f32 v60, v12;
	v60 =	vmax.f32 v5, v54;
	v45 =	vmax.f32 v46, $0.0e+00  }
0x3a7: {  	v46 =	vmin.f32 v7, v33;
	v55 =	vmax.f32 v5, v59;
	v54 =	vsub.f32 v58, v59  }
0x3a8: {  	v37 =	vsub.f32 v37, v60;
	v58 =	vmul.f32 $5.000000000e-01, v50;
	v59 =	vsub.f32 v35, v52  }
0x3a9: {  	s24 =	sadd.s32 $0x80, s13;
	s13 =	sadd.s32 $0x80, s17;
	s6 =	sadd.s32 $0x80, s6;
	v50 =	vsub.f32 v57, v53;
	v57 =	vmin.f32 v6, v34;
	v35 =	vmax.f32 v4, v47  }
.LBB2_27:
0x3aa: {  	s18 =	sadd.s32 $0x1, s18;
	v56 =	vmax.f32 v56, $0.0e+00;
	v59 =	vmax.f32 v59, $9.999999960e-13;
	v53 =	vmax.f32 v4, v53;
	s11 =	sadd.s32 $0x80, s11;
	s5 =	sadd.s32 $0x80, s5  }
0x3ab: {  	vm2 =	vgt.f32 v49, v58;
	v39 =	vsub.f32 v39, v47;
	s1 =	sadd.s32 $0xFFFFFFA0, s11;
	s25 =	sadd.s32 $0xFFFFFFC0, s11;
	p1 =	slt.u32 s18, $0x26;
	v49 =	vmul.f32 $5.000000000e-01, v59  }
0x3ac: {  	v25 =	vsub.f32 v25, v28;
	v28 =	vsub.f32 v51, v55;
	s17 =	sadd.s32 $0xFFFFFFB0, s11;
	s16 =	sadd.s32 $0xFFFFFFD0, s11;
	s14 =	sadd.s32 $0xFFFFFFF0, s11;
	v27 =	vmul.f32 v27, v56  }
0x3ad: {  	v41 =	vsub.f32 v41, v29;
	v47 =	vsub.f32 v57, v48;
	s15 =	sadd.s32 $0xFFFFFFE0, s11;
	vm1 =	vgt.f32 v52, v49  }
0x3ae: {  	v33 =	vsub.f32 v33, v36;
	v30 =	vsub.f32 v34, v30;
	v39 =	vmul.f32 v54, v39  }
0x3af: {  	v34 =	vmul.f32 v40, v45;
	v36 =	vor.u32 v2, v42;
	v28 =	vmax.f32 v28, $0.0e+00  }
0x3b0: {  	v40 =	vmax.f32 v41, $9.999999960e-13;
	v41 =	vsub.f32 v46, v44;
	v39 =	vadd.f32 v39, v12  }
0x3b1: {  	v38 =	vsub.f32 v38, v53;
	v33 =	vmul.f32 v33, v50;
	v32 =	vsub.f32 v32, v27  }
0x3b2: {  	v42 =	vmax.f32 v47, $0.0e+00;
	v30 =	vmul.f32 v43, v30;
	v41 =	vmax.f32 v41, $0.0e+00  }
0x3b3: {  	v24 =	vsub.f32 v24, v26;
	v40 =	vmul.f32 $5.000000000e-01, v40;
	v26 =	vmax.f32 v38, $0.0e+00  }
0x3b4: {  	v37 =	vmax.f32 v37, $0.0e+00;
	v30 =	vadd.f32 v30, v12;
	v32 =	vmax.f32 v32, $9.999999960e-13;
	[tilespmem:v36+s12+$0x0] =	vst.idx.msk vm2, v3  }
0x3b5: {  	vm2 =	vgt.f32 v29, v40;
	v29 =	vmul.f32 $5.000000000e-01, v32;
	v32 =	vadd.f32 v33, v12  }
0x3b6: {  	v20 =	vshll.u32 v20, v14;
	v26 =	vmul.f32 v41, v26;
	v33 =	vmul.f32 v37, v42  }
0x3b7: {  	v23 =	vor.u32 v13, v23;
	v24 =	vmul.f32 v25, v24;
	vm3 =	vgt.f32 v27, v29  }
0x3b8: {  	v18 =	vshll.u32 v18, v14;
	v25 =	vsub.f32 v31, v35;
	v27 =	vsub.f32 v30, v33  }
0x3b9: {  	v24 =	vadd.f32 v24, v12;
	v29 =	vmov s25;
	v30 =	vsub.f32 v32, v26  }
0x3ba: {  	v31 =	vmov s1;
	v25 =	vmax.f32 v25, $0.0e+00;
	v27 =	vmax.f32 v27, $9.999999960e-13  }
0x3bb: {  	v24 =	vsub.f32 v24, v34;
	v30 =	vmax.f32 v30, $9.999999960e-13;
	v27 =	vmul.f32 $5.000000000e-01, v27;
	[tilespmem:v22+s12+$0x0] =	vst.idx.msk vm2, v3  }
0x3bc: {  	v25 =	vmul.f32 v28, v25;
	v28 =	vmul.f32 $5.000000000e-01, v30;
	v22 =	vmov s17  }
0x3bd: {  	v20 =	vbroadcast v20, $0x0;
	v24 =	vmax.f32 v24, $9.999999960e-13;
	vm2 =	vgt.f32 v33, v27;
	[tilespmem:v23+s12+$0x0] =	vst.idx.msk vm3, v3  }
0x3be: {  	v18 =	vbroadcast v18, $0x0;
	v23 =	vsub.f32 v39, v25;
	vm3 =	vgt.f32 v26, v28;
	[tilespmem:v21+s12+$0x0] =	vst.idx.msk vm1, v3  }
0x3bf: {  	v20 =	vor.u32 v10, v20;
	v24 =	vmul.f32 $5.000000000e-01, v24;
	v21 =	vmov s16  }
0x3c0: {  	v19 =	vbroadcast v19, $0x0;
	v18 =	vor.u32 v8, v18;
	v23 =	vmax.f32 v23, $9.999999960e-13  }
0x3c1: {  	v15 =	vshll.u32 v15, v14;
	vm1 =	vgt.f32 v34, v24;
	v23 =	vmul.f32 $5.000000000e-01, v23  }
0x3c2: {  	v15 =	vbroadcast v15, $0x0;
	v19 =	vor.u32 v11, v19;
	v24 =	vmov s14  }
0x3c3: {  	v27 =	vmov s11;
	v26 =	vmov s15;
	vm4 =	vgt.f32 v25, v23  }
0x3c4: {  	v15 =	vor.u32 v9, v15;
	_ =	sdelay $0x2  }
0x3c5: {  	[tilespmem:v19+s12+$0x0] =	vst.idx.msk vm1, v3;
	_ =	sdelay $0x1  }
0x3c6: {  	[tilespmem:v15+s12+$0x0] =	vst.idx.msk vm4, v3  }
0x3c7: {  	[tilespmem:v20+s12+$0x0] =	vst.idx.msk vm3, v3  }
0x3c8: {  	[tilespmem:v18+s12+$0x0] =	vst.idx.msk vm2, v3  }
0x3c9: {  	v35 =	vld [tilespmem:s5+$0x0]  }
0x3ca: {  	v32 =	vld [tilespmem:s24+$0xFFFFFFB0]  }
0x3cb: {  	v19 =	vld [tilespmem:s5+$0xFFFFFFB0]  }
0x3cc: {  	v23 =	vld [tilespmem:s6+$0xFFFFFF90]  }
0x3cd: {  	v25 =	vld [tilespmem:s6+$0xFFFFFFB0]  }
0x3ce: {  	v15 =	vshrl.u32 v26, $0x7;
	v28 =	vld [tilespmem:s5+$0xFFFFFFA0]  }
0x3cf: {  	v20 =	vshrl.u32 v24, $0x7;
	v18 =	vshrl.u32 v27, $0x7;
	v26 =	vld [tilespmem:s24+$0xFFFFFFA0]  }
0x3d0: {  	v22 =	vshrl.u32 v22, $0x7;
	v21 =	vshrl.u32 v21, $0x7;
	v24 =	vld [tilespmem:s6+$0xFFFFFFA0]  }
0x3d1: {  	v29 =	vshrl.u32 v29, $0x7;
	v30 =	vshrl.u32 v31, $0x7;
	v37 =	vmin.f32 v7, v35;
	v27 =	vld [tilespmem:s5+$0xFFFFFF90]  }
0x3d2: {  	v34 =	vmin.f32 v7, v19;
	v31 =	vld [tilespmem:s24+$0xFFFFFF90];
	v33 =	vmax.f32 v5, v25;
	v36 =	vsub.f32 v19, v25  }
0x3d3: {  	v38 =	vld [tilespmem:s13+$0xFFFFFF90];
	v39 =	vmin.f32 v7, v28;
	v33 =	vsub.f32 v34, v33  }
0x3d4: {  	v43 =	vmin.f32 v6, v32;
	v19 =	vshll.u32 v21, v14;
	v34 =	vld [tilespmem:s13+$0xFFFFFFA0];
	v40 =	vmin.f32 v6, v26  }
0x3d5: {  	v41 =	vld [tilespmem:s13+$0xFFFFFFB0];
	v21 =	vmax.f32 v5, v24;
	v42 =	vsub.f32 v28, v24;
	v24 =	vshll.u32 v29, v14  }
0x3d6: {  	v30 =	vshll.u32 v30, v14;
	v29 =	vmax.f32 v5, v23;
	v25 =	vld [tilespmem:s5+$0xFFFFFFD0];
	v23 =	vsub.f32 v27, v23  }
0x3d7: {  	v45 =	vmin.f32 v7, v27;
	v28 =	vsub.f32 v39, v21;
	v21 =	vbroadcast v24, $0x0;
	v44 =	vld [tilespmem:s5+$0xFFFFFFC0]  }
0x3d8: {  	v27 =	vmax.f32 v33, $0.0e+00;
	v39 =	vld [tilespmem:s6+$0xFFFFFFC0];
	v46 =	vmax.f32 v4, v38;
	v38 =	vsub.f32 v31, v38  }
0x3d9: {  	v31 =	vmin.f32 v6, v31;
	v21 =	vor.u32 v17, v21;
	v48 =	vld [tilespmem:s13+$0xFFFFFFC0];
	v33 =	vmax.f32 v4, v34  }
0x3da: {  	v22 =	vshll.u32 v22, v14;
	v24 =	vld [tilespmem:s24+$0xFFFFFFD0];
	v23 =	vmul.f32 v23, v38;
	v38 =	vmax.f32 v28, $0.0e+00  }
0x3db: {  	v31 =	vsub.f32 v31, v46;
	v34 =	vsub.f32 v26, v34;
	v49 =	vld [tilespmem:s24+$0xFFFFFFC0];
	v46 =	vmin.f32 v7, v25  }
0x3dc: {  	v30 =	vbroadcast v30, $0x0;
	v28 =	vld [tilespmem:s6+$0xFFFFFFD0];
	v50 =	vadd.f32 v23, v12;
	v47 =	vmin.f32 v7, v44  }
0x3dd: {  	v42 =	vmul.f32 v42, v34;
	v23 =	vbroadcast v22, $0x0;
	v26 =	vld [tilespmem:s13+$0xFFFFFFD0];
	v44 =	vsub.f32 v44, v39  }
0x3de: {  	s1 =	sadd.s32 $0xFFFFFF90, s11;
	v51 =	vmax.f32 v4, v41;
	v22 =	vor.u32 v16, v30;
	v54 =	vld [tilespmem:s6+$0x0];
	v52 =	vmax.f32 v4, v48  }
0x3df: {  	v53 =	vmov s1;
	v31 =	vmax.f32 v31, $0.0e+00;
	v39 =	vmax.f32 v5, v39;
	v34 =	vld [tilespmem:s24+$0x0]  }
0x3e0: {  	v40 =	vsub.f32 v40, v33;
	v32 =	vsub.f32 v32, v41;
	v55 =	vmin.f32 v6, v24;
	v30 =	vld [tilespmem:s13+$0x0]  }
0x3e1: {  	v29 =	vsub.f32 v45, v29;
	v41 =	vsub.f32 v47, v39;
	v45 =	vmin.f32 v6, v49;
	v33 =	vld [tilespmem:s5+$0xFFFFFFF0]  }
0x3e2: {  	v40 =	vmax.f32 v40, $0.0e+00;
	v32 =	vmul.f32 v36, v32;
	v47 =	vmax.f32 v5, v28;
	v57 =	vld [tilespmem:s24+$0xFFFFFFF0]  }
0x3e3: {  	v56 =	vmax.f32 v29, $0.0e+00;
	v29 =	vmul.f32 v38, v40;
	v38 =	vshrl.u32 v53, $0x7;
	v39 =	vld [tilespmem:s24+$0xFFFFFFE0]  }
0x3e4: {  	v32 =	vadd.f32 v32, v12;
	v58 =	vmax.f32 v41, $0.0e+00;
	v40 =	vsub.f32 v46, v47;
	v36 =	vld [tilespmem:s6+$0xFFFFFFF0]  }
0x3e5: {  	v59 =	vshll.u32 v38, v14;
	v46 =	vsub.f32 v49, v48;
	v48 =	vmax.f32 v4, v26;
	v47 =	vld [tilespmem:s13+$0xFFFFFFE0]  }
0x3e6: {  	v41 =	vadd.f32 v42, v12;
	v52 =	vsub.f32 v45, v52;
	v40 =	vmax.f32 v40, $0.0e+00;
	v60 =	vld [tilespmem:s5+$0xFFFFFFE0]  }
0x3e7: {  	v49 =	vmul.f32 v56, v31;
	v45 =	vsub.f32 v55, v48;
	v61 =	vld [tilespmem:s6+$0xFFFFFFE0];
	v38 =	vmin.f32 v6, v57  }
0x3e8: {  	v42 =	vbroadcast v59, $0x0;
	v55 =	vmul.f32 v44, v46;
	v53 =	vld [tilespmem:s13+$0xFFFFFFF0];
	v31 =	vmin.f32 v6, v39  }
0x3e9: {  	v50 =	vsub.f32 v50, v49;
	v45 =	vmax.f32 v45, $0.0e+00;
	v48 =	vmax.f32 v4, v30  }
0x3ea: {  	v56 =	vsub.f32 v43, v51;
	v52 =	vmax.f32 v52, $0.0e+00;
	v44 =	vmax.f32 v5, v36  }
.Ltmp27:
0x3eb: {  	v43 =	vsub.f32 v35, v54;
	v46 =	vmin.f32 v7, v33;
	v51 =	vmin.f32 v7, v60;
	(pc) =	sbr.rel @p1 .LBB2_27-.Ltmp27, $4  }
0x3ec: {  	v52 =	vmul.f32 v58, v52;
	v58 =	vmax.f32 v5, v54;
	v35 =	vadd.f32 v55, v12  }
0x3ed: {  	v50 =	vmax.f32 v50, $9.999999960e-13;
	v55 =	vmax.f32 v5, v61;
	v54 =	vsub.f32 v60, v61  }
0x3ee: {  	v37 =	vsub.f32 v37, v58;
	v59 =	vsub.f32 v35, v52;
	v35 =	vmax.f32 v4, v47  }
0x3ef: {  	s24 =	sadd.s32 $0x80, s24;
	v58 =	vmul.f32 $5.000000000e-01, v50;
	s6 =	sadd.s32 $0x80, s6;
	s13 =	sadd.s32 $0x80, s13;
	v50 =	vsub.f32 v57, v53;
	v57 =	vmin.f32 v6, v34  }
.Ltmp28:
0x3f0: {  	_ = 	snop;
	(pc) =	sbr.rel .LBB2_28-.Ltmp28, $1  }
0x3f1: {  	_ =	sdelay $0x3  }
.LBB2_31:
0x3f2: {  	s11 =	simm.s32 $0x0;
	s1 =	simm.s32 $0xDC00  }
0x3f3: {  	s5 =	simm.s32 $0x8C00;
	s6 =	simm.s32 $0xA000;
	s7 =	simm.s32 $0xB400  }
0x3f4: {  	s8 =	simm.s32 $0xC800;
	s9 =	simm.s32 $0xF000;
	s10 =	simm.s32 $0x0  }
0x3f5: {  	s14 =	simm.s32 $0x10400;
	s15 =	simm.s32 $0x10580;
	s16 =	simm.s32 $0x10700  }
0x3f6: {  	s17 =	simm.s32 $0x10880;
	s18 =	simm.s32 $0x10A00;
	s24 =	simm.s32 $0x10B80  }
.LBB2_32:
0x3f7: {  	v4 =	vld [tilespmem:s1+$0x0];
	_ =	sdelay $0x4  }
0x3f8: {  	vm1 =	vlt.f32 v4, $-Inf;
	vm2 =	vgt.f32 v4, $-Inf  }
0x3f9: {  	vm1 =	vmor vm2, vm1  }
0x3fa: {  	v4 =	vsel vm1, $0x1, v0  }
0x3fb: {  	(xrf0) =	vadd.scan.msk.s32 $0xffff, v4;
	_ =	sdelay $0x2  }
0x3fc: {  	v4 =	vmov s10  }
0x3fd: {  	v4 =	vadd.s32 $0xFFFFFFFF, v4  }
0x3fe: {  	v4 =	vbroadcast v4, $0x0  }
0x3ff: {  	v5, _, _ =	vpop (xrf0)  }
0x400: {  	v4 =	vadd.s32 v5, v4  }
0x401: {  	vm2 =	vlt.s32 v4, $0x12C  }
0x402: {  	vm1 =	vmand vm1, vm2  }
0x403: {  	v6 =	vld [tilespmem:s5+$0x0];
	_ =	sdelay $0x2  }
0x404: {  	v5 =	vxor.u32 $0x80000000, v5  }
0x405: {  	(xrf0) =	vmax.scan.msk.u32 $0xffff, v5  }
0x406: {  	[tilespmem:v4+s14+$0x0] =	vst.idx.msk vm1, v6  }
0x407: {  	v6 =	vld [tilespmem:s6+$0x0];
	_ =	sdelay $0x3  }
0x408: {  	v63, _, _ =	vpop (xrf0)  }
0x409: {  	(v2sf) =	vpush v63, $0xF;
	[tilespmem:v4+s15+$0x0] =	vst.idx.msk vm1, v6  }
0x40a: {  	v5 =	vld [tilespmem:s7+$0x0];
	_ =	sdelay $0x4  }
0x40b: {  	[tilespmem:v4+s16+$0x0] =	vst.idx.msk vm1, v5  }
0x40c: {  	v5 =	vld [tilespmem:s8+$0x0];
	_ =	sdelay $0x4  }
0x40d: {  	[tilespmem:v4+s17+$0x0] =	vst.idx.msk vm1, v5  }
0x40e: {  	v5 =	vld [tilespmem:s1+$0x0];
	_ =	sdelay $0x1  }
0x40f: {  	s13 =	spop (v2sf)  }
0x410: {  	s26 =	sadd.s32 s13, s10  }
0x411: {  	p1 =	sgt.u32 s11, $0x13E;
	s10 =	sadd.s32 $0x80000000, s26  }
0x412: {  	p2 =	slt.s32 @!p1 s10, $0x12C;
	[tilespmem:v4+s18+$0x0] =	vst.idx.msk vm1, v5  }
0x413: {  	p1 =	por p1, !p2;
	v5 =	vld [tilespmem:s9+$0x0]  }
.Ltmp29:
0x414: {  	_ = 	snop;
	(pc) =	sbr.rel @!p1 .LBB2_32-.Ltmp29, $4  }
0x415: {  	_ = 	snop  }
0x416: {  	s11 =	sadd.s32 $0x1, s11  }
0x417: {  	s5 =	sadd.s32 $0x10, s5;
	s6 =	sadd.s32 $0x10, s6;
	s7 =	sadd.s32 $0x10, s7  }
0x418: {  	s8 =	sadd.s32 $0x10, s8;
	s1 =	sadd.s32 $0x10, s1;
	s9 =	sadd.s32 $0x10, s9;
	[tilespmem:v4+s24+$0x0] =	vst.idx.msk vm1, v5  }
0x419: {  	s1 =	rddreg [dreg:$0xc]  }
0x41a: {  	s5 =	simm.s32 $0x80;
	s6 =	simm.s32 $0x400;
	s7 =	simm.s32 $0x1  }
0x41b: {  	[hbm4b:s1+s5] =	stream.strided.scatter [tilespmem:s14], [sflag:$0x1], $0x180, s6, s5, $0x38;
	[tilespmem:$0x10D00] =	vst v63  }
0x41c: {  	_ =	swait.ge [sflag:s7], $0x180  }
0x41d: {  	[sflag:s7] =	ssyncset.done $0x0  }
0x41e: {  	s14 =	rddreg [dreg:$0xd];
	[sflag:s7] =	ssyncadd.s32 $0xFFFFFE80  }
0x41f: {  	[hbm4b:s14+s5] =	stream.strided.scatter [tilespmem:s15], [sflag:$0x1], $0x180, s6, s5, $0x38;
	[tilespmem:$0x10D00] =	vst v63  }
0x420: {  	_ =	swait.ge [sflag:s7], $0x180  }
0x421: {  	[sflag:s7] =	ssyncset.done $0x0  }
0x422: {  	s15 =	rddreg [dreg:$0xe];
	[sflag:s7] =	ssyncadd.s32 $0xFFFFFE80  }
0x423: {  	[hbm4b:s15+s5] =	stream.strided.scatter [tilespmem:s16], [sflag:$0x1], $0x180, s6, s5, $0x38;
	[tilespmem:$0x10D00] =	vst v63  }
0x424: {  	_ =	swait.ge [sflag:s7], $0x180  }
0x425: {  	[sflag:s7] =	ssyncset.done $0x0  }
0x426: {  	s16 =	rddreg [dreg:$0xf];
	[sflag:s7] =	ssyncadd.s32 $0xFFFFFE80  }
0x427: {  	[hbm4b:s16+s5] =	stream.strided.scatter [tilespmem:s17], [sflag:$0x1], $0x180, s6, s5, $0x38;
	[tilespmem:$0x10D00] =	vst v63  }
0x428: {  	_ =	swait.ge [sflag:s7], $0x180  }
0x429: {  	[sflag:s7] =	ssyncset.done $0x0  }
0x42a: {  	s25 =	rddreg [dreg:$0x10];
	[sflag:s7] =	ssyncadd.s32 $0xFFFFFE80  }
0x42b: {  	[hbm4b:s25+s5] =	stream.strided.scatter [tilespmem:s18], [sflag:$0x1], $0x180, s6, s5, $0x38;
	[tilespmem:$0x10D00] =	vst v63  }
0x42c: {  	_ =	swait.ge [sflag:s7], $0x180  }
0x42d: {  	[sflag:s7] =	ssyncset.done $0x0  }
.Ltmp30:
0x42e: {  	s26 =	rddreg [dreg:$0x11];
	[sflag:s7] =	ssyncadd.s32 $0xFFFFFE80;
	(pc) =	sbr.rel .LBB2_34-.Ltmp30, $4  }
0x42f: {  	[hbm4b:s26+s5] =	stream.strided.scatter [tilespmem:s24], [sflag:$0x1], $0x180, s6, s5, $0x38;
	[tilespmem:$0x10D00] =	vst v63  }
0x430: {  	_ =	swait.ge [sflag:s7], $0x180  }
0x431: {  	[sflag:s7] =	ssyncset.done $0x0  }
0x432: {  	s5 =	rddreg [dreg:$0x13];
	[sflag:s7] =	ssyncadd.s32 $0xFFFFFE80  }
.LBB2_35:
0x433: {  	_ =	sfence.sel $0x180000  }
0x434: {  	[bflag:$0x0] =	sbarrier.arrive $0xFFFF  }
0x435: {  	_ =	strace $0x90000047  }
0x436: {  	s0 =	stileid.u32;
	[bflag:$0x2] =	sbarrier.arrive $0xFFFF  }
0x437: {  	p0 =	sne.s32 s0, $0x0;
	s0 =	rddreg [dreg:$0x4]  }
0x438: {  	s0 =	sadd.s32 @!p0 $0x100000, s0  }
0x439: {  	[sflag:s0] =	ssyncadd.tile.s32 @!p0 $0x1;
	_ =	shalt  }
.Lfunc_end2:
_tile_overlayer_lowered:
.L_overlay_start_2:
0x43a: {  	(tag) =	ssettag $0x2  }
0x43b: {  	s0 =	rddreg [dreg:$0x0];
	s2 =	stileid.u32  }
0x43c: {  	s1 =	rddreg [dreg:$0x1];
	p0 =	sne.s32 s2, $0x0  }
0x43d: {  	s3 =	rddreg [dreg:$0x2];
	[bflag:$0x3] =	sbarrier.arrive $0xFFFF;
	s2 =	simm.s32 @!p0 $0x1C01  }
0x43e: {  	[timem:s3], [sflag:s2] =	dma.local @!p0 [hbm:s0], s1  }
0x43f: {  	s0 =	simm.s32 @!p0 $0x1  }
0x440: {  	_ =	swait.ge @!p0 [sflag:s0], s1  }
0x441: {  	s1 =	ssub.s32 @!p0 $0x0, s1;
	[sflag:s0] =	ssyncset.done @!p0 $0x0  }
0x442: {  	[sflag:s0] =	ssyncadd.s32 @!p0 s1  }
0x443: {  	[bflag:$0x3] =	sbarrier.arrive $0xFFFF  }
0x444: {  	_ =	shalt  }

</sc_bundles>
